<compile_context>
chip_gen: v7x
topology: tpu7x:2x2x1
jax: 0.10.2.dev20260603
libtpu: 0.0.44.dev20260713+nightly
codegen_flags: <defaults>
</compile_context>

<pallas_src>
import functools

import jax
import jax.numpy as jnp
from jax import lax
from jax.experimental import pallas as pl
from jax.experimental.pallas import tpu as pltpu
from jax.experimental.pallas import tpu_sc as plsc

_N = 10000
_E = 320000
_D = 128
_H = 4
_HID = 8
_C = 64
_NEG = 0.2
_NPAD = 10112
_EFULL = 331776
_ROWBLK = 128
_GRID = _NPAD // _ROWBLK
_NCHUNK = _EFULL // 128
_CHW = _NCHUNK // 32
_NROWCH = _NPAD // 128
_W = 128

_f32 = jnp.float32
_i32 = jnp.int32


def _tc1_body(x_ref, w_ref, asrc_ref, adst_ref, t1_ref):
    h = jnp.dot(x_ref[...], w_ref[...], preferred_element_type=_f32)
    a_s = jnp.dot(h, asrc_ref[...], preferred_element_type=_f32)
    a_d = jnp.dot(h, adst_ref[...], preferred_element_type=_f32)
    z = jnp.zeros((_ROWBLK, _W - 40), _f32)
    t1_ref[...] = jnp.concatenate([h, a_s, a_d, z], axis=1)


def _tc1(xpad, W1, Asrc1, Adst1):
    return pl.pallas_call(
        _tc1_body,
        grid=(_GRID,),
        in_specs=[
            pl.BlockSpec((_ROWBLK, _D), lambda i: (i, 0)),
            pl.BlockSpec((_D, _H * _HID), lambda i: (0, 0)),
            pl.BlockSpec((_H * _HID, _H), lambda i: (0, 0)),
            pl.BlockSpec((_H * _HID, _H), lambda i: (0, 0)),
        ],
        out_specs=pl.BlockSpec((_ROWBLK, _W), lambda i: (i, 0)),
        out_shape=jax.ShapeDtypeStruct((_NPAD, _W), _f32),
    )(xpad, W1, Asrc1, Adst1)


_CH = 64
_CHWK = _EFULL // _CH // 32
_NZCH = _NPAD // _CH


def _make_sc_edge(hw, nh):
    kr = hw // nh

    mesh = plsc.VectorSubcoreMesh(core_axis_name="c", subcore_axis_name="s")

    @functools.partial(
        pl.kernel,
        out_type=jax.ShapeDtypeStruct((2, _NPAD, _W), _f32),
        mesh=mesh,
        compiler_params=pltpu.CompilerParams(needs_layout_passes=False),
        scratch_types=[
            pltpu.VMEM((_CH,), _i32),
            pltpu.VMEM((_CH,), _i32),
            pltpu.VMEM((_CH,), _i32),
            pltpu.VMEM((_CH,), _i32),
            pltpu.VMEM((_CH, _W), _f32),
            pltpu.VMEM((_CH, _W), _f32),
            pltpu.VMEM((_CH, _W), _f32),
            pltpu.VMEM((_CH, _W), _f32),
            pltpu.VMEM_SHARED((_NPAD, _W), _f32),
            pltpu.SemaphoreType.DMA,
            pltpu.SemaphoreType.DMA,
        ],
    )
    def sc_edge(src_hbm, dst_hbm, t_hbm, out_hbm,
                sidx0, sidx1, didx0, didx1, rows0, rows1, drows0, drows1,
                accum, gsem0, gsem1):
        c = lax.axis_index("c")
        s = lax.axis_index("s")
        wid = s * 2 + c
        ebase = wid * (_CHWK * _CH)
        sidx = (sidx0, sidx1)
        didx = (didx0, didx1)
        rows = (rows0, rows1)
        drows = (drows0, drows1)
        gsem = (gsem0, gsem1)
        zero = jnp.zeros((16,), _f32)

        def zrow(i, carry):
            for t in range(_W // 16):
                rows0[i, pl.ds(t * 16, 16)] = zero
            return carry
        lax.fori_loop(0, _CH, zrow, 0)

        def zchunk(q, carry):
            idx = s + q * 16

            @pl.when(idx < _NZCH)
            def _():
                pltpu.sync_copy(rows0, accum.at[pl.ds(idx * _CH, _CH)])
            return carry
        lax.fori_loop(0, (_NZCH + 15) // 16, zchunk, 0)
        plsc.subcore_barrier()

        iota = lax.iota(_i32, 16)

        def gather(ch, b):
            off = ebase + ch * _CH
            pltpu.sync_copy(src_hbm.at[pl.ds(off, _CH)], sidx[b])
            pltpu.sync_copy(dst_hbm.at[pl.ds(off, _CH)], didx[b])
            h1 = pltpu.async_copy(t_hbm.at[sidx[b]], rows[b], gsem[b])
            h2 = pltpu.async_copy(t_hbm.at[didx[b]], drows[b], gsem[b])
            return h1, h2

        def step(b):
            def group(g, carry):
                e16 = iota + g * 16
                for h in range(nh):
                    asv = plsc.load_gather(rows[b],
                                           [e16, jnp.full((16,), hw + h, _i32)])
                    adv = plsc.load_gather(drows[b],
                                           [e16, jnp.full((16,), hw + nh + h,
                                                          _i32)])
                    sc = asv + adv
                    ev = jnp.exp(jnp.maximum(sc, _NEG * sc))
                    plsc.store_scatter(rows[b],
                                       [e16, jnp.full((16,), hw + h, _i32)], ev)
                    for kk in range(kr):
                        j = h * kr + kk
                        cvec = jnp.full((16,), j, _i32)
                        hv = plsc.load_gather(rows[b], [e16, cvec])
                        plsc.store_scatter(rows[b], [e16, cvec], ev * hv)
                return carry
            lax.fori_loop(0, _CH // 16, group, 0)
            pltpu.sync_copy(rows[b], accum.at[didx[b]], add=True)

        def pair(q, carry):
            h0a, h0b = gather(2 * q, 0)
            h1a, h1b = gather(2 * q + 1, 1)
            h0a.wait()
            h0b.wait()
            step(0)
            h1a.wait()
            h1b.wait()
            step(1)
            return carry
        lax.fori_loop(0, _CHWK // 2, pair, 0)
        plsc.subcore_barrier()

        def wchunk(q, carry):
            idx = s + q * 16

            @pl.when(idx < _NZCH)
            def _():
                pltpu.sync_copy(accum.at[pl.ds(idx * _CH, _CH)], rows0)
                pltpu.sync_copy(rows0, out_hbm.at[c, pl.ds(idx * _CH, _CH)])
            return carry
        lax.fori_loop(0, (_NZCH + 15) // 16, wchunk, 0)

    return sc_edge


_sc_edge1 = _make_sc_edge(_H * _HID, _H)
_sc_edge2 = _make_sc_edge(_C, 1)


def _tc2_body(p_ref, w2_ref, asrc2_ref, adst2_ref, b1_ref, rep_ref, t2_ref):
    i = pl.program_id(0)
    s = p_ref[0] + p_ref[1]
    num = s[:, 0:32]
    den = s[:, 32:36] + 1e-16
    denb = jnp.dot(den, rep_ref[...], preferred_element_type=_f32)
    h1 = jnp.maximum(num / denb + b1_ref[...], 0.0)
    rid = i * _ROWBLK + jax.lax.broadcasted_iota(_i32, (_ROWBLK, 1), 0)
    h1 = jnp.where(rid < _N, h1, 0.0)
    h2 = jnp.dot(h1, w2_ref[...], preferred_element_type=_f32)
    a_s = jnp.dot(h2, asrc2_ref[...], preferred_element_type=_f32)
    a_d = jnp.dot(h2, adst2_ref[...], preferred_element_type=_f32)
    z = jnp.zeros((_ROWBLK, _W - _C - 2), _f32)
    t2_ref[...] = jnp.concatenate([h2, a_s, a_d, z], axis=1)


def _tc2(P1, W2, Asrc2, Adst2, b1row, rep):
    return pl.pallas_call(
        _tc2_body,
        grid=(_GRID,),
        in_specs=[
            pl.BlockSpec((2, _ROWBLK, _W), lambda i: (0, i, 0)),
            pl.BlockSpec((_H * _HID, _C), lambda i: (0, 0)),
            pl.BlockSpec((_C, 1), lambda i: (0, 0)),
            pl.BlockSpec((_C, 1), lambda i: (0, 0)),
            pl.BlockSpec((1, _H * _HID), lambda i: (0, 0)),
            pl.BlockSpec((_H, _H * _HID), lambda i: (0, 0)),
        ],
        out_specs=pl.BlockSpec((_ROWBLK, _W), lambda i: (i, 0)),
        out_shape=jax.ShapeDtypeStruct((_NPAD, _W), _f32),
    )(P1, W2, Asrc2, Adst2, b1row, rep)


def _tc3_body(p_ref, b2_ref, o_ref):
    s = p_ref[0] + p_ref[1]
    den = s[:, _C:_C + 1] + 1e-16
    o = s[:, 0:_C] / den + b2_ref[...]
    m = jnp.max(o, axis=1, keepdims=True)
    z = o - m
    o_ref[...] = z - jnp.log(jnp.sum(jnp.exp(z), axis=1, keepdims=True))


def _tc3(P2, b2row):
    return pl.pallas_call(
        _tc3_body,
        grid=(50,),
        in_specs=[
            pl.BlockSpec((2, 200, _W), lambda i: (0, i, 0)),
            pl.BlockSpec((1, _C), lambda i: (0, 0)),
        ],
        out_specs=pl.BlockSpec((200, _C), lambda i: (i, 0)),
        out_shape=jax.ShapeDtypeStruct((_N, _C), _f32),
    )(P2, b2row)


def kernel(x, edge_index, W1, a_src1, a_dst1, b1, W2, a_src2, a_dst2, b2):
    xpad = jnp.pad(x, ((0, _NPAD - _N), (0, 0)))
    lanes = jnp.arange(_H * _HID, dtype=_i32)
    Asrc1 = jnp.zeros((_H * _HID, _H), _f32).at[lanes, lanes // _HID].set(
        a_src1.reshape(-1))
    Adst1 = jnp.zeros((_H * _HID, _H), _f32).at[lanes, lanes // _HID].set(
        a_dst1.reshape(-1))
    rep = jnp.zeros((_H, _H * _HID), _f32).at[lanes // _HID, lanes].set(1.0)
    Asrc2 = a_src2.reshape(_C, 1)
    Adst2 = a_dst2.reshape(_C, 1)
    b1row = b1.reshape(1, _H * _HID)
    b2row = b2.reshape(1, _C)

    loop = jnp.arange(_N, dtype=_i32)
    npad_e = _EFULL - _E - _N
    padv = _N + (jnp.arange(npad_e, dtype=_i32) % 32)
    src = jnp.concatenate([edge_index[0], loop, padv])
    dst = jnp.concatenate([edge_index[1], loop, padv])

    T1 = _tc1(xpad, W1, Asrc1, Adst1)
    P1 = _sc_edge1(src, dst, T1)
    T2 = _tc2(P1, W2, Asrc2, Adst2, b1row, rep)
    P2 = _sc_edge2(src, dst, T2)
    return _tc3(P2, b2row)

# --- scband reference (transcript-rebuilt; emitter-appended) ---
"""Pipeline reference for scband-gat-3676492005491 (READ-ONLY COPY).

The authoritative reference and input builder live on the scoring server;
editing this copy changes nothing except your own understanding.
"""

import jax, jax.numpy as jnp
import numpy as np

N = 10000
E = 320000
D = 128
H = 4
HID = 8
C = 64
NEG_SLOPE = 0.2


def gat_conv(x, edge_index, W, a_src, a_dst, bias, heads, out_ch):
    n = x.shape[0]
    # PyG GATConv adds self-loops by default
    loop = jnp.arange(n, dtype=edge_index.dtype)
    src = jnp.concatenate([edge_index[0], loop])
    dst = jnp.concatenate([edge_index[1], loop])
    h = (x @ W).reshape(n, heads, out_ch)
    alpha_src = (h * a_src[None, :, :]).sum(-1)  # [n, heads]
    alpha_dst = (h * a_dst[None, :, :]).sum(-1)  # [n, heads]
    e = alpha_src[src] + alpha_dst[dst]          # [e, heads]
    e = jax.nn.leaky_relu(e, NEG_SLOPE)
    # numerically stable softmax over edges grouped by dst node
    e_max = jax.ops.segment_max(e, dst, num_segments=n)
    e_exp = jnp.exp(e - e_max[dst])
    denom = jax.ops.segment_sum(e_exp, dst, num_segments=n)
    alpha = e_exp / (denom[dst] + 1e-16)
    msg = h[src] * alpha[:, :, None]
    out = jax.ops.segment_sum(msg, dst, num_segments=n)
    out = out.reshape(n, heads * out_ch)
    return out + bias


def setup_inputs(seed: int = 0) -> dict:
    key = jax.random.key(seed)
    ks = jax.random.split(key, 10)
    x = jax.random.normal(ks[0], (N, D), dtype=jnp.float32)
    edge_index = jax.random.randint(ks[1], (2, E), 0, N, dtype=jnp.int32)
    W1 = jax.random.normal(ks[2], (D, H * HID), dtype=jnp.float32) * (1.0 / np.sqrt(D))
    a_src1 = jax.random.normal(ks[3], (H, HID), dtype=jnp.float32) * 0.1
    a_dst1 = jax.random.normal(ks[4], (H, HID), dtype=jnp.float32) * 0.1
    b1 = jnp.zeros((H * HID,), dtype=jnp.float32)
    W2 = jax.random.normal(ks[5], (H * HID, C), dtype=jnp.float32) * (1.0 / np.sqrt(H * HID))
    a_src2 = jax.random.normal(ks[6], (1, C), dtype=jnp.float32) * 0.1
    a_dst2 = jax.random.normal(ks[7], (1, C), dtype=jnp.float32) * 0.1
    b2 = jnp.zeros((C,), dtype=jnp.float32)
    return {"x": x, "edge_index": edge_index, "W1": W1, "a_src1": a_src1,
            "a_dst1": a_dst1, "b1": b1, "W2": W2, "a_src2": a_src2,
            "a_dst2": a_dst2, "b2": b2}


def reference(x, edge_index, W1, a_src1, a_dst1, b1, W2, a_src2, a_dst2, b2):
    # layer 1: GATConv(D -> HID, heads=H, concat) + relu; dropout is identity in eval
    h1 = gat_conv(x, edge_index, W1, a_src1, a_dst1, b1, H, HID)
    h1 = jax.nn.relu(h1)
    # layer 2: GATConv(H*HID -> C, heads=1)
    h2 = gat_conv(h1, edge_index, W2, a_src2, a_dst2, b2, 1, C)
    return jax.nn.log_softmax(h2, axis=1)

if __name__ == "__main__":
    import jax
    _d = setup_inputs()
    print(jax.jit(kernel)(*tuple(_d.values())))

</pallas_src>

<mosaic_0001>
#map = affine_map<(d0, d1) -> (0)>
#map1 = affine_map<(d0, d1) -> (0, 0)>
#map2 = affine_map<(d0, d1) -> (0, 0, 0)>
module attributes {stable_mosaic.version = 14 : i64} {
  func.func @sc_edge(%arg0: i32, %arg1: i32, %arg2: memref<331776xi32, #tpu.memory_space<hbm>>, %arg3: memref<331776xi32, #tpu.memory_space<hbm>>, %arg4: memref<10112x128xf32, #tpu.memory_space<hbm>>, %arg5: memref<2x10112x128xf32, #tpu.memory_space<hbm>>, %arg6: memref<64xi32, #tpu.memory_space<vmem>>, %arg7: memref<64xi32, #tpu.memory_space<vmem>>, %arg8: memref<64xi32, #tpu.memory_space<vmem>>, %arg9: memref<64xi32, #tpu.memory_space<vmem>>, %arg10: memref<64x128xf32, #tpu.memory_space<vmem>>, %arg11: memref<64x128xf32, #tpu.memory_space<vmem>>, %arg12: memref<64x128xf32, #tpu.memory_space<vmem>>, %arg13: memref<64x128xf32, #tpu.memory_space<vmem>>, %arg14: memref<10112x128xf32, #tpu.memory_space<vmem_shared>>, %arg15: memref<!tpu.dma_semaphore, #tpu.memory_space<semaphore_mem>>, %arg16: memref<!tpu.dma_semaphore, #tpu.memory_space<semaphore_mem>>) attributes {dimension_semantics = [#tpu.dimension_semantics<core_parallel>, #tpu.dimension_semantics<subcore_parallel>], iteration_bounds = array<i64: 2, 16>, scalar_prefetch = 0 : i64, scratch_operands = 11 : i64, tpu.core_type = #tpu.core_type<sc_vector_subcore>, window_params = [{transform_indices = #map}, {transform_indices = #map}, {transform_indices = #map1}, {transform_indices = #map2}]} {
    %mul3A = arith.constant 2 : i32
    %mul3A_0 = arith.muli %arg1, %mul3A : i32
    %add3A = arith.addi %mul3A_0, %arg0 : i32
    %mul3A_1 = arith.constant 10368 : i32
    %mul3A_2 = arith.muli %add3A, %mul3A_1 : i32
    %broadcast_in_dim3A = arith.constant 0.000000e+00 : f32
    %broadcast_in_dim3A_3 = vector.broadcast %broadcast_in_dim3A : f32 to vector<16xf32>
    %scan3A = arith.constant 0 : i32
    %scan3A_4 = arith.constant 0 : i32
    %scan3A_5 = arith.constant 64 : i32
    %scan3A_6 = arith.addi %scan3A_4, %scan3A_5 : i32
    %scan3A_7 = arith.constant 1 : i32
    scf.for %scan3A_28 = %scan3A_4 to %scan3A_6 step %scan3A_7  : i32 {
      %swap3A = arith.index_cast %scan3A_28 : i32 to index
      %swap3A_29 = arith.constant 0 : index
      %swap3A_30 = tpu.vector_load %arg10[%swap3A, %swap3A_29] {strides = array<i32>} : memref<64x128xf32, #tpu.memory_space<vmem>>, vector<16xf32>,
      tpu.vector_store %arg10[%swap3A, %swap3A_29], %broadcast_in_dim3A_3 {strides = array<i32>} : memref<64x128xf32, #tpu.memory_space<vmem>>, vector<16xf32>,
      %swap3A_31 = arith.index_cast %scan3A_28 : i32 to index
      %swap3A_32 = arith.constant 16 : index
      %swap3A_33 = tpu.vector_load %arg10[%swap3A_31, %swap3A_32] {strides = array<i32>} : memref<64x128xf32, #tpu.memory_space<vmem>>, vector<16xf32>,
      tpu.vector_store %arg10[%swap3A_31, %swap3A_32], %broadcast_in_dim3A_3 {strides = array<i32>} : memref<64x128xf32, #tpu.memory_space<vmem>>, vector<16xf32>,
      %swap3A_34 = arith.index_cast %scan3A_28 : i32 to index
      %swap3A_35 = arith.constant 32 : index
      %swap3A_36 = tpu.vector_load %arg10[%swap3A_34, %swap3A_35] {strides = array<i32>} : memref<64x128xf32, #tpu.memory_space<vmem>>, vector<16xf32>,
      tpu.vector_store %arg10[%swap3A_34, %swap3A_35], %broadcast_in_dim3A_3 {strides = array<i32>} : memref<64x128xf32, #tpu.memory_space<vmem>>, vector<16xf32>,
      %swap3A_37 = arith.index_cast %scan3A_28 : i32 to index
      %swap3A_38 = arith.constant 48 : index
      %swap3A_39 = tpu.vector_load %arg10[%swap3A_37, %swap3A_38] {strides = array<i32>} : memref<64x128xf32, #tpu.memory_space<vmem>>, vector<16xf32>,
      tpu.vector_store %arg10[%swap3A_37, %swap3A_38], %broadcast_in_dim3A_3 {strides = array<i32>} : memref<64x128xf32, #tpu.memory_space<vmem>>, vector<16xf32>,
      %swap3A_40 = arith.index_cast %scan3A_28 : i32 to index
      %swap3A_41 = arith.constant 64 : index
      %swap3A_42 = tpu.vector_load %arg10[%swap3A_40, %swap3A_41] {strides = array<i32>} : memref<64x128xf32, #tpu.memory_space<vmem>>, vector<16xf32>,
      tpu.vector_store %arg10[%swap3A_40, %swap3A_41], %broadcast_in_dim3A_3 {strides = array<i32>} : memref<64x128xf32, #tpu.memory_space<vmem>>, vector<16xf32>,
      %swap3A_43 = arith.index_cast %scan3A_28 : i32 to index
      %swap3A_44 = arith.constant 80 : index
      %swap3A_45 = tpu.vector_load %arg10[%swap3A_43, %swap3A_44] {strides = array<i32>} : memref<64x128xf32, #tpu.memory_space<vmem>>, vector<16xf32>,
      tpu.vector_store %arg10[%swap3A_43, %swap3A_44], %broadcast_in_dim3A_3 {strides = array<i32>} : memref<64x128xf32, #tpu.memory_space<vmem>>, vector<16xf32>,
      %swap3A_46 = arith.index_cast %scan3A_28 : i32 to index
      %swap3A_47 = arith.constant 96 : index
      %swap3A_48 = tpu.vector_load %arg10[%swap3A_46, %swap3A_47] {strides = array<i32>} : memref<64x128xf32, #tpu.memory_space<vmem>>, vector<16xf32>,
      tpu.vector_store %arg10[%swap3A_46, %swap3A_47], %broadcast_in_dim3A_3 {strides = array<i32>} : memref<64x128xf32, #tpu.memory_space<vmem>>, vector<16xf32>,
      %swap3A_49 = arith.index_cast %scan3A_28 : i32 to index
      %swap3A_50 = arith.constant 112 : index
      %swap3A_51 = tpu.vector_load %arg10[%swap3A_49, %swap3A_50] {strides = array<i32>} : memref<64x128xf32, #tpu.memory_space<vmem>>, vector<16xf32>,
      tpu.vector_store %arg10[%swap3A_49, %swap3A_50], %broadcast_in_dim3A_3 {strides = array<i32>} : memref<64x128xf32, #tpu.memory_space<vmem>>, vector<16xf32>,
    }
    %scan3A_8 = arith.constant 64 : i32
    %scan3A_9 = arith.constant 0 : i32
    %scan3A_10 = arith.constant 0 : i32
    %scan3A_11 = arith.constant 10 : i32
    %scan3A_12 = arith.addi %scan3A_10, %scan3A_11 : i32
    %scan3A_13 = arith.constant 1 : i32
    scf.for %scan3A_28 = %scan3A_10 to %scan3A_12 step %scan3A_13  : i32 {
      %mul3A_29 = arith.constant 16 : i32
      %mul3A_30 = arith.muli %scan3A_28, %mul3A_29 : i32
      %add3A_31 = arith.addi %arg1, %mul3A_30 : i32
      %lt3A = arith.constant 158 : i32
      %lt3A_32 = arith.cmpi slt, %add3A_31, %lt3A : i32
      %convert_element_type3A = arith.extui %lt3A_32 : i1 to i32
      %cond3A = arith.constant 0 : i32
      %cond3A_33 = arith.cmpi ne, %convert_element_type3A, %cond3A : i32
      scf.if %cond3A_33 {
        %mul3A_34 = arith.constant 64 : i32
        %mul3A_35 = arith.muli %add3A_31, %mul3A_34 : i32
        "tpu.region"() ({
          %run_scoped3A = tpu.sem_alloc : memref<!tpu.dma_semaphore, #tpu.memory_space<semaphore_mem>>
          %dma_start3A = arith.constant 0 : i32
          %dma_start3A_36 = tpu.memref_slice %arg14[%mul3A_35, %dma_start3A] : memref<10112x128xf32, #tpu.memory_space<vmem_shared>> -> memref<64x128xf32, #tpu.memory_space<vmem_shared>>
          %dma_start3A_37 = arith.constant 0 : i32
          %dma_start3A_38 = tpu.memref_slice %arg14[%mul3A_35, %dma_start3A_37] : memref<10112x128xf32, #tpu.memory_space<vmem_shared>> -> memref<64x128xf32, #tpu.memory_space<vmem_shared>>
          tpu.enqueue_dma source(%arg10 : memref<64x128xf32, #tpu.memory_space<vmem>>) target(%dma_start3A_38 : memref<64x128xf32, #tpu.memory_space<vmem_shared>>) target_semaphore(%run_scoped3A : memref<!tpu.dma_semaphore, #tpu.memory_space<semaphore_mem>>)
          %dma_wait3A = arith.constant 0 : i32
          %dma_wait3A_39 = tpu.memref_slice %arg14[%mul3A_35, %dma_wait3A] : memref<10112x128xf32, #tpu.memory_space<vmem_shared>> -> memref<64x128xf32, #tpu.memory_space<vmem_shared>>
          %dma_wait3A_40 = arith.constant 0 : i32
          %dma_wait3A_41 = tpu.memref_slice %arg14[%mul3A_35, %dma_wait3A_40] : memref<10112x128xf32, #tpu.memory_space<vmem_shared>> -> memref<64x128xf32, #tpu.memory_space<vmem_shared>>
          tpu.wait_dma2 semaphore(%run_scoped3A : memref<!tpu.dma_semaphore, #tpu.memory_space<semaphore_mem>>) src(%arg10 : memref<64x128xf32, #tpu.memory_space<vmem>>) dst(%dma_wait3A_41 : memref<64x128xf32, #tpu.memory_space<vmem_shared>>)
          tpu.yield
        }) : () -> ()
      } else {
      }
    }
    %scan3A_14 = arith.constant 10 : i32
    %barrier3A = arith.constant 0 : index
    tpu.barrier barrier_id(%barrier3A)
    %iota3A = tpu.iota {dimensions = array<i32: 0>} : vector<16xi32>
    %scan3A_15 = arith.constant 0 : i32
    %scan3A_16 = arith.constant 0 : i32
    %scan3A_17 = arith.constant 81 : i32
    %scan3A_18 = arith.addi %scan3A_16, %scan3A_17 : i32
    %scan3A_19 = arith.constant 1 : i32
    scf.for %scan3A_28 = %scan3A_16 to %scan3A_18 step %scan3A_19  : i32 {
      %mul3A_29 = arith.constant 2 : i32
      %mul3A_30 = arith.muli %mul3A_29, %scan3A_28 : i32
      %mul3A_31 = arith.constant 64 : i32
      %mul3A_32 = arith.muli %mul3A_30, %mul3A_31 : i32
      %add3A_33 = arith.addi %mul3A_2, %mul3A_32 : i32
      "tpu.region"() ({
        %run_scoped3A = tpu.sem_alloc : memref<!tpu.dma_semaphore, #tpu.memory_space<semaphore_mem>>
        %dma_start3A_75 = tpu.memref_slice %arg2[%add3A_33] : memref<331776xi32, #tpu.memory_space<hbm>> -> memref<64xi32, #tpu.memory_space<hbm>>
        %dma_start3A_76 = tpu.memref_slice %arg2[%add3A_33] : memref<331776xi32, #tpu.memory_space<hbm>> -> memref<64xi32, #tpu.memory_space<hbm>>
        tpu.enqueue_dma source(%dma_start3A_76 : memref<64xi32, #tpu.memory_space<hbm>>) target(%arg6 : memref<64xi32, #tpu.memory_space<vmem>>) target_semaphore(%run_scoped3A : memref<!tpu.dma_semaphore, #tpu.memory_space<semaphore_mem>>)
        %dma_wait3A_77 = tpu.memref_slice %arg2[%add3A_33] : memref<331776xi32, #tpu.memory_space<hbm>> -> memref<64xi32, #tpu.memory_space<hbm>>
        %dma_wait3A_78 = tpu.memref_slice %arg2[%add3A_33] : memref<331776xi32, #tpu.memory_space<hbm>> -> memref<64xi32, #tpu.memory_space<hbm>>
        tpu.wait_dma2 semaphore(%run_scoped3A : memref<!tpu.dma_semaphore, #tpu.memory_space<semaphore_mem>>) src(%dma_wait3A_78 : memref<64xi32, #tpu.memory_space<hbm>>) dst(%arg6 : memref<64xi32, #tpu.memory_space<vmem>>)
        tpu.yield
      }) : () -> ()
      "tpu.region"() ({
        %run_scoped3A = tpu.sem_alloc : memref<!tpu.dma_semaphore, #tpu.memory_space<semaphore_mem>>
        %dma_start3A_75 = tpu.memref_slice %arg3[%add3A_33] : memref<331776xi32, #tpu.memory_space<hbm>> -> memref<64xi32, #tpu.memory_space<hbm>>
        %dma_start3A_76 = tpu.memref_slice %arg3[%add3A_33] : memref<331776xi32, #tpu.memory_space<hbm>> -> memref<64xi32, #tpu.memory_space<hbm>>
        tpu.enqueue_dma source(%dma_start3A_76 : memref<64xi32, #tpu.memory_space<hbm>>) target(%arg8 : memref<64xi32, #tpu.memory_space<vmem>>) target_semaphore(%run_scoped3A : memref<!tpu.dma_semaphore, #tpu.memory_space<semaphore_mem>>)
        %dma_wait3A_77 = tpu.memref_slice %arg3[%add3A_33] : memref<331776xi32, #tpu.memory_space<hbm>> -> memref<64xi32, #tpu.memory_space<hbm>>
        %dma_wait3A_78 = tpu.memref_slice %arg3[%add3A_33] : memref<331776xi32, #tpu.memory_space<hbm>> -> memref<64xi32, #tpu.memory_space<hbm>>
        tpu.wait_dma2 semaphore(%run_scoped3A : memref<!tpu.dma_semaphore, #tpu.memory_space<semaphore_mem>>) src(%dma_wait3A_78 : memref<64xi32, #tpu.memory_space<hbm>>) dst(%arg8 : memref<64xi32, #tpu.memory_space<vmem>>)
        tpu.yield
      }) : () -> ()
      %dma_start3A = arith.constant 0 : i32
      %dma_start3A_34 = arith.constant 0 : i32
      %dma_start3A_35 = tpu.memref_slice %arg4[%dma_start3A, %dma_start3A_34] : memref<10112x128xf32, #tpu.memory_space<hbm>> -> memref<10112x128xf32, #tpu.memory_space<hbm>>
      tpu.enqueue_indirect_dma source(%dma_start3A_35 : memref<10112x128xf32, #tpu.memory_space<hbm>>) target(%arg10 : memref<64x128xf32, #tpu.memory_space<vmem>>) offsets(%arg6 : memref<64xi32, #tpu.memory_space<vmem>>) semaphore(%arg15 : memref<!tpu.dma_semaphore, #tpu.memory_space<semaphore_mem>>)
      %dma_start3A_36 = arith.constant 0 : i32
      %dma_start3A_37 = arith.constant 0 : i32
      %dma_start3A_38 = tpu.memref_slice %arg4[%dma_start3A_36, %dma_start3A_37] : memref<10112x128xf32, #tpu.memory_space<hbm>> -> memref<10112x128xf32, #tpu.memory_space<hbm>>
      tpu.enqueue_indirect_dma source(%dma_start3A_38 : memref<10112x128xf32, #tpu.memory_space<hbm>>) target(%arg12 : memref<64x128xf32, #tpu.memory_space<vmem>>) offsets(%arg8 : memref<64xi32, #tpu.memory_space<vmem>>) semaphore(%arg15 : memref<!tpu.dma_semaphore, #tpu.memory_space<semaphore_mem>>)
      %mul3A_39 = arith.constant 2 : i32
      %mul3A_40 = arith.muli %mul3A_39, %scan3A_28 : i32
      %add3A_41 = arith.constant 1 : i32
      %add3A_42 = arith.addi %mul3A_40, %add3A_41 : i32
      %mul3A_43 = arith.constant 64 : i32
      %mul3A_44 = arith.muli %add3A_42, %mul3A_43 : i32
      %add3A_45 = arith.addi %mul3A_2, %mul3A_44 : i32
      "tpu.region"() ({
        %run_scoped3A = tpu.sem_alloc : memref<!tpu.dma_semaphore, #tpu.memory_space<semaphore_mem>>
        %dma_start3A_75 = tpu.memref_slice %arg2[%add3A_45] : memref<331776xi32, #tpu.memory_space<hbm>> -> memref<64xi32, #tpu.memory_space<hbm>>
        %dma_start3A_76 = tpu.memref_slice %arg2[%add3A_45] : memref<331776xi32, #tpu.memory_space<hbm>> -> memref<64xi32, #tpu.memory_space<hbm>>
        tpu.enqueue_dma source(%dma_start3A_76 : memref<64xi32, #tpu.memory_space<hbm>>) target(%arg7 : memref<64xi32, #tpu.memory_space<vmem>>) target_semaphore(%run_scoped3A : memref<!tpu.dma_semaphore, #tpu.memory_space<semaphore_mem>>)
        %dma_wait3A_77 = tpu.memref_slice %arg2[%add3A_45] : memref<331776xi32, #tpu.memory_space<hbm>> -> memref<64xi32, #tpu.memory_space<hbm>>
        %dma_wait3A_78 = tpu.memref_slice %arg2[%add3A_45] : memref<331776xi32, #tpu.memory_space<hbm>> -> memref<64xi32, #tpu.memory_space<hbm>>
        tpu.wait_dma2 semaphore(%run_scoped3A : memref<!tpu.dma_semaphore, #tpu.memory_space<semaphore_mem>>) src(%dma_wait3A_78 : memref<64xi32, #tpu.memory_space<hbm>>) dst(%arg7 : memref<64xi32, #tpu.memory_space<vmem>>)
        tpu.yield
      }) : () -> ()
      "tpu.region"() ({
        %run_scoped3A = tpu.sem_alloc : memref<!tpu.dma_semaphore, #tpu.memory_space<semaphore_mem>>
        %dma_start3A_75 = tpu.memref_slice %arg3[%add3A_45] : memref<331776xi32, #tpu.memory_space<hbm>> -> memref<64xi32, #tpu.memory_space<hbm>>
        %dma_start3A_76 = tpu.memref_slice %arg3[%add3A_45] : memref<331776xi32, #tpu.memory_space<hbm>> -> memref<64xi32, #tpu.memory_space<hbm>>
        tpu.enqueue_dma source(%dma_start3A_76 : memref<64xi32, #tpu.memory_space<hbm>>) target(%arg9 : memref<64xi32, #tpu.memory_space<vmem>>) target_semaphore(%run_scoped3A : memref<!tpu.dma_semaphore, #tpu.memory_space<semaphore_mem>>)
        %dma_wait3A_77 = tpu.memref_slice %arg3[%add3A_45] : memref<331776xi32, #tpu.memory_space<hbm>> -> memref<64xi32, #tpu.memory_space<hbm>>
        %dma_wait3A_78 = tpu.memref_slice %arg3[%add3A_45] : memref<331776xi32, #tpu.memory_space<hbm>> -> memref<64xi32, #tpu.memory_space<hbm>>
        tpu.wait_dma2 semaphore(%run_scoped3A : memref<!tpu.dma_semaphore, #tpu.memory_space<semaphore_mem>>) src(%dma_wait3A_78 : memref<64xi32, #tpu.memory_space<hbm>>) dst(%arg9 : memref<64xi32, #tpu.memory_space<vmem>>)
        tpu.yield
      }) : () -> ()
      %dma_start3A_46 = arith.constant 0 : i32
      %dma_start3A_47 = arith.constant 0 : i32
      %dma_start3A_48 = tpu.memref_slice %arg4[%dma_start3A_46, %dma_start3A_47] : memref<10112x128xf32, #tpu.memory_space<hbm>> -> memref<10112x128xf32, #tpu.memory_space<hbm>>
      tpu.enqueue_indirect_dma source(%dma_start3A_48 : memref<10112x128xf32, #tpu.memory_space<hbm>>) target(%arg11 : memref<64x128xf32, #tpu.memory_space<vmem>>) offsets(%arg7 : memref<64xi32, #tpu.memory_space<vmem>>) semaphore(%arg16 : memref<!tpu.dma_semaphore, #tpu.memory_space<semaphore_mem>>)
      %dma_start3A_49 = arith.constant 0 : i32
      %dma_start3A_50 = arith.constant 0 : i32
      %dma_start3A_51 = tpu.memref_slice %arg4[%dma_start3A_49, %dma_start3A_50] : memref<10112x128xf32, #tpu.memory_space<hbm>> -> memref<10112x128xf32, #tpu.memory_space<hbm>>
      tpu.enqueue_indirect_dma source(%dma_start3A_51 : memref<10112x128xf32, #tpu.memory_space<hbm>>) target(%arg13 : memref<64x128xf32, #tpu.memory_space<vmem>>) offsets(%arg9 : memref<64xi32, #tpu.memory_space<vmem>>) semaphore(%arg16 : memref<!tpu.dma_semaphore, #tpu.memory_space<semaphore_mem>>)
      %dma_wait3A = arith.constant 0 : i32
      %dma_wait3A_52 = arith.constant 0 : i32
      %dma_wait3A_53 = tpu.memref_slice %arg4[%dma_wait3A, %dma_wait3A_52] : memref<10112x128xf32, #tpu.memory_space<hbm>> -> memref<10112x128xf32, #tpu.memory_space<hbm>>
      tpu.wait_indirect_dma semaphore(%arg15 : memref<!tpu.dma_semaphore, #tpu.memory_space<semaphore_mem>>) src(%dma_wait3A_53 : memref<10112x128xf32, #tpu.memory_space<hbm>>) dst(%arg10 : memref<64x128xf32, #tpu.memory_space<vmem>>)
      %dma_wait3A_54 = arith.constant 0 : i32
      %dma_wait3A_55 = arith.constant 0 : i32
      %dma_wait3A_56 = tpu.memref_slice %arg4[%dma_wait3A_54, %dma_wait3A_55] : memref<10112x128xf32, #tpu.memory_space<hbm>> -> memref<10112x128xf32, #tpu.memory_space<hbm>>
      tpu.wait_indirect_dma semaphore(%arg15 : memref<!tpu.dma_semaphore, #tpu.memory_space<semaphore_mem>>) src(%dma_wait3A_56 : memref<10112x128xf32, #tpu.memory_space<hbm>>) dst(%arg12 : memref<64x128xf32, #tpu.memory_space<vmem>>)
      %scan3A_57 = arith.constant 0 : i32
      %scan3A_58 = arith.constant 0 : i32
      %scan3A_59 = arith.constant 4 : i32
      %scan3A_60 = arith.addi %scan3A_58, %scan3A_59 : i32
      %scan3A_61 = arith.constant 1 : i32
      scf.for %scan3A_75 = %scan3A_58 to %scan3A_60 step %scan3A_61  : i32 {
        %mul3A_76 = arith.constant 16 : i32
        %mul3A_77 = arith.muli %scan3A_75, %mul3A_76 : i32
        %add3A_78 = vector.broadcast %mul3A_77 : i32 to vector<16xi32>
        %add3A_79 = arith.addi %iota3A, %add3A_78 : vector<16xi32>
        %broadcast_in_dim3A_80 = arith.constant 32 : i32
        %broadcast_in_dim3A_81 = vector.broadcast %broadcast_in_dim3A_80 : i32 to vector<16xi32>
        %gather3A = tpu.vector_load_idx %arg10[%add3A_79, %broadcast_in_dim3A_81] : memref<64x128xf32, #tpu.memory_space<vmem>>[vector<16xi32>, vector<16xi32>], vector<16xf32>,
        %broadcast_in_dim3A_82 = arith.constant 36 : i32
        %broadcast_in_dim3A_83 = vector.broadcast %broadcast_in_dim3A_82 : i32 to vector<16xi32>
        %gather3A_84 = tpu.vector_load_idx %arg12[%add3A_79, %broadcast_in_dim3A_83] : memref<64x128xf32, #tpu.memory_space<vmem>>[vector<16xi32>, vector<16xi32>], vector<16xf32>,
        %add3A_85 = arith.addf %gather3A, %gather3A_84 : vector<16xf32>
        %mul3A_86 = arith.constant 2.000000e-01 : f32
        %mul3A_87 = vector.broadcast %mul3A_86 : f32 to vector<16xf32>
        %mul3A_88 = arith.mulf %mul3A_87, %add3A_85 : vector<16xf32>
        %max3A = arith.maximumf %add3A_85, %mul3A_88 : vector<16xf32>
        %exp3A = math.exp %max3A : vector<16xf32>
        %broadcast_in_dim3A_89 = arith.constant 32 : i32
        %broadcast_in_dim3A_90 = vector.broadcast %broadcast_in_dim3A_89 : i32 to vector<16xi32>
        tpu.vector_store_idx %arg10[%add3A_79, %broadcast_in_dim3A_90], %exp3A : memref<64x128xf32, #tpu.memory_space<vmem>>[vector<16xi32>, vector<16xi32>], vector<16xf32>,
        %broadcast_in_dim3A_91 = arith.constant 0 : i32
        %broadcast_in_dim3A_92 = vector.broadcast %broadcast_in_dim3A_91 : i32 to vector<16xi32>
        %gather3A_93 = tpu.vector_load_idx %arg10[%add3A_79, %broadcast_in_dim3A_92] : memref<64x128xf32, #tpu.memory_space<vmem>>[vector<16xi32>, vector<16xi32>], vector<16xf32>,
        %mul3A_94 = arith.mulf %exp3A, %gather3A_93 : vector<16xf32>
        tpu.vector_store_idx %arg10[%add3A_79, %broadcast_in_dim3A_92], %mul3A_94 : memref<64x128xf32, #tpu.memory_space<vmem>>[vector<16xi32>, vector<16xi32>], vector<16xf32>,
        %broadcast_in_dim3A_95 = arith.constant 1 : i32
        %broadcast_in_dim3A_96 = vector.broadcast %broadcast_in_dim3A_95 : i32 to vector<16xi32>
        %gather3A_97 = tpu.vector_load_idx %arg10[%add3A_79, %broadcast_in_dim3A_96] : memref<64x128xf32, #tpu.memory_space<vmem>>[vector<16xi32>, vector<16xi32>], vector<16xf32>,
        %mul3A_98 = arith.mulf %exp3A, %gather3A_97 : vector<16xf32>
        tpu.vector_store_idx %arg10[%add3A_79, %broadcast_in_dim3A_96], %mul3A_98 : memref<64x128xf32, #tpu.memory_space<vmem>>[vector<16xi32>, vector<16xi32>], vector<16xf32>,
        %broadcast_in_dim3A_99 = arith.constant 2 : i32
        %broadcast_in_dim3A_100 = vector.broadcast %broadcast_in_dim3A_99 : i32 to vector<16xi32>
        %gather3A_101 = tpu.vector_load_idx %arg10[%add3A_79, %broadcast_in_dim3A_100] : memref<64x128xf32, #tpu.memory_space<vmem>>[vector<16xi32>, vector<16xi32>], vector<16xf32>,
        %mul3A_102 = arith.mulf %exp3A, %gather3A_101 : vector<16xf32>
        tpu.vector_store_idx %arg10[%add3A_79, %broadcast_in_dim3A_100], %mul3A_102 : memref<64x128xf32, #tpu.memory_space<vmem>>[vector<16xi32>, vector<16xi32>], vector<16xf32>,
        %broadcast_in_dim3A_103 = arith.constant 3 : i32
        %broadcast_in_dim3A_104 = vector.broadcast %broadcast_in_dim3A_103 : i32 to vector<16xi32>
        %gather3A_105 = tpu.vector_load_idx %arg10[%add3A_79, %broadcast_in_dim3A_104] : memref<64x128xf32, #tpu.memory_space<vmem>>[vector<16xi32>, vector<16xi32>], vector<16xf32>,
        %mul3A_106 = arith.mulf %exp3A, %gather3A_105 : vector<16xf32>
        tpu.vector_store_idx %arg10[%add3A_79, %broadcast_in_dim3A_104], %mul3A_106 : memref<64x128xf32, #tpu.memory_space<vmem>>[vector<16xi32>, vector<16xi32>], vector<16xf32>,
        %broadcast_in_dim3A_107 = arith.constant 4 : i32
        %broadcast_in_dim3A_108 = vector.broadcast %broadcast_in_dim3A_107 : i32 to vector<16xi32>
        %gather3A_109 = tpu.vector_load_idx %arg10[%add3A_79, %broadcast_in_dim3A_108] : memref<64x128xf32, #tpu.memory_space<vmem>>[vector<16xi32>, vector<16xi32>], vector<16xf32>,
        %mul3A_110 = arith.mulf %exp3A, %gather3A_109 : vector<16xf32>
        tpu.vector_store_idx %arg10[%add3A_79, %broadcast_in_dim3A_108], %mul3A_110 : memref<64x128xf32, #tpu.memory_space<vmem>>[vector<16xi32>, vector<16xi32>], vector<16xf32>,
        %broadcast_in_dim3A_111 = arith.constant 5 : i32
        %broadcast_in_dim3A_112 = vector.broadcast %broadcast_in_dim3A_111 : i32 to vector<16xi32>
        %gather3A_113 = tpu.vector_load_idx %arg10[%add3A_79, %broadcast_in_dim3A_112] : memref<64x128xf32, #tpu.memory_space<vmem>>[vector<16xi32>, vector<16xi32>], vector<16xf32>,
        %mul3A_114 = arith.mulf %exp3A, %gather3A_113 : vector<16xf32>
        tpu.vector_store_idx %arg10[%add3A_79, %broadcast_in_dim3A_112], %mul3A_114 : memref<64x128xf32, #tpu.memory_space<vmem>>[vector<16xi32>, vector<16xi32>], vector<16xf32>,
        %broadcast_in_dim3A_115 = arith.constant 6 : i32
        %broadcast_in_dim3A_116 = vector.broadcast %broadcast_in_dim3A_115 : i32 to vector<16xi32>
        %gather3A_117 = tpu.vector_load_idx %arg10[%add3A_79, %broadcast_in_dim3A_116] : memref<64x128xf32, #tpu.memory_space<vmem>>[vector<16xi32>, vector<16xi32>], vector<16xf32>,
        %mul3A_118 = arith.mulf %exp3A, %gather3A_117 : vector<16xf32>
        tpu.vector_store_idx %arg10[%add3A_79, %broadcast_in_dim3A_116], %mul3A_118 : memref<64x128xf32, #tpu.memory_space<vmem>>[vector<16xi32>, vector<16xi32>], vector<16xf32>,
        %broadcast_in_dim3A_119 = arith.constant 7 : i32
        %broadcast_in_dim3A_120 = vector.broadcast %broadcast_in_dim3A_119 : i32 to vector<16xi32>
        %gather3A_121 = tpu.vector_load_idx %arg10[%add3A_79, %broadcast_in_dim3A_120] : memref<64x128xf32, #tpu.memory_space<vmem>>[vector<16xi32>, vector<16xi32>], vector<16xf32>,
        %mul3A_122 = arith.mulf %exp3A, %gather3A_121 : vector<16xf32>
        tpu.vector_store_idx %arg10[%add3A_79, %broadcast_in_dim3A_120], %mul3A_122 : memref<64x128xf32, #tpu.memory_space<vmem>>[vector<16xi32>, vector<16xi32>], vector<16xf32>,
        %broadcast_in_dim3A_123 = arith.constant 33 : i32
        %broadcast_in_dim3A_124 = vector.broadcast %broadcast_in_dim3A_123 : i32 to vector<16xi32>
        %gather3A_125 = tpu.vector_load_idx %arg10[%add3A_79, %broadcast_in_dim3A_124] : memref<64x128xf32, #tpu.memory_space<vmem>>[vector<16xi32>, vector<16xi32>], vector<16xf32>,
        %broadcast_in_dim3A_126 = arith.constant 37 : i32
        %broadcast_in_dim3A_127 = vector.broadcast %broadcast_in_dim3A_126 : i32 to vector<16xi32>
        %gather3A_128 = tpu.vector_load_idx %arg12[%add3A_79, %broadcast_in_dim3A_127] : memref<64x128xf32, #tpu.memory_space<vmem>>[vector<16xi32>, vector<16xi32>], vector<16xf32>,
        %add3A_129 = arith.addf %gather3A_125, %gather3A_128 : vector<16xf32>
        %mul3A_130 = arith.constant 2.000000e-01 : f32
        %mul3A_131 = vector.broadcast %mul3A_130 : f32 to vector<16xf32>
        %mul3A_132 = arith.mulf %mul3A_131, %add3A_129 : vector<16xf32>
        %max3A_133 = arith.maximumf %add3A_129, %mul3A_132 : vector<16xf32>
        %exp3A_134 = math.exp %max3A_133 : vector<16xf32>
        %broadcast_in_dim3A_135 = arith.constant 33 : i32
        %broadcast_in_dim3A_136 = vector.broadcast %broadcast_in_dim3A_135 : i32 to vector<16xi32>
        tpu.vector_store_idx %arg10[%add3A_79, %broadcast_in_dim3A_136], %exp3A_134 : memref<64x128xf32, #tpu.memory_space<vmem>>[vector<16xi32>, vector<16xi32>], vector<16xf32>,
        %broadcast_in_dim3A_137 = arith.constant 8 : i32
        %broadcast_in_dim3A_138 = vector.broadcast %broadcast_in_dim3A_137 : i32 to vector<16xi32>
        %gather3A_139 = tpu.vector_load_idx %arg10[%add3A_79, %broadcast_in_dim3A_138] : memref<64x128xf32, #tpu.memory_space<vmem>>[vector<16xi32>, vector<16xi32>], vector<16xf32>,
        %mul3A_140 = arith.mulf %exp3A_134, %gather3A_139 : vector<16xf32>
        tpu.vector_store_idx %arg10[%add3A_79, %broadcast_in_dim3A_138], %mul3A_140 : memref<64x128xf32, #tpu.memory_space<vmem>>[vector<16xi32>, vector<16xi32>], vector<16xf32>,
        %broadcast_in_dim3A_141 = arith.constant 9 : i32
        %broadcast_in_dim3A_142 = vector.broadcast %broadcast_in_dim3A_141 : i32 to vector<16xi32>
        %gather3A_143 = tpu.vector_load_idx %arg10[%add3A_79, %broadcast_in_dim3A_142] : memref<64x128xf32, #tpu.memory_space<vmem>>[vector<16xi32>, vector<16xi32>], vector<16xf32>,
        %mul3A_144 = arith.mulf %exp3A_134, %gather3A_143 : vector<16xf32>
        tpu.vector_store_idx %arg10[%add3A_79, %broadcast_in_dim3A_142], %mul3A_144 : memref<64x128xf32, #tpu.memory_space<vmem>>[vector<16xi32>, vector<16xi32>], vector<16xf32>,
        %broadcast_in_dim3A_145 = arith.constant 10 : i32
        %broadcast_in_dim3A_146 = vector.broadcast %broadcast_in_dim3A_145 : i32 to vector<16xi32>
        %gather3A_147 = tpu.vector_load_idx %arg10[%add3A_79, %broadcast_in_dim3A_146] : memref<64x128xf32, #tpu.memory_space<vmem>>[vector<16xi32>, vector<16xi32>], vector<16xf32>,
        %mul3A_148 = arith.mulf %exp3A_134, %gather3A_147 : vector<16xf32>
        tpu.vector_store_idx %arg10[%add3A_79, %broadcast_in_dim3A_146], %mul3A_148 : memref<64x128xf32, #tpu.memory_space<vmem>>[vector<16xi32>, vector<16xi32>], vector<16xf32>,
        %broadcast_in_dim3A_149 = arith.constant 11 : i32
        %broadcast_in_dim3A_150 = vector.broadcast %broadcast_in_dim3A_149 : i32 to vector<16xi32>
        %gather3A_151 = tpu.vector_load_idx %arg10[%add3A_79, %broadcast_in_dim3A_150] : memref<64x128xf32, #tpu.memory_space<vmem>>[vector<16xi32>, vector<16xi32>], vector<16xf32>,
        %mul3A_152 = arith.mulf %exp3A_134, %gather3A_151 : vector<16xf32>
        tpu.vector_store_idx %arg10[%add3A_79, %broadcast_in_dim3A_150], %mul3A_152 : memref<64x128xf32, #tpu.memory_space<vmem>>[vector<16xi32>, vector<16xi32>], vector<16xf32>,
        %broadcast_in_dim3A_153 = arith.constant 12 : i32
        %broadcast_in_dim3A_154 = vector.broadcast %broadcast_in_dim3A_153 : i32 to vector<16xi32>
        %gather3A_155 = tpu.vector_load_idx %arg10[%add3A_79, %broadcast_in_dim3A_154] : memref<64x128xf32, #tpu.memory_space<vmem>>[vector<16xi32>, vector<16xi32>], vector<16xf32>,
        %mul3A_156 = arith.mulf %exp3A_134, %gather3A_155 : vector<16xf32>
        tpu.vector_store_idx %arg10[%add3A_79, %broadcast_in_dim3A_154], %mul3A_156 : memref<64x128xf32, #tpu.memory_space<vmem>>[vector<16xi32>, vector<16xi32>], vector<16xf32>,
        %broadcast_in_dim3A_157 = arith.constant 13 : i32
        %broadcast_in_dim3A_158 = vector.broadcast %broadcast_in_dim3A_157 : i32 to vector<16xi32>
        %gather3A_159 = tpu.vector_load_idx %arg10[%add3A_79, %broadcast_in_dim3A_158] : memref<64x128xf32, #tpu.memory_space<vmem>>[vector<16xi32>, vector<16xi32>], vector<16xf32>,
        %mul3A_160 = arith.mulf %exp3A_134, %gather3A_159 : vector<16xf32>
        tpu.vector_store_idx %arg10[%add3A_79, %broadcast_in_dim3A_158], %mul3A_160 : memref<64x128xf32, #tpu.memory_space<vmem>>[vector<16xi32>, vector<16xi32>], vector<16xf32>,
        %broadcast_in_dim3A_161 = arith.constant 14 : i32
        %broadcast_in_dim3A_162 = vector.broadcast %broadcast_in_dim3A_161 : i32 to vector<16xi32>
        %gather3A_163 = tpu.vector_load_idx %arg10[%add3A_79, %broadcast_in_dim3A_162] : memref<64x128xf32, #tpu.memory_space<vmem>>[vector<16xi32>, vector<16xi32>], vector<16xf32>,
        %mul3A_164 = arith.mulf %exp3A_134, %gather3A_163 : vector<16xf32>
        tpu.vector_store_idx %arg10[%add3A_79, %broadcast_in_dim3A_162], %mul3A_164 : memref<64x128xf32, #tpu.memory_space<vmem>>[vector<16xi32>, vector<16xi32>], vector<16xf32>,
        %broadcast_in_dim3A_165 = arith.constant 15 : i32
        %broadcast_in_dim3A_166 = vector.broadcast %broadcast_in_dim3A_165 : i32 to vector<16xi32>
        %gather3A_167 = tpu.vector_load_idx %arg10[%add3A_79, %broadcast_in_dim3A_166] : memref<64x128xf32, #tpu.memory_space<vmem>>[vector<16xi32>, vector<16xi32>], vector<16xf32>,
        %mul3A_168 = arith.mulf %exp3A_134, %gather3A_167 : vector<16xf32>
        tpu.vector_store_idx %arg10[%add3A_79, %broadcast_in_dim3A_166], %mul3A_168 : memref<64x128xf32, #tpu.memory_space<vmem>>[vector<16xi32>, vector<16xi32>], vector<16xf32>,
        %broadcast_in_dim3A_169 = arith.constant 34 : i32
        %broadcast_in_dim3A_170 = vector.broadcast %broadcast_in_dim3A_169 : i32 to vector<16xi32>
        %gather3A_171 = tpu.vector_load_idx %arg10[%add3A_79, %broadcast_in_dim3A_170] : memref<64x128xf32, #tpu.memory_space<vmem>>[vector<16xi32>, vector<16xi32>], vector<16xf32>,
        %broadcast_in_dim3A_172 = arith.constant 38 : i32
        %broadcast_in_dim3A_173 = vector.broadcast %broadcast_in_dim3A_172 : i32 to vector<16xi32>
        %gather3A_174 = tpu.vector_load_idx %arg12[%add3A_79, %broadcast_in_dim3A_173] : memref<64x128xf32, #tpu.memory_space<vmem>>[vector<16xi32>, vector<16xi32>], vector<16xf32>,
        %add3A_175 = arith.addf %gather3A_171, %gather3A_174 : vector<16xf32>
        %mul3A_176 = arith.constant 2.000000e-01 : f32
        %mul3A_177 = vector.broadcast %mul3A_176 : f32 to vector<16xf32>
        %mul3A_178 = arith.mulf %mul3A_177, %add3A_175 : vector<16xf32>
        %max3A_179 = arith.maximumf %add3A_175, %mul3A_178 : vector<16xf32>
        %exp3A_180 = math.exp %max3A_179 : vector<16xf32>
        %broadcast_in_dim3A_181 = arith.constant 34 : i32
        %broadcast_in_dim3A_182 = vector.broadcast %broadcast_in_dim3A_181 : i32 to vector<16xi32>
        tpu.vector_store_idx %arg10[%add3A_79, %broadcast_in_dim3A_182], %exp3A_180 : memref<64x128xf32, #tpu.memory_space<vmem>>[vector<16xi32>, vector<16xi32>], vector<16xf32>,
        %broadcast_in_dim3A_183 = arith.constant 16 : i32
        %broadcast_in_dim3A_184 = vector.broadcast %broadcast_in_dim3A_183 : i32 to vector<16xi32>
        %gather3A_185 = tpu.vector_load_idx %arg10[%add3A_79, %broadcast_in_dim3A_184] : memref<64x128xf32, #tpu.memory_space<vmem>>[vector<16xi32>, vector<16xi32>], vector<16xf32>,
        %mul3A_186 = arith.mulf %exp3A_180, %gather3A_185 : vector<16xf32>
        tpu.vector_store_idx %arg10[%add3A_79, %broadcast_in_dim3A_184], %mul3A_186 : memref<64x128xf32, #tpu.memory_space<vmem>>[vector<16xi32>, vector<16xi32>], vector<16xf32>,
        %broadcast_in_dim3A_187 = arith.constant 17 : i32
        %broadcast_in_dim3A_188 = vector.broadcast %broadcast_in_dim3A_187 : i32 to vector<16xi32>
        %gather3A_189 = tpu.vector_load_idx %arg10[%add3A_79, %broadcast_in_dim3A_188] : memref<64x128xf32, #tpu.memory_space<vmem>>[vector<16xi32>, vector<16xi32>], vector<16xf32>,
        %mul3A_190 = arith.mulf %exp3A_180, %gather3A_189 : vector<16xf32>
        tpu.vector_store_idx %arg10[%add3A_79, %broadcast_in_dim3A_188], %mul3A_190 : memref<64x128xf32, #tpu.memory_space<vmem>>[vector<16xi32>, vector<16xi32>], vector<16xf32>,
        %broadcast_in_dim3A_191 = arith.constant 18 : i32
        %broadcast_in_dim3A_192 = vector.broadcast %broadcast_in_dim3A_191 : i32 to vector<16xi32>
        %gather3A_193 = tpu.vector_load_idx %arg10[%add3A_79, %broadcast_in_dim3A_192] : memref<64x128xf32, #tpu.memory_space<vmem>>[vector<16xi32>, vector<16xi32>], vector<16xf32>,
        %mul3A_194 = arith.mulf %exp3A_180, %gather3A_193 : vector<16xf32>
        tpu.vector_store_idx %arg10[%add3A_79, %broadcast_in_dim3A_192], %mul3A_194 : memref<64x128xf32, #tpu.memory_space<vmem>>[vector<16xi32>, vector<16xi32>], vector<16xf32>,
        %broadcast_in_dim3A_195 = arith.constant 19 : i32
        %broadcast_in_dim3A_196 = vector.broadcast %broadcast_in_dim3A_195 : i32 to vector<16xi32>
        %gather3A_197 = tpu.vector_load_idx %arg10[%add3A_79, %broadcast_in_dim3A_196] : memref<64x128xf32, #tpu.memory_space<vmem>>[vector<16xi32>, vector<16xi32>], vector<16xf32>,
        %mul3A_198 = arith.mulf %exp3A_180, %gather3A_197 : vector<16xf32>
        tpu.vector_store_idx %arg10[%add3A_79, %broadcast_in_dim3A_196], %mul3A_198 : memref<64x128xf32, #tpu.memory_space<vmem>>[vector<16xi32>, vector<16xi32>], vector<16xf32>,
        %broadcast_in_dim3A_199 = arith.constant 20 : i32
        %broadcast_in_dim3A_200 = vector.broadcast %broadcast_in_dim3A_199 : i32 to vector<16xi32>
        %gather3A_201 = tpu.vector_load_idx %arg10[%add3A_79, %broadcast_in_dim3A_200] : memref<64x128xf32, #tpu.memory_space<vmem>>[vector<16xi32>, vector<16xi32>], vector<16xf32>,
        %mul3A_202 = arith.mulf %exp3A_180, %gather3A_201 : vector<16xf32>
        tpu.vector_store_idx %arg10[%add3A_79, %broadcast_in_dim3A_200], %mul3A_202 : memref<64x128xf32, #tpu.memory_space<vmem>>[vector<16xi32>, vector<16xi32>], vector<16xf32>,
        %broadcast_in_dim3A_203 = arith.constant 21 : i32
        %broadcast_in_dim3A_204 = vector.broadcast %broadcast_in_dim3A_203 : i32 to vector<16xi32>
        %gather3A_205 = tpu.vector_load_idx %arg10[%add3A_79, %broadcast_in_dim3A_204] : memref<64x128xf32, #tpu.memory_space<vmem>>[vector<16xi32>, vector<16xi32>], vector<16xf32>,
        %mul3A_206 = arith.mulf %exp3A_180, %gather3A_205 : vector<16xf32>
        tpu.vector_store_idx %arg10[%add3A_79, %broadcast_in_dim3A_204], %mul3A_206 : memref<64x128xf32, #tpu.memory_space<vmem>>[vector<16xi32>, vector<16xi32>], vector<16xf32>,
        %broadcast_in_dim3A_207 = arith.constant 22 : i32
        %broadcast_in_dim3A_208 = vector.broadcast %broadcast_in_dim3A_207 : i32 to vector<16xi32>
        %gather3A_209 = tpu.vector_load_idx %arg10[%add3A_79, %broadcast_in_dim3A_208] : memref<64x128xf32, #tpu.memory_space<vmem>>[vector<16xi32>, vector<16xi32>], vector<16xf32>,
        %mul3A_210 = arith.mulf %exp3A_180, %gather3A_209 : vector<16xf32>
        tpu.vector_store_idx %arg10[%add3A_79, %broadcast_in_dim3A_208], %mul3A_210 : memref<64x128xf32, #tpu.memory_space<vmem>>[vector<16xi32>, vector<16xi32>], vector<16xf32>,
        %broadcast_in_dim3A_211 = arith.constant 23 : i32
        %broadcast_in_dim3A_212 = vector.broadcast %broadcast_in_dim3A_211 : i32 to vector<16xi32>
        %gather3A_213 = tpu.vector_load_idx %arg10[%add3A_79, %broadcast_in_dim3A_212] : memref<64x128xf32, #tpu.memory_space<vmem>>[vector<16xi32>, vector<16xi32>], vector<16xf32>,
        %mul3A_214 = arith.mulf %exp3A_180, %gather3A_213 : vector<16xf32>
        tpu.vector_store_idx %arg10[%add3A_79, %broadcast_in_dim3A_212], %mul3A_214 : memref<64x128xf32, #tpu.memory_space<vmem>>[vector<16xi32>, vector<16xi32>], vector<16xf32>,
        %broadcast_in_dim3A_215 = arith.constant 35 : i32
        %broadcast_in_dim3A_216 = vector.broadcast %broadcast_in_dim3A_215 : i32 to vector<16xi32>
        %gather3A_217 = tpu.vector_load_idx %arg10[%add3A_79, %broadcast_in_dim3A_216] : memref<64x128xf32, #tpu.memory_space<vmem>>[vector<16xi32>, vector<16xi32>], vector<16xf32>,
        %broadcast_in_dim3A_218 = arith.constant 39 : i32
        %broadcast_in_dim3A_219 = vector.broadcast %broadcast_in_dim3A_218 : i32 to vector<16xi32>
        %gather3A_220 = tpu.vector_load_idx %arg12[%add3A_79, %broadcast_in_dim3A_219] : memref<64x128xf32, #tpu.memory_space<vmem>>[vector<16xi32>, vector<16xi32>], vector<16xf32>,
        %add3A_221 = arith.addf %gather3A_217, %gather3A_220 : vector<16xf32>
        %mul3A_222 = arith.constant 2.000000e-01 : f32
        %mul3A_223 = vector.broadcast %mul3A_222 : f32 to vector<16xf32>
        %mul3A_224 = arith.mulf %mul3A_223, %add3A_221 : vector<16xf32>
        %max3A_225 = arith.maximumf %add3A_221, %mul3A_224 : vector<16xf32>
        %exp3A_226 = math.exp %max3A_225 : vector<16xf32>
        %broadcast_in_dim3A_227 = arith.constant 35 : i32
        %broadcast_in_dim3A_228 = vector.broadcast %broadcast_in_dim3A_227 : i32 to vector<16xi32>
        tpu.vector_store_idx %arg10[%add3A_79, %broadcast_in_dim3A_228], %exp3A_226 : memref<64x128xf32, #tpu.memory_space<vmem>>[vector<16xi32>, vector<16xi32>], vector<16xf32>,
        %broadcast_in_dim3A_229 = arith.constant 24 : i32
        %broadcast_in_dim3A_230 = vector.broadcast %broadcast_in_dim3A_229 : i32 to vector<16xi32>
        %gather3A_231 = tpu.vector_load_idx %arg10[%add3A_79, %broadcast_in_dim3A_230] : memref<64x128xf32, #tpu.memory_space<vmem>>[vector<16xi32>, vector<16xi32>], vector<16xf32>,
        %mul3A_232 = arith.mulf %exp3A_226, %gather3A_231 : vector<16xf32>
        tpu.vector_store_idx %arg10[%add3A_79, %broadcast_in_dim3A_230], %mul3A_232 : memref<64x128xf32, #tpu.memory_space<vmem>>[vector<16xi32>, vector<16xi32>], vector<16xf32>,
        %broadcast_in_dim3A_233 = arith.constant 25 : i32
        %broadcast_in_dim3A_234 = vector.broadcast %broadcast_in_dim3A_233 : i32 to vector<16xi32>
        %gather3A_235 = tpu.vector_load_idx %arg10[%add3A_79, %broadcast_in_dim3A_234] : memref<64x128xf32, #tpu.memory_space<vmem>>[vector<16xi32>, vector<16xi32>], vector<16xf32>,
        %mul3A_236 = arith.mulf %exp3A_226, %gather3A_235 : vector<16xf32>
        tpu.vector_store_idx %arg10[%add3A_79, %broadcast_in_dim3A_234], %mul3A_236 : memref<64x128xf32, #tpu.memory_space<vmem>>[vector<16xi32>, vector<16xi32>], vector<16xf32>,
        %broadcast_in_dim3A_237 = arith.constant 26 : i32
        %broadcast_in_dim3A_238 = vector.broadcast %broadcast_in_dim3A_237 : i32 to vector<16xi32>
        %gather3A_239 = tpu.vector_load_idx %arg10[%add3A_79, %broadcast_in_dim3A_238] : memref<64x128xf32, #tpu.memory_space<vmem>>[vector<16xi32>, vector<16xi32>], vector<16xf32>,
        %mul3A_240 = arith.mulf %exp3A_226, %gather3A_239 : vector<16xf32>
        tpu.vector_store_idx %arg10[%add3A_79, %broadcast_in_dim3A_238], %mul3A_240 : memref<64x128xf32, #tpu.memory_space<vmem>>[vector<16xi32>, vector<16xi32>], vector<16xf32>,
        %broadcast_in_dim3A_241 = arith.constant 27 : i32
        %broadcast_in_dim3A_242 = vector.broadcast %broadcast_in_dim3A_241 : i32 to vector<16xi32>
        %gather3A_243 = tpu.vector_load_idx %arg10[%add3A_79, %broadcast_in_dim3A_242] : memref<64x128xf32, #tpu.memory_space<vmem>>[vector<16xi32>, vector<16xi32>], vector<16xf32>,
        %mul3A_244 = arith.mulf %exp3A_226, %gather3A_243 : vector<16xf32>
        tpu.vector_store_idx %arg10[%add3A_79, %broadcast_in_dim3A_242], %mul3A_244 : memref<64x128xf32, #tpu.memory_space<vmem>>[vector<16xi32>, vector<16xi32>], vector<16xf32>,
        %broadcast_in_dim3A_245 = arith.constant 28 : i32
        %broadcast_in_dim3A_246 = vector.broadcast %broadcast_in_dim3A_245 : i32 to vector<16xi32>
        %gather3A_247 = tpu.vector_load_idx %arg10[%add3A_79, %broadcast_in_dim3A_246] : memref<64x128xf32, #tpu.memory_space<vmem>>[vector<16xi32>, vector<16xi32>], vector<16xf32>,
        %mul3A_248 = arith.mulf %exp3A_226, %gather3A_247 : vector<16xf32>
        tpu.vector_store_idx %arg10[%add3A_79, %broadcast_in_dim3A_246], %mul3A_248 : memref<64x128xf32, #tpu.memory_space<vmem>>[vector<16xi32>, vector<16xi32>], vector<16xf32>,
        %broadcast_in_dim3A_249 = arith.constant 29 : i32
        %broadcast_in_dim3A_250 = vector.broadcast %broadcast_in_dim3A_249 : i32 to vector<16xi32>
        %gather3A_251 = tpu.vector_load_idx %arg10[%add3A_79, %broadcast_in_dim3A_250] : memref<64x128xf32, #tpu.memory_space<vmem>>[vector<16xi32>, vector<16xi32>], vector<16xf32>,
        %mul3A_252 = arith.mulf %exp3A_226, %gather3A_251 : vector<16xf32>
        tpu.vector_store_idx %arg10[%add3A_79, %broadcast_in_dim3A_250], %mul3A_252 : memref<64x128xf32, #tpu.memory_space<vmem>>[vector<16xi32>, vector<16xi32>], vector<16xf32>,
        %broadcast_in_dim3A_253 = arith.constant 30 : i32
        %broadcast_in_dim3A_254 = vector.broadcast %broadcast_in_dim3A_253 : i32 to vector<16xi32>
        %gather3A_255 = tpu.vector_load_idx %arg10[%add3A_79, %broadcast_in_dim3A_254] : memref<64x128xf32, #tpu.memory_space<vmem>>[vector<16xi32>, vector<16xi32>], vector<16xf32>,
        %mul3A_256 = arith.mulf %exp3A_226, %gather3A_255 : vector<16xf32>
        tpu.vector_store_idx %arg10[%add3A_79, %broadcast_in_dim3A_254], %mul3A_256 : memref<64x128xf32, #tpu.memory_space<vmem>>[vector<16xi32>, vector<16xi32>], vector<16xf32>,
        %broadcast_in_dim3A_257 = arith.constant 31 : i32
        %broadcast_in_dim3A_258 = vector.broadcast %broadcast_in_dim3A_257 : i32 to vector<16xi32>
        %gather3A_259 = tpu.vector_load_idx %arg10[%add3A_79, %broadcast_in_dim3A_258] : memref<64x128xf32, #tpu.memory_space<vmem>>[vector<16xi32>, vector<16xi32>], vector<16xf32>,
        %mul3A_260 = arith.mulf %exp3A_226, %gather3A_259 : vector<16xf32>
        tpu.vector_store_idx %arg10[%add3A_79, %broadcast_in_dim3A_258], %mul3A_260 : memref<64x128xf32, #tpu.memory_space<vmem>>[vector<16xi32>, vector<16xi32>], vector<16xf32>,
      }
      %scan3A_62 = arith.constant 4 : i32
      "tpu.region"() ({
        %run_scoped3A = tpu.sem_alloc : memref<!tpu.dma_semaphore, #tpu.memory_space<semaphore_mem>>
        %dma_start3A_75 = arith.constant 0 : i32
        %dma_start3A_76 = arith.constant 0 : i32
        %dma_start3A_77 = tpu.memref_slice %arg14[%dma_start3A_75, %dma_start3A_76] : memref<10112x128xf32, #tpu.memory_space<vmem_shared>> -> memref<10112x128xf32, #tpu.memory_space<vmem_shared>>
        tpu.enqueue_indirect_dma source(%arg10 : memref<64x128xf32, #tpu.memory_space<vmem>>) target(%dma_start3A_77 : memref<10112x128xf32, #tpu.memory_space<vmem_shared>>) offsets(%arg8 : memref<64xi32, #tpu.memory_space<vmem>>) semaphore(%run_scoped3A : memref<!tpu.dma_semaphore, #tpu.memory_space<semaphore_mem>>) {add = true}
        %dma_wait3A_78 = arith.constant 0 : i32
        %dma_wait3A_79 = arith.constant 0 : i32
        %dma_wait3A_80 = tpu.memref_slice %arg14[%dma_wait3A_78, %dma_wait3A_79] : memref<10112x128xf32, #tpu.memory_space<vmem_shared>> -> memref<10112x128xf32, #tpu.memory_space<vmem_shared>>
        tpu.wait_indirect_dma semaphore(%run_scoped3A : memref<!tpu.dma_semaphore, #tpu.memory_space<semaphore_mem>>) src(%arg10 : memref<64x128xf32, #tpu.memory_space<vmem>>) dst(%dma_wait3A_80 : memref<10112x128xf32, #tpu.memory_space<vmem_shared>>)
        tpu.yield
      }) : () -> ()
      %dma_wait3A_63 = arith.constant 0 : i32
      %dma_wait3A_64 = arith.constant 0 : i32
      %dma_wait3A_65 = tpu.memref_slice %arg4[%dma_wait3A_63, %dma_wait3A_64] : memref<10112x128xf32, #tpu.memory_space<hbm>> -> memref<10112x128xf32, #tpu.memory_space<hbm>>
      tpu.wait_indirect_dma semaphore(%arg16 : memref<!tpu.dma_semaphore, #tpu.memory_space<semaphore_mem>>) src(%dma_wait3A_65 : memref<10112x128xf32, #tpu.memory_space<hbm>>) dst(%arg11 : memref<64x128xf32, #tpu.memory_space<vmem>>)
      %dma_wait3A_66 = arith.constant 0 : i32
      %dma_wait3A_67 = arith.constant 0 : i32
      %dma_wait3A_68 = tpu.memref_slice %arg4[%dma_wait3A_66, %dma_wait3A_67] : memref<10112x128xf32, #tpu.memory_space<hbm>> -> memref<10112x128xf32, #tpu.memory_space<hbm>>
      tpu.wait_indirect_dma semaphore(%arg16 : memref<!tpu.dma_semaphore, #tpu.memory_space<semaphore_mem>>) src(%dma_wait3A_68 : memref<10112x128xf32, #tpu.memory_space<hbm>>) dst(%arg13 : memref<64x128xf32, #tpu.memory_space<vmem>>)
      %scan3A_69 = arith.constant 0 : i32
      %scan3A_70 = arith.constant 0 : i32
      %scan3A_71 = arith.constant 4 : i32
      %scan3A_72 = arith.addi %scan3A_70, %scan3A_71 : i32
      %scan3A_73 = arith.constant 1 : i32
      scf.for %scan3A_75 = %scan3A_70 to %scan3A_72 step %scan3A_73  : i32 {
        %mul3A_76 = arith.constant 16 : i32
        %mul3A_77 = arith.muli %scan3A_75, %mul3A_76 : i32
        %add3A_78 = vector.broadcast %mul3A_77 : i32 to vector<16xi32>
        %add3A_79 = arith.addi %iota3A, %add3A_78 : vector<16xi32>
        %broadcast_in_dim3A_80 = arith.constant 32 : i32
        %broadcast_in_dim3A_81 = vector.broadcast %broadcast_in_dim3A_80 : i32 to vector<16xi32>
        %gather3A = tpu.vector_load_idx %arg11[%add3A_79, %broadcast_in_dim3A_81] : memref<64x128xf32, #tpu.memory_space<vmem>>[vector<16xi32>, vector<16xi32>], vector<16xf32>,
        %broadcast_in_dim3A_82 = arith.constant 36 : i32
        %broadcast_in_dim3A_83 = vector.broadcast %broadcast_in_dim3A_82 : i32 to vector<16xi32>
        %gather3A_84 = tpu.vector_load_idx %arg13[%add3A_79, %broadcast_in_dim3A_83] : memref<64x128xf32, #tpu.memory_space<vmem>>[vector<16xi32>, vector<16xi32>], vector<16xf32>,
        %add3A_85 = arith.addf %gather3A, %gather3A_84 : vector<16xf32>
        %mul3A_86 = arith.constant 2.000000e-01 : f32
        %mul3A_87 = vector.broadcast %mul3A_86 : f32 to vector<16xf32>
        %mul3A_88 = arith.mulf %mul3A_87, %add3A_85 : vector<16xf32>
        %max3A = arith.maximumf %add3A_85, %mul3A_88 : vector<16xf32>
        %exp3A = math.exp %max3A : vector<16xf32>
        %broadcast_in_dim3A_89 = arith.constant 32 : i32
        %broadcast_in_dim3A_90 = vector.broadcast %broadcast_in_dim3A_89 : i32 to vector<16xi32>
        tpu.vector_store_idx %arg11[%add3A_79, %broadcast_in_dim3A_90], %exp3A : memref<64x128xf32, #tpu.memory_space<vmem>>[vector<16xi32>, vector<16xi32>], vector<16xf32>,
        %broadcast_in_dim3A_91 = arith.constant 0 : i32
        %broadcast_in_dim3A_92 = vector.broadcast %broadcast_in_dim3A_91 : i32 to vector<16xi32>
        %gather3A_93 = tpu.vector_load_idx %arg11[%add3A_79, %broadcast_in_dim3A_92] : memref<64x128xf32, #tpu.memory_space<vmem>>[vector<16xi32>, vector<16xi32>], vector<16xf32>,
        %mul3A_94 = arith.mulf %exp3A, %gather3A_93 : vector<16xf32>
        tpu.vector_store_idx %arg11[%add3A_79, %broadcast_in_dim3A_92], %mul3A_94 : memref<64x128xf32, #tpu.memory_space<vmem>>[vector<16xi32>, vector<16xi32>], vector<16xf32>,
        %broadcast_in_dim3A_95 = arith.constant 1 : i32
        %broadcast_in_dim3A_96 = vector.broadcast %broadcast_in_dim3A_95 : i32 to vector<16xi32>
        %gather3A_97 = tpu.vector_load_idx %arg11[%add3A_79, %broadcast_in_dim3A_96] : memref<64x128xf32, #tpu.memory_space<vmem>>[vector<16xi32>, vector<16xi32>], vector<16xf32>,
        %mul3A_98 = arith.mulf %exp3A, %gather3A_97 : vector<16xf32>
        tpu.vector_store_idx %arg11[%add3A_79, %broadcast_in_dim3A_96], %mul3A_98 : memref<64x128xf32, #tpu.memory_space<vmem>>[vector<16xi32>, vector<16xi32>], vector<16xf32>,
        %broadcast_in_dim3A_99 = arith.constant 2 : i32
        %broadcast_in_dim3A_100 = vector.broadcast %broadcast_in_dim3A_99 : i32 to vector<16xi32>
        %gather3A_101 = tpu.vector_load_idx %arg11[%add3A_79, %broadcast_in_dim3A_100] : memref<64x128xf32, #tpu.memory_space<vmem>>[vector<16xi32>, vector<16xi32>], vector<16xf32>,
        %mul3A_102 = arith.mulf %exp3A, %gather3A_101 : vector<16xf32>
        tpu.vector_store_idx %arg11[%add3A_79, %broadcast_in_dim3A_100], %mul3A_102 : memref<64x128xf32, #tpu.memory_space<vmem>>[vector<16xi32>, vector<16xi32>], vector<16xf32>,
        %broadcast_in_dim3A_103 = arith.constant 3 : i32
        %broadcast_in_dim3A_104 = vector.broadcast %broadcast_in_dim3A_103 : i32 to vector<16xi32>
        %gather3A_105 = tpu.vector_load_idx %arg11[%add3A_79, %broadcast_in_dim3A_104] : memref<64x128xf32, #tpu.memory_space<vmem>>[vector<16xi32>, vector<16xi32>], vector<16xf32>,
        %mul3A_106 = arith.mulf %exp3A, %gather3A_105 : vector<16xf32>
        tpu.vector_store_idx %arg11[%add3A_79, %broadcast_in_dim3A_104], %mul3A_106 : memref<64x128xf32, #tpu.memory_space<vmem>>[vector<16xi32>, vector<16xi32>], vector<16xf32>,
        %broadcast_in_dim3A_107 = arith.constant 4 : i32
        %broadcast_in_dim3A_108 = vector.broadcast %broadcast_in_dim3A_107 : i32 to vector<16xi32>
        %gather3A_109 = tpu.vector_load_idx %arg11[%add3A_79, %broadcast_in_dim3A_108] : memref<64x128xf32, #tpu.memory_space<vmem>>[vector<16xi32>, vector<16xi32>], vector<16xf32>,
        %mul3A_110 = arith.mulf %exp3A, %gather3A_109 : vector<16xf32>
        tpu.vector_store_idx %arg11[%add3A_79, %broadcast_in_dim3A_108], %mul3A_110 : memref<64x128xf32, #tpu.memory_space<vmem>>[vector<16xi32>, vector<16xi32>], vector<16xf32>,
        %broadcast_in_dim3A_111 = arith.constant 5 : i32
        %broadcast_in_dim3A_112 = vector.broadcast %broadcast_in_dim3A_111 : i32 to vector<16xi32>
        %gather3A_113 = tpu.vector_load_idx %arg11[%add3A_79, %broadcast_in_dim3A_112] : memref<64x128xf32, #tpu.memory_space<vmem>>[vector<16xi32>, vector<16xi32>], vector<16xf32>,
        %mul3A_114 = arith.mulf %exp3A, %gather3A_113 : vector<16xf32>
        tpu.vector_store_idx %arg11[%add3A_79, %broadcast_in_dim3A_112], %mul3A_114 : memref<64x128xf32, #tpu.memory_space<vmem>>[vector<16xi32>, vector<16xi32>], vector<16xf32>,
        %broadcast_in_dim3A_115 = arith.constant 6 : i32
        %broadcast_in_dim3A_116 = vector.broadcast %broadcast_in_dim3A_115 : i32 to vector<16xi32>
        %gather3A_117 = tpu.vector_load_idx %arg11[%add3A_79, %broadcast_in_dim3A_116] : memref<64x128xf32, #tpu.memory_space<vmem>>[vector<16xi32>, vector<16xi32>], vector<16xf32>,
        %mul3A_118 = arith.mulf %exp3A, %gather3A_117 : vector<16xf32>
        tpu.vector_store_idx %arg11[%add3A_79, %broadcast_in_dim3A_116], %mul3A_118 : memref<64x128xf32, #tpu.memory_space<vmem>>[vector<16xi32>, vector<16xi32>], vector<16xf32>,
        %broadcast_in_dim3A_119 = arith.constant 7 : i32
        %broadcast_in_dim3A_120 = vector.broadcast %broadcast_in_dim3A_119 : i32 to vector<16xi32>
        %gather3A_121 = tpu.vector_load_idx %arg11[%add3A_79, %broadcast_in_dim3A_120] : memref<64x128xf32, #tpu.memory_space<vmem>>[vector<16xi32>, vector<16xi32>], vector<16xf32>,
        %mul3A_122 = arith.mulf %exp3A, %gather3A_121 : vector<16xf32>
        tpu.vector_store_idx %arg11[%add3A_79, %broadcast_in_dim3A_120], %mul3A_122 : memref<64x128xf32, #tpu.memory_space<vmem>>[vector<16xi32>, vector<16xi32>], vector<16xf32>,
        %broadcast_in_dim3A_123 = arith.constant 33 : i32
        %broadcast_in_dim3A_124 = vector.broadcast %broadcast_in_dim3A_123 : i32 to vector<16xi32>
        %gather3A_125 = tpu.vector_load_idx %arg11[%add3A_79, %broadcast_in_dim3A_124] : memref<64x128xf32, #tpu.memory_space<vmem>>[vector<16xi32>, vector<16xi32>], vector<16xf32>,
        %broadcast_in_dim3A_126 = arith.constant 37 : i32
        %broadcast_in_dim3A_127 = vector.broadcast %broadcast_in_dim3A_126 : i32 to vector<16xi32>
        %gather3A_128 = tpu.vector_load_idx %arg13[%add3A_79, %broadcast_in_dim3A_127] : memref<64x128xf32, #tpu.memory_space<vmem>>[vector<16xi32>, vector<16xi32>], vector<16xf32>,
        %add3A_129 = arith.addf %gather3A_125, %gather3A_128 : vector<16xf32>
        %mul3A_130 = arith.constant 2.000000e-01 : f32
        %mul3A_131 = vector.broadcast %mul3A_130 : f32 to vector<16xf32>
        %mul3A_132 = arith.mulf %mul3A_131, %add3A_129 : vector<16xf32>
        %max3A_133 = arith.maximumf %add3A_129, %mul3A_132 : vector<16xf32>
        %exp3A_134 = math.exp %max3A_133 : vector<16xf32>
        %broadcast_in_dim3A_135 = arith.constant 33 : i32
        %broadcast_in_dim3A_136 = vector.broadcast %broadcast_in_dim3A_135 : i32 to vector<16xi32>
        tpu.vector_store_idx %arg11[%add3A_79, %broadcast_in_dim3A_136], %exp3A_134 : memref<64x128xf32, #tpu.memory_space<vmem>>[vector<16xi32>, vector<16xi32>], vector<16xf32>,
        %broadcast_in_dim3A_137 = arith.constant 8 : i32
        %broadcast_in_dim3A_138 = vector.broadcast %broadcast_in_dim3A_137 : i32 to vector<16xi32>
        %gather3A_139 = tpu.vector_load_idx %arg11[%add3A_79, %broadcast_in_dim3A_138] : memref<64x128xf32, #tpu.memory_space<vmem>>[vector<16xi32>, vector<16xi32>], vector<16xf32>,
        %mul3A_140 = arith.mulf %exp3A_134, %gather3A_139 : vector<16xf32>
        tpu.vector_store_idx %arg11[%add3A_79, %broadcast_in_dim3A_138], %mul3A_140 : memref<64x128xf32, #tpu.memory_space<vmem>>[vector<16xi32>, vector<16xi32>], vector<16xf32>,
        %broadcast_in_dim3A_141 = arith.constant 9 : i32
        %broadcast_in_dim3A_142 = vector.broadcast %broadcast_in_dim3A_141 : i32 to vector<16xi32>
        %gather3A_143 = tpu.vector_load_idx %arg11[%add3A_79, %broadcast_in_dim3A_142] : memref<64x128xf32, #tpu.memory_space<vmem>>[vector<16xi32>, vector<16xi32>], vector<16xf32>,
        %mul3A_144 = arith.mulf %exp3A_134, %gather3A_143 : vector<16xf32>
        tpu.vector_store_idx %arg11[%add3A_79, %broadcast_in_dim3A_142], %mul3A_144 : memref<64x128xf32, #tpu.memory_space<vmem>>[vector<16xi32>, vector<16xi32>], vector<16xf32>,
        %broadcast_in_dim3A_145 = arith.constant 10 : i32
        %broadcast_in_dim3A_146 = vector.broadcast %broadcast_in_dim3A_145 : i32 to vector<16xi32>
        %gather3A_147 = tpu.vector_load_idx %arg11[%add3A_79, %broadcast_in_dim3A_146] : memref<64x128xf32, #tpu.memory_space<vmem>>[vector<16xi32>, vector<16xi32>], vector<16xf32>,
        %mul3A_148 = arith.mulf %exp3A_134, %gather3A_147 : vector<16xf32>
        tpu.vector_store_idx %arg11[%add3A_79, %broadcast_in_dim3A_146], %mul3A_148 : memref<64x128xf32, #tpu.memory_space<vmem>>[vector<16xi32>, vector<16xi32>], vector<16xf32>,
        %broadcast_in_dim3A_149 = arith.constant 11 : i32
        %broadcast_in_dim3A_150 = vector.broadcast %broadcast_in_dim3A_149 : i32 to vector<16xi32>
        %gather3A_151 = tpu.vector_load_idx %arg11[%add3A_79, %broadcast_in_dim3A_150] : memref<64x128xf32, #tpu.memory_space<vmem>>[vector<16xi32>, vector<16xi32>], vector<16xf32>,
        %mul3A_152 = arith.mulf %exp3A_134, %gather3A_151 : vector<16xf32>
        tpu.vector_store_idx %arg11[%add3A_79, %broadcast_in_dim3A_150], %mul3A_152 : memref<64x128xf32, #tpu.memory_space<vmem>>[vector<16xi32>, vector<16xi32>], vector<16xf32>,
        %broadcast_in_dim3A_153 = arith.constant 12 : i32
        %broadcast_in_dim3A_154 = vector.broadcast %broadcast_in_dim3A_153 : i32 to vector<16xi32>
        %gather3A_155 = tpu.vector_load_idx %arg11[%add3A_79, %broadcast_in_dim3A_154] : memref<64x128xf32, #tpu.memory_space<vmem>>[vector<16xi32>, vector<16xi32>], vector<16xf32>,
        %mul3A_156 = arith.mulf %exp3A_134, %gather3A_155 : vector<16xf32>
        tpu.vector_store_idx %arg11[%add3A_79, %broadcast_in_dim3A_154], %mul3A_156 : memref<64x128xf32, #tpu.memory_space<vmem>>[vector<16xi32>, vector<16xi32>], vector<16xf32>,
        %broadcast_in_dim3A_157 = arith.constant 13 : i32
        %broadcast_in_dim3A_158 = vector.broadcast %broadcast_in_dim3A_157 : i32 to vector<16xi32>
        %gather3A_159 = tpu.vector_load_idx %arg11[%add3A_79, %broadcast_in_dim3A_158] : memref<64x128xf32, #tpu.memory_space<vmem>>[vector<16xi32>, vector<16xi32>], vector<16xf32>,
        %mul3A_160 = arith.mulf %exp3A_134, %gather3A_159 : vector<16xf32>
        tpu.vector_store_idx %arg11[%add3A_79, %broadcast_in_dim3A_158], %mul3A_160 : memref<64x128xf32, #tpu.memory_space<vmem>>[vector<16xi32>, vector<16xi32>], vector<16xf32>,
        %broadcast_in_dim3A_161 = arith.constant 14 : i32
        %broadcast_in_dim3A_162 = vector.broadcast %broadcast_in_dim3A_161 : i32 to vector<16xi32>
        %gather3A_163 = tpu.vector_load_idx %arg11[%add3A_79, %broadcast_in_dim3A_162] : memref<64x128xf32, #tpu.memory_space<vmem>>[vector<16xi32>, vector<16xi32>], vector<16xf32>,
        %mul3A_164 = arith.mulf %exp3A_134, %gather3A_163 : vector<16xf32>
        tpu.vector_store_idx %arg11[%add3A_79, %broadcast_in_dim3A_162], %mul3A_164 : memref<64x128xf32, #tpu.memory_space<vmem>>[vector<16xi32>, vector<16xi32>], vector<16xf32>,
        %broadcast_in_dim3A_165 = arith.constant 15 : i32
        %broadcast_in_dim3A_166 = vector.broadcast %broadcast_in_dim3A_165 : i32 to vector<16xi32>
        %gather3A_167 = tpu.vector_load_idx %arg11[%add3A_79, %broadcast_in_dim3A_166] : memref<64x128xf32, #tpu.memory_space<vmem>>[vector<16xi32>, vector<16xi32>], vector<16xf32>,
        %mul3A_168 = arith.mulf %exp3A_134, %gather3A_167 : vector<16xf32>
        tpu.vector_store_idx %arg11[%add3A_79, %broadcast_in_dim3A_166], %mul3A_168 : memref<64x128xf32, #tpu.memory_space<vmem>>[vector<16xi32>, vector<16xi32>], vector<16xf32>,
        %broadcast_in_dim3A_169 = arith.constant 34 : i32
        %broadcast_in_dim3A_170 = vector.broadcast %broadcast_in_dim3A_169 : i32 to vector<16xi32>
        %gather3A_171 = tpu.vector_load_idx %arg11[%add3A_79, %broadcast_in_dim3A_170] : memref<64x128xf32, #tpu.memory_space<vmem>>[vector<16xi32>, vector<16xi32>], vector<16xf32>,
        %broadcast_in_dim3A_172 = arith.constant 38 : i32
        %broadcast_in_dim3A_173 = vector.broadcast %broadcast_in_dim3A_172 : i32 to vector<16xi32>
        %gather3A_174 = tpu.vector_load_idx %arg13[%add3A_79, %broadcast_in_dim3A_173] : memref<64x128xf32, #tpu.memory_space<vmem>>[vector<16xi32>, vector<16xi32>], vector<16xf32>,
        %add3A_175 = arith.addf %gather3A_171, %gather3A_174 : vector<16xf32>
        %mul3A_176 = arith.constant 2.000000e-01 : f32
        %mul3A_177 = vector.broadcast %mul3A_176 : f32 to vector<16xf32>
        %mul3A_178 = arith.mulf %mul3A_177, %add3A_175 : vector<16xf32>
        %max3A_179 = arith.maximumf %add3A_175, %mul3A_178 : vector<16xf32>
        %exp3A_180 = math.exp %max3A_179 : vector<16xf32>
        %broadcast_in_dim3A_181 = arith.constant 34 : i32
        %broadcast_in_dim3A_182 = vector.broadcast %broadcast_in_dim3A_181 : i32 to vector<16xi32>
        tpu.vector_store_idx %arg11[%add3A_79, %broadcast_in_dim3A_182], %exp3A_180 : memref<64x128xf32, #tpu.memory_space<vmem>>[vector<16xi32>, vector<16xi32>], vector<16xf32>,
        %broadcast_in_dim3A_183 = arith.constant 16 : i32
        %broadcast_in_dim3A_184 = vector.broadcast %broadcast_in_dim3A_183 : i32 to vector<16xi32>
        %gather3A_185 = tpu.vector_load_idx %arg11[%add3A_79, %broadcast_in_dim3A_184] : memref<64x128xf32, #tpu.memory_space<vmem>>[vector<16xi32>, vector<16xi32>], vector<16xf32>,
        %mul3A_186 = arith.mulf %exp3A_180, %gather3A_185 : vector<16xf32>
        tpu.vector_store_idx %arg11[%add3A_79, %broadcast_in_dim3A_184], %mul3A_186 : memref<64x128xf32, #tpu.memory_space<vmem>>[vector<16xi32>, vector<16xi32>], vector<16xf32>,
        %broadcast_in_dim3A_187 = arith.constant 17 : i32
        %broadcast_in_dim3A_188 = vector.broadcast %broadcast_in_dim3A_187 : i32 to vector<16xi32>
        %gather3A_189 = tpu.vector_load_idx %arg11[%add3A_79, %broadcast_in_dim3A_188] : memref<64x128xf32, #tpu.memory_space<vmem>>[vector<16xi32>, vector<16xi32>], vector<16xf32>,
        %mul3A_190 = arith.mulf %exp3A_180, %gather3A_189 : vector<16xf32>
        tpu.vector_store_idx %arg11[%add3A_79, %broadcast_in_dim3A_188], %mul3A_190 : memref<64x128xf32, #tpu.memory_space<vmem>>[vector<16xi32>, vector<16xi32>], vector<16xf32>,
        %broadcast_in_dim3A_191 = arith.constant 18 : i32
        %broadcast_in_dim3A_192 = vector.broadcast %broadcast_in_dim3A_191 : i32 to vector<16xi32>
        %gather3A_193 = tpu.vector_load_idx %arg11[%add3A_79, %broadcast_in_dim3A_192] : memref<64x128xf32, #tpu.memory_space<vmem>>[vector<16xi32>, vector<16xi32>], vector<16xf32>,
        %mul3A_194 = arith.mulf %exp3A_180, %gather3A_193 : vector<16xf32>
        tpu.vector_store_idx %arg11[%add3A_79, %broadcast_in_dim3A_192], %mul3A_194 : memref<64x128xf32, #tpu.memory_space<vmem>>[vector<16xi32>, vector<16xi32>], vector<16xf32>,
        %broadcast_in_dim3A_195 = arith.constant 19 : i32
        %broadcast_in_dim3A_196 = vector.broadcast %broadcast_in_dim3A_195 : i32 to vector<16xi32>
        %gather3A_197 = tpu.vector_load_idx %arg11[%add3A_79, %broadcast_in_dim3A_196] : memref<64x128xf32, #tpu.memory_space<vmem>>[vector<16xi32>, vector<16xi32>], vector<16xf32>,
        %mul3A_198 = arith.mulf %exp3A_180, %gather3A_197 : vector<16xf32>
        tpu.vector_store_idx %arg11[%add3A_79, %broadcast_in_dim3A_196], %mul3A_198 : memref<64x128xf32, #tpu.memory_space<vmem>>[vector<16xi32>, vector<16xi32>], vector<16xf32>,
        %broadcast_in_dim3A_199 = arith.constant 20 : i32
        %broadcast_in_dim3A_200 = vector.broadcast %broadcast_in_dim3A_199 : i32 to vector<16xi32>
        %gather3A_201 = tpu.vector_load_idx %arg11[%add3A_79, %broadcast_in_dim3A_200] : memref<64x128xf32, #tpu.memory_space<vmem>>[vector<16xi32>, vector<16xi32>], vector<16xf32>,
        %mul3A_202 = arith.mulf %exp3A_180, %gather3A_201 : vector<16xf32>
        tpu.vector_store_idx %arg11[%add3A_79, %broadcast_in_dim3A_200], %mul3A_202 : memref<64x128xf32, #tpu.memory_space<vmem>>[vector<16xi32>, vector<16xi32>], vector<16xf32>,
        %broadcast_in_dim3A_203 = arith.constant 21 : i32
        %broadcast_in_dim3A_204 = vector.broadcast %broadcast_in_dim3A_203 : i32 to vector<16xi32>
        %gather3A_205 = tpu.vector_load_idx %arg11[%add3A_79, %broadcast_in_dim3A_204] : memref<64x128xf32, #tpu.memory_space<vmem>>[vector<16xi32>, vector<16xi32>], vector<16xf32>,
        %mul3A_206 = arith.mulf %exp3A_180, %gather3A_205 : vector<16xf32>
        tpu.vector_store_idx %arg11[%add3A_79, %broadcast_in_dim3A_204], %mul3A_206 : memref<64x128xf32, #tpu.memory_space<vmem>>[vector<16xi32>, vector<16xi32>], vector<16xf32>,
        %broadcast_in_dim3A_207 = arith.constant 22 : i32
        %broadcast_in_dim3A_208 = vector.broadcast %broadcast_in_dim3A_207 : i32 to vector<16xi32>
        %gather3A_209 = tpu.vector_load_idx %arg11[%add3A_79, %broadcast_in_dim3A_208] : memref<64x128xf32, #tpu.memory_space<vmem>>[vector<16xi32>, vector<16xi32>], vector<16xf32>,
        %mul3A_210 = arith.mulf %exp3A_180, %gather3A_209 : vector<16xf32>
        tpu.vector_store_idx %arg11[%add3A_79, %broadcast_in_dim3A_208], %mul3A_210 : memref<64x128xf32, #tpu.memory_space<vmem>>[vector<16xi32>, vector<16xi32>], vector<16xf32>,
        %broadcast_in_dim3A_211 = arith.constant 23 : i32
        %broadcast_in_dim3A_212 = vector.broadcast %broadcast_in_dim3A_211 : i32 to vector<16xi32>
        %gather3A_213 = tpu.vector_load_idx %arg11[%add3A_79, %broadcast_in_dim3A_212] : memref<64x128xf32, #tpu.memory_space<vmem>>[vector<16xi32>, vector<16xi32>], vector<16xf32>,
        %mul3A_214 = arith.mulf %exp3A_180, %gather3A_213 : vector<16xf32>
        tpu.vector_store_idx %arg11[%add3A_79, %broadcast_in_dim3A_212], %mul3A_214 : memref<64x128xf32, #tpu.memory_space<vmem>>[vector<16xi32>, vector<16xi32>], vector<16xf32>,
        %broadcast_in_dim3A_215 = arith.constant 35 : i32
        %broadcast_in_dim3A_216 = vector.broadcast %broadcast_in_dim3A_215 : i32 to vector<16xi32>
        %gather3A_217 = tpu.vector_load_idx %arg11[%add3A_79, %broadcast_in_dim3A_216] : memref<64x128xf32, #tpu.memory_space<vmem>>[vector<16xi32>, vector<16xi32>], vector<16xf32>,
        %broadcast_in_dim3A_218 = arith.constant 39 : i32
        %broadcast_in_dim3A_219 = vector.broadcast %broadcast_in_dim3A_218 : i32 to vector<16xi32>
        %gather3A_220 = tpu.vector_load_idx %arg13[%add3A_79, %broadcast_in_dim3A_219] : memref<64x128xf32, #tpu.memory_space<vmem>>[vector<16xi32>, vector<16xi32>], vector<16xf32>,
        %add3A_221 = arith.addf %gather3A_217, %gather3A_220 : vector<16xf32>
        %mul3A_222 = arith.constant 2.000000e-01 : f32
        %mul3A_223 = vector.broadcast %mul3A_222 : f32 to vector<16xf32>
        %mul3A_224 = arith.mulf %mul3A_223, %add3A_221 : vector<16xf32>
        %max3A_225 = arith.maximumf %add3A_221, %mul3A_224 : vector<16xf32>
        %exp3A_226 = math.exp %max3A_225 : vector<16xf32>
        %broadcast_in_dim3A_227 = arith.constant 35 : i32
        %broadcast_in_dim3A_228 = vector.broadcast %broadcast_in_dim3A_227 : i32 to vector<16xi32>
        tpu.vector_store_idx %arg11[%add3A_79, %broadcast_in_dim3A_228], %exp3A_226 : memref<64x128xf32, #tpu.memory_space<vmem>>[vector<16xi32>, vector<16xi32>], vector<16xf32>,
        %broadcast_in_dim3A_229 = arith.constant 24 : i32
        %broadcast_in_dim3A_230 = vector.broadcast %broadcast_in_dim3A_229 : i32 to vector<16xi32>
        %gather3A_231 = tpu.vector_load_idx %arg11[%add3A_79, %broadcast_in_dim3A_230] : memref<64x128xf32, #tpu.memory_space<vmem>>[vector<16xi32>, vector<16xi32>], vector<16xf32>,
        %mul3A_232 = arith.mulf %exp3A_226, %gather3A_231 : vector<16xf32>
        tpu.vector_store_idx %arg11[%add3A_79, %broadcast_in_dim3A_230], %mul3A_232 : memref<64x128xf32, #tpu.memory_space<vmem>>[vector<16xi32>, vector<16xi32>], vector<16xf32>,
        %broadcast_in_dim3A_233 = arith.constant 25 : i32
        %broadcast_in_dim3A_234 = vector.broadcast %broadcast_in_dim3A_233 : i32 to vector<16xi32>
        %gather3A_235 = tpu.vector_load_idx %arg11[%add3A_79, %broadcast_in_dim3A_234] : memref<64x128xf32, #tpu.memory_space<vmem>>[vector<16xi32>, vector<16xi32>], vector<16xf32>,
        %mul3A_236 = arith.mulf %exp3A_226, %gather3A_235 : vector<16xf32>
        tpu.vector_store_idx %arg11[%add3A_79, %broadcast_in_dim3A_234], %mul3A_236 : memref<64x128xf32, #tpu.memory_space<vmem>>[vector<16xi32>, vector<16xi32>], vector<16xf32>,
        %broadcast_in_dim3A_237 = arith.constant 26 : i32
        %broadcast_in_dim3A_238 = vector.broadcast %broadcast_in_dim3A_237 : i32 to vector<16xi32>
        %gather3A_239 = tpu.vector_load_idx %arg11[%add3A_79, %broadcast_in_dim3A_238] : memref<64x128xf32, #tpu.memory_space<vmem>>[vector<16xi32>, vector<16xi32>], vector<16xf32>,
        %mul3A_240 = arith.mulf %exp3A_226, %gather3A_239 : vector<16xf32>
        tpu.vector_store_idx %arg11[%add3A_79, %broadcast_in_dim3A_238], %mul3A_240 : memref<64x128xf32, #tpu.memory_space<vmem>>[vector<16xi32>, vector<16xi32>], vector<16xf32>,
        %broadcast_in_dim3A_241 = arith.constant 27 : i32
        %broadcast_in_dim3A_242 = vector.broadcast %broadcast_in_dim3A_241 : i32 to vector<16xi32>
        %gather3A_243 = tpu.vector_load_idx %arg11[%add3A_79, %broadcast_in_dim3A_242] : memref<64x128xf32, #tpu.memory_space<vmem>>[vector<16xi32>, vector<16xi32>], vector<16xf32>,
        %mul3A_244 = arith.mulf %exp3A_226, %gather3A_243 : vector<16xf32>
        tpu.vector_store_idx %arg11[%add3A_79, %broadcast_in_dim3A_242], %mul3A_244 : memref<64x128xf32, #tpu.memory_space<vmem>>[vector<16xi32>, vector<16xi32>], vector<16xf32>,
        %broadcast_in_dim3A_245 = arith.constant 28 : i32
        %broadcast_in_dim3A_246 = vector.broadcast %broadcast_in_dim3A_245 : i32 to vector<16xi32>
        %gather3A_247 = tpu.vector_load_idx %arg11[%add3A_79, %broadcast_in_dim3A_246] : memref<64x128xf32, #tpu.memory_space<vmem>>[vector<16xi32>, vector<16xi32>], vector<16xf32>,
        %mul3A_248 = arith.mulf %exp3A_226, %gather3A_247 : vector<16xf32>
        tpu.vector_store_idx %arg11[%add3A_79, %broadcast_in_dim3A_246], %mul3A_248 : memref<64x128xf32, #tpu.memory_space<vmem>>[vector<16xi32>, vector<16xi32>], vector<16xf32>,
        %broadcast_in_dim3A_249 = arith.constant 29 : i32
        %broadcast_in_dim3A_250 = vector.broadcast %broadcast_in_dim3A_249 : i32 to vector<16xi32>
        %gather3A_251 = tpu.vector_load_idx %arg11[%add3A_79, %broadcast_in_dim3A_250] : memref<64x128xf32, #tpu.memory_space<vmem>>[vector<16xi32>, vector<16xi32>], vector<16xf32>,
        %mul3A_252 = arith.mulf %exp3A_226, %gather3A_251 : vector<16xf32>
        tpu.vector_store_idx %arg11[%add3A_79, %broadcast_in_dim3A_250], %mul3A_252 : memref<64x128xf32, #tpu.memory_space<vmem>>[vector<16xi32>, vector<16xi32>], vector<16xf32>,
        %broadcast_in_dim3A_253 = arith.constant 30 : i32
        %broadcast_in_dim3A_254 = vector.broadcast %broadcast_in_dim3A_253 : i32 to vector<16xi32>
        %gather3A_255 = tpu.vector_load_idx %arg11[%add3A_79, %broadcast_in_dim3A_254] : memref<64x128xf32, #tpu.memory_space<vmem>>[vector<16xi32>, vector<16xi32>], vector<16xf32>,
        %mul3A_256 = arith.mulf %exp3A_226, %gather3A_255 : vector<16xf32>
        tpu.vector_store_idx %arg11[%add3A_79, %broadcast_in_dim3A_254], %mul3A_256 : memref<64x128xf32, #tpu.memory_space<vmem>>[vector<16xi32>, vector<16xi32>], vector<16xf32>,
        %broadcast_in_dim3A_257 = arith.constant 31 : i32
        %broadcast_in_dim3A_258 = vector.broadcast %broadcast_in_dim3A_257 : i32 to vector<16xi32>
        %gather3A_259 = tpu.vector_load_idx %arg11[%add3A_79, %broadcast_in_dim3A_258] : memref<64x128xf32, #tpu.memory_space<vmem>>[vector<16xi32>, vector<16xi32>], vector<16xf32>,
        %mul3A_260 = arith.mulf %exp3A_226, %gather3A_259 : vector<16xf32>
        tpu.vector_store_idx %arg11[%add3A_79, %broadcast_in_dim3A_258], %mul3A_260 : memref<64x128xf32, #tpu.memory_space<vmem>>[vector<16xi32>, vector<16xi32>], vector<16xf32>,
      }
      %scan3A_74 = arith.constant 4 : i32
      "tpu.region"() ({
        %run_scoped3A = tpu.sem_alloc : memref<!tpu.dma_semaphore, #tpu.memory_space<semaphore_mem>>
        %dma_start3A_75 = arith.constant 0 : i32
        %dma_start3A_76 = arith.constant 0 : i32
        %dma_start3A_77 = tpu.memref_slice %arg14[%dma_start3A_75, %dma_start3A_76] : memref<10112x128xf32, #tpu.memory_space<vmem_shared>> -> memref<10112x128xf32, #tpu.memory_space<vmem_shared>>
        tpu.enqueue_indirect_dma source(%arg11 : memref<64x128xf32, #tpu.memory_space<vmem>>) target(%dma_start3A_77 : memref<10112x128xf32, #tpu.memory_space<vmem_shared>>) offsets(%arg9 : memref<64xi32, #tpu.memory_space<vmem>>) semaphore(%run_scoped3A : memref<!tpu.dma_semaphore, #tpu.memory_space<semaphore_mem>>) {add = true}
        %dma_wait3A_78 = arith.constant 0 : i32
        %dma_wait3A_79 = arith.constant 0 : i32
        %dma_wait3A_80 = tpu.memref_slice %arg14[%dma_wait3A_78, %dma_wait3A_79] : memref<10112x128xf32, #tpu.memory_space<vmem_shared>> -> memref<10112x128xf32, #tpu.memory_space<vmem_shared>>
        tpu.wait_indirect_dma semaphore(%run_scoped3A : memref<!tpu.dma_semaphore, #tpu.memory_space<semaphore_mem>>) src(%arg11 : memref<64x128xf32, #tpu.memory_space<vmem>>) dst(%dma_wait3A_80 : memref<10112x128xf32, #tpu.memory_space<vmem_shared>>)
        tpu.yield
      }) : () -> ()
    }
    %scan3A_20 = arith.constant 81 : i32
    %barrier3A_21 = arith.constant 0 : index
    tpu.barrier barrier_id(%barrier3A_21)
    %scan3A_22 = arith.constant 0 : i32
    %scan3A_23 = arith.constant 0 : i32
    %scan3A_24 = arith.constant 10 : i32
    %scan3A_25 = arith.addi %scan3A_23, %scan3A_24 : i32
    %scan3A_26 = arith.constant 1 : i32
    scf.for %scan3A_28 = %scan3A_23 to %scan3A_25 step %scan3A_26  : i32 {
      %mul3A_29 = arith.constant 16 : i32
      %mul3A_30 = arith.muli %scan3A_28, %mul3A_29 : i32
      %add3A_31 = arith.addi %arg1, %mul3A_30 : i32
      %lt3A = arith.constant 158 : i32
      %lt3A_32 = arith.cmpi slt, %add3A_31, %lt3A : i32
      %convert_element_type3A = arith.extui %lt3A_32 : i1 to i32
      %cond3A = arith.constant 0 : i32
      %cond3A_33 = arith.cmpi ne, %convert_element_type3A, %cond3A : i32
      scf.if %cond3A_33 {
        %mul3A_34 = arith.constant 64 : i32
        %mul3A_35 = arith.muli %add3A_31, %mul3A_34 : i32
        "tpu.region"() ({
          %run_scoped3A = tpu.sem_alloc : memref<!tpu.dma_semaphore, #tpu.memory_space<semaphore_mem>>
          %dma_start3A = arith.constant 0 : i32
          %dma_start3A_38 = tpu.memref_slice %arg14[%mul3A_35, %dma_start3A] : memref<10112x128xf32, #tpu.memory_space<vmem_shared>> -> memref<64x128xf32, #tpu.memory_space<vmem_shared>>
          %dma_start3A_39 = arith.constant 0 : i32
          %dma_start3A_40 = tpu.memref_slice %arg14[%mul3A_35, %dma_start3A_39] : memref<10112x128xf32, #tpu.memory_space<vmem_shared>> -> memref<64x128xf32, #tpu.memory_space<vmem_shared>>
          tpu.enqueue_dma source(%dma_start3A_40 : memref<64x128xf32, #tpu.memory_space<vmem_shared>>) target(%arg10 : memref<64x128xf32, #tpu.memory_space<vmem>>) target_semaphore(%run_scoped3A : memref<!tpu.dma_semaphore, #tpu.memory_space<semaphore_mem>>)
          %dma_wait3A = arith.constant 0 : i32
          %dma_wait3A_41 = tpu.memref_slice %arg14[%mul3A_35, %dma_wait3A] : memref<10112x128xf32, #tpu.memory_space<vmem_shared>> -> memref<64x128xf32, #tpu.memory_space<vmem_shared>>
          %dma_wait3A_42 = arith.constant 0 : i32
          %dma_wait3A_43 = tpu.memref_slice %arg14[%mul3A_35, %dma_wait3A_42] : memref<10112x128xf32, #tpu.memory_space<vmem_shared>> -> memref<64x128xf32, #tpu.memory_space<vmem_shared>>
          tpu.wait_dma2 semaphore(%run_scoped3A : memref<!tpu.dma_semaphore, #tpu.memory_space<semaphore_mem>>) src(%dma_wait3A_43 : memref<64x128xf32, #tpu.memory_space<vmem_shared>>) dst(%arg10 : memref<64x128xf32, #tpu.memory_space<vmem>>)
          tpu.yield
        }) : () -> ()
        %mul3A_36 = arith.constant 64 : i32
        %mul3A_37 = arith.muli %add3A_31, %mul3A_36 : i32
        "tpu.region"() ({
          %run_scoped3A = tpu.sem_alloc : memref<!tpu.dma_semaphore, #tpu.memory_space<semaphore_mem>>
          %dma_start3A = arith.constant 0 : i32
          %dma_start3A_38 = tpu.memref_slice %arg5[%arg0, %mul3A_37, %dma_start3A] : memref<2x10112x128xf32, #tpu.memory_space<hbm>> -> memref<1x64x128xf32, #tpu.memory_space<hbm>>
          %dma_start3A_39 = tpu.memref_squeeze %dma_start3A_38 : memref<1x64x128xf32, #tpu.memory_space<hbm>> -> memref<64x128xf32, #tpu.memory_space<hbm>>
          %dma_start3A_40 = arith.constant 0 : i32
          %dma_start3A_41 = tpu.memref_slice %arg5[%arg0, %mul3A_37, %dma_start3A_40] : memref<2x10112x128xf32, #tpu.memory_space<hbm>> -> memref<1x64x128xf32, #tpu.memory_space<hbm>>
          %dma_start3A_42 = tpu.memref_squeeze %dma_start3A_41 : memref<1x64x128xf32, #tpu.memory_space<hbm>> -> memref<64x128xf32, #tpu.memory_space<hbm>>
          tpu.enqueue_dma source(%arg10 : memref<64x128xf32, #tpu.memory_space<vmem>>) target(%dma_start3A_42 : memref<64x128xf32, #tpu.memory_space<hbm>>) target_semaphore(%run_scoped3A : memref<!tpu.dma_semaphore, #tpu.memory_space<semaphore_mem>>)
          %dma_wait3A = arith.constant 0 : i32
          %dma_wait3A_43 = tpu.memref_slice %arg5[%arg0, %mul3A_37, %dma_wait3A] : memref<2x10112x128xf32, #tpu.memory_space<hbm>> -> memref<1x64x128xf32, #tpu.memory_space<hbm>>
          %dma_wait3A_44 = tpu.memref_squeeze %dma_wait3A_43 : memref<1x64x128xf32, #tpu.memory_space<hbm>> -> memref<64x128xf32, #tpu.memory_space<hbm>>
          %dma_wait3A_45 = arith.constant 0 : i32
          %dma_wait3A_46 = tpu.memref_slice %arg5[%arg0, %mul3A_37, %dma_wait3A_45] : memref<2x10112x128xf32, #tpu.memory_space<hbm>> -> memref<1x64x128xf32, #tpu.memory_space<hbm>>
          %dma_wait3A_47 = tpu.memref_squeeze %dma_wait3A_46 : memref<1x64x128xf32, #tpu.memory_space<hbm>> -> memref<64x128xf32, #tpu.memory_space<hbm>>
          tpu.wait_dma2 semaphore(%run_scoped3A : memref<!tpu.dma_semaphore, #tpu.memory_space<semaphore_mem>>) src(%arg10 : memref<64x128xf32, #tpu.memory_space<vmem>>) dst(%dma_wait3A_47 : memref<64x128xf32, #tpu.memory_space<hbm>>)
          tpu.yield
        }) : () -> ()
      } else {
      }
    }
    %scan3A_27 = arith.constant 10 : i32
    return
  }
}

#map = affine_map<(d0, d1) -> (0)>
#map1 = affine_map<(d0, d1) -> (0, 0)>
#map2 = affine_map<(d0, d1) -> (0, 0, 0)>
module attributes {stable_mosaic.version = 14 : i64} {
  func.func @sc_edge(%arg0: i32, %arg1: i32, %arg2: memref<331776xi32, #tpu.memory_space<hbm>>, %arg3: memref<331776xi32, #tpu.memory_space<hbm>>, %arg4: memref<10112x128xf32, #tpu.memory_space<hbm>>, %arg5: memref<2x10112x128xf32, #tpu.memory_space<hbm>>, %arg6: memref<64xi32, #tpu.memory_space<vmem>>, %arg7: memref<64xi32, #tpu.memory_space<vmem>>, %arg8: memref<64xi32, #tpu.memory_space<vmem>>, %arg9: memref<64xi32, #tpu.memory_space<vmem>>, %arg10: memref<64x128xf32, #tpu.memory_space<vmem>>, %arg11: memref<64x128xf32, #tpu.memory_space<vmem>>, %arg12: memref<64x128xf32, #tpu.memory_space<vmem>>, %arg13: memref<64x128xf32, #tpu.memory_space<vmem>>, %arg14: memref<10112x128xf32, #tpu.memory_space<vmem_shared>>, %arg15: memref<!tpu.dma_semaphore, #tpu.memory_space<semaphore_mem>>, %arg16: memref<!tpu.dma_semaphore, #tpu.memory_space<semaphore_mem>>) attributes {dimension_semantics = [#tpu.dimension_semantics<core_parallel>, #tpu.dimension_semantics<subcore_parallel>], iteration_bounds = array<i64: 2, 16>, scalar_prefetch = 0 : i64, scratch_operands = 11 : i64, tpu.core_type = #tpu.core_type<sc_vector_subcore>, window_params = [{transform_indices = #map}, {transform_indices = #map}, {transform_indices = #map1}, {transform_indices = #map2}]} {
    %mul3A = arith.constant 2 : i32
    %mul3A_0 = arith.muli %arg1, %mul3A : i32
    %add3A = arith.addi %mul3A_0, %arg0 : i32
    %mul3A_1 = arith.constant 10368 : i32
    %mul3A_2 = arith.muli %add3A, %mul3A_1 : i32
    %broadcast_in_dim3A = arith.constant 0.000000e+00 : f32
    %broadcast_in_dim3A_3 = vector.broadcast %broadcast_in_dim3A : f32 to vector<16xf32>
    %scan3A = arith.constant 0 : i32
    %scan3A_4 = arith.constant 0 : i32
    %scan3A_5 = arith.constant 64 : i32
    %scan3A_6 = arith.addi %scan3A_4, %scan3A_5 : i32
    %scan3A_7 = arith.constant 1 : i32
    scf.for %scan3A_28 = %scan3A_4 to %scan3A_6 step %scan3A_7  : i32 {
      %swap3A = arith.index_cast %scan3A_28 : i32 to index
      %swap3A_29 = arith.constant 0 : index
      %swap3A_30 = tpu.vector_load %arg10[%swap3A, %swap3A_29] {strides = array<i32>} : memref<64x128xf32, #tpu.memory_space<vmem>>, vector<16xf32>,
      tpu.vector_store %arg10[%swap3A, %swap3A_29], %broadcast_in_dim3A_3 {strides = array<i32>} : memref<64x128xf32, #tpu.memory_space<vmem>>, vector<16xf32>,
      %swap3A_31 = arith.index_cast %scan3A_28 : i32 to index
      %swap3A_32 = arith.constant 16 : index
      %swap3A_33 = tpu.vector_load %arg10[%swap3A_31, %swap3A_32] {strides = array<i32>} : memref<64x128xf32, #tpu.memory_space<vmem>>, vector<16xf32>,
      tpu.vector_store %arg10[%swap3A_31, %swap3A_32], %broadcast_in_dim3A_3 {strides = array<i32>} : memref<64x128xf32, #tpu.memory_space<vmem>>, vector<16xf32>,
      %swap3A_34 = arith.index_cast %scan3A_28 : i32 to index
      %swap3A_35 = arith.constant 32 : index
      %swap3A_36 = tpu.vector_load %arg10[%swap3A_34, %swap3A_35] {strides = array<i32>} : memref<64x128xf32, #tpu.memory_space<vmem>>, vector<16xf32>,
      tpu.vector_store %arg10[%swap3A_34, %swap3A_35], %broadcast_in_dim3A_3 {strides = array<i32>} : memref<64x128xf32, #tpu.memory_space<vmem>>, vector<16xf32>,
      %swap3A_37 = arith.index_cast %scan3A_28 : i32 to index
      %swap3A_38 = arith.constant 48 : index
      %swap3A_39 = tpu.vector_load %arg10[%swap3A_37, %swap3A_38] {strides = array<i32>} : memref<64x128xf32, #tpu.memory_space<vmem>>, vector<16xf32>,
      tpu.vector_store %arg10[%swap3A_37, %swap3A_38], %broadcast_in_dim3A_3 {strides = array<i32>} : memref<64x128xf32, #tpu.memory_space<vmem>>, vector<16xf32>,
      %swap3A_40 = arith.index_cast %scan3A_28 : i32 to index
      %swap3A_41 = arith.constant 64 : index
      %swap3A_42 = tpu.vector_load %arg10[%swap3A_40, %swap3A_41] {strides = array<i32>} : memref<64x128xf32, #tpu.memory_space<vmem>>, vector<16xf32>,
      tpu.vector_store %arg10[%swap3A_40, %swap3A_41], %broadcast_in_dim3A_3 {strides = array<i32>} : memref<64x128xf32, #tpu.memory_space<vmem>>, vector<16xf32>,
      %swap3A_43 = arith.index_cast %scan3A_28 : i32 to index
      %swap3A_44 = arith.constant 80 : index
      %swap3A_45 = tpu.vector_load %arg10[%swap3A_43, %swap3A_44] {strides = array<i32>} : memref<64x128xf32, #tpu.memory_space<vmem>>, vector<16xf32>,
      tpu.vector_store %arg10[%swap3A_43, %swap3A_44], %broadcast_in_dim3A_3 {strides = array<i32>} : memref<64x128xf32, #tpu.memory_space<vmem>>, vector<16xf32>,
      %swap3A_46 = arith.index_cast %scan3A_28 : i32 to index
      %swap3A_47 = arith.constant 96 : index
      %swap3A_48 = tpu.vector_load %arg10[%swap3A_46, %swap3A_47] {strides = array<i32>} : memref<64x128xf32, #tpu.memory_space<vmem>>, vector<16xf32>,
      tpu.vector_store %arg10[%swap3A_46, %swap3A_47], %broadcast_in_dim3A_3 {strides = array<i32>} : memref<64x128xf32, #tpu.memory_space<vmem>>, vector<16xf32>,
      %swap3A_49 = arith.index_cast %scan3A_28 : i32 to index
      %swap3A_50 = arith.constant 112 : index
      %swap3A_51 = tpu.vector_load %arg10[%swap3A_49, %swap3A_50] {strides = array<i32>} : memref<64x128xf32, #tpu.memory_space<vmem>>, vector<16xf32>,
      tpu.vector_store %arg10[%swap3A_49, %swap3A_50], %broadcast_in_dim3A_3 {strides = array<i32>} : memref<64x128xf32, #tpu.memory_space<vmem>>, vector<16xf32>,
    }
    %scan3A_8 = arith.constant 64 : i32
    %scan3A_9 = arith.constant 0 : i32
    %scan3A_10 = arith.constant 0 : i32
    %scan3A_11 = arith.constant 10 : i32
    %scan3A_12 = arith.addi %scan3A_10, %scan3A_11 : i32
    %scan3A_13 = arith.constant 1 : i32
    scf.for %scan3A_28 = %scan3A_10 to %scan3A_12 step %scan3A_13  : i32 {
      %mul3A_29 = arith.constant 16 : i32
      %mul3A_30 = arith.muli %scan3A_28, %mul3A_29 : i32
      %add3A_31 = arith.addi %arg1, %mul3A_30 : i32
      %lt3A = arith.constant 158 : i32
      %lt3A_32 = arith.cmpi slt, %add3A_31, %lt3A : i32
      %convert_element_type3A = arith.extui %lt3A_32 : i1 to i32
      %cond3A = arith.constant 0 : i32
      %cond3A_33 = arith.cmpi ne, %convert_element_type3A, %cond3A : i32
      scf.if %cond3A_33 {
        %mul3A_34 = arith.constant 64 : i32
        %mul3A_35 = arith.muli %add3A_31, %mul3A_34 : i32
        "tpu.region"() ({
          %run_scoped3A = tpu.sem_alloc : memref<!tpu.dma_semaphore, #tpu.memory_space<semaphore_mem>>
          %dma_start3A = arith.constant 0 : i32
          %dma_start3A_36 = tpu.memref_slice %arg14[%mul3A_35, %dma_start3A] : memref<10112x128xf32, #tpu.memory_space<vmem_shared>> -> memref<64x128xf32, #tpu.memory_space<vmem_shared>>
          %dma_start3A_37 = arith.constant 0 : i32
          %dma_start3A_38 = tpu.memref_slice %arg14[%mul3A_35, %dma_start3A_37] : memref<10112x128xf32, #tpu.memory_space<vmem_shared>> -> memref<64x128xf32, #tpu.memory_space<vmem_shared>>
          tpu.enqueue_dma source(%arg10 : memref<64x128xf32, #tpu.memory_space<vmem>>) target(%dma_start3A_38 : memref<64x128xf32, #tpu.memory_space<vmem_shared>>) target_semaphore(%run_scoped3A : memref<!tpu.dma_semaphore, #tpu.memory_space<semaphore_mem>>)
          %dma_wait3A = arith.constant 0 : i32
          %dma_wait3A_39 = tpu.memref_slice %arg14[%mul3A_35, %dma_wait3A] : memref<10112x128xf32, #tpu.memory_space<vmem_shared>> -> memref<64x128xf32, #tpu.memory_space<vmem_shared>>
          %dma_wait3A_40 = arith.constant 0 : i32
          %dma_wait3A_41 = tpu.memref_slice %arg14[%mul3A_35, %dma_wait3A_40] : memref<10112x128xf32, #tpu.memory_space<vmem_shared>> -> memref<64x128xf32, #tpu.memory_space<vmem_shared>>
          tpu.wait_dma2 semaphore(%run_scoped3A : memref<!tpu.dma_semaphore, #tpu.memory_space<semaphore_mem>>) src(%arg10 : memref<64x128xf32, #tpu.memory_space<vmem>>) dst(%dma_wait3A_41 : memref<64x128xf32, #tpu.memory_space<vmem_shared>>)
          tpu.yield
        }) : () -> ()
      } else {
      }
    }
    %scan3A_14 = arith.constant 10 : i32
    %barrier3A = arith.constant 0 : index
    tpu.barrier barrier_id(%barrier3A)
    %iota3A = tpu.iota {dimensions = array<i32: 0>} : vector<16xi32>
    %scan3A_15 = arith.constant 0 : i32
    %scan3A_16 = arith.constant 0 : i32
    %scan3A_17 = arith.constant 81 : i32
    %scan3A_18 = arith.addi %scan3A_16, %scan3A_17 : i32
    %scan3A_19 = arith.constant 1 : i32
    scf.for %scan3A_28 = %scan3A_16 to %scan3A_18 step %scan3A_19  : i32 {
      %mul3A_29 = arith.constant 2 : i32
      %mul3A_30 = arith.muli %mul3A_29, %scan3A_28 : i32
      %mul3A_31 = arith.constant 64 : i32
      %mul3A_32 = arith.muli %mul3A_30, %mul3A_31 : i32
      %add3A_33 = arith.addi %mul3A_2, %mul3A_32 : i32
      "tpu.region"() ({
        %run_scoped3A = tpu.sem_alloc : memref<!tpu.dma_semaphore, #tpu.memory_space<semaphore_mem>>
        %dma_start3A_75 = tpu.memref_slice %arg2[%add3A_33] : memref<331776xi32, #tpu.memory_space<hbm>> -> memref<64xi32, #tpu.memory_space<hbm>>
        %dma_start3A_76 = tpu.memref_slice %arg2[%add3A_33] : memref<331776xi32, #tpu.memory_space<hbm>> -> memref<64xi32, #tpu.memory_space<hbm>>
        tpu.enqueue_dma source(%dma_start3A_76 : memref<64xi32, #tpu.memory_space<hbm>>) target(%arg6 : memref<64xi32, #tpu.memory_space<vmem>>) target_semaphore(%run_scoped3A : memref<!tpu.dma_semaphore, #tpu.memory_space<semaphore_mem>>)
        %dma_wait3A_77 = tpu.memref_slice %arg2[%add3A_33] : memref<331776xi32, #tpu.memory_space<hbm>> -> memref<64xi32, #tpu.memory_space<hbm>>
        %dma_wait3A_78 = tpu.memref_slice %arg2[%add3A_33] : memref<331776xi32, #tpu.memory_space<hbm>> -> memref<64xi32, #tpu.memory_space<hbm>>
        tpu.wait_dma2 semaphore(%run_scoped3A : memref<!tpu.dma_semaphore, #tpu.memory_space<semaphore_mem>>) src(%dma_wait3A_78 : memref<64xi32, #tpu.memory_space<hbm>>) dst(%arg6 : memref<64xi32, #tpu.memory_space<vmem>>)
        tpu.yield
      }) : () -> ()
      "tpu.region"() ({
        %run_scoped3A = tpu.sem_alloc : memref<!tpu.dma_semaphore, #tpu.memory_space<semaphore_mem>>
        %dma_start3A_75 = tpu.memref_slice %arg3[%add3A_33] : memref<331776xi32, #tpu.memory_space<hbm>> -> memref<64xi32, #tpu.memory_space<hbm>>
        %dma_start3A_76 = tpu.memref_slice %arg3[%add3A_33] : memref<331776xi32, #tpu.memory_space<hbm>> -> memref<64xi32, #tpu.memory_space<hbm>>
        tpu.enqueue_dma source(%dma_start3A_76 : memref<64xi32, #tpu.memory_space<hbm>>) target(%arg8 : memref<64xi32, #tpu.memory_space<vmem>>) target_semaphore(%run_scoped3A : memref<!tpu.dma_semaphore, #tpu.memory_space<semaphore_mem>>)
        %dma_wait3A_77 = tpu.memref_slice %arg3[%add3A_33] : memref<331776xi32, #tpu.memory_space<hbm>> -> memref<64xi32, #tpu.memory_space<hbm>>
        %dma_wait3A_78 = tpu.memref_slice %arg3[%add3A_33] : memref<331776xi32, #tpu.memory_space<hbm>> -> memref<64xi32, #tpu.memory_space<hbm>>
        tpu.wait_dma2 semaphore(%run_scoped3A : memref<!tpu.dma_semaphore, #tpu.memory_space<semaphore_mem>>) src(%dma_wait3A_78 : memref<64xi32, #tpu.memory_space<hbm>>) dst(%arg8 : memref<64xi32, #tpu.memory_space<vmem>>)
        tpu.yield
      }) : () -> ()
      %dma_start3A = arith.constant 0 : i32
      %dma_start3A_34 = arith.constant 0 : i32
      %dma_start3A_35 = tpu.memref_slice %arg4[%dma_start3A, %dma_start3A_34] : memref<10112x128xf32, #tpu.memory_space<hbm>> -> memref<10112x128xf32, #tpu.memory_space<hbm>>
      tpu.enqueue_indirect_dma source(%dma_start3A_35 : memref<10112x128xf32, #tpu.memory_space<hbm>>) target(%arg10 : memref<64x128xf32, #tpu.memory_space<vmem>>) offsets(%arg6 : memref<64xi32, #tpu.memory_space<vmem>>) semaphore(%arg15 : memref<!tpu.dma_semaphore, #tpu.memory_space<semaphore_mem>>)
      %dma_start3A_36 = arith.constant 0 : i32
      %dma_start3A_37 = arith.constant 0 : i32
      %dma_start3A_38 = tpu.memref_slice %arg4[%dma_start3A_36, %dma_start3A_37] : memref<10112x128xf32, #tpu.memory_space<hbm>> -> memref<10112x128xf32, #tpu.memory_space<hbm>>
      tpu.enqueue_indirect_dma source(%dma_start3A_38 : memref<10112x128xf32, #tpu.memory_space<hbm>>) target(%arg12 : memref<64x128xf32, #tpu.memory_space<vmem>>) offsets(%arg8 : memref<64xi32, #tpu.memory_space<vmem>>) semaphore(%arg15 : memref<!tpu.dma_semaphore, #tpu.memory_space<semaphore_mem>>)
      %mul3A_39 = arith.constant 2 : i32
      %mul3A_40 = arith.muli %mul3A_39, %scan3A_28 : i32
      %add3A_41 = arith.constant 1 : i32
      %add3A_42 = arith.addi %mul3A_40, %add3A_41 : i32
      %mul3A_43 = arith.constant 64 : i32
      %mul3A_44 = arith.muli %add3A_42, %mul3A_43 : i32
      %add3A_45 = arith.addi %mul3A_2, %mul3A_44 : i32
      "tpu.region"() ({
        %run_scoped3A = tpu.sem_alloc : memref<!tpu.dma_semaphore, #tpu.memory_space<semaphore_mem>>
        %dma_start3A_75 = tpu.memref_slice %arg2[%add3A_45] : memref<331776xi32, #tpu.memory_space<hbm>> -> memref<64xi32, #tpu.memory_space<hbm>>
        %dma_start3A_76 = tpu.memref_slice %arg2[%add3A_45] : memref<331776xi32, #tpu.memory_space<hbm>> -> memref<64xi32, #tpu.memory_space<hbm>>
        tpu.enqueue_dma source(%dma_start3A_76 : memref<64xi32, #tpu.memory_space<hbm>>) target(%arg7 : memref<64xi32, #tpu.memory_space<vmem>>) target_semaphore(%run_scoped3A : memref<!tpu.dma_semaphore, #tpu.memory_space<semaphore_mem>>)
        %dma_wait3A_77 = tpu.memref_slice %arg2[%add3A_45] : memref<331776xi32, #tpu.memory_space<hbm>> -> memref<64xi32, #tpu.memory_space<hbm>>
        %dma_wait3A_78 = tpu.memref_slice %arg2[%add3A_45] : memref<331776xi32, #tpu.memory_space<hbm>> -> memref<64xi32, #tpu.memory_space<hbm>>
        tpu.wait_dma2 semaphore(%run_scoped3A : memref<!tpu.dma_semaphore, #tpu.memory_space<semaphore_mem>>) src(%dma_wait3A_78 : memref<64xi32, #tpu.memory_space<hbm>>) dst(%arg7 : memref<64xi32, #tpu.memory_space<vmem>>)
        tpu.yield
      }) : () -> ()
      "tpu.region"() ({
        %run_scoped3A = tpu.sem_alloc : memref<!tpu.dma_semaphore, #tpu.memory_space<semaphore_mem>>
        %dma_start3A_75 = tpu.memref_slice %arg3[%add3A_45] : memref<331776xi32, #tpu.memory_space<hbm>> -> memref<64xi32, #tpu.memory_space<hbm>>
        %dma_start3A_76 = tpu.memref_slice %arg3[%add3A_45] : memref<331776xi32, #tpu.memory_space<hbm>> -> memref<64xi32, #tpu.memory_space<hbm>>
        tpu.enqueue_dma source(%dma_start3A_76 : memref<64xi32, #tpu.memory_space<hbm>>) target(%arg9 : memref<64xi32, #tpu.memory_space<vmem>>) target_semaphore(%run_scoped3A : memref<!tpu.dma_semaphore, #tpu.memory_space<semaphore_mem>>)
        %dma_wait3A_77 = tpu.memref_slice %arg3[%add3A_45] : memref<331776xi32, #tpu.memory_space<hbm>> -> memref<64xi32, #tpu.memory_space<hbm>>
        %dma_wait3A_78 = tpu.memref_slice %arg3[%add3A_45] : memref<331776xi32, #tpu.memory_space<hbm>> -> memref<64xi32, #tpu.memory_space<hbm>>
        tpu.wait_dma2 semaphore(%run_scoped3A : memref<!tpu.dma_semaphore, #tpu.memory_space<semaphore_mem>>) src(%dma_wait3A_78 : memref<64xi32, #tpu.memory_space<hbm>>) dst(%arg9 : memref<64xi32, #tpu.memory_space<vmem>>)
        tpu.yield
      }) : () -> ()
      %dma_start3A_46 = arith.constant 0 : i32
      %dma_start3A_47 = arith.constant 0 : i32
      %dma_start3A_48 = tpu.memref_slice %arg4[%dma_start3A_46, %dma_start3A_47] : memref<10112x128xf32, #tpu.memory_space<hbm>> -> memref<10112x128xf32, #tpu.memory_space<hbm>>
      tpu.enqueue_indirect_dma source(%dma_start3A_48 : memref<10112x128xf32, #tpu.memory_space<hbm>>) target(%arg11 : memref<64x128xf32, #tpu.memory_space<vmem>>) offsets(%arg7 : memref<64xi32, #tpu.memory_space<vmem>>) semaphore(%arg16 : memref<!tpu.dma_semaphore, #tpu.memory_space<semaphore_mem>>)
      %dma_start3A_49 = arith.constant 0 : i32
      %dma_start3A_50 = arith.constant 0 : i32
      %dma_start3A_51 = tpu.memref_slice %arg4[%dma_start3A_49, %dma_start3A_50] : memref<10112x128xf32, #tpu.memory_space<hbm>> -> memref<10112x128xf32, #tpu.memory_space<hbm>>
      tpu.enqueue_indirect_dma source(%dma_start3A_51 : memref<10112x128xf32, #tpu.memory_space<hbm>>) target(%arg13 : memref<64x128xf32, #tpu.memory_space<vmem>>) offsets(%arg9 : memref<64xi32, #tpu.memory_space<vmem>>) semaphore(%arg16 : memref<!tpu.dma_semaphore, #tpu.memory_space<semaphore_mem>>)
      %dma_wait3A = arith.constant 0 : i32
      %dma_wait3A_52 = arith.constant 0 : i32
      %dma_wait3A_53 = tpu.memref_slice %arg4[%dma_wait3A, %dma_wait3A_52] : memref<10112x128xf32, #tpu.memory_space<hbm>> -> memref<10112x128xf32, #tpu.memory_space<hbm>>
      tpu.wait_indirect_dma semaphore(%arg15 : memref<!tpu.dma_semaphore, #tpu.memory_space<semaphore_mem>>) src(%dma_wait3A_53 : memref<10112x128xf32, #tpu.memory_space<hbm>>) dst(%arg10 : memref<64x128xf32, #tpu.memory_space<vmem>>)
      %dma_wait3A_54 = arith.constant 0 : i32
      %dma_wait3A_55 = arith.constant 0 : i32
      %dma_wait3A_56 = tpu.memref_slice %arg4[%dma_wait3A_54, %dma_wait3A_55] : memref<10112x128xf32, #tpu.memory_space<hbm>> -> memref<10112x128xf32, #tpu.memory_space<hbm>>
      tpu.wait_indirect_dma semaphore(%arg15 : memref<!tpu.dma_semaphore, #tpu.memory_space<semaphore_mem>>) src(%dma_wait3A_56 : memref<10112x128xf32, #tpu.memory_space<hbm>>) dst(%arg12 : memref<64x128xf32, #tpu.memory_space<vmem>>)
      %scan3A_57 = arith.constant 0 : i32
      %scan3A_58 = arith.constant 0 : i32
      %scan3A_59 = arith.constant 4 : i32
      %scan3A_60 = arith.addi %scan3A_58, %scan3A_59 : i32
      %scan3A_61 = arith.constant 1 : i32
      scf.for %scan3A_75 = %scan3A_58 to %scan3A_60 step %scan3A_61  : i32 {
        %mul3A_76 = arith.constant 16 : i32
        %mul3A_77 = arith.muli %scan3A_75, %mul3A_76 : i32
        %add3A_78 = vector.broadcast %mul3A_77 : i32 to vector<16xi32>
        %add3A_79 = arith.addi %iota3A, %add3A_78 : vector<16xi32>
        %broadcast_in_dim3A_80 = arith.constant 64 : i32
        %broadcast_in_dim3A_81 = vector.broadcast %broadcast_in_dim3A_80 : i32 to vector<16xi32>
        %gather3A = tpu.vector_load_idx %arg10[%add3A_79, %broadcast_in_dim3A_81] : memref<64x128xf32, #tpu.memory_space<vmem>>[vector<16xi32>, vector<16xi32>], vector<16xf32>,
        %broadcast_in_dim3A_82 = arith.constant 65 : i32
        %broadcast_in_dim3A_83 = vector.broadcast %broadcast_in_dim3A_82 : i32 to vector<16xi32>
        %gather3A_84 = tpu.vector_load_idx %arg12[%add3A_79, %broadcast_in_dim3A_83] : memref<64x128xf32, #tpu.memory_space<vmem>>[vector<16xi32>, vector<16xi32>], vector<16xf32>,
        %add3A_85 = arith.addf %gather3A, %gather3A_84 : vector<16xf32>
        %mul3A_86 = arith.constant 2.000000e-01 : f32
        %mul3A_87 = vector.broadcast %mul3A_86 : f32 to vector<16xf32>
        %mul3A_88 = arith.mulf %mul3A_87, %add3A_85 : vector<16xf32>
        %max3A = arith.maximumf %add3A_85, %mul3A_88 : vector<16xf32>
        %exp3A = math.exp %max3A : vector<16xf32>
        %broadcast_in_dim3A_89 = arith.constant 64 : i32
        %broadcast_in_dim3A_90 = vector.broadcast %broadcast_in_dim3A_89 : i32 to vector<16xi32>
        tpu.vector_store_idx %arg10[%add3A_79, %broadcast_in_dim3A_90], %exp3A : memref<64x128xf32, #tpu.memory_space<vmem>>[vector<16xi32>, vector<16xi32>], vector<16xf32>,
        %broadcast_in_dim3A_91 = arith.constant 0 : i32
        %broadcast_in_dim3A_92 = vector.broadcast %broadcast_in_dim3A_91 : i32 to vector<16xi32>
        %gather3A_93 = tpu.vector_load_idx %arg10[%add3A_79, %broadcast_in_dim3A_92] : memref<64x128xf32, #tpu.memory_space<vmem>>[vector<16xi32>, vector<16xi32>], vector<16xf32>,
        %mul3A_94 = arith.mulf %exp3A, %gather3A_93 : vector<16xf32>
        tpu.vector_store_idx %arg10[%add3A_79, %broadcast_in_dim3A_92], %mul3A_94 : memref<64x128xf32, #tpu.memory_space<vmem>>[vector<16xi32>, vector<16xi32>], vector<16xf32>,
        %broadcast_in_dim3A_95 = arith.constant 1 : i32
        %broadcast_in_dim3A_96 = vector.broadcast %broadcast_in_dim3A_95 : i32 to vector<16xi32>
        %gather3A_97 = tpu.vector_load_idx %arg10[%add3A_79, %broadcast_in_dim3A_96] : memref<64x128xf32, #tpu.memory_space<vmem>>[vector<16xi32>, vector<16xi32>], vector<16xf32>,
        %mul3A_98 = arith.mulf %exp3A, %gather3A_97 : vector<16xf32>
        tpu.vector_store_idx %arg10[%add3A_79, %broadcast_in_dim3A_96], %mul3A_98 : memref<64x128xf32, #tpu.memory_space<vmem>>[vector<16xi32>, vector<16xi32>], vector<16xf32>,
        %broadcast_in_dim3A_99 = arith.constant 2 : i32
        %broadcast_in_dim3A_100 = vector.broadcast %broadcast_in_dim3A_99 : i32 to vector<16xi32>
        %gather3A_101 = tpu.vector_load_idx %arg10[%add3A_79, %broadcast_in_dim3A_100] : memref<64x128xf32, #tpu.memory_space<vmem>>[vector<16xi32>, vector<16xi32>], vector<16xf32>,
        %mul3A_102 = arith.mulf %exp3A, %gather3A_101 : vector<16xf32>
        tpu.vector_store_idx %arg10[%add3A_79, %broadcast_in_dim3A_100], %mul3A_102 : memref<64x128xf32, #tpu.memory_space<vmem>>[vector<16xi32>, vector<16xi32>], vector<16xf32>,
        %broadcast_in_dim3A_103 = arith.constant 3 : i32
        %broadcast_in_dim3A_104 = vector.broadcast %broadcast_in_dim3A_103 : i32 to vector<16xi32>
        %gather3A_105 = tpu.vector_load_idx %arg10[%add3A_79, %broadcast_in_dim3A_104] : memref<64x128xf32, #tpu.memory_space<vmem>>[vector<16xi32>, vector<16xi32>], vector<16xf32>,
        %mul3A_106 = arith.mulf %exp3A, %gather3A_105 : vector<16xf32>
        tpu.vector_store_idx %arg10[%add3A_79, %broadcast_in_dim3A_104], %mul3A_106 : memref<64x128xf32, #tpu.memory_space<vmem>>[vector<16xi32>, vector<16xi32>], vector<16xf32>,
        %broadcast_in_dim3A_107 = arith.constant 4 : i32
        %broadcast_in_dim3A_108 = vector.broadcast %broadcast_in_dim3A_107 : i32 to vector<16xi32>
        %gather3A_109 = tpu.vector_load_idx %arg10[%add3A_79, %broadcast_in_dim3A_108] : memref<64x128xf32, #tpu.memory_space<vmem>>[vector<16xi32>, vector<16xi32>], vector<16xf32>,
        %mul3A_110 = arith.mulf %exp3A, %gather3A_109 : vector<16xf32>
        tpu.vector_store_idx %arg10[%add3A_79, %broadcast_in_dim3A_108], %mul3A_110 : memref<64x128xf32, #tpu.memory_space<vmem>>[vector<16xi32>, vector<16xi32>], vector<16xf32>,
        %broadcast_in_dim3A_111 = arith.constant 5 : i32
        %broadcast_in_dim3A_112 = vector.broadcast %broadcast_in_dim3A_111 : i32 to vector<16xi32>
        %gather3A_113 = tpu.vector_load_idx %arg10[%add3A_79, %broadcast_in_dim3A_112] : memref<64x128xf32, #tpu.memory_space<vmem>>[vector<16xi32>, vector<16xi32>], vector<16xf32>,
        %mul3A_114 = arith.mulf %exp3A, %gather3A_113 : vector<16xf32>
        tpu.vector_store_idx %arg10[%add3A_79, %broadcast_in_dim3A_112], %mul3A_114 : memref<64x128xf32, #tpu.memory_space<vmem>>[vector<16xi32>, vector<16xi32>], vector<16xf32>,
        %broadcast_in_dim3A_115 = arith.constant 6 : i32
        %broadcast_in_dim3A_116 = vector.broadcast %broadcast_in_dim3A_115 : i32 to vector<16xi32>
        %gather3A_117 = tpu.vector_load_idx %arg10[%add3A_79, %broadcast_in_dim3A_116] : memref<64x128xf32, #tpu.memory_space<vmem>>[vector<16xi32>, vector<16xi32>], vector<16xf32>,
        %mul3A_118 = arith.mulf %exp3A, %gather3A_117 : vector<16xf32>
        tpu.vector_store_idx %arg10[%add3A_79, %broadcast_in_dim3A_116], %mul3A_118 : memref<64x128xf32, #tpu.memory_space<vmem>>[vector<16xi32>, vector<16xi32>], vector<16xf32>,
        %broadcast_in_dim3A_119 = arith.constant 7 : i32
        %broadcast_in_dim3A_120 = vector.broadcast %broadcast_in_dim3A_119 : i32 to vector<16xi32>
        %gather3A_121 = tpu.vector_load_idx %arg10[%add3A_79, %broadcast_in_dim3A_120] : memref<64x128xf32, #tpu.memory_space<vmem>>[vector<16xi32>, vector<16xi32>], vector<16xf32>,
        %mul3A_122 = arith.mulf %exp3A, %gather3A_121 : vector<16xf32>
        tpu.vector_store_idx %arg10[%add3A_79, %broadcast_in_dim3A_120], %mul3A_122 : memref<64x128xf32, #tpu.memory_space<vmem>>[vector<16xi32>, vector<16xi32>], vector<16xf32>,
        %broadcast_in_dim3A_123 = arith.constant 8 : i32
        %broadcast_in_dim3A_124 = vector.broadcast %broadcast_in_dim3A_123 : i32 to vector<16xi32>
        %gather3A_125 = tpu.vector_load_idx %arg10[%add3A_79, %broadcast_in_dim3A_124] : memref<64x128xf32, #tpu.memory_space<vmem>>[vector<16xi32>, vector<16xi32>], vector<16xf32>,
        %mul3A_126 = arith.mulf %exp3A, %gather3A_125 : vector<16xf32>
        tpu.vector_store_idx %arg10[%add3A_79, %broadcast_in_dim3A_124], %mul3A_126 : memref<64x128xf32, #tpu.memory_space<vmem>>[vector<16xi32>, vector<16xi32>], vector<16xf32>,
        %broadcast_in_dim3A_127 = arith.constant 9 : i32
        %broadcast_in_dim3A_128 = vector.broadcast %broadcast_in_dim3A_127 : i32 to vector<16xi32>
        %gather3A_129 = tpu.vector_load_idx %arg10[%add3A_79, %broadcast_in_dim3A_128] : memref<64x128xf32, #tpu.memory_space<vmem>>[vector<16xi32>, vector<16xi32>], vector<16xf32>,
        %mul3A_130 = arith.mulf %exp3A, %gather3A_129 : vector<16xf32>
        tpu.vector_store_idx %arg10[%add3A_79, %broadcast_in_dim3A_128], %mul3A_130 : memref<64x128xf32, #tpu.memory_space<vmem>>[vector<16xi32>, vector<16xi32>], vector<16xf32>,
        %broadcast_in_dim3A_131 = arith.constant 10 : i32
        %broadcast_in_dim3A_132 = vector.broadcast %broadcast_in_dim3A_131 : i32 to vector<16xi32>
        %gather3A_133 = tpu.vector_load_idx %arg10[%add3A_79, %broadcast_in_dim3A_132] : memref<64x128xf32, #tpu.memory_space<vmem>>[vector<16xi32>, vector<16xi32>], vector<16xf32>,
        %mul3A_134 = arith.mulf %exp3A, %gather3A_133 : vector<16xf32>
        tpu.vector_store_idx %arg10[%add3A_79, %broadcast_in_dim3A_132], %mul3A_134 : memref<64x128xf32, #tpu.memory_space<vmem>>[vector<16xi32>, vector<16xi32>], vector<16xf32>,
        %broadcast_in_dim3A_135 = arith.constant 11 : i32
        %broadcast_in_dim3A_136 = vector.broadcast %broadcast_in_dim3A_135 : i32 to vector<16xi32>
        %gather3A_137 = tpu.vector_load_idx %arg10[%add3A_79, %broadcast_in_dim3A_136] : memref<64x128xf32, #tpu.memory_space<vmem>>[vector<16xi32>, vector<16xi32>], vector<16xf32>,
        %mul3A_138 = arith.mulf %exp3A, %gather3A_137 : vector<16xf32>
        tpu.vector_store_idx %arg10[%add3A_79, %broadcast_in_dim3A_136], %mul3A_138 : memref<64x128xf32, #tpu.memory_space<vmem>>[vector<16xi32>, vector<16xi32>], vector<16xf32>,
        %broadcast_in_dim3A_139 = arith.constant 12 : i32
        %broadcast_in_dim3A_140 = vector.broadcast %broadcast_in_dim3A_139 : i32 to vector<16xi32>
        %gather3A_141 = tpu.vector_load_idx %arg10[%add3A_79, %broadcast_in_dim3A_140] : memref<64x128xf32, #tpu.memory_space<vmem>>[vector<16xi32>, vector<16xi32>], vector<16xf32>,
        %mul3A_142 = arith.mulf %exp3A, %gather3A_141 : vector<16xf32>
        tpu.vector_store_idx %arg10[%add3A_79, %broadcast_in_dim3A_140], %mul3A_142 : memref<64x128xf32, #tpu.memory_space<vmem>>[vector<16xi32>, vector<16xi32>], vector<16xf32>,
        %broadcast_in_dim3A_143 = arith.constant 13 : i32
        %broadcast_in_dim3A_144 = vector.broadcast %broadcast_in_dim3A_143 : i32 to vector<16xi32>
        %gather3A_145 = tpu.vector_load_idx %arg10[%add3A_79, %broadcast_in_dim3A_144] : memref<64x128xf32, #tpu.memory_space<vmem>>[vector<16xi32>, vector<16xi32>], vector<16xf32>,
        %mul3A_146 = arith.mulf %exp3A, %gather3A_145 : vector<16xf32>
        tpu.vector_store_idx %arg10[%add3A_79, %broadcast_in_dim3A_144], %mul3A_146 : memref<64x128xf32, #tpu.memory_space<vmem>>[vector<16xi32>, vector<16xi32>], vector<16xf32>,
        %broadcast_in_dim3A_147 = arith.constant 14 : i32
        %broadcast_in_dim3A_148 = vector.broadcast %broadcast_in_dim3A_147 : i32 to vector<16xi32>
        %gather3A_149 = tpu.vector_load_idx %arg10[%add3A_79, %broadcast_in_dim3A_148] : memref<64x128xf32, #tpu.memory_space<vmem>>[vector<16xi32>, vector<16xi32>], vector<16xf32>,
        %mul3A_150 = arith.mulf %exp3A, %gather3A_149 : vector<16xf32>
        tpu.vector_store_idx %arg10[%add3A_79, %broadcast_in_dim3A_148], %mul3A_150 : memref<64x128xf32, #tpu.memory_space<vmem>>[vector<16xi32>, vector<16xi32>], vector<16xf32>,
        %broadcast_in_dim3A_151 = arith.constant 15 : i32
        %broadcast_in_dim3A_152 = vector.broadcast %broadcast_in_dim3A_151 : i32 to vector<16xi32>
        %gather3A_153 = tpu.vector_load_idx %arg10[%add3A_79, %broadcast_in_dim3A_152] : memref<64x128xf32, #tpu.memory_space<vmem>>[vector<16xi32>, vector<16xi32>], vector<16xf32>,
        %mul3A_154 = arith.mulf %exp3A, %gather3A_153 : vector<16xf32>
        tpu.vector_store_idx %arg10[%add3A_79, %broadcast_in_dim3A_152], %mul3A_154 : memref<64x128xf32, #tpu.memory_space<vmem>>[vector<16xi32>, vector<16xi32>], vector<16xf32>,
        %broadcast_in_dim3A_155 = arith.constant 16 : i32
        %broadcast_in_dim3A_156 = vector.broadcast %broadcast_in_dim3A_155 : i32 to vector<16xi32>
        %gather3A_157 = tpu.vector_load_idx %arg10[%add3A_79, %broadcast_in_dim3A_156] : memref<64x128xf32, #tpu.memory_space<vmem>>[vector<16xi32>, vector<16xi32>], vector<16xf32>,
        %mul3A_158 = arith.mulf %exp3A, %gather3A_157 : vector<16xf32>
        tpu.vector_store_idx %arg10[%add3A_79, %broadcast_in_dim3A_156], %mul3A_158 : memref<64x128xf32, #tpu.memory_space<vmem>>[vector<16xi32>, vector<16xi32>], vector<16xf32>,
        %broadcast_in_dim3A_159 = arith.constant 17 : i32
        %broadcast_in_dim3A_160 = vector.broadcast %broadcast_in_dim3A_159 : i32 to vector<16xi32>
        %gather3A_161 = tpu.vector_load_idx %arg10[%add3A_79, %broadcast_in_dim3A_160] : memref<64x128xf32, #tpu.memory_space<vmem>>[vector<16xi32>, vector<16xi32>], vector<16xf32>,
        %mul3A_162 = arith.mulf %exp3A, %gather3A_161 : vector<16xf32>
        tpu.vector_store_idx %arg10[%add3A_79, %broadcast_in_dim3A_160], %mul3A_162 : memref<64x128xf32, #tpu.memory_space<vmem>>[vector<16xi32>, vector<16xi32>], vector<16xf32>,
        %broadcast_in_dim3A_163 = arith.constant 18 : i32
        %broadcast_in_dim3A_164 = vector.broadcast %broadcast_in_dim3A_163 : i32 to vector<16xi32>
        %gather3A_165 = tpu.vector_load_idx %arg10[%add3A_79, %broadcast_in_dim3A_164] : memref<64x128xf32, #tpu.memory_space<vmem>>[vector<16xi32>, vector<16xi32>], vector<16xf32>,
        %mul3A_166 = arith.mulf %exp3A, %gather3A_165 : vector<16xf32>
        tpu.vector_store_idx %arg10[%add3A_79, %broadcast_in_dim3A_164], %mul3A_166 : memref<64x128xf32, #tpu.memory_space<vmem>>[vector<16xi32>, vector<16xi32>], vector<16xf32>,
        %broadcast_in_dim3A_167 = arith.constant 19 : i32
        %broadcast_in_dim3A_168 = vector.broadcast %broadcast_in_dim3A_167 : i32 to vector<16xi32>
        %gather3A_169 = tpu.vector_load_idx %arg10[%add3A_79, %broadcast_in_dim3A_168] : memref<64x128xf32, #tpu.memory_space<vmem>>[vector<16xi32>, vector<16xi32>], vector<16xf32>,
        %mul3A_170 = arith.mulf %exp3A, %gather3A_169 : vector<16xf32>
        tpu.vector_store_idx %arg10[%add3A_79, %broadcast_in_dim3A_168], %mul3A_170 : memref<64x128xf32, #tpu.memory_space<vmem>>[vector<16xi32>, vector<16xi32>], vector<16xf32>,
        %broadcast_in_dim3A_171 = arith.constant 20 : i32
        %broadcast_in_dim3A_172 = vector.broadcast %broadcast_in_dim3A_171 : i32 to vector<16xi32>
        %gather3A_173 = tpu.vector_load_idx %arg10[%add3A_79, %broadcast_in_dim3A_172] : memref<64x128xf32, #tpu.memory_space<vmem>>[vector<16xi32>, vector<16xi32>], vector<16xf32>,
        %mul3A_174 = arith.mulf %exp3A, %gather3A_173 : vector<16xf32>
        tpu.vector_store_idx %arg10[%add3A_79, %broadcast_in_dim3A_172], %mul3A_174 : memref<64x128xf32, #tpu.memory_space<vmem>>[vector<16xi32>, vector<16xi32>], vector<16xf32>,
        %broadcast_in_dim3A_175 = arith.constant 21 : i32
        %broadcast_in_dim3A_176 = vector.broadcast %broadcast_in_dim3A_175 : i32 to vector<16xi32>
        %gather3A_177 = tpu.vector_load_idx %arg10[%add3A_79, %broadcast_in_dim3A_176] : memref<64x128xf32, #tpu.memory_space<vmem>>[vector<16xi32>, vector<16xi32>], vector<16xf32>,
        %mul3A_178 = arith.mulf %exp3A, %gather3A_177 : vector<16xf32>
        tpu.vector_store_idx %arg10[%add3A_79, %broadcast_in_dim3A_176], %mul3A_178 : memref<64x128xf32, #tpu.memory_space<vmem>>[vector<16xi32>, vector<16xi32>], vector<16xf32>,
        %broadcast_in_dim3A_179 = arith.constant 22 : i32
        %broadcast_in_dim3A_180 = vector.broadcast %broadcast_in_dim3A_179 : i32 to vector<16xi32>
        %gather3A_181 = tpu.vector_load_idx %arg10[%add3A_79, %broadcast_in_dim3A_180] : memref<64x128xf32, #tpu.memory_space<vmem>>[vector<16xi32>, vector<16xi32>], vector<16xf32>,
        %mul3A_182 = arith.mulf %exp3A, %gather3A_181 : vector<16xf32>
        tpu.vector_store_idx %arg10[%add3A_79, %broadcast_in_dim3A_180], %mul3A_182 : memref<64x128xf32, #tpu.memory_space<vmem>>[vector<16xi32>, vector<16xi32>], vector<16xf32>,
        %broadcast_in_dim3A_183 = arith.constant 23 : i32
        %broadcast_in_dim3A_184 = vector.broadcast %broadcast_in_dim3A_183 : i32 to vector<16xi32>
        %gather3A_185 = tpu.vector_load_idx %arg10[%add3A_79, %broadcast_in_dim3A_184] : memref<64x128xf32, #tpu.memory_space<vmem>>[vector<16xi32>, vector<16xi32>], vector<16xf32>,
        %mul3A_186 = arith.mulf %exp3A, %gather3A_185 : vector<16xf32>
        tpu.vector_store_idx %arg10[%add3A_79, %broadcast_in_dim3A_184], %mul3A_186 : memref<64x128xf32, #tpu.memory_space<vmem>>[vector<16xi32>, vector<16xi32>], vector<16xf32>,
        %broadcast_in_dim3A_187 = arith.constant 24 : i32
        %broadcast_in_dim3A_188 = vector.broadcast %broadcast_in_dim3A_187 : i32 to vector<16xi32>
        %gather3A_189 = tpu.vector_load_idx %arg10[%add3A_79, %broadcast_in_dim3A_188] : memref<64x128xf32, #tpu.memory_space<vmem>>[vector<16xi32>, vector<16xi32>], vector<16xf32>,
        %mul3A_190 = arith.mulf %exp3A, %gather3A_189 : vector<16xf32>
        tpu.vector_store_idx %arg10[%add3A_79, %broadcast_in_dim3A_188], %mul3A_190 : memref<64x128xf32, #tpu.memory_space<vmem>>[vector<16xi32>, vector<16xi32>], vector<16xf32>,
        %broadcast_in_dim3A_191 = arith.constant 25 : i32
        %broadcast_in_dim3A_192 = vector.broadcast %broadcast_in_dim3A_191 : i32 to vector<16xi32>
        %gather3A_193 = tpu.vector_load_idx %arg10[%add3A_79, %broadcast_in_dim3A_192] : memref<64x128xf32, #tpu.memory_space<vmem>>[vector<16xi32>, vector<16xi32>], vector<16xf32>,
        %mul3A_194 = arith.mulf %exp3A, %gather3A_193 : vector<16xf32>
        tpu.vector_store_idx %arg10[%add3A_79, %broadcast_in_dim3A_192], %mul3A_194 : memref<64x128xf32, #tpu.memory_space<vmem>>[vector<16xi32>, vector<16xi32>], vector<16xf32>,
        %broadcast_in_dim3A_195 = arith.constant 26 : i32
        %broadcast_in_dim3A_196 = vector.broadcast %broadcast_in_dim3A_195 : i32 to vector<16xi32>
        %gather3A_197 = tpu.vector_load_idx %arg10[%add3A_79, %broadcast_in_dim3A_196] : memref<64x128xf32, #tpu.memory_space<vmem>>[vector<16xi32>, vector<16xi32>], vector<16xf32>,
        %mul3A_198 = arith.mulf %exp3A, %gather3A_197 : vector<16xf32>
        tpu.vector_store_idx %arg10[%add3A_79, %broadcast_in_dim3A_196], %mul3A_198 : memref<64x128xf32, #tpu.memory_space<vmem>>[vector<16xi32>, vector<16xi32>], vector<16xf32>,
        %broadcast_in_dim3A_199 = arith.constant 27 : i32
        %broadcast_in_dim3A_200 = vector.broadcast %broadcast_in_dim3A_199 : i32 to vector<16xi32>
        %gather3A_201 = tpu.vector_load_idx %arg10[%add3A_79, %broadcast_in_dim3A_200] : memref<64x128xf32, #tpu.memory_space<vmem>>[vector<16xi32>, vector<16xi32>], vector<16xf32>,
        %mul3A_202 = arith.mulf %exp3A, %gather3A_201 : vector<16xf32>
        tpu.vector_store_idx %arg10[%add3A_79, %broadcast_in_dim3A_200], %mul3A_202 : memref<64x128xf32, #tpu.memory_space<vmem>>[vector<16xi32>, vector<16xi32>], vector<16xf32>,
        %broadcast_in_dim3A_203 = arith.constant 28 : i32
        %broadcast_in_dim3A_204 = vector.broadcast %broadcast_in_dim3A_203 : i32 to vector<16xi32>
        %gather3A_205 = tpu.vector_load_idx %arg10[%add3A_79, %broadcast_in_dim3A_204] : memref<64x128xf32, #tpu.memory_space<vmem>>[vector<16xi32>, vector<16xi32>], vector<16xf32>,
        %mul3A_206 = arith.mulf %exp3A, %gather3A_205 : vector<16xf32>
        tpu.vector_store_idx %arg10[%add3A_79, %broadcast_in_dim3A_204], %mul3A_206 : memref<64x128xf32, #tpu.memory_space<vmem>>[vector<16xi32>, vector<16xi32>], vector<16xf32>,
        %broadcast_in_dim3A_207 = arith.constant 29 : i32
        %broadcast_in_dim3A_208 = vector.broadcast %broadcast_in_dim3A_207 : i32 to vector<16xi32>
        %gather3A_209 = tpu.vector_load_idx %arg10[%add3A_79, %broadcast_in_dim3A_208] : memref<64x128xf32, #tpu.memory_space<vmem>>[vector<16xi32>, vector<16xi32>], vector<16xf32>,
        %mul3A_210 = arith.mulf %exp3A, %gather3A_209 : vector<16xf32>
        tpu.vector_store_idx %arg10[%add3A_79, %broadcast_in_dim3A_208], %mul3A_210 : memref<64x128xf32, #tpu.memory_space<vmem>>[vector<16xi32>, vector<16xi32>], vector<16xf32>,
        %broadcast_in_dim3A_211 = arith.constant 30 : i32
        %broadcast_in_dim3A_212 = vector.broadcast %broadcast_in_dim3A_211 : i32 to vector<16xi32>
        %gather3A_213 = tpu.vector_load_idx %arg10[%add3A_79, %broadcast_in_dim3A_212] : memref<64x128xf32, #tpu.memory_space<vmem>>[vector<16xi32>, vector<16xi32>], vector<16xf32>,
        %mul3A_214 = arith.mulf %exp3A, %gather3A_213 : vector<16xf32>
        tpu.vector_store_idx %arg10[%add3A_79, %broadcast_in_dim3A_212], %mul3A_214 : memref<64x128xf32, #tpu.memory_space<vmem>>[vector<16xi32>, vector<16xi32>], vector<16xf32>,
        %broadcast_in_dim3A_215 = arith.constant 31 : i32
        %broadcast_in_dim3A_216 = vector.broadcast %broadcast_in_dim3A_215 : i32 to vector<16xi32>
        %gather3A_217 = tpu.vector_load_idx %arg10[%add3A_79, %broadcast_in_dim3A_216] : memref<64x128xf32, #tpu.memory_space<vmem>>[vector<16xi32>, vector<16xi32>], vector<16xf32>,
        %mul3A_218 = arith.mulf %exp3A, %gather3A_217 : vector<16xf32>
        tpu.vector_store_idx %arg10[%add3A_79, %broadcast_in_dim3A_216], %mul3A_218 : memref<64x128xf32, #tpu.memory_space<vmem>>[vector<16xi32>, vector<16xi32>], vector<16xf32>,
        %broadcast_in_dim3A_219 = arith.constant 32 : i32
        %broadcast_in_dim3A_220 = vector.broadcast %broadcast_in_dim3A_219 : i32 to vector<16xi32>
        %gather3A_221 = tpu.vector_load_idx %arg10[%add3A_79, %broadcast_in_dim3A_220] : memref<64x128xf32, #tpu.memory_space<vmem>>[vector<16xi32>, vector<16xi32>], vector<16xf32>,
        %mul3A_222 = arith.mulf %exp3A, %gather3A_221 : vector<16xf32>
        tpu.vector_store_idx %arg10[%add3A_79, %broadcast_in_dim3A_220], %mul3A_222 : memref<64x128xf32, #tpu.memory_space<vmem>>[vector<16xi32>, vector<16xi32>], vector<16xf32>,
        %broadcast_in_dim3A_223 = arith.constant 33 : i32
        %broadcast_in_dim3A_224 = vector.broadcast %broadcast_in_dim3A_223 : i32 to vector<16xi32>
        %gather3A_225 = tpu.vector_load_idx %arg10[%add3A_79, %broadcast_in_dim3A_224] : memref<64x128xf32, #tpu.memory_space<vmem>>[vector<16xi32>, vector<16xi32>], vector<16xf32>,
        %mul3A_226 = arith.mulf %exp3A, %gather3A_225 : vector<16xf32>
        tpu.vector_store_idx %arg10[%add3A_79, %broadcast_in_dim3A_224], %mul3A_226 : memref<64x128xf32, #tpu.memory_space<vmem>>[vector<16xi32>, vector<16xi32>], vector<16xf32>,
        %broadcast_in_dim3A_227 = arith.constant 34 : i32
        %broadcast_in_dim3A_228 = vector.broadcast %broadcast_in_dim3A_227 : i32 to vector<16xi32>
        %gather3A_229 = tpu.vector_load_idx %arg10[%add3A_79, %broadcast_in_dim3A_228] : memref<64x128xf32, #tpu.memory_space<vmem>>[vector<16xi32>, vector<16xi32>], vector<16xf32>,
        %mul3A_230 = arith.mulf %exp3A, %gather3A_229 : vector<16xf32>
        tpu.vector_store_idx %arg10[%add3A_79, %broadcast_in_dim3A_228], %mul3A_230 : memref<64x128xf32, #tpu.memory_space<vmem>>[vector<16xi32>, vector<16xi32>], vector<16xf32>,
        %broadcast_in_dim3A_231 = arith.constant 35 : i32
        %broadcast_in_dim3A_232 = vector.broadcast %broadcast_in_dim3A_231 : i32 to vector<16xi32>
        %gather3A_233 = tpu.vector_load_idx %arg10[%add3A_79, %broadcast_in_dim3A_232] : memref<64x128xf32, #tpu.memory_space<vmem>>[vector<16xi32>, vector<16xi32>], vector<16xf32>,
        %mul3A_234 = arith.mulf %exp3A, %gather3A_233 : vector<16xf32>
        tpu.vector_store_idx %arg10[%add3A_79, %broadcast_in_dim3A_232], %mul3A_234 : memref<64x128xf32, #tpu.memory_space<vmem>>[vector<16xi32>, vector<16xi32>], vector<16xf32>,
        %broadcast_in_dim3A_235 = arith.constant 36 : i32
        %broadcast_in_dim3A_236 = vector.broadcast %broadcast_in_dim3A_235 : i32 to vector<16xi32>
        %gather3A_237 = tpu.vector_load_idx %arg10[%add3A_79, %broadcast_in_dim3A_236] : memref<64x128xf32, #tpu.memory_space<vmem>>[vector<16xi32>, vector<16xi32>], vector<16xf32>,
        %mul3A_238 = arith.mulf %exp3A, %gather3A_237 : vector<16xf32>
        tpu.vector_store_idx %arg10[%add3A_79, %broadcast_in_dim3A_236], %mul3A_238 : memref<64x128xf32, #tpu.memory_space<vmem>>[vector<16xi32>, vector<16xi32>], vector<16xf32>,
        %broadcast_in_dim3A_239 = arith.constant 37 : i32
        %broadcast_in_dim3A_240 = vector.broadcast %broadcast_in_dim3A_239 : i32 to vector<16xi32>
        %gather3A_241 = tpu.vector_load_idx %arg10[%add3A_79, %broadcast_in_dim3A_240] : memref<64x128xf32, #tpu.memory_space<vmem>>[vector<16xi32>, vector<16xi32>], vector<16xf32>,
        %mul3A_242 = arith.mulf %exp3A, %gather3A_241 : vector<16xf32>
        tpu.vector_store_idx %arg10[%add3A_79, %broadcast_in_dim3A_240], %mul3A_242 : memref<64x128xf32, #tpu.memory_space<vmem>>[vector<16xi32>, vector<16xi32>], vector<16xf32>,
        %broadcast_in_dim3A_243 = arith.constant 38 : i32
        %broadcast_in_dim3A_244 = vector.broadcast %broadcast_in_dim3A_243 : i32 to vector<16xi32>
        %gather3A_245 = tpu.vector_load_idx %arg10[%add3A_79, %broadcast_in_dim3A_244] : memref<64x128xf32, #tpu.memory_space<vmem>>[vector<16xi32>, vector<16xi32>], vector<16xf32>,
        %mul3A_246 = arith.mulf %exp3A, %gather3A_245 : vector<16xf32>
        tpu.vector_store_idx %arg10[%add3A_79, %broadcast_in_dim3A_244], %mul3A_246 : memref<64x128xf32, #tpu.memory_space<vmem>>[vector<16xi32>, vector<16xi32>], vector<16xf32>,
        %broadcast_in_dim3A_247 = arith.constant 39 : i32
        %broadcast_in_dim3A_248 = vector.broadcast %broadcast_in_dim3A_247 : i32 to vector<16xi32>
        %gather3A_249 = tpu.vector_load_idx %arg10[%add3A_79, %broadcast_in_dim3A_248] : memref<64x128xf32, #tpu.memory_space<vmem>>[vector<16xi32>, vector<16xi32>], vector<16xf32>,
        %mul3A_250 = arith.mulf %exp3A, %gather3A_249 : vector<16xf32>
        tpu.vector_store_idx %arg10[%add3A_79, %broadcast_in_dim3A_248], %mul3A_250 : memref<64x128xf32, #tpu.memory_space<vmem>>[vector<16xi32>, vector<16xi32>], vector<16xf32>,
        %broadcast_in_dim3A_251 = arith.constant 40 : i32
        %broadcast_in_dim3A_252 = vector.broadcast %broadcast_in_dim3A_251 : i32 to vector<16xi32>
        %gather3A_253 = tpu.vector_load_idx %arg10[%add3A_79, %broadcast_in_dim3A_252] : memref<64x128xf32, #tpu.memory_space<vmem>>[vector<16xi32>, vector<16xi32>], vector<16xf32>,
        %mul3A_254 = arith.mulf %exp3A, %gather3A_253 : vector<16xf32>
        tpu.vector_store_idx %arg10[%add3A_79, %broadcast_in_dim3A_252], %mul3A_254 : memref<64x128xf32, #tpu.memory_space<vmem>>[vector<16xi32>, vector<16xi32>], vector<16xf32>,
        %broadcast_in_dim3A_255 = arith.constant 41 : i32
        %broadcast_in_dim3A_256 = vector.broadcast %broadcast_in_dim3A_255 : i32 to vector<16xi32>
        %gather3A_257 = tpu.vector_load_idx %arg10[%add3A_79, %broadcast_in_dim3A_256] : memref<64x128xf32, #tpu.memory_space<vmem>>[vector<16xi32>, vector<16xi32>], vector<16xf32>,
        %mul3A_258 = arith.mulf %exp3A, %gather3A_257 : vector<16xf32>
        tpu.vector_store_idx %arg10[%add3A_79, %broadcast_in_dim3A_256], %mul3A_258 : memref<64x128xf32, #tpu.memory_space<vmem>>[vector<16xi32>, vector<16xi32>], vector<16xf32>,
        %broadcast_in_dim3A_259 = arith.constant 42 : i32
        %broadcast_in_dim3A_260 = vector.broadcast %broadcast_in_dim3A_259 : i32 to vector<16xi32>
        %gather3A_261 = tpu.vector_load_idx %arg10[%add3A_79, %broadcast_in_dim3A_260] : memref<64x128xf32, #tpu.memory_space<vmem>>[vector<16xi32>, vector<16xi32>], vector<16xf32>,
        %mul3A_262 = arith.mulf %exp3A, %gather3A_261 : vector<16xf32>
        tpu.vector_store_idx %arg10[%add3A_79, %broadcast_in_dim3A_260], %mul3A_262 : memref<64x128xf32, #tpu.memory_space<vmem>>[vector<16xi32>, vector<16xi32>], vector<16xf32>,
        %broadcast_in_dim3A_263 = arith.constant 43 : i32
        %broadcast_in_dim3A_264 = vector.broadcast %broadcast_in_dim3A_263 : i32 to vector<16xi32>
        %gather3A_265 = tpu.vector_load_idx %arg10[%add3A_79, %broadcast_in_dim3A_264] : memref<64x128xf32, #tpu.memory_space<vmem>>[vector<16xi32>, vector<16xi32>], vector<16xf32>,
        %mul3A_266 = arith.mulf %exp3A, %gather3A_265 : vector<16xf32>
        tpu.vector_store_idx %arg10[%add3A_79, %broadcast_in_dim3A_264], %mul3A_266 : memref<64x128xf32, #tpu.memory_space<vmem>>[vector<16xi32>, vector<16xi32>], vector<16xf32>,
        %broadcast_in_dim3A_267 = arith.constant 44 : i32
        %broadcast_in_dim3A_268 = vector.broadcast %broadcast_in_dim3A_267 : i32 to vector<16xi32>
        %gather3A_269 = tpu.vector_load_idx %arg10[%add3A_79, %broadcast_in_dim3A_268] : memref<64x128xf32, #tpu.memory_space<vmem>>[vector<16xi32>, vector<16xi32>], vector<16xf32>,
        %mul3A_270 = arith.mulf %exp3A, %gather3A_269 : vector<16xf32>
        tpu.vector_store_idx %arg10[%add3A_79, %broadcast_in_dim3A_268], %mul3A_270 : memref<64x128xf32, #tpu.memory_space<vmem>>[vector<16xi32>, vector<16xi32>], vector<16xf32>,
        %broadcast_in_dim3A_271 = arith.constant 45 : i32
        %broadcast_in_dim3A_272 = vector.broadcast %broadcast_in_dim3A_271 : i32 to vector<16xi32>
        %gather3A_273 = tpu.vector_load_idx %arg10[%add3A_79, %broadcast_in_dim3A_272] : memref<64x128xf32, #tpu.memory_space<vmem>>[vector<16xi32>, vector<16xi32>], vector<16xf32>,
        %mul3A_274 = arith.mulf %exp3A, %gather3A_273 : vector<16xf32>
        tpu.vector_store_idx %arg10[%add3A_79, %broadcast_in_dim3A_272], %mul3A_274 : memref<64x128xf32, #tpu.memory_space<vmem>>[vector<16xi32>, vector<16xi32>], vector<16xf32>,
        %broadcast_in_dim3A_275 = arith.constant 46 : i32
        %broadcast_in_dim3A_276 = vector.broadcast %broadcast_in_dim3A_275 : i32 to vector<16xi32>
        %gather3A_277 = tpu.vector_load_idx %arg10[%add3A_79, %broadcast_in_dim3A_276] : memref<64x128xf32, #tpu.memory_space<vmem>>[vector<16xi32>, vector<16xi32>], vector<16xf32>,
        %mul3A_278 = arith.mulf %exp3A, %gather3A_277 : vector<16xf32>
        tpu.vector_store_idx %arg10[%add3A_79, %broadcast_in_dim3A_276], %mul3A_278 : memref<64x128xf32, #tpu.memory_space<vmem>>[vector<16xi32>, vector<16xi32>], vector<16xf32>,
        %broadcast_in_dim3A_279 = arith.constant 47 : i32
        %broadcast_in_dim3A_280 = vector.broadcast %broadcast_in_dim3A_279 : i32 to vector<16xi32>
        %gather3A_281 = tpu.vector_load_idx %arg10[%add3A_79, %broadcast_in_dim3A_280] : memref<64x128xf32, #tpu.memory_space<vmem>>[vector<16xi32>, vector<16xi32>], vector<16xf32>,
        %mul3A_282 = arith.mulf %exp3A, %gather3A_281 : vector<16xf32>
        tpu.vector_store_idx %arg10[%add3A_79, %broadcast_in_dim3A_280], %mul3A_282 : memref<64x128xf32, #tpu.memory_space<vmem>>[vector<16xi32>, vector<16xi32>], vector<16xf32>,
        %broadcast_in_dim3A_283 = arith.constant 48 : i32
        %broadcast_in_dim3A_284 = vector.broadcast %broadcast_in_dim3A_283 : i32 to vector<16xi32>
        %gather3A_285 = tpu.vector_load_idx %arg10[%add3A_79, %broadcast_in_dim3A_284] : memref<64x128xf32, #tpu.memory_space<vmem>>[vector<16xi32>, vector<16xi32>], vector<16xf32>,
        %mul3A_286 = arith.mulf %exp3A, %gather3A_285 : vector<16xf32>
        tpu.vector_store_idx %arg10[%add3A_79, %broadcast_in_dim3A_284], %mul3A_286 : memref<64x128xf32, #tpu.memory_space<vmem>>[vector<16xi32>, vector<16xi32>], vector<16xf32>,
        %broadcast_in_dim3A_287 = arith.constant 49 : i32
        %broadcast_in_dim3A_288 = vector.broadcast %broadcast_in_dim3A_287 : i32 to vector<16xi32>
        %gather3A_289 = tpu.vector_load_idx %arg10[%add3A_79, %broadcast_in_dim3A_288] : memref<64x128xf32, #tpu.memory_space<vmem>>[vector<16xi32>, vector<16xi32>], vector<16xf32>,
        %mul3A_290 = arith.mulf %exp3A, %gather3A_289 : vector<16xf32>
        tpu.vector_store_idx %arg10[%add3A_79, %broadcast_in_dim3A_288], %mul3A_290 : memref<64x128xf32, #tpu.memory_space<vmem>>[vector<16xi32>, vector<16xi32>], vector<16xf32>,
        %broadcast_in_dim3A_291 = arith.constant 50 : i32
        %broadcast_in_dim3A_292 = vector.broadcast %broadcast_in_dim3A_291 : i32 to vector<16xi32>
        %gather3A_293 = tpu.vector_load_idx %arg10[%add3A_79, %broadcast_in_dim3A_292] : memref<64x128xf32, #tpu.memory_space<vmem>>[vector<16xi32>, vector<16xi32>], vector<16xf32>,
        %mul3A_294 = arith.mulf %exp3A, %gather3A_293 : vector<16xf32>
        tpu.vector_store_idx %arg10[%add3A_79, %broadcast_in_dim3A_292], %mul3A_294 : memref<64x128xf32, #tpu.memory_space<vmem>>[vector<16xi32>, vector<16xi32>], vector<16xf32>,
        %broadcast_in_dim3A_295 = arith.constant 51 : i32
        %broadcast_in_dim3A_296 = vector.broadcast %broadcast_in_dim3A_295 : i32 to vector<16xi32>
        %gather3A_297 = tpu.vector_load_idx %arg10[%add3A_79, %broadcast_in_dim3A_296] : memref<64x128xf32, #tpu.memory_space<vmem>>[vector<16xi32>, vector<16xi32>], vector<16xf32>,
        %mul3A_298 = arith.mulf %exp3A, %gather3A_297 : vector<16xf32>
        tpu.vector_store_idx %arg10[%add3A_79, %broadcast_in_dim3A_296], %mul3A_298 : memref<64x128xf32, #tpu.memory_space<vmem>>[vector<16xi32>, vector<16xi32>], vector<16xf32>,
        %broadcast_in_dim3A_299 = arith.constant 52 : i32
        %broadcast_in_dim3A_300 = vector.broadcast %broadcast_in_dim3A_299 : i32 to vector<16xi32>
        %gather3A_301 = tpu.vector_load_idx %arg10[%add3A_79, %broadcast_in_dim3A_300] : memref<64x128xf32, #tpu.memory_space<vmem>>[vector<16xi32>, vector<16xi32>], vector<16xf32>,
        %mul3A_302 = arith.mulf %exp3A, %gather3A_301 : vector<16xf32>
        tpu.vector_store_idx %arg10[%add3A_79, %broadcast_in_dim3A_300], %mul3A_302 : memref<64x128xf32, #tpu.memory_space<vmem>>[vector<16xi32>, vector<16xi32>], vector<16xf32>,
        %broadcast_in_dim3A_303 = arith.constant 53 : i32
        %broadcast_in_dim3A_304 = vector.broadcast %broadcast_in_dim3A_303 : i32 to vector<16xi32>
        %gather3A_305 = tpu.vector_load_idx %arg10[%add3A_79, %broadcast_in_dim3A_304] : memref<64x128xf32, #tpu.memory_space<vmem>>[vector<16xi32>, vector<16xi32>], vector<16xf32>,
        %mul3A_306 = arith.mulf %exp3A, %gather3A_305 : vector<16xf32>
        tpu.vector_store_idx %arg10[%add3A_79, %broadcast_in_dim3A_304], %mul3A_306 : memref<64x128xf32, #tpu.memory_space<vmem>>[vector<16xi32>, vector<16xi32>], vector<16xf32>,
        %broadcast_in_dim3A_307 = arith.constant 54 : i32
        %broadcast_in_dim3A_308 = vector.broadcast %broadcast_in_dim3A_307 : i32 to vector<16xi32>
        %gather3A_309 = tpu.vector_load_idx %arg10[%add3A_79, %broadcast_in_dim3A_308] : memref<64x128xf32, #tpu.memory_space<vmem>>[vector<16xi32>, vector<16xi32>], vector<16xf32>,
        %mul3A_310 = arith.mulf %exp3A, %gather3A_309 : vector<16xf32>
        tpu.vector_store_idx %arg10[%add3A_79, %broadcast_in_dim3A_308], %mul3A_310 : memref<64x128xf32, #tpu.memory_space<vmem>>[vector<16xi32>, vector<16xi32>], vector<16xf32>,
        %broadcast_in_dim3A_311 = arith.constant 55 : i32
        %broadcast_in_dim3A_312 = vector.broadcast %broadcast_in_dim3A_311 : i32 to vector<16xi32>
        %gather3A_313 = tpu.vector_load_idx %arg10[%add3A_79, %broadcast_in_dim3A_312] : memref<64x128xf32, #tpu.memory_space<vmem>>[vector<16xi32>, vector<16xi32>], vector<16xf32>,
        %mul3A_314 = arith.mulf %exp3A, %gather3A_313 : vector<16xf32>
        tpu.vector_store_idx %arg10[%add3A_79, %broadcast_in_dim3A_312], %mul3A_314 : memref<64x128xf32, #tpu.memory_space<vmem>>[vector<16xi32>, vector<16xi32>], vector<16xf32>,
        %broadcast_in_dim3A_315 = arith.constant 56 : i32
        %broadcast_in_dim3A_316 = vector.broadcast %broadcast_in_dim3A_315 : i32 to vector<16xi32>
        %gather3A_317 = tpu.vector_load_idx %arg10[%add3A_79, %broadcast_in_dim3A_316] : memref<64x128xf32, #tpu.memory_space<vmem>>[vector<16xi32>, vector<16xi32>], vector<16xf32>,
        %mul3A_318 = arith.mulf %exp3A, %gather3A_317 : vector<16xf32>
        tpu.vector_store_idx %arg10[%add3A_79, %broadcast_in_dim3A_316], %mul3A_318 : memref<64x128xf32, #tpu.memory_space<vmem>>[vector<16xi32>, vector<16xi32>], vector<16xf32>,
        %broadcast_in_dim3A_319 = arith.constant 57 : i32
        %broadcast_in_dim3A_320 = vector.broadcast %broadcast_in_dim3A_319 : i32 to vector<16xi32>
        %gather3A_321 = tpu.vector_load_idx %arg10[%add3A_79, %broadcast_in_dim3A_320] : memref<64x128xf32, #tpu.memory_space<vmem>>[vector<16xi32>, vector<16xi32>], vector<16xf32>,
        %mul3A_322 = arith.mulf %exp3A, %gather3A_321 : vector<16xf32>
        tpu.vector_store_idx %arg10[%add3A_79, %broadcast_in_dim3A_320], %mul3A_322 : memref<64x128xf32, #tpu.memory_space<vmem>>[vector<16xi32>, vector<16xi32>], vector<16xf32>,
        %broadcast_in_dim3A_323 = arith.constant 58 : i32
        %broadcast_in_dim3A_324 = vector.broadcast %broadcast_in_dim3A_323 : i32 to vector<16xi32>
        %gather3A_325 = tpu.vector_load_idx %arg10[%add3A_79, %broadcast_in_dim3A_324] : memref<64x128xf32, #tpu.memory_space<vmem>>[vector<16xi32>, vector<16xi32>], vector<16xf32>,
        %mul3A_326 = arith.mulf %exp3A, %gather3A_325 : vector<16xf32>
        tpu.vector_store_idx %arg10[%add3A_79, %broadcast_in_dim3A_324], %mul3A_326 : memref<64x128xf32, #tpu.memory_space<vmem>>[vector<16xi32>, vector<16xi32>], vector<16xf32>,
        %broadcast_in_dim3A_327 = arith.constant 59 : i32
        %broadcast_in_dim3A_328 = vector.broadcast %broadcast_in_dim3A_327 : i32 to vector<16xi32>
        %gather3A_329 = tpu.vector_load_idx %arg10[%add3A_79, %broadcast_in_dim3A_328] : memref<64x128xf32, #tpu.memory_space<vmem>>[vector<16xi32>, vector<16xi32>], vector<16xf32>,
        %mul3A_330 = arith.mulf %exp3A, %gather3A_329 : vector<16xf32>
        tpu.vector_store_idx %arg10[%add3A_79, %broadcast_in_dim3A_328], %mul3A_330 : memref<64x128xf32, #tpu.memory_space<vmem>>[vector<16xi32>, vector<16xi32>], vector<16xf32>,
        %broadcast_in_dim3A_331 = arith.constant 60 : i32
        %broadcast_in_dim3A_332 = vector.broadcast %broadcast_in_dim3A_331 : i32 to vector<16xi32>
        %gather3A_333 = tpu.vector_load_idx %arg10[%add3A_79, %broadcast_in_dim3A_332] : memref<64x128xf32, #tpu.memory_space<vmem>>[vector<16xi32>, vector<16xi32>], vector<16xf32>,
        %mul3A_334 = arith.mulf %exp3A, %gather3A_333 : vector<16xf32>
        tpu.vector_store_idx %arg10[%add3A_79, %broadcast_in_dim3A_332], %mul3A_334 : memref<64x128xf32, #tpu.memory_space<vmem>>[vector<16xi32>, vector<16xi32>], vector<16xf32>,
        %broadcast_in_dim3A_335 = arith.constant 61 : i32
        %broadcast_in_dim3A_336 = vector.broadcast %broadcast_in_dim3A_335 : i32 to vector<16xi32>
        %gather3A_337 = tpu.vector_load_idx %arg10[%add3A_79, %broadcast_in_dim3A_336] : memref<64x128xf32, #tpu.memory_space<vmem>>[vector<16xi32>, vector<16xi32>], vector<16xf32>,
        %mul3A_338 = arith.mulf %exp3A, %gather3A_337 : vector<16xf32>
        tpu.vector_store_idx %arg10[%add3A_79, %broadcast_in_dim3A_336], %mul3A_338 : memref<64x128xf32, #tpu.memory_space<vmem>>[vector<16xi32>, vector<16xi32>], vector<16xf32>,
        %broadcast_in_dim3A_339 = arith.constant 62 : i32
        %broadcast_in_dim3A_340 = vector.broadcast %broadcast_in_dim3A_339 : i32 to vector<16xi32>
        %gather3A_341 = tpu.vector_load_idx %arg10[%add3A_79, %broadcast_in_dim3A_340] : memref<64x128xf32, #tpu.memory_space<vmem>>[vector<16xi32>, vector<16xi32>], vector<16xf32>,
        %mul3A_342 = arith.mulf %exp3A, %gather3A_341 : vector<16xf32>
        tpu.vector_store_idx %arg10[%add3A_79, %broadcast_in_dim3A_340], %mul3A_342 : memref<64x128xf32, #tpu.memory_space<vmem>>[vector<16xi32>, vector<16xi32>], vector<16xf32>,
        %broadcast_in_dim3A_343 = arith.constant 63 : i32
        %broadcast_in_dim3A_344 = vector.broadcast %broadcast_in_dim3A_343 : i32 to vector<16xi32>
        %gather3A_345 = tpu.vector_load_idx %arg10[%add3A_79, %broadcast_in_dim3A_344] : memref<64x128xf32, #tpu.memory_space<vmem>>[vector<16xi32>, vector<16xi32>], vector<16xf32>,
        %mul3A_346 = arith.mulf %exp3A, %gather3A_345 : vector<16xf32>
        tpu.vector_store_idx %arg10[%add3A_79, %broadcast_in_dim3A_344], %mul3A_346 : memref<64x128xf32, #tpu.memory_space<vmem>>[vector<16xi32>, vector<16xi32>], vector<16xf32>,
      }
      %scan3A_62 = arith.constant 4 : i32
      "tpu.region"() ({
        %run_scoped3A = tpu.sem_alloc : memref<!tpu.dma_semaphore, #tpu.memory_space<semaphore_mem>>
        %dma_start3A_75 = arith.constant 0 : i32
        %dma_start3A_76 = arith.constant 0 : i32
        %dma_start3A_77 = tpu.memref_slice %arg14[%dma_start3A_75, %dma_start3A_76] : memref<10112x128xf32, #tpu.memory_space<vmem_shared>> -> memref<10112x128xf32, #tpu.memory_space<vmem_shared>>
        tpu.enqueue_indirect_dma source(%arg10 : memref<64x128xf32, #tpu.memory_space<vmem>>) target(%dma_start3A_77 : memref<10112x128xf32, #tpu.memory_space<vmem_shared>>) offsets(%arg8 : memref<64xi32, #tpu.memory_space<vmem>>) semaphore(%run_scoped3A : memref<!tpu.dma_semaphore, #tpu.memory_space<semaphore_mem>>) {add = true}
        %dma_wait3A_78 = arith.constant 0 : i32
        %dma_wait3A_79 = arith.constant 0 : i32
        %dma_wait3A_80 = tpu.memref_slice %arg14[%dma_wait3A_78, %dma_wait3A_79] : memref<10112x128xf32, #tpu.memory_space<vmem_shared>> -> memref<10112x128xf32, #tpu.memory_space<vmem_shared>>
        tpu.wait_indirect_dma semaphore(%run_scoped3A : memref<!tpu.dma_semaphore, #tpu.memory_space<semaphore_mem>>) src(%arg10 : memref<64x128xf32, #tpu.memory_space<vmem>>) dst(%dma_wait3A_80 : memref<10112x128xf32, #tpu.memory_space<vmem_shared>>)
        tpu.yield
      }) : () -> ()
      %dma_wait3A_63 = arith.constant 0 : i32
      %dma_wait3A_64 = arith.constant 0 : i32
      %dma_wait3A_65 = tpu.memref_slice %arg4[%dma_wait3A_63, %dma_wait3A_64] : memref<10112x128xf32, #tpu.memory_space<hbm>> -> memref<10112x128xf32, #tpu.memory_space<hbm>>
      tpu.wait_indirect_dma semaphore(%arg16 : memref<!tpu.dma_semaphore, #tpu.memory_space<semaphore_mem>>) src(%dma_wait3A_65 : memref<10112x128xf32, #tpu.memory_space<hbm>>) dst(%arg11 : memref<64x128xf32, #tpu.memory_space<vmem>>)
      %dma_wait3A_66 = arith.constant 0 : i32
      %dma_wait3A_67 = arith.constant 0 : i32
      %dma_wait3A_68 = tpu.memref_slice %arg4[%dma_wait3A_66, %dma_wait3A_67] : memref<10112x128xf32, #tpu.memory_space<hbm>> -> memref<10112x128xf32, #tpu.memory_space<hbm>>
      tpu.wait_indirect_dma semaphore(%arg16 : memref<!tpu.dma_semaphore, #tpu.memory_space<semaphore_mem>>) src(%dma_wait3A_68 : memref<10112x128xf32, #tpu.memory_space<hbm>>) dst(%arg13 : memref<64x128xf32, #tpu.memory_space<vmem>>)
      %scan3A_69 = arith.constant 0 : i32
      %scan3A_70 = arith.constant 0 : i32
      %scan3A_71 = arith.constant 4 : i32
      %scan3A_72 = arith.addi %scan3A_70, %scan3A_71 : i32
      %scan3A_73 = arith.constant 1 : i32
      scf.for %scan3A_75 = %scan3A_70 to %scan3A_72 step %scan3A_73  : i32 {
        %mul3A_76 = arith.constant 16 : i32
        %mul3A_77 = arith.muli %scan3A_75, %mul3A_76 : i32
        %add3A_78 = vector.broadcast %mul3A_77 : i32 to vector<16xi32>
        %add3A_79 = arith.addi %iota3A, %add3A_78 : vector<16xi32>
        %broadcast_in_dim3A_80 = arith.constant 64 : i32
        %broadcast_in_dim3A_81 = vector.broadcast %broadcast_in_dim3A_80 : i32 to vector<16xi32>
        %gather3A = tpu.vector_load_idx %arg11[%add3A_79, %broadcast_in_dim3A_81] : memref<64x128xf32, #tpu.memory_space<vmem>>[vector<16xi32>, vector<16xi32>], vector<16xf32>,
        %broadcast_in_dim3A_82 = arith.constant 65 : i32
        %broadcast_in_dim3A_83 = vector.broadcast %broadcast_in_dim3A_82 : i32 to vector<16xi32>
        %gather3A_84 = tpu.vector_load_idx %arg13[%add3A_79, %broadcast_in_dim3A_83] : memref<64x128xf32, #tpu.memory_space<vmem>>[vector<16xi32>, vector<16xi32>], vector<16xf32>,
        %add3A_85 = arith.addf %gather3A, %gather3A_84 : vector<16xf32>
        %mul3A_86 = arith.constant 2.000000e-01 : f32
        %mul3A_87 = vector.broadcast %mul3A_86 : f32 to vector<16xf32>
        %mul3A_88 = arith.mulf %mul3A_87, %add3A_85 : vector<16xf32>
        %max3A = arith.maximumf %add3A_85, %mul3A_88 : vector<16xf32>
        %exp3A = math.exp %max3A : vector<16xf32>
        %broadcast_in_dim3A_89 = arith.constant 64 : i32
        %broadcast_in_dim3A_90 = vector.broadcast %broadcast_in_dim3A_89 : i32 to vector<16xi32>
        tpu.vector_store_idx %arg11[%add3A_79, %broadcast_in_dim3A_90], %exp3A : memref<64x128xf32, #tpu.memory_space<vmem>>[vector<16xi32>, vector<16xi32>], vector<16xf32>,
        %broadcast_in_dim3A_91 = arith.constant 0 : i32
        %broadcast_in_dim3A_92 = vector.broadcast %broadcast_in_dim3A_91 : i32 to vector<16xi32>
        %gather3A_93 = tpu.vector_load_idx %arg11[%add3A_79, %broadcast_in_dim3A_92] : memref<64x128xf32, #tpu.memory_space<vmem>>[vector<16xi32>, vector<16xi32>], vector<16xf32>,
        %mul3A_94 = arith.mulf %exp3A, %gather3A_93 : vector<16xf32>
        tpu.vector_store_idx %arg11[%add3A_79, %broadcast_in_dim3A_92], %mul3A_94 : memref<64x128xf32, #tpu.memory_space<vmem>>[vector<16xi32>, vector<16xi32>], vector<16xf32>,
        %broadcast_in_dim3A_95 = arith.constant 1 : i32
        %broadcast_in_dim3A_96 = vector.broadcast %broadcast_in_dim3A_95 : i32 to vector<16xi32>
        %gather3A_97 = tpu.vector_load_idx %arg11[%add3A_79, %broadcast_in_dim3A_96] : memref<64x128xf32, #tpu.memory_space<vmem>>[vector<16xi32>, vector<16xi32>], vector<16xf32>,
        %mul3A_98 = arith.mulf %exp3A, %gather3A_97 : vector<16xf32>
        tpu.vector_store_idx %arg11[%add3A_79, %broadcast_in_dim3A_96], %mul3A_98 : memref<64x128xf32, #tpu.memory_space<vmem>>[vector<16xi32>, vector<16xi32>], vector<16xf32>,
        %broadcast_in_dim3A_99 = arith.constant 2 : i32
        %broadcast_in_dim3A_100 = vector.broadcast %broadcast_in_dim3A_99 : i32 to vector<16xi32>
        %gather3A_101 = tpu.vector_load_idx %arg11[%add3A_79, %broadcast_in_dim3A_100] : memref<64x128xf32, #tpu.memory_space<vmem>>[vector<16xi32>, vector<16xi32>], vector<16xf32>,
        %mul3A_102 = arith.mulf %exp3A, %gather3A_101 : vector<16xf32>
        tpu.vector_store_idx %arg11[%add3A_79, %broadcast_in_dim3A_100], %mul3A_102 : memref<64x128xf32, #tpu.memory_space<vmem>>[vector<16xi32>, vector<16xi32>], vector<16xf32>,
        %broadcast_in_dim3A_103 = arith.constant 3 : i32
        %broadcast_in_dim3A_104 = vector.broadcast %broadcast_in_dim3A_103 : i32 to vector<16xi32>
        %gather3A_105 = tpu.vector_load_idx %arg11[%add3A_79, %broadcast_in_dim3A_104] : memref<64x128xf32, #tpu.memory_space<vmem>>[vector<16xi32>, vector<16xi32>], vector<16xf32>,
        %mul3A_106 = arith.mulf %exp3A, %gather3A_105 : vector<16xf32>
        tpu.vector_store_idx %arg11[%add3A_79, %broadcast_in_dim3A_104], %mul3A_106 : memref<64x128xf32, #tpu.memory_space<vmem>>[vector<16xi32>, vector<16xi32>], vector<16xf32>,
        %broadcast_in_dim3A_107 = arith.constant 4 : i32
        %broadcast_in_dim3A_108 = vector.broadcast %broadcast_in_dim3A_107 : i32 to vector<16xi32>
        %gather3A_109 = tpu.vector_load_idx %arg11[%add3A_79, %broadcast_in_dim3A_108] : memref<64x128xf32, #tpu.memory_space<vmem>>[vector<16xi32>, vector<16xi32>], vector<16xf32>,
        %mul3A_110 = arith.mulf %exp3A, %gather3A_109 : vector<16xf32>
        tpu.vector_store_idx %arg11[%add3A_79, %broadcast_in_dim3A_108], %mul3A_110 : memref<64x128xf32, #tpu.memory_space<vmem>>[vector<16xi32>, vector<16xi32>], vector<16xf32>,
        %broadcast_in_dim3A_111 = arith.constant 5 : i32
        %broadcast_in_dim3A_112 = vector.broadcast %broadcast_in_dim3A_111 : i32 to vector<16xi32>
        %gather3A_113 = tpu.vector_load_idx %arg11[%add3A_79, %broadcast_in_dim3A_112] : memref<64x128xf32, #tpu.memory_space<vmem>>[vector<16xi32>, vector<16xi32>], vector<16xf32>,
        %mul3A_114 = arith.mulf %exp3A, %gather3A_113 : vector<16xf32>
        tpu.vector_store_idx %arg11[%add3A_79, %broadcast_in_dim3A_112], %mul3A_114 : memref<64x128xf32, #tpu.memory_space<vmem>>[vector<16xi32>, vector<16xi32>], vector<16xf32>,
        %broadcast_in_dim3A_115 = arith.constant 6 : i32
        %broadcast_in_dim3A_116 = vector.broadcast %broadcast_in_dim3A_115 : i32 to vector<16xi32>
        %gather3A_117 = tpu.vector_load_idx %arg11[%add3A_79, %broadcast_in_dim3A_116] : memref<64x128xf32, #tpu.memory_space<vmem>>[vector<16xi32>, vector<16xi32>], vector<16xf32>,
        %mul3A_118 = arith.mulf %exp3A, %gather3A_117 : vector<16xf32>
        tpu.vector_store_idx %arg11[%add3A_79, %broadcast_in_dim3A_116], %mul3A_118 : memref<64x128xf32, #tpu.memory_space<vmem>>[vector<16xi32>, vector<16xi32>], vector<16xf32>,
        %broadcast_in_dim3A_119 = arith.constant 7 : i32
        %broadcast_in_dim3A_120 = vector.broadcast %broadcast_in_dim3A_119 : i32 to vector<16xi32>
        %gather3A_121 = tpu.vector_load_idx %arg11[%add3A_79, %broadcast_in_dim3A_120] : memref<64x128xf32, #tpu.memory_space<vmem>>[vector<16xi32>, vector<16xi32>], vector<16xf32>,
        %mul3A_122 = arith.mulf %exp3A, %gather3A_121 : vector<16xf32>
        tpu.vector_store_idx %arg11[%add3A_79, %broadcast_in_dim3A_120], %mul3A_122 : memref<64x128xf32, #tpu.memory_space<vmem>>[vector<16xi32>, vector<16xi32>], vector<16xf32>,
        %broadcast_in_dim3A_123 = arith.constant 8 : i32
        %broadcast_in_dim3A_124 = vector.broadcast %broadcast_in_dim3A_123 : i32 to vector<16xi32>
        %gather3A_125 = tpu.vector_load_idx %arg11[%add3A_79, %broadcast_in_dim3A_124] : memref<64x128xf32, #tpu.memory_space<vmem>>[vector<16xi32>, vector<16xi32>], vector<16xf32>,
        %mul3A_126 = arith.mulf %exp3A, %gather3A_125 : vector<16xf32>
        tpu.vector_store_idx %arg11[%add3A_79, %broadcast_in_dim3A_124], %mul3A_126 : memref<64x128xf32, #tpu.memory_space<vmem>>[vector<16xi32>, vector<16xi32>], vector<16xf32>,
        %broadcast_in_dim3A_127 = arith.constant 9 : i32
        %broadcast_in_dim3A_128 = vector.broadcast %broadcast_in_dim3A_127 : i32 to vector<16xi32>
        %gather3A_129 = tpu.vector_load_idx %arg11[%add3A_79, %broadcast_in_dim3A_128] : memref<64x128xf32, #tpu.memory_space<vmem>>[vector<16xi32>, vector<16xi32>], vector<16xf32>,
        %mul3A_130 = arith.mulf %exp3A, %gather3A_129 : vector<16xf32>
        tpu.vector_store_idx %arg11[%add3A_79, %broadcast_in_dim3A_128], %mul3A_130 : memref<64x128xf32, #tpu.memory_space<vmem>>[vector<16xi32>, vector<16xi32>], vector<16xf32>,
        %broadcast_in_dim3A_131 = arith.constant 10 : i32
        %broadcast_in_dim3A_132 = vector.broadcast %broadcast_in_dim3A_131 : i32 to vector<16xi32>
        %gather3A_133 = tpu.vector_load_idx %arg11[%add3A_79, %broadcast_in_dim3A_132] : memref<64x128xf32, #tpu.memory_space<vmem>>[vector<16xi32>, vector<16xi32>], vector<16xf32>,
        %mul3A_134 = arith.mulf %exp3A, %gather3A_133 : vector<16xf32>
        tpu.vector_store_idx %arg11[%add3A_79, %broadcast_in_dim3A_132], %mul3A_134 : memref<64x128xf32, #tpu.memory_space<vmem>>[vector<16xi32>, vector<16xi32>], vector<16xf32>,
        %broadcast_in_dim3A_135 = arith.constant 11 : i32
        %broadcast_in_dim3A_136 = vector.broadcast %broadcast_in_dim3A_135 : i32 to vector<16xi32>
        %gather3A_137 = tpu.vector_load_idx %arg11[%add3A_79, %broadcast_in_dim3A_136] : memref<64x128xf32, #tpu.memory_space<vmem>>[vector<16xi32>, vector<16xi32>], vector<16xf32>,
        %mul3A_138 = arith.mulf %exp3A, %gather3A_137 : vector<16xf32>
        tpu.vector_store_idx %arg11[%add3A_79, %broadcast_in_dim3A_136], %mul3A_138 : memref<64x128xf32, #tpu.memory_space<vmem>>[vector<16xi32>, vector<16xi32>], vector<16xf32>,
        %broadcast_in_dim3A_139 = arith.constant 12 : i32
        %broadcast_in_dim3A_140 = vector.broadcast %broadcast_in_dim3A_139 : i32 to vector<16xi32>
        %gather3A_141 = tpu.vector_load_idx %arg11[%add3A_79, %broadcast_in_dim3A_140] : memref<64x128xf32, #tpu.memory_space<vmem>>[vector<16xi32>, vector<16xi32>], vector<16xf32>,
        %mul3A_142 = arith.mulf %exp3A, %gather3A_141 : vector<16xf32>
        tpu.vector_store_idx %arg11[%add3A_79, %broadcast_in_dim3A_140], %mul3A_142 : memref<64x128xf32, #tpu.memory_space<vmem>>[vector<16xi32>, vector<16xi32>], vector<16xf32>,
        %broadcast_in_dim3A_143 = arith.constant 13 : i32
        %broadcast_in_dim3A_144 = vector.broadcast %broadcast_in_dim3A_143 : i32 to vector<16xi32>
        %gather3A_145 = tpu.vector_load_idx %arg11[%add3A_79, %broadcast_in_dim3A_144] : memref<64x128xf32, #tpu.memory_space<vmem>>[vector<16xi32>, vector<16xi32>], vector<16xf32>,
        %mul3A_146 = arith.mulf %exp3A, %gather3A_145 : vector<16xf32>
        tpu.vector_store_idx %arg11[%add3A_79, %broadcast_in_dim3A_144], %mul3A_146 : memref<64x128xf32, #tpu.memory_space<vmem>>[vector<16xi32>, vector<16xi32>], vector<16xf32>,
        %broadcast_in_dim3A_147 = arith.constant 14 : i32
        %broadcast_in_dim3A_148 = vector.broadcast %broadcast_in_dim3A_147 : i32 to vector<16xi32>
        %gather3A_149 = tpu.vector_load_idx %arg11[%add3A_79, %broadcast_in_dim3A_148] : memref<64x128xf32, #tpu.memory_space<vmem>>[vector<16xi32>, vector<16xi32>], vector<16xf32>,
        %mul3A_150 = arith.mulf %exp3A, %gather3A_149 : vector<16xf32>
        tpu.vector_store_idx %arg11[%add3A_79, %broadcast_in_dim3A_148], %mul3A_150 : memref<64x128xf32, #tpu.memory_space<vmem>>[vector<16xi32>, vector<16xi32>], vector<16xf32>,
        %broadcast_in_dim3A_151 = arith.constant 15 : i32
        %broadcast_in_dim3A_152 = vector.broadcast %broadcast_in_dim3A_151 : i32 to vector<16xi32>
        %gather3A_153 = tpu.vector_load_idx %arg11[%add3A_79, %broadcast_in_dim3A_152] : memref<64x128xf32, #tpu.memory_space<vmem>>[vector<16xi32>, vector<16xi32>], vector<16xf32>,
        %mul3A_154 = arith.mulf %exp3A, %gather3A_153 : vector<16xf32>
        tpu.vector_store_idx %arg11[%add3A_79, %broadcast_in_dim3A_152], %mul3A_154 : memref<64x128xf32, #tpu.memory_space<vmem>>[vector<16xi32>, vector<16xi32>], vector<16xf32>,
        %broadcast_in_dim3A_155 = arith.constant 16 : i32
        %broadcast_in_dim3A_156 = vector.broadcast %broadcast_in_dim3A_155 : i32 to vector<16xi32>
        %gather3A_157 = tpu.vector_load_idx %arg11[%add3A_79, %broadcast_in_dim3A_156] : memref<64x128xf32, #tpu.memory_space<vmem>>[vector<16xi32>, vector<16xi32>], vector<16xf32>,
        %mul3A_158 = arith.mulf %exp3A, %gather3A_157 : vector<16xf32>
        tpu.vector_store_idx %arg11[%add3A_79, %broadcast_in_dim3A_156], %mul3A_158 : memref<64x128xf32, #tpu.memory_space<vmem>>[vector<16xi32>, vector<16xi32>], vector<16xf32>,
        %broadcast_in_dim3A_159 = arith.constant 17 : i32
        %broadcast_in_dim3A_160 = vector.broadcast %broadcast_in_dim3A_159 : i32 to vector<16xi32>
        %gather3A_161 = tpu.vector_load_idx %arg11[%add3A_79, %broadcast_in_dim3A_160] : memref<64x128xf32, #tpu.memory_space<vmem>>[vector<16xi32>, vector<16xi32>], vector<16xf32>,
        %mul3A_162 = arith.mulf %exp3A, %gather3A_161 : vector<16xf32>
        tpu.vector_store_idx %arg11[%add3A_79, %broadcast_in_dim3A_160], %mul3A_162 : memref<64x128xf32, #tpu.memory_space<vmem>>[vector<16xi32>, vector<16xi32>], vector<16xf32>,
        %broadcast_in_dim3A_163 = arith.constant 18 : i32
        %broadcast_in_dim3A_164 = vector.broadcast %broadcast_in_dim3A_163 : i32 to vector<16xi32>
        %gather3A_165 = tpu.vector_load_idx %arg11[%add3A_79, %broadcast_in_dim3A_164] : memref<64x128xf32, #tpu.memory_space<vmem>>[vector<16xi32>, vector<16xi32>], vector<16xf32>,
        %mul3A_166 = arith.mulf %exp3A, %gather3A_165 : vector<16xf32>
        tpu.vector_store_idx %arg11[%add3A_79, %broadcast_in_dim3A_164], %mul3A_166 : memref<64x128xf32, #tpu.memory_space<vmem>>[vector<16xi32>, vector<16xi32>], vector<16xf32>,
        %broadcast_in_dim3A_167 = arith.constant 19 : i32
        %broadcast_in_dim3A_168 = vector.broadcast %broadcast_in_dim3A_167 : i32 to vector<16xi32>
        %gather3A_169 = tpu.vector_load_idx %arg11[%add3A_79, %broadcast_in_dim3A_168] : memref<64x128xf32, #tpu.memory_space<vmem>>[vector<16xi32>, vector<16xi32>], vector<16xf32>,
        %mul3A_170 = arith.mulf %exp3A, %gather3A_169 : vector<16xf32>
        tpu.vector_store_idx %arg11[%add3A_79, %broadcast_in_dim3A_168], %mul3A_170 : memref<64x128xf32, #tpu.memory_space<vmem>>[vector<16xi32>, vector<16xi32>], vector<16xf32>,
        %broadcast_in_dim3A_171 = arith.constant 20 : i32
        %broadcast_in_dim3A_172 = vector.broadcast %broadcast_in_dim3A_171 : i32 to vector<16xi32>
        %gather3A_173 = tpu.vector_load_idx %arg11[%add3A_79, %broadcast_in_dim3A_172] : memref<64x128xf32, #tpu.memory_space<vmem>>[vector<16xi32>, vector<16xi32>], vector<16xf32>,
        %mul3A_174 = arith.mulf %exp3A, %gather3A_173 : vector<16xf32>
        tpu.vector_store_idx %arg11[%add3A_79, %broadcast_in_dim3A_172], %mul3A_174 : memref<64x128xf32, #tpu.memory_space<vmem>>[vector<16xi32>, vector<16xi32>], vector<16xf32>,
        %broadcast_in_dim3A_175 = arith.constant 21 : i32
        %broadcast_in_dim3A_176 = vector.broadcast %broadcast_in_dim3A_175 : i32 to vector<16xi32>
        %gather3A_177 = tpu.vector_load_idx %arg11[%add3A_79, %broadcast_in_dim3A_176] : memref<64x128xf32, #tpu.memory_space<vmem>>[vector<16xi32>, vector<16xi32>], vector<16xf32>,
        %mul3A_178 = arith.mulf %exp3A, %gather3A_177 : vector<16xf32>
        tpu.vector_store_idx %arg11[%add3A_79, %broadcast_in_dim3A_176], %mul3A_178 : memref<64x128xf32, #tpu.memory_space<vmem>>[vector<16xi32>, vector<16xi32>], vector<16xf32>,
        %broadcast_in_dim3A_179 = arith.constant 22 : i32
        %broadcast_in_dim3A_180 = vector.broadcast %broadcast_in_dim3A_179 : i32 to vector<16xi32>
        %gather3A_181 = tpu.vector_load_idx %arg11[%add3A_79, %broadcast_in_dim3A_180] : memref<64x128xf32, #tpu.memory_space<vmem>>[vector<16xi32>, vector<16xi32>], vector<16xf32>,
        %mul3A_182 = arith.mulf %exp3A, %gather3A_181 : vector<16xf32>
        tpu.vector_store_idx %arg11[%add3A_79, %broadcast_in_dim3A_180], %mul3A_182 : memref<64x128xf32, #tpu.memory_space<vmem>>[vector<16xi32>, vector<16xi32>], vector<16xf32>,
        %broadcast_in_dim3A_183 = arith.constant 23 : i32
        %broadcast_in_dim3A_184 = vector.broadcast %broadcast_in_dim3A_183 : i32 to vector<16xi32>
        %gather3A_185 = tpu.vector_load_idx %arg11[%add3A_79, %broadcast_in_dim3A_184] : memref<64x128xf32, #tpu.memory_space<vmem>>[vector<16xi32>, vector<16xi32>], vector<16xf32>,
        %mul3A_186 = arith.mulf %exp3A, %gather3A_185 : vector<16xf32>
        tpu.vector_store_idx %arg11[%add3A_79, %broadcast_in_dim3A_184], %mul3A_186 : memref<64x128xf32, #tpu.memory_space<vmem>>[vector<16xi32>, vector<16xi32>], vector<16xf32>,
        %broadcast_in_dim3A_187 = arith.constant 24 : i32
        %broadcast_in_dim3A_188 = vector.broadcast %broadcast_in_dim3A_187 : i32 to vector<16xi32>
        %gather3A_189 = tpu.vector_load_idx %arg11[%add3A_79, %broadcast_in_dim3A_188] : memref<64x128xf32, #tpu.memory_space<vmem>>[vector<16xi32>, vector<16xi32>], vector<16xf32>,
        %mul3A_190 = arith.mulf %exp3A, %gather3A_189 : vector<16xf32>
        tpu.vector_store_idx %arg11[%add3A_79, %broadcast_in_dim3A_188], %mul3A_190 : memref<64x128xf32, #tpu.memory_space<vmem>>[vector<16xi32>, vector<16xi32>], vector<16xf32>,
        %broadcast_in_dim3A_191 = arith.constant 25 : i32
        %broadcast_in_dim3A_192 = vector.broadcast %broadcast_in_dim3A_191 : i32 to vector<16xi32>
        %gather3A_193 = tpu.vector_load_idx %arg11[%add3A_79, %broadcast_in_dim3A_192] : memref<64x128xf32, #tpu.memory_space<vmem>>[vector<16xi32>, vector<16xi32>], vector<16xf32>,
        %mul3A_194 = arith.mulf %exp3A, %gather3A_193 : vector<16xf32>
        tpu.vector_store_idx %arg11[%add3A_79, %broadcast_in_dim3A_192], %mul3A_194 : memref<64x128xf32, #tpu.memory_space<vmem>>[vector<16xi32>, vector<16xi32>], vector<16xf32>,
        %broadcast_in_dim3A_195 = arith.constant 26 : i32
        %broadcast_in_dim3A_196 = vector.broadcast %broadcast_in_dim3A_195 : i32 to vector<16xi32>
        %gather3A_197 = tpu.vector_load_idx %arg11[%add3A_79, %broadcast_in_dim3A_196] : memref<64x128xf32, #tpu.memory_space<vmem>>[vector<16xi32>, vector<16xi32>], vector<16xf32>,
        %mul3A_198 = arith.mulf %exp3A, %gather3A_197 : vector<16xf32>
        tpu.vector_store_idx %arg11[%add3A_79, %broadcast_in_dim3A_196], %mul3A_198 : memref<64x128xf32, #tpu.memory_space<vmem>>[vector<16xi32>, vector<16xi32>], vector<16xf32>,
        %broadcast_in_dim3A_199 = arith.constant 27 : i32
        %broadcast_in_dim3A_200 = vector.broadcast %broadcast_in_dim3A_199 : i32 to vector<16xi32>
        %gather3A_201 = tpu.vector_load_idx %arg11[%add3A_79, %broadcast_in_dim3A_200] : memref<64x128xf32, #tpu.memory_space<vmem>>[vector<16xi32>, vector<16xi32>], vector<16xf32>,
        %mul3A_202 = arith.mulf %exp3A, %gather3A_201 : vector<16xf32>
        tpu.vector_store_idx %arg11[%add3A_79, %broadcast_in_dim3A_200], %mul3A_202 : memref<64x128xf32, #tpu.memory_space<vmem>>[vector<16xi32>, vector<16xi32>], vector<16xf32>,
        %broadcast_in_dim3A_203 = arith.constant 28 : i32
        %broadcast_in_dim3A_204 = vector.broadcast %broadcast_in_dim3A_203 : i32 to vector<16xi32>
        %gather3A_205 = tpu.vector_load_idx %arg11[%add3A_79, %broadcast_in_dim3A_204] : memref<64x128xf32, #tpu.memory_space<vmem>>[vector<16xi32>, vector<16xi32>], vector<16xf32>,
        %mul3A_206 = arith.mulf %exp3A, %gather3A_205 : vector<16xf32>
        tpu.vector_store_idx %arg11[%add3A_79, %broadcast_in_dim3A_204], %mul3A_206 : memref<64x128xf32, #tpu.memory_space<vmem>>[vector<16xi32>, vector<16xi32>], vector<16xf32>,
        %broadcast_in_dim3A_207 = arith.constant 29 : i32
        %broadcast_in_dim3A_208 = vector.broadcast %broadcast_in_dim3A_207 : i32 to vector<16xi32>
        %gather3A_209 = tpu.vector_load_idx %arg11[%add3A_79, %broadcast_in_dim3A_208] : memref<64x128xf32, #tpu.memory_space<vmem>>[vector<16xi32>, vector<16xi32>], vector<16xf32>,
        %mul3A_210 = arith.mulf %exp3A, %gather3A_209 : vector<16xf32>
        tpu.vector_store_idx %arg11[%add3A_79, %broadcast_in_dim3A_208], %mul3A_210 : memref<64x128xf32, #tpu.memory_space<vmem>>[vector<16xi32>, vector<16xi32>], vector<16xf32>,
        %broadcast_in_dim3A_211 = arith.constant 30 : i32
        %broadcast_in_dim3A_212 = vector.broadcast %broadcast_in_dim3A_211 : i32 to vector<16xi32>
        %gather3A_213 = tpu.vector_load_idx %arg11[%add3A_79, %broadcast_in_dim3A_212] : memref<64x128xf32, #tpu.memory_space<vmem>>[vector<16xi32>, vector<16xi32>], vector<16xf32>,
        %mul3A_214 = arith.mulf %exp3A, %gather3A_213 : vector<16xf32>
        tpu.vector_store_idx %arg11[%add3A_79, %broadcast_in_dim3A_212], %mul3A_214 : memref<64x128xf32, #tpu.memory_space<vmem>>[vector<16xi32>, vector<16xi32>], vector<16xf32>,
        %broadcast_in_dim3A_215 = arith.constant 31 : i32
        %broadcast_in_dim3A_216 = vector.broadcast %broadcast_in_dim3A_215 : i32 to vector<16xi32>
        %gather3A_217 = tpu.vector_load_idx %arg11[%add3A_79, %broadcast_in_dim3A_216] : memref<64x128xf32, #tpu.memory_space<vmem>>[vector<16xi32>, vector<16xi32>], vector<16xf32>,
        %mul3A_218 = arith.mulf %exp3A, %gather3A_217 : vector<16xf32>
        tpu.vector_store_idx %arg11[%add3A_79, %broadcast_in_dim3A_216], %mul3A_218 : memref<64x128xf32, #tpu.memory_space<vmem>>[vector<16xi32>, vector<16xi32>], vector<16xf32>,
        %broadcast_in_dim3A_219 = arith.constant 32 : i32
        %broadcast_in_dim3A_220 = vector.broadcast %broadcast_in_dim3A_219 : i32 to vector<16xi32>
        %gather3A_221 = tpu.vector_load_idx %arg11[%add3A_79, %broadcast_in_dim3A_220] : memref<64x128xf32, #tpu.memory_space<vmem>>[vector<16xi32>, vector<16xi32>], vector<16xf32>,
        %mul3A_222 = arith.mulf %exp3A, %gather3A_221 : vector<16xf32>
        tpu.vector_store_idx %arg11[%add3A_79, %broadcast_in_dim3A_220], %mul3A_222 : memref<64x128xf32, #tpu.memory_space<vmem>>[vector<16xi32>, vector<16xi32>], vector<16xf32>,
        %broadcast_in_dim3A_223 = arith.constant 33 : i32
        %broadcast_in_dim3A_224 = vector.broadcast %broadcast_in_dim3A_223 : i32 to vector<16xi32>
        %gather3A_225 = tpu.vector_load_idx %arg11[%add3A_79, %broadcast_in_dim3A_224] : memref<64x128xf32, #tpu.memory_space<vmem>>[vector<16xi32>, vector<16xi32>], vector<16xf32>,
        %mul3A_226 = arith.mulf %exp3A, %gather3A_225 : vector<16xf32>
        tpu.vector_store_idx %arg11[%add3A_79, %broadcast_in_dim3A_224], %mul3A_226 : memref<64x128xf32, #tpu.memory_space<vmem>>[vector<16xi32>, vector<16xi32>], vector<16xf32>,
        %broadcast_in_dim3A_227 = arith.constant 34 : i32
        %broadcast_in_dim3A_228 = vector.broadcast %broadcast_in_dim3A_227 : i32 to vector<16xi32>
        %gather3A_229 = tpu.vector_load_idx %arg11[%add3A_79, %broadcast_in_dim3A_228] : memref<64x128xf32, #tpu.memory_space<vmem>>[vector<16xi32>, vector<16xi32>], vector<16xf32>,
        %mul3A_230 = arith.mulf %exp3A, %gather3A_229 : vector<16xf32>
        tpu.vector_store_idx %arg11[%add3A_79, %broadcast_in_dim3A_228], %mul3A_230 : memref<64x128xf32, #tpu.memory_space<vmem>>[vector<16xi32>, vector<16xi32>], vector<16xf32>,
        %broadcast_in_dim3A_231 = arith.constant 35 : i32
        %broadcast_in_dim3A_232 = vector.broadcast %broadcast_in_dim3A_231 : i32 to vector<16xi32>
        %gather3A_233 = tpu.vector_load_idx %arg11[%add3A_79, %broadcast_in_dim3A_232] : memref<64x128xf32, #tpu.memory_space<vmem>>[vector<16xi32>, vector<16xi32>], vector<16xf32>,
        %mul3A_234 = arith.mulf %exp3A, %gather3A_233 : vector<16xf32>
        tpu.vector_store_idx %arg11[%add3A_79, %broadcast_in_dim3A_232], %mul3A_234 : memref<64x128xf32, #tpu.memory_space<vmem>>[vector<16xi32>, vector<16xi32>], vector<16xf32>,
        %broadcast_in_dim3A_235 = arith.constant 36 : i32
        %broadcast_in_dim3A_236 = vector.broadcast %broadcast_in_dim3A_235 : i32 to vector<16xi32>
        %gather3A_237 = tpu.vector_load_idx %arg11[%add3A_79, %broadcast_in_dim3A_236] : memref<64x128xf32, #tpu.memory_space<vmem>>[vector<16xi32>, vector<16xi32>], vector<16xf32>,
        %mul3A_238 = arith.mulf %exp3A, %gather3A_237 : vector<16xf32>
        tpu.vector_store_idx %arg11[%add3A_79, %broadcast_in_dim3A_236], %mul3A_238 : memref<64x128xf32, #tpu.memory_space<vmem>>[vector<16xi32>, vector<16xi32>], vector<16xf32>,
        %broadcast_in_dim3A_239 = arith.constant 37 : i32
        %broadcast_in_dim3A_240 = vector.broadcast %broadcast_in_dim3A_239 : i32 to vector<16xi32>
        %gather3A_241 = tpu.vector_load_idx %arg11[%add3A_79, %broadcast_in_dim3A_240] : memref<64x128xf32, #tpu.memory_space<vmem>>[vector<16xi32>, vector<16xi32>], vector<16xf32>,
        %mul3A_242 = arith.mulf %exp3A, %gather3A_241 : vector<16xf32>
        tpu.vector_store_idx %arg11[%add3A_79, %broadcast_in_dim3A_240], %mul3A_242 : memref<64x128xf32, #tpu.memory_space<vmem>>[vector<16xi32>, vector<16xi32>], vector<16xf32>,
        %broadcast_in_dim3A_243 = arith.constant 38 : i32
        %broadcast_in_dim3A_244 = vector.broadcast %broadcast_in_dim3A_243 : i32 to vector<16xi32>
        %gather3A_245 = tpu.vector_load_idx %arg11[%add3A_79, %broadcast_in_dim3A_244] : memref<64x128xf32, #tpu.memory_space<vmem>>[vector<16xi32>, vector<16xi32>], vector<16xf32>,
        %mul3A_246 = arith.mulf %exp3A, %gather3A_245 : vector<16xf32>
        tpu.vector_store_idx %arg11[%add3A_79, %broadcast_in_dim3A_244], %mul3A_246 : memref<64x128xf32, #tpu.memory_space<vmem>>[vector<16xi32>, vector<16xi32>], vector<16xf32>,
        %broadcast_in_dim3A_247 = arith.constant 39 : i32
        %broadcast_in_dim3A_248 = vector.broadcast %broadcast_in_dim3A_247 : i32 to vector<16xi32>
        %gather3A_249 = tpu.vector_load_idx %arg11[%add3A_79, %broadcast_in_dim3A_248] : memref<64x128xf32, #tpu.memory_space<vmem>>[vector<16xi32>, vector<16xi32>], vector<16xf32>,
        %mul3A_250 = arith.mulf %exp3A, %gather3A_249 : vector<16xf32>
        tpu.vector_store_idx %arg11[%add3A_79, %broadcast_in_dim3A_248], %mul3A_250 : memref<64x128xf32, #tpu.memory_space<vmem>>[vector<16xi32>, vector<16xi32>], vector<16xf32>,
        %broadcast_in_dim3A_251 = arith.constant 40 : i32
        %broadcast_in_dim3A_252 = vector.broadcast %broadcast_in_dim3A_251 : i32 to vector<16xi32>
        %gather3A_253 = tpu.vector_load_idx %arg11[%add3A_79, %broadcast_in_dim3A_252] : memref<64x128xf32, #tpu.memory_space<vmem>>[vector<16xi32>, vector<16xi32>], vector<16xf32>,
        %mul3A_254 = arith.mulf %exp3A, %gather3A_253 : vector<16xf32>
        tpu.vector_store_idx %arg11[%add3A_79, %broadcast_in_dim3A_252], %mul3A_254 : memref<64x128xf32, #tpu.memory_space<vmem>>[vector<16xi32>, vector<16xi32>], vector<16xf32>,
        %broadcast_in_dim3A_255 = arith.constant 41 : i32
        %broadcast_in_dim3A_256 = vector.broadcast %broadcast_in_dim3A_255 : i32 to vector<16xi32>
        %gather3A_257 = tpu.vector_load_idx %arg11[%add3A_79, %broadcast_in_dim3A_256] : memref<64x128xf32, #tpu.memory_space<vmem>>[vector<16xi32>, vector<16xi32>], vector<16xf32>,
        %mul3A_258 = arith.mulf %exp3A, %gather3A_257 : vector<16xf32>
        tpu.vector_store_idx %arg11[%add3A_79, %broadcast_in_dim3A_256], %mul3A_258 : memref<64x128xf32, #tpu.memory_space<vmem>>[vector<16xi32>, vector<16xi32>], vector<16xf32>,
        %broadcast_in_dim3A_259 = arith.constant 42 : i32
        %broadcast_in_dim3A_260 = vector.broadcast %broadcast_in_dim3A_259 : i32 to vector<16xi32>
        %gather3A_261 = tpu.vector_load_idx %arg11[%add3A_79, %broadcast_in_dim3A_260] : memref<64x128xf32, #tpu.memory_space<vmem>>[vector<16xi32>, vector<16xi32>], vector<16xf32>,
        %mul3A_262 = arith.mulf %exp3A, %gather3A_261 : vector<16xf32>
        tpu.vector_store_idx %arg11[%add3A_79, %broadcast_in_dim3A_260], %mul3A_262 : memref<64x128xf32, #tpu.memory_space<vmem>>[vector<16xi32>, vector<16xi32>], vector<16xf32>,
        %broadcast_in_dim3A_263 = arith.constant 43 : i32
        %broadcast_in_dim3A_264 = vector.broadcast %broadcast_in_dim3A_263 : i32 to vector<16xi32>
        %gather3A_265 = tpu.vector_load_idx %arg11[%add3A_79, %broadcast_in_dim3A_264] : memref<64x128xf32, #tpu.memory_space<vmem>>[vector<16xi32>, vector<16xi32>], vector<16xf32>,
        %mul3A_266 = arith.mulf %exp3A, %gather3A_265 : vector<16xf32>
        tpu.vector_store_idx %arg11[%add3A_79, %broadcast_in_dim3A_264], %mul3A_266 : memref<64x128xf32, #tpu.memory_space<vmem>>[vector<16xi32>, vector<16xi32>], vector<16xf32>,
        %broadcast_in_dim3A_267 = arith.constant 44 : i32
        %broadcast_in_dim3A_268 = vector.broadcast %broadcast_in_dim3A_267 : i32 to vector<16xi32>
        %gather3A_269 = tpu.vector_load_idx %arg11[%add3A_79, %broadcast_in_dim3A_268] : memref<64x128xf32, #tpu.memory_space<vmem>>[vector<16xi32>, vector<16xi32>], vector<16xf32>,
        %mul3A_270 = arith.mulf %exp3A, %gather3A_269 : vector<16xf32>
        tpu.vector_store_idx %arg11[%add3A_79, %broadcast_in_dim3A_268], %mul3A_270 : memref<64x128xf32, #tpu.memory_space<vmem>>[vector<16xi32>, vector<16xi32>], vector<16xf32>,
        %broadcast_in_dim3A_271 = arith.constant 45 : i32
        %broadcast_in_dim3A_272 = vector.broadcast %broadcast_in_dim3A_271 : i32 to vector<16xi32>
        %gather3A_273 = tpu.vector_load_idx %arg11[%add3A_79, %broadcast_in_dim3A_272] : memref<64x128xf32, #tpu.memory_space<vmem>>[vector<16xi32>, vector<16xi32>], vector<16xf32>,
        %mul3A_274 = arith.mulf %exp3A, %gather3A_273 : vector<16xf32>
        tpu.vector_store_idx %arg11[%add3A_79, %broadcast_in_dim3A_272], %mul3A_274 : memref<64x128xf32, #tpu.memory_space<vmem>>[vector<16xi32>, vector<16xi32>], vector<16xf32>,
        %broadcast_in_dim3A_275 = arith.constant 46 : i32
        %broadcast_in_dim3A_276 = vector.broadcast %broadcast_in_dim3A_275 : i32 to vector<16xi32>
        %gather3A_277 = tpu.vector_load_idx %arg11[%add3A_79, %broadcast_in_dim3A_276] : memref<64x128xf32, #tpu.memory_space<vmem>>[vector<16xi32>, vector<16xi32>], vector<16xf32>,
        %mul3A_278 = arith.mulf %exp3A, %gather3A_277 : vector<16xf32>
        tpu.vector_store_idx %arg11[%add3A_79, %broadcast_in_dim3A_276], %mul3A_278 : memref<64x128xf32, #tpu.memory_space<vmem>>[vector<16xi32>, vector<16xi32>], vector<16xf32>,
        %broadcast_in_dim3A_279 = arith.constant 47 : i32
        %broadcast_in_dim3A_280 = vector.broadcast %broadcast_in_dim3A_279 : i32 to vector<16xi32>
        %gather3A_281 = tpu.vector_load_idx %arg11[%add3A_79, %broadcast_in_dim3A_280] : memref<64x128xf32, #tpu.memory_space<vmem>>[vector<16xi32>, vector<16xi32>], vector<16xf32>,
        %mul3A_282 = arith.mulf %exp3A, %gather3A_281 : vector<16xf32>
        tpu.vector_store_idx %arg11[%add3A_79, %broadcast_in_dim3A_280], %mul3A_282 : memref<64x128xf32, #tpu.memory_space<vmem>>[vector<16xi32>, vector<16xi32>], vector<16xf32>,
        %broadcast_in_dim3A_283 = arith.constant 48 : i32
        %broadcast_in_dim3A_284 = vector.broadcast %broadcast_in_dim3A_283 : i32 to vector<16xi32>
        %gather3A_285 = tpu.vector_load_idx %arg11[%add3A_79, %broadcast_in_dim3A_284] : memref<64x128xf32, #tpu.memory_space<vmem>>[vector<16xi32>, vector<16xi32>], vector<16xf32>,
        %mul3A_286 = arith.mulf %exp3A, %gather3A_285 : vector<16xf32>
        tpu.vector_store_idx %arg11[%add3A_79, %broadcast_in_dim3A_284], %mul3A_286 : memref<64x128xf32, #tpu.memory_space<vmem>>[vector<16xi32>, vector<16xi32>], vector<16xf32>,
        %broadcast_in_dim3A_287 = arith.constant 49 : i32
        %broadcast_in_dim3A_288 = vector.broadcast %broadcast_in_dim3A_287 : i32 to vector<16xi32>
        %gather3A_289 = tpu.vector_load_idx %arg11[%add3A_79, %broadcast_in_dim3A_288] : memref<64x128xf32, #tpu.memory_space<vmem>>[vector<16xi32>, vector<16xi32>], vector<16xf32>,
        %mul3A_290 = arith.mulf %exp3A, %gather3A_289 : vector<16xf32>
        tpu.vector_store_idx %arg11[%add3A_79, %broadcast_in_dim3A_288], %mul3A_290 : memref<64x128xf32, #tpu.memory_space<vmem>>[vector<16xi32>, vector<16xi32>], vector<16xf32>,
        %broadcast_in_dim3A_291 = arith.constant 50 : i32
        %broadcast_in_dim3A_292 = vector.broadcast %broadcast_in_dim3A_291 : i32 to vector<16xi32>
        %gather3A_293 = tpu.vector_load_idx %arg11[%add3A_79, %broadcast_in_dim3A_292] : memref<64x128xf32, #tpu.memory_space<vmem>>[vector<16xi32>, vector<16xi32>], vector<16xf32>,
        %mul3A_294 = arith.mulf %exp3A, %gather3A_293 : vector<16xf32>
        tpu.vector_store_idx %arg11[%add3A_79, %broadcast_in_dim3A_292], %mul3A_294 : memref<64x128xf32, #tpu.memory_space<vmem>>[vector<16xi32>, vector<16xi32>], vector<16xf32>,
        %broadcast_in_dim3A_295 = arith.constant 51 : i32
        %broadcast_in_dim3A_296 = vector.broadcast %broadcast_in_dim3A_295 : i32 to vector<16xi32>
        %gather3A_297 = tpu.vector_load_idx %arg11[%add3A_79, %broadcast_in_dim3A_296] : memref<64x128xf32, #tpu.memory_space<vmem>>[vector<16xi32>, vector<16xi32>], vector<16xf32>,
        %mul3A_298 = arith.mulf %exp3A, %gather3A_297 : vector<16xf32>
        tpu.vector_store_idx %arg11[%add3A_79, %broadcast_in_dim3A_296], %mul3A_298 : memref<64x128xf32, #tpu.memory_space<vmem>>[vector<16xi32>, vector<16xi32>], vector<16xf32>,
        %broadcast_in_dim3A_299 = arith.constant 52 : i32
        %broadcast_in_dim3A_300 = vector.broadcast %broadcast_in_dim3A_299 : i32 to vector<16xi32>
        %gather3A_301 = tpu.vector_load_idx %arg11[%add3A_79, %broadcast_in_dim3A_300] : memref<64x128xf32, #tpu.memory_space<vmem>>[vector<16xi32>, vector<16xi32>], vector<16xf32>,
        %mul3A_302 = arith.mulf %exp3A, %gather3A_301 : vector<16xf32>
        tpu.vector_store_idx %arg11[%add3A_79, %broadcast_in_dim3A_300], %mul3A_302 : memref<64x128xf32, #tpu.memory_space<vmem>>[vector<16xi32>, vector<16xi32>], vector<16xf32>,
        %broadcast_in_dim3A_303 = arith.constant 53 : i32
        %broadcast_in_dim3A_304 = vector.broadcast %broadcast_in_dim3A_303 : i32 to vector<16xi32>
        %gather3A_305 = tpu.vector_load_idx %arg11[%add3A_79, %broadcast_in_dim3A_304] : memref<64x128xf32, #tpu.memory_space<vmem>>[vector<16xi32>, vector<16xi32>], vector<16xf32>,
        %mul3A_306 = arith.mulf %exp3A, %gather3A_305 : vector<16xf32>
        tpu.vector_store_idx %arg11[%add3A_79, %broadcast_in_dim3A_304], %mul3A_306 : memref<64x128xf32, #tpu.memory_space<vmem>>[vector<16xi32>, vector<16xi32>], vector<16xf32>,
        %broadcast_in_dim3A_307 = arith.constant 54 : i32
        %broadcast_in_dim3A_308 = vector.broadcast %broadcast_in_dim3A_307 : i32 to vector<16xi32>
        %gather3A_309 = tpu.vector_load_idx %arg11[%add3A_79, %broadcast_in_dim3A_308] : memref<64x128xf32, #tpu.memory_space<vmem>>[vector<16xi32>, vector<16xi32>], vector<16xf32>,
        %mul3A_310 = arith.mulf %exp3A, %gather3A_309 : vector<16xf32>
        tpu.vector_store_idx %arg11[%add3A_79, %broadcast_in_dim3A_308], %mul3A_310 : memref<64x128xf32, #tpu.memory_space<vmem>>[vector<16xi32>, vector<16xi32>], vector<16xf32>,
        %broadcast_in_dim3A_311 = arith.constant 55 : i32
        %broadcast_in_dim3A_312 = vector.broadcast %broadcast_in_dim3A_311 : i32 to vector<16xi32>
        %gather3A_313 = tpu.vector_load_idx %arg11[%add3A_79, %broadcast_in_dim3A_312] : memref<64x128xf32, #tpu.memory_space<vmem>>[vector<16xi32>, vector<16xi32>], vector<16xf32>,
        %mul3A_314 = arith.mulf %exp3A, %gather3A_313 : vector<16xf32>
        tpu.vector_store_idx %arg11[%add3A_79, %broadcast_in_dim3A_312], %mul3A_314 : memref<64x128xf32, #tpu.memory_space<vmem>>[vector<16xi32>, vector<16xi32>], vector<16xf32>,
        %broadcast_in_dim3A_315 = arith.constant 56 : i32
        %broadcast_in_dim3A_316 = vector.broadcast %broadcast_in_dim3A_315 : i32 to vector<16xi32>
        %gather3A_317 = tpu.vector_load_idx %arg11[%add3A_79, %broadcast_in_dim3A_316] : memref<64x128xf32, #tpu.memory_space<vmem>>[vector<16xi32>, vector<16xi32>], vector<16xf32>,
        %mul3A_318 = arith.mulf %exp3A, %gather3A_317 : vector<16xf32>
        tpu.vector_store_idx %arg11[%add3A_79, %broadcast_in_dim3A_316], %mul3A_318 : memref<64x128xf32, #tpu.memory_space<vmem>>[vector<16xi32>, vector<16xi32>], vector<16xf32>,
        %broadcast_in_dim3A_319 = arith.constant 57 : i32
        %broadcast_in_dim3A_320 = vector.broadcast %broadcast_in_dim3A_319 : i32 to vector<16xi32>
        %gather3A_321 = tpu.vector_load_idx %arg11[%add3A_79, %broadcast_in_dim3A_320] : memref<64x128xf32, #tpu.memory_space<vmem>>[vector<16xi32>, vector<16xi32>], vector<16xf32>,
        %mul3A_322 = arith.mulf %exp3A, %gather3A_321 : vector<16xf32>
        tpu.vector_store_idx %arg11[%add3A_79, %broadcast_in_dim3A_320], %mul3A_322 : memref<64x128xf32, #tpu.memory_space<vmem>>[vector<16xi32>, vector<16xi32>], vector<16xf32>,
        %broadcast_in_dim3A_323 = arith.constant 58 : i32
        %broadcast_in_dim3A_324 = vector.broadcast %broadcast_in_dim3A_323 : i32 to vector<16xi32>
        %gather3A_325 = tpu.vector_load_idx %arg11[%add3A_79, %broadcast_in_dim3A_324] : memref<64x128xf32, #tpu.memory_space<vmem>>[vector<16xi32>, vector<16xi32>], vector<16xf32>,
        %mul3A_326 = arith.mulf %exp3A, %gather3A_325 : vector<16xf32>
        tpu.vector_store_idx %arg11[%add3A_79, %broadcast_in_dim3A_324], %mul3A_326 : memref<64x128xf32, #tpu.memory_space<vmem>>[vector<16xi32>, vector<16xi32>], vector<16xf32>,
        %broadcast_in_dim3A_327 = arith.constant 59 : i32
        %broadcast_in_dim3A_328 = vector.broadcast %broadcast_in_dim3A_327 : i32 to vector<16xi32>
        %gather3A_329 = tpu.vector_load_idx %arg11[%add3A_79, %broadcast_in_dim3A_328] : memref<64x128xf32, #tpu.memory_space<vmem>>[vector<16xi32>, vector<16xi32>], vector<16xf32>,
        %mul3A_330 = arith.mulf %exp3A, %gather3A_329 : vector<16xf32>
        tpu.vector_store_idx %arg11[%add3A_79, %broadcast_in_dim3A_328], %mul3A_330 : memref<64x128xf32, #tpu.memory_space<vmem>>[vector<16xi32>, vector<16xi32>], vector<16xf32>,
        %broadcast_in_dim3A_331 = arith.constant 60 : i32
        %broadcast_in_dim3A_332 = vector.broadcast %broadcast_in_dim3A_331 : i32 to vector<16xi32>
        %gather3A_333 = tpu.vector_load_idx %arg11[%add3A_79, %broadcast_in_dim3A_332] : memref<64x128xf32, #tpu.memory_space<vmem>>[vector<16xi32>, vector<16xi32>], vector<16xf32>,
        %mul3A_334 = arith.mulf %exp3A, %gather3A_333 : vector<16xf32>
        tpu.vector_store_idx %arg11[%add3A_79, %broadcast_in_dim3A_332], %mul3A_334 : memref<64x128xf32, #tpu.memory_space<vmem>>[vector<16xi32>, vector<16xi32>], vector<16xf32>,
        %broadcast_in_dim3A_335 = arith.constant 61 : i32
        %broadcast_in_dim3A_336 = vector.broadcast %broadcast_in_dim3A_335 : i32 to vector<16xi32>
        %gather3A_337 = tpu.vector_load_idx %arg11[%add3A_79, %broadcast_in_dim3A_336] : memref<64x128xf32, #tpu.memory_space<vmem>>[vector<16xi32>, vector<16xi32>], vector<16xf32>,
        %mul3A_338 = arith.mulf %exp3A, %gather3A_337 : vector<16xf32>
        tpu.vector_store_idx %arg11[%add3A_79, %broadcast_in_dim3A_336], %mul3A_338 : memref<64x128xf32, #tpu.memory_space<vmem>>[vector<16xi32>, vector<16xi32>], vector<16xf32>,
        %broadcast_in_dim3A_339 = arith.constant 62 : i32
        %broadcast_in_dim3A_340 = vector.broadcast %broadcast_in_dim3A_339 : i32 to vector<16xi32>
        %gather3A_341 = tpu.vector_load_idx %arg11[%add3A_79, %broadcast_in_dim3A_340] : memref<64x128xf32, #tpu.memory_space<vmem>>[vector<16xi32>, vector<16xi32>], vector<16xf32>,
        %mul3A_342 = arith.mulf %exp3A, %gather3A_341 : vector<16xf32>
        tpu.vector_store_idx %arg11[%add3A_79, %broadcast_in_dim3A_340], %mul3A_342 : memref<64x128xf32, #tpu.memory_space<vmem>>[vector<16xi32>, vector<16xi32>], vector<16xf32>,
        %broadcast_in_dim3A_343 = arith.constant 63 : i32
        %broadcast_in_dim3A_344 = vector.broadcast %broadcast_in_dim3A_343 : i32 to vector<16xi32>
        %gather3A_345 = tpu.vector_load_idx %arg11[%add3A_79, %broadcast_in_dim3A_344] : memref<64x128xf32, #tpu.memory_space<vmem>>[vector<16xi32>, vector<16xi32>], vector<16xf32>,
        %mul3A_346 = arith.mulf %exp3A, %gather3A_345 : vector<16xf32>
        tpu.vector_store_idx %arg11[%add3A_79, %broadcast_in_dim3A_344], %mul3A_346 : memref<64x128xf32, #tpu.memory_space<vmem>>[vector<16xi32>, vector<16xi32>], vector<16xf32>,
      }
      %scan3A_74 = arith.constant 4 : i32
      "tpu.region"() ({
        %run_scoped3A = tpu.sem_alloc : memref<!tpu.dma_semaphore, #tpu.memory_space<semaphore_mem>>
        %dma_start3A_75 = arith.constant 0 : i32
        %dma_start3A_76 = arith.constant 0 : i32
        %dma_start3A_77 = tpu.memref_slice %arg14[%dma_start3A_75, %dma_start3A_76] : memref<10112x128xf32, #tpu.memory_space<vmem_shared>> -> memref<10112x128xf32, #tpu.memory_space<vmem_shared>>
        tpu.enqueue_indirect_dma source(%arg11 : memref<64x128xf32, #tpu.memory_space<vmem>>) target(%dma_start3A_77 : memref<10112x128xf32, #tpu.memory_space<vmem_shared>>) offsets(%arg9 : memref<64xi32, #tpu.memory_space<vmem>>) semaphore(%run_scoped3A : memref<!tpu.dma_semaphore, #tpu.memory_space<semaphore_mem>>) {add = true}
        %dma_wait3A_78 = arith.constant 0 : i32
        %dma_wait3A_79 = arith.constant 0 : i32
        %dma_wait3A_80 = tpu.memref_slice %arg14[%dma_wait3A_78, %dma_wait3A_79] : memref<10112x128xf32, #tpu.memory_space<vmem_shared>> -> memref<10112x128xf32, #tpu.memory_space<vmem_shared>>
        tpu.wait_indirect_dma semaphore(%run_scoped3A : memref<!tpu.dma_semaphore, #tpu.memory_space<semaphore_mem>>) src(%arg11 : memref<64x128xf32, #tpu.memory_space<vmem>>) dst(%dma_wait3A_80 : memref<10112x128xf32, #tpu.memory_space<vmem_shared>>)
        tpu.yield
      }) : () -> ()
    }
    %scan3A_20 = arith.constant 81 : i32
    %barrier3A_21 = arith.constant 0 : index
    tpu.barrier barrier_id(%barrier3A_21)
    %scan3A_22 = arith.constant 0 : i32
    %scan3A_23 = arith.constant 0 : i32
    %scan3A_24 = arith.constant 10 : i32
    %scan3A_25 = arith.addi %scan3A_23, %scan3A_24 : i32
    %scan3A_26 = arith.constant 1 : i32
    scf.for %scan3A_28 = %scan3A_23 to %scan3A_25 step %scan3A_26  : i32 {
      %mul3A_29 = arith.constant 16 : i32
      %mul3A_30 = arith.muli %scan3A_28, %mul3A_29 : i32
      %add3A_31 = arith.addi %arg1, %mul3A_30 : i32
      %lt3A = arith.constant 158 : i32
      %lt3A_32 = arith.cmpi slt, %add3A_31, %lt3A : i32
      %convert_element_type3A = arith.extui %lt3A_32 : i1 to i32
      %cond3A = arith.constant 0 : i32
      %cond3A_33 = arith.cmpi ne, %convert_element_type3A, %cond3A : i32
      scf.if %cond3A_33 {
        %mul3A_34 = arith.constant 64 : i32
        %mul3A_35 = arith.muli %add3A_31, %mul3A_34 : i32
        "tpu.region"() ({
          %run_scoped3A = tpu.sem_alloc : memref<!tpu.dma_semaphore, #tpu.memory_space<semaphore_mem>>
          %dma_start3A = arith.constant 0 : i32
          %dma_start3A_38 = tpu.memref_slice %arg14[%mul3A_35, %dma_start3A] : memref<10112x128xf32, #tpu.memory_space<vmem_shared>> -> memref<64x128xf32, #tpu.memory_space<vmem_shared>>
          %dma_start3A_39 = arith.constant 0 : i32
          %dma_start3A_40 = tpu.memref_slice %arg14[%mul3A_35, %dma_start3A_39] : memref<10112x128xf32, #tpu.memory_space<vmem_shared>> -> memref<64x128xf32, #tpu.memory_space<vmem_shared>>
          tpu.enqueue_dma source(%dma_start3A_40 : memref<64x128xf32, #tpu.memory_space<vmem_shared>>) target(%arg10 : memref<64x128xf32, #tpu.memory_space<vmem>>) target_semaphore(%run_scoped3A : memref<!tpu.dma_semaphore, #tpu.memory_space<semaphore_mem>>)
          %dma_wait3A = arith.constant 0 : i32
          %dma_wait3A_41 = tpu.memref_slice %arg14[%mul3A_35, %dma_wait3A] : memref<10112x128xf32, #tpu.memory_space<vmem_shared>> -> memref<64x128xf32, #tpu.memory_space<vmem_shared>>
          %dma_wait3A_42 = arith.constant 0 : i32
          %dma_wait3A_43 = tpu.memref_slice %arg14[%mul3A_35, %dma_wait3A_42] : memref<10112x128xf32, #tpu.memory_space<vmem_shared>> -> memref<64x128xf32, #tpu.memory_space<vmem_shared>>
          tpu.wait_dma2 semaphore(%run_scoped3A : memref<!tpu.dma_semaphore, #tpu.memory_space<semaphore_mem>>) src(%dma_wait3A_43 : memref<64x128xf32, #tpu.memory_space<vmem_shared>>) dst(%arg10 : memref<64x128xf32, #tpu.memory_space<vmem>>)
          tpu.yield
        }) : () -> ()
        %mul3A_36 = arith.constant 64 : i32
        %mul3A_37 = arith.muli %add3A_31, %mul3A_36 : i32
        "tpu.region"() ({
          %run_scoped3A = tpu.sem_alloc : memref<!tpu.dma_semaphore, #tpu.memory_space<semaphore_mem>>
          %dma_start3A = arith.constant 0 : i32
          %dma_start3A_38 = tpu.memref_slice %arg5[%arg0, %mul3A_37, %dma_start3A] : memref<2x10112x128xf32, #tpu.memory_space<hbm>> -> memref<1x64x128xf32, #tpu.memory_space<hbm>>
          %dma_start3A_39 = tpu.memref_squeeze %dma_start3A_38 : memref<1x64x128xf32, #tpu.memory_space<hbm>> -> memref<64x128xf32, #tpu.memory_space<hbm>>
          %dma_start3A_40 = arith.constant 0 : i32
          %dma_start3A_41 = tpu.memref_slice %arg5[%arg0, %mul3A_37, %dma_start3A_40] : memref<2x10112x128xf32, #tpu.memory_space<hbm>> -> memref<1x64x128xf32, #tpu.memory_space<hbm>>
          %dma_start3A_42 = tpu.memref_squeeze %dma_start3A_41 : memref<1x64x128xf32, #tpu.memory_space<hbm>> -> memref<64x128xf32, #tpu.memory_space<hbm>>
          tpu.enqueue_dma source(%arg10 : memref<64x128xf32, #tpu.memory_space<vmem>>) target(%dma_start3A_42 : memref<64x128xf32, #tpu.memory_space<hbm>>) target_semaphore(%run_scoped3A : memref<!tpu.dma_semaphore, #tpu.memory_space<semaphore_mem>>)
          %dma_wait3A = arith.constant 0 : i32
          %dma_wait3A_43 = tpu.memref_slice %arg5[%arg0, %mul3A_37, %dma_wait3A] : memref<2x10112x128xf32, #tpu.memory_space<hbm>> -> memref<1x64x128xf32, #tpu.memory_space<hbm>>
          %dma_wait3A_44 = tpu.memref_squeeze %dma_wait3A_43 : memref<1x64x128xf32, #tpu.memory_space<hbm>> -> memref<64x128xf32, #tpu.memory_space<hbm>>
          %dma_wait3A_45 = arith.constant 0 : i32
          %dma_wait3A_46 = tpu.memref_slice %arg5[%arg0, %mul3A_37, %dma_wait3A_45] : memref<2x10112x128xf32, #tpu.memory_space<hbm>> -> memref<1x64x128xf32, #tpu.memory_space<hbm>>
          %dma_wait3A_47 = tpu.memref_squeeze %dma_wait3A_46 : memref<1x64x128xf32, #tpu.memory_space<hbm>> -> memref<64x128xf32, #tpu.memory_space<hbm>>
          tpu.wait_dma2 semaphore(%run_scoped3A : memref<!tpu.dma_semaphore, #tpu.memory_space<semaphore_mem>>) src(%arg10 : memref<64x128xf32, #tpu.memory_space<vmem>>) dst(%dma_wait3A_47 : memref<64x128xf32, #tpu.memory_space<hbm>>)
          tpu.yield
        }) : () -> ()
      } else {
      }
    }
    %scan3A_27 = arith.constant 10 : i32
    return
  }
}

module attributes {stable_mosaic.version = 14 : i64} {
  func.func @_tc1_body(%arg0: i32, %arg1: memref<128x128xf32, #tpu.memory_space<vmem>>, %arg2: memref<128x32xf32, #tpu.memory_space<vmem>>, %arg3: memref<32x4xf32, #tpu.memory_space<vmem>>, %arg4: memref<32x4xf32, #tpu.memory_space<vmem>>, %arg5: memref<128x128xf32, #tpu.memory_space<vmem>>) attributes {dimension_semantics = [#tpu.dimension_semantics<arbitrary>], iteration_bounds = array<i64: 79>, scalar_prefetch = 0 : i64, scratch_operands = 0 : i64, tpu.core_type = #tpu.core_type<tc>, window_params = [{transform_indices = @transform_0, window_bounds = array<i64: 128, 128>}, {pipeline_mode = #tpu.pipeline_mode<synchronous>, transform_indices = @transform_1, window_bounds = array<i64: 128, 32>}, {pipeline_mode = #tpu.pipeline_mode<synchronous>, transform_indices = @transform_2, window_bounds = array<i64: 32, 4>}, {pipeline_mode = #tpu.pipeline_mode<synchronous>, transform_indices = @transform_3, window_bounds = array<i64: 32, 4>}, {transform_indices = @transform_4, window_bounds = array<i64: 128, 128>}]} {
    %get3A = arith.constant 0 : index
    %get3A_0 = arith.constant 0 : index
    %get3A_1 = vector.load %arg1[%get3A, %get3A_0] : memref<128x128xf32, #tpu.memory_space<vmem>>, vector<128x128xf32>
    %get3A_2 = arith.constant 0 : index
    %get3A_3 = arith.constant 0 : index
    %get3A_4 = vector.load %arg2[%get3A_2, %get3A_3] : memref<128x32xf32, #tpu.memory_space<vmem>>, vector<128x32xf32>
    %dot_general3A = arith.constant dense<0.000000e+00> : vector<128x32xf32>
    %dot_general3A_5 = tpu.matmul %get3A_1, %get3A_4, %dot_general3A {dimension_numbers = #tpu.dot_dimension_numbers<[1], [0], [0], [1], [0, 0, 1, 1], [], []>, transpose_lhs_hint = false} : vector<128x128xf32>, vector<128x32xf32>, vector<128x32xf32> -> vector<128x32xf32>
    %get3A_6 = arith.constant 0 : index
    %get3A_7 = arith.constant 0 : index
    %get3A_8 = vector.load %arg3[%get3A_6, %get3A_7] : memref<32x4xf32, #tpu.memory_space<vmem>>, vector<32x4xf32>
    %dot_general3A_9 = arith.constant dense<0.000000e+00> : vector<128x4xf32>
    %dot_general3A_10 = tpu.matmul %dot_general3A_5, %get3A_8, %dot_general3A_9 {dimension_numbers = #tpu.dot_dimension_numbers<[1], [0], [0], [1], [0, 0, 1, 1], [], []>, transpose_lhs_hint = false} : vector<128x32xf32>, vector<32x4xf32>, vector<128x4xf32> -> vector<128x4xf32>
    %get3A_11 = arith.constant 0 : index
    %get3A_12 = arith.constant 0 : index
    %get3A_13 = vector.load %arg4[%get3A_11, %get3A_12] : memref<32x4xf32, #tpu.memory_space<vmem>>, vector<32x4xf32>
    %dot_general3A_14 = arith.constant dense<0.000000e+00> : vector<128x4xf32>
    %dot_general3A_15 = tpu.matmul %dot_general3A_5, %get3A_13, %dot_general3A_14 {dimension_numbers = #tpu.dot_dimension_numbers<[1], [0], [0], [1], [0, 0, 1, 1], [], []>, transpose_lhs_hint = false} : vector<128x32xf32>, vector<32x4xf32>, vector<128x4xf32> -> vector<128x4xf32>
    %broadcast_in_dim3A = arith.constant 0.000000e+00 : f32
    %broadcast_in_dim3A_16 = vector.broadcast %broadcast_in_dim3A : f32 to vector<128x88xf32>
    %concatenate3A = tpu.concatenate %dot_general3A_5, %dot_general3A_10, %dot_general3A_15, %broadcast_in_dim3A_16 in 1 : vector<128x32xf32>, vector<128x4xf32>, vector<128x4xf32>, vector<128x88xf32> -> vector<128x128xf32>
    %swap3A = arith.constant 0 : index
    %swap3A_17 = arith.constant 0 : index
    %swap3A_18 = vector.load %arg5[%swap3A, %swap3A_17] : memref<128x128xf32, #tpu.memory_space<vmem>>, vector<128x128xf32>
    tpu.vector_store %arg5[%swap3A, %swap3A_17], %concatenate3A {strides = array<i32>} : memref<128x128xf32, #tpu.memory_space<vmem>>, vector<128x128xf32>,
    return
  }
  func.func @transform_0(%arg0: i32) -> (i32, i32) {
    %c0_i32 = arith.constant 0 : i32
    %c0_i32_0 = arith.constant 0 : i32
    return %arg0, %c0_i32 : i32, i32
  }
  func.func @transform_1(%arg0: i32) -> (i32, i32) {
    %c0_i32 = arith.constant 0 : i32
    %c0_i32_0 = arith.constant 0 : i32
    %c0_i32_1 = arith.constant 0 : i32
    return %c0_i32, %c0_i32_0 : i32, i32
  }
  func.func @transform_2(%arg0: i32) -> (i32, i32) {
    %c0_i32 = arith.constant 0 : i32
    %c0_i32_0 = arith.constant 0 : i32
    %c0_i32_1 = arith.constant 0 : i32
    return %c0_i32, %c0_i32_0 : i32, i32
  }
  func.func @transform_3(%arg0: i32) -> (i32, i32) {
    %c0_i32 = arith.constant 0 : i32
    %c0_i32_0 = arith.constant 0 : i32
    %c0_i32_1 = arith.constant 0 : i32
    return %c0_i32, %c0_i32_0 : i32, i32
  }
  func.func @transform_4(%arg0: i32) -> (i32, i32) {
    %c0_i32 = arith.constant 0 : i32
    %c0_i32_0 = arith.constant 0 : i32
    return %arg0, %c0_i32 : i32, i32
  }
}

module attributes {stable_mosaic.version = 14 : i64} {
  func.func @_tc2_body(%arg0: i32, %arg1: memref<2x128x128xf32, #tpu.memory_space<vmem>>, %arg2: memref<32x64xf32, #tpu.memory_space<vmem>>, %arg3: memref<64x1xf32, #tpu.memory_space<vmem>>, %arg4: memref<64x1xf32, #tpu.memory_space<vmem>>, %arg5: memref<1x32xf32, #tpu.memory_space<vmem>>, %arg6: memref<4x32xf32, #tpu.memory_space<vmem>>, %arg7: memref<128x128xf32, #tpu.memory_space<vmem>>) attributes {dimension_semantics = [#tpu.dimension_semantics<arbitrary>], iteration_bounds = array<i64: 79>, scalar_prefetch = 0 : i64, scratch_operands = 0 : i64, tpu.core_type = #tpu.core_type<tc>, window_params = [{transform_indices = @transform_0, window_bounds = array<i64: 2, 128, 128>}, {pipeline_mode = #tpu.pipeline_mode<synchronous>, transform_indices = @transform_1, window_bounds = array<i64: 32, 64>}, {pipeline_mode = #tpu.pipeline_mode<synchronous>, transform_indices = @transform_2, window_bounds = array<i64: 64, 1>}, {pipeline_mode = #tpu.pipeline_mode<synchronous>, transform_indices = @transform_3, window_bounds = array<i64: 64, 1>}, {pipeline_mode = #tpu.pipeline_mode<synchronous>, transform_indices = @transform_4, window_bounds = array<i64: 1, 32>}, {pipeline_mode = #tpu.pipeline_mode<synchronous>, transform_indices = @transform_5, window_bounds = array<i64: 4, 32>}, {transform_indices = @transform_6, window_bounds = array<i64: 128, 128>}]} {
    %get3A = arith.constant 0 : index
    %get3A_0 = arith.constant 0 : index
    %get3A_1 = arith.constant 0 : index
    %get3A_2 = vector.load %arg1[%get3A, %get3A_0, %get3A_1] : memref<2x128x128xf32, #tpu.memory_space<vmem>>, vector<1x128x128xf32>
    %get3A_3 = vector.shape_cast %get3A_2 : vector<1x128x128xf32> to vector<128x128xf32>
    %get3A_4 = arith.constant 1 : index
    %get3A_5 = arith.constant 0 : index
    %get3A_6 = arith.constant 0 : index
    %get3A_7 = vector.load %arg1[%get3A_4, %get3A_5, %get3A_6] : memref<2x128x128xf32, #tpu.memory_space<vmem>>, vector<1x128x128xf32>
    %get3A_8 = vector.shape_cast %get3A_7 : vector<1x128x128xf32> to vector<128x128xf32>
    %add3A = arith.addf %get3A_3, %get3A_8 : vector<128x128xf32>
    %slice3A = vector.extract_strided_slice %add3A {offsets = [0, 0], sizes = [128, 32], strides = [1, 1]} : vector<128x128xf32> to vector<128x32xf32>
    %slice3A_9 = vector.extract_strided_slice %add3A {offsets = [0, 32], sizes = [128, 4], strides = [1, 1]} : vector<128x128xf32> to vector<128x4xf32>
    %add3A_10 = arith.constant 1.000000e-16 : f32
    %add3A_11 = vector.broadcast %add3A_10 : f32 to vector<128x4xf32>
    %add3A_12 = arith.addf %slice3A_9, %add3A_11 : vector<128x4xf32>
    %get3A_13 = arith.constant 0 : index
    %get3A_14 = arith.constant 0 : index
    %get3A_15 = vector.load %arg6[%get3A_13, %get3A_14] : memref<4x32xf32, #tpu.memory_space<vmem>>, vector<4x32xf32>
    %dot_general3A = arith.constant dense<0.000000e+00> : vector<128x32xf32>
    %dot_general3A_16 = tpu.matmul %add3A_12, %get3A_15, %dot_general3A {dimension_numbers = #tpu.dot_dimension_numbers<[1], [0], [0], [1], [0, 0, 1, 1], [], []>, transpose_lhs_hint = false} : vector<128x4xf32>, vector<4x32xf32>, vector<128x32xf32> -> vector<128x32xf32>
    %div3A = arith.divf %slice3A, %dot_general3A_16 : vector<128x32xf32>
    %get3A_17 = arith.constant 0 : index
    %get3A_18 = arith.constant 0 : index
    %get3A_19 = vector.load %arg5[%get3A_17, %get3A_18] : memref<1x32xf32, #tpu.memory_space<vmem>>, vector<1x32xf32>
    %add3A_20 = vector.broadcast %get3A_19 : vector<1x32xf32> to vector<128x32xf32>
    %add3A_21 = arith.addf %div3A, %add3A_20 : vector<128x32xf32>
    %max3A = arith.constant 0.000000e+00 : f32
    %max3A_22 = vector.broadcast %max3A : f32 to vector<128x32xf32>
    %max3A_23 = arith.maximumf %add3A_21, %max3A_22 : vector<128x32xf32>
    %mul3A = arith.constant 128 : i32
    %mul3A_24 = arith.muli %arg0, %mul3A : i32
    %iota3A = tpu.iota {dimensions = array<i32: 0>} : vector<128x1xi32>
    %add3A_25 = vector.broadcast %mul3A_24 : i32 to vector<128x1xi32>
    %add3A_26 = arith.addi %add3A_25, %iota3A : vector<128x1xi32>
    %lt3A = arith.constant 10000 : i32
    %lt3A_27 = vector.broadcast %lt3A : i32 to vector<128x1xi32>
    %lt3A_28 = arith.cmpi slt, %add3A_26, %lt3A_27 : vector<128x1xi32>
    %jit3A = arith.constant 0.000000e+00 : f32
    %broadcast_in_dim3A = vector.shape_cast %lt3A_28 : vector<128x1xi1> to vector<128x1xi1>
    %broadcast_in_dim3A_29 = vector.broadcast %broadcast_in_dim3A : vector<128x1xi1> to vector<128x32xi1>
    %broadcast_in_dim3A_30 = vector.broadcast %jit3A : f32 to vector<128x32xf32>
    %select_n3A = arith.select %broadcast_in_dim3A_29, %max3A_23, %broadcast_in_dim3A_30 : vector<128x32xi1>, vector<128x32xf32>
    %get3A_31 = arith.constant 0 : index
    %get3A_32 = arith.constant 0 : index
    %get3A_33 = vector.load %arg2[%get3A_31, %get3A_32] : memref<32x64xf32, #tpu.memory_space<vmem>>, vector<32x64xf32>
    %dot_general3A_34 = arith.constant dense<0.000000e+00> : vector<128x64xf32>
    %dot_general3A_35 = tpu.matmul %select_n3A, %get3A_33, %dot_general3A_34 {dimension_numbers = #tpu.dot_dimension_numbers<[1], [0], [0], [1], [0, 0, 1, 1], [], []>, transpose_lhs_hint = false} : vector<128x32xf32>, vector<32x64xf32>, vector<128x64xf32> -> vector<128x64xf32>
    %get3A_36 = arith.constant 0 : index
    %get3A_37 = arith.constant 0 : index
    %get3A_38 = vector.load %arg3[%get3A_36, %get3A_37] : memref<64x1xf32, #tpu.memory_space<vmem>>, vector<64x1xf32>
    %dot_general3A_39 = arith.constant dense<0.000000e+00> : vector<128x1xf32>
    %dot_general3A_40 = tpu.matmul %dot_general3A_35, %get3A_38, %dot_general3A_39 {dimension_numbers = #tpu.dot_dimension_numbers<[1], [0], [0], [1], [0, 0, 1, 1], [], []>, transpose_lhs_hint = false} : vector<128x64xf32>, vector<64x1xf32>, vector<128x1xf32> -> vector<128x1xf32>
    %get3A_41 = arith.constant 0 : index
    %get3A_42 = arith.constant 0 : index
    %get3A_43 = vector.load %arg4[%get3A_41, %get3A_42] : memref<64x1xf32, #tpu.memory_space<vmem>>, vector<64x1xf32>
    %dot_general3A_44 = arith.constant dense<0.000000e+00> : vector<128x1xf32>
    %dot_general3A_45 = tpu.matmul %dot_general3A_35, %get3A_43, %dot_general3A_44 {dimension_numbers = #tpu.dot_dimension_numbers<[1], [0], [0], [1], [0, 0, 1, 1], [], []>, transpose_lhs_hint = false} : vector<128x64xf32>, vector<64x1xf32>, vector<128x1xf32> -> vector<128x1xf32>
    %broadcast_in_dim3A_46 = arith.constant 0.000000e+00 : f32
    %broadcast_in_dim3A_47 = vector.broadcast %broadcast_in_dim3A_46 : f32 to vector<128x62xf32>
    %concatenate3A = tpu.concatenate %dot_general3A_35, %dot_general3A_40, %dot_general3A_45, %broadcast_in_dim3A_47 in 1 : vector<128x64xf32>, vector<128x1xf32>, vector<128x1xf32>, vector<128x62xf32> -> vector<128x128xf32>
    %swap3A = arith.constant 0 : index
    %swap3A_48 = arith.constant 0 : index
    %swap3A_49 = vector.load %arg7[%swap3A, %swap3A_48] : memref<128x128xf32, #tpu.memory_space<vmem>>, vector<128x128xf32>
    tpu.vector_store %arg7[%swap3A, %swap3A_48], %concatenate3A {strides = array<i32>} : memref<128x128xf32, #tpu.memory_space<vmem>>, vector<128x128xf32>,
    return
  }
  func.func @transform_0(%arg0: i32) -> (i32, i32, i32) {
    %c0_i32 = arith.constant 0 : i32
    %c0_i32_0 = arith.constant 0 : i32
    %c0_i32_1 = arith.constant 0 : i32
    return %c0_i32, %arg0, %c0_i32_0 : i32, i32, i32
  }
  func.func @transform_1(%arg0: i32) -> (i32, i32) {
    %c0_i32 = arith.constant 0 : i32
    %c0_i32_0 = arith.constant 0 : i32
    %c0_i32_1 = arith.constant 0 : i32
    return %c0_i32, %c0_i32_0 : i32, i32
  }
  func.func @transform_2(%arg0: i32) -> (i32, i32) {
    %c0_i32 = arith.constant 0 : i32
    %c0_i32_0 = arith.constant 0 : i32
    %c0_i32_1 = arith.constant 0 : i32
    return %c0_i32, %c0_i32_0 : i32, i32
  }
  func.func @transform_3(%arg0: i32) -> (i32, i32) {
    %c0_i32 = arith.constant 0 : i32
    %c0_i32_0 = arith.constant 0 : i32
    %c0_i32_1 = arith.constant 0 : i32
    return %c0_i32, %c0_i32_0 : i32, i32
  }
  func.func @transform_4(%arg0: i32) -> (i32, i32) {
    %c0_i32 = arith.constant 0 : i32
    %c0_i32_0 = arith.constant 0 : i32
    %c0_i32_1 = arith.constant 0 : i32
    return %c0_i32, %c0_i32_0 : i32, i32
  }
  func.func @transform_5(%arg0: i32) -> (i32, i32) {
    %c0_i32 = arith.constant 0 : i32
    %c0_i32_0 = arith.constant 0 : i32
    %c0_i32_1 = arith.constant 0 : i32
    return %c0_i32, %c0_i32_0 : i32, i32
  }
  func.func @transform_6(%arg0: i32) -> (i32, i32) {
    %c0_i32 = arith.constant 0 : i32
    %c0_i32_0 = arith.constant 0 : i32
    return %arg0, %c0_i32 : i32, i32
  }
}

module attributes {stable_mosaic.version = 14 : i64} {
  func.func @_tc3_body(%arg0: i32, %arg1: memref<2x200x128xf32, #tpu.memory_space<vmem>>, %arg2: memref<1x64xf32, #tpu.memory_space<vmem>>, %arg3: memref<200x64xf32, #tpu.memory_space<vmem>>) attributes {dimension_semantics = [#tpu.dimension_semantics<arbitrary>], iteration_bounds = array<i64: 50>, scalar_prefetch = 0 : i64, scratch_operands = 0 : i64, tpu.core_type = #tpu.core_type<tc>, window_params = [{transform_indices = @transform_0, window_bounds = array<i64: 2, 200, 128>}, {pipeline_mode = #tpu.pipeline_mode<synchronous>, transform_indices = @transform_1, window_bounds = array<i64: 1, 64>}, {transform_indices = @transform_2, window_bounds = array<i64: 200, 64>}]} {
    %get3A = arith.constant 0 : index
    %get3A_0 = arith.constant 0 : index
    %get3A_1 = arith.constant 0 : index
    %get3A_2 = vector.load %arg1[%get3A, %get3A_0, %get3A_1] : memref<2x200x128xf32, #tpu.memory_space<vmem>>, vector<1x200x128xf32>
    %get3A_3 = vector.shape_cast %get3A_2 : vector<1x200x128xf32> to vector<200x128xf32>
    %get3A_4 = arith.constant 1 : index
    %get3A_5 = arith.constant 0 : index
    %get3A_6 = arith.constant 0 : index
    %get3A_7 = vector.load %arg1[%get3A_4, %get3A_5, %get3A_6] : memref<2x200x128xf32, #tpu.memory_space<vmem>>, vector<1x200x128xf32>
    %get3A_8 = vector.shape_cast %get3A_7 : vector<1x200x128xf32> to vector<200x128xf32>
    %add3A = arith.addf %get3A_3, %get3A_8 : vector<200x128xf32>
    %slice3A = vector.extract_strided_slice %add3A {offsets = [0, 64], sizes = [200, 1], strides = [1, 1]} : vector<200x128xf32> to vector<200x1xf32>
    %add3A_9 = arith.constant 1.000000e-16 : f32
    %add3A_10 = vector.broadcast %add3A_9 : f32 to vector<200x1xf32>
    %add3A_11 = arith.addf %slice3A, %add3A_10 : vector<200x1xf32>
    %slice3A_12 = vector.extract_strided_slice %add3A {offsets = [0, 0], sizes = [200, 64], strides = [1, 1]} : vector<200x128xf32> to vector<200x64xf32>
    %div3A = vector.broadcast %add3A_11 : vector<200x1xf32> to vector<200x64xf32>
    %div3A_13 = arith.divf %slice3A_12, %div3A : vector<200x64xf32>
    %get3A_14 = arith.constant 0 : index
    %get3A_15 = arith.constant 0 : index
    %get3A_16 = vector.load %arg2[%get3A_14, %get3A_15] : memref<1x64xf32, #tpu.memory_space<vmem>>, vector<1x64xf32>
    %add3A_17 = vector.broadcast %get3A_16 : vector<1x64xf32> to vector<200x64xf32>
    %add3A_18 = arith.addf %div3A_13, %add3A_17 : vector<200x64xf32>
    %reduce_max3A = arith.constant dense<0xFF800000> : vector<200xf32>
    %reduce_max3A_19 = vector.multi_reduction <maximumf>, %add3A_18, %reduce_max3A [1] : vector<200x64xf32> to vector<200xf32>
    %broadcast_in_dim3A = vector.shape_cast %reduce_max3A_19 : vector<200xf32> to vector<200x1xf32>
    %sub3A = vector.broadcast %broadcast_in_dim3A : vector<200x1xf32> to vector<200x64xf32>
    %sub3A_20 = arith.subf %add3A_18, %sub3A : vector<200x64xf32>
    %exp3A = math.exp %sub3A_20 : vector<200x64xf32>
    %reduce_sum3A = arith.constant dense<0.000000e+00> : vector<200xf32>
    %reduce_sum3A_21 = vector.multi_reduction <add>, %exp3A, %reduce_sum3A [1] : vector<200x64xf32> to vector<200xf32>
    %broadcast_in_dim3A_22 = vector.shape_cast %reduce_sum3A_21 : vector<200xf32> to vector<200x1xf32>
    %log3A = math.log %broadcast_in_dim3A_22 : vector<200x1xf32>
    %sub3A_23 = vector.broadcast %log3A : vector<200x1xf32> to vector<200x64xf32>
    %sub3A_24 = arith.subf %sub3A_20, %sub3A_23 : vector<200x64xf32>
    %swap3A = arith.constant 0 : index
    %swap3A_25 = arith.constant 0 : index
    %swap3A_26 = vector.load %arg3[%swap3A, %swap3A_25] : memref<200x64xf32, #tpu.memory_space<vmem>>, vector<200x64xf32>
    tpu.vector_store %arg3[%swap3A, %swap3A_25], %sub3A_24 {strides = array<i32>} : memref<200x64xf32, #tpu.memory_space<vmem>>, vector<200x64xf32>,
    return
  }
  func.func @transform_0(%arg0: i32) -> (i32, i32, i32) {
    %c0_i32 = arith.constant 0 : i32
    %c0_i32_0 = arith.constant 0 : i32
    %c0_i32_1 = arith.constant 0 : i32
    return %c0_i32, %arg0, %c0_i32_0 : i32, i32, i32
  }
  func.func @transform_1(%arg0: i32) -> (i32, i32) {
    %c0_i32 = arith.constant 0 : i32
    %c0_i32_0 = arith.constant 0 : i32
    %c0_i32_1 = arith.constant 0 : i32
    return %c0_i32, %c0_i32_0 : i32, i32
  }
  func.func @transform_2(%arg0: i32) -> (i32, i32) {
    %c0_i32 = arith.constant 0 : i32
    %c0_i32_0 = arith.constant 0 : i32
    return %arg0, %c0_i32 : i32, i32
  }
}

</mosaic_0001>

<sc_bundles>
// kernel: kernel.10.cloned.1.call-start
scs
__scs_entry_jumppad:
0x0: {  	(pc) =	sbr.rel $0x88, $3  }
0x1: {  	(tag) =	ssettag $0x0;
	lr =	simm.s32 $0x1  }
0x2: {  	[smem:$0x3F97] =	sst lr;
	_ =	strace $0xD0000000  }
0x3: {  	_ = 	snop  }
0x4: {  	_ = 	snop  }
0x5: {  	_ = 	snop  }
0x6: {  	_ = 	snop  }
0x7: {  	_ = 	snop  }
__scs_overlays_trampoline_lowered:
0x8: {  	[smem:$0x3FA6] =	sst s0  }
0x9: {  	[smem:$0x3FA7] =	sst s1  }
0xa: {  	[smem:$0x3FA8] =	sst s2  }
0xb: {  	[smem:$0x3FA9] =	sst s3  }
0xc: {  	[smem:$0x3FAA] =	sst s4  }
0xd: {  	[smem:$0x3FAB] =	sst s5  }
0xe: {  	[smem:$0x3FAC] =	sst s6  }
0xf: {  	[smem:$0x3FAD] =	sst s7  }
0x10: {  	[smem:$0x3FAE] =	sst s8  }
0x11: {  	[smem:$0x3FAF] =	sst s9;
	s0 =	simm.s32 @!p0 $0x0  }
0x12: {  	s1 =	sld [smem:$0x3F95];
	s0 =	simm.s32 @p0 $0x1  }
0x13: {  	[smem:$0x3FB0] =	sst s0;
	s0 =	simm.s32 @!p1 $0x0  }
0x14: {  	s2 =	sld [smem:$0x3F94];
	s0 =	simm.s32 @p1 $0x1  }
0x15: {  	[smem:$0x3FB1] =	sst s0;
	s0 =	simm.s32 @!p2 $0x0  }
0x16: {  	s3 =	sld [smem:$0x3FDB];
	s0 =	simm.s32 @p2 $0x1  }
0x17: {  	s4 =	simm.s32 $0x1BF5;
	[smem:$0x3FB3] =	sst s0  }
0x18: {  	s0 =	sld [smem:$0x3F96];
	_ =	swait.ge [sflag:s4], $0x0  }
0x19: {  	s7 =	sld [smem:$0x3F97]  }
0x1a: {  	s8 =	sadd.s32 $0xFFFFE003, lr  }
0x1b: {  	s9 =	sadd.s32 $0xFFFFFEF7, lr;
	s5 =	simm.s32 $0xFFFFFFFF;
	p2 =	slt.u32 s8, $0xFFFFF086  }
0x1c: {  	p1 =	slt.u32 s9, $0xF7A;
	s5 =	simm.s32 @!p2 $0x0  }
0x1d: {  	s5 =	simm.s32 @p1 $0x1;
	p0 =	seq.s32 s7, s2  }
0x1e: {  	s7 =	smul.u32 @!p0 $0xF7A, s2;
	p2 =	seq.s32 @!p0 s5, $0x0  }
0x1f: {  	s9 =	smul.u32 $0xF7A, s1;
	s8 =	simm.s32 @!p0 $0x1BF5;
	p2 =	por !p2, p0  }
0x20: {  	[sflag:s8] =	ssyncset.s32 @!p0 $0xFFFFF086;
	s6 =	sadd.s32 @!p0 s3, s7;
	s7 =	simm.s32 @!p0 $0x108  }
0x21: {  	s3 =	sadd.s32 s3, s9;
	s6 =	sadd.s32 @!p0 $0x88, s6;
	s7 =	simm.s32 @p2 $0x1082  }
0x22: {  	[simem:s7], [sflag:s8] =	dma.local @!p0 [hbm:s6], $0xF7A  }
0x23: {  	s9 =	sor.u32 $0xD0000000, s2;
	s6 =	simm.s32 $0x108;
	_ =	swait.ge @!p0 [sflag:s8], $0x0  }
0x24: {  	s3 =	sadd.s32 $0x88, s3;
	s6 =	simm.s32 @!p1 $0x1082;
	[sflag:s4] =	ssyncset.s32 $0xFFFFF086  }
0x25: {  	[simem:s6], [sflag:s4] =	dma.local [hbm:s3], $0xF7A  }
0x26: {  	[smem:$0x3F97] =	sst s1;
	(tag) =	ssettag s2;
	_ =	strace s9  }
0x27: {  	s1 =	sld [smem:$0x3FA7]  }
0x28: {  	s2 =	sld [smem:$0x3FA8]  }
0x29: {  	s4 =	sld [smem:$0x3FAA]  }
0x2a: {  	p0 =	seq.s32 s5, $0x0;
	s5 =	sld [smem:$0x3FAB]  }
0x2b: {  	s6 =	sld [smem:$0x3FAC]  }
0x2c: {  	s7 =	sld [smem:$0x3FAD]  }
0x2d: {  	s3 =	simm.s32 $0x108;
	s8 =	sld [smem:$0x3FAE]  }
0x2e: {  	s3 =	simm.s32 @!p0 $0x1082;
	s9 =	sld [smem:$0x3FAF]  }
0x2f: {  	lr =	sadd.s32 s0, s3;
	s0 =	sld [smem:$0x3FA6]  }
0x30: {  	s3 =	sld [smem:$0x3FA9]  }
0x31: {  	[smem:$0x3FB2] =	sst s10  }
0x32: {  	s10 =	sld [smem:$0x3FB0];
	_ =	sdelay $0x3  }
0x33: {  	p0 =	seq.s32 s10, $0x1;
	s10 =	sld [smem:$0x3FB2];
	_ =	sdelay $0x3  }
0x34: {  	[smem:$0x3FB2] =	sst s10  }
0x35: {  	s10 =	sld [smem:$0x3FB1];
	_ =	sdelay $0x3  }
0x36: {  	p1 =	seq.s32 s10, $0x1;
	s10 =	sld [smem:$0x3FB2];
	_ =	sdelay $0x3  }
0x37: {  	[smem:$0x3FB2] =	sst s10  }
0x38: {  	s10 =	sld [smem:$0x3FB3]  }
0x39: {  	_ = 	snop;
	(pc) =	sbr.ind lr, $3  }
0x3a: {  	_ = 	snop  }
0x3b: {  	_ = 	snop  }
0x3c: {  	p2 =	seq.s32 s10, $0x1;
	s10 =	sld [smem:$0x3FB2]  }
0x3d: {  	_ =	shalt  }
0x3e: {  	_ =	shalt  }
0x3f: {  	_ =	shalt  }
0x40: {  	_ =	shalt  }
0x41: {  	_ =	shalt  }
0x42: {  	_ =	shalt  }
0x43: {  	_ =	shalt  }
0x44: {  	_ =	shalt  }
0x45: {  	_ =	shalt  }
0x46: {  	_ =	shalt  }
0x47: {  	_ =	shalt  }
0x48: {  	_ =	shalt  }
0x49: {  	_ =	shalt  }
0x4a: {  	_ =	shalt  }
0x4b: {  	_ =	shalt  }
0x4c: {  	_ =	shalt  }
0x4d: {  	_ =	shalt  }
0x4e: {  	_ =	shalt  }
0x4f: {  	_ =	shalt  }
0x50: {  	_ =	shalt  }
0x51: {  	_ =	shalt  }
0x52: {  	_ =	shalt  }
0x53: {  	_ =	shalt  }
0x54: {  	_ =	shalt  }
0x55: {  	_ =	shalt  }
0x56: {  	_ =	shalt  }
0x57: {  	_ =	shalt  }
0x58: {  	_ =	shalt  }
0x59: {  	_ =	shalt  }
0x5a: {  	_ =	shalt  }
0x5b: {  	_ =	shalt  }
0x5c: {  	_ =	shalt  }
0x5d: {  	_ =	shalt  }
0x5e: {  	_ =	shalt  }
0x5f: {  	_ =	shalt  }
0x60: {  	_ =	shalt  }
0x61: {  	_ =	shalt  }
0x62: {  	_ =	shalt  }
0x63: {  	_ =	shalt  }
0x64: {  	_ =	shalt  }
0x65: {  	_ =	shalt  }
0x66: {  	_ =	shalt  }
0x67: {  	_ =	shalt  }
0x68: {  	_ =	shalt  }
0x69: {  	_ =	shalt  }
0x6a: {  	_ =	shalt  }
0x6b: {  	_ =	shalt  }
0x6c: {  	_ =	shalt  }
0x6d: {  	_ =	shalt  }
0x6e: {  	_ =	shalt  }
0x6f: {  	_ =	shalt  }
0x70: {  	_ =	shalt  }
0x71: {  	_ =	shalt  }
0x72: {  	_ =	shalt  }
0x73: {  	_ =	shalt  }
0x74: {  	_ =	shalt  }
0x75: {  	_ =	shalt  }
0x76: {  	_ =	shalt  }
0x77: {  	_ =	shalt  }
0x78: {  	_ =	shalt  }
0x79: {  	_ =	shalt  }
0x7a: {  	_ =	shalt  }
0x7b: {  	_ =	shalt  }
0x7c: {  	_ =	shalt  }
0x7d: {  	_ =	shalt  }
0x7e: {  	_ =	shalt  }
0x7f: {  	_ =	shalt  }
0x80: {  	_ =	shalt  }
0x81: {  	_ =	shalt  }
0x82: {  	_ =	shalt  }
0x83: {  	_ =	shalt  }
0x84: {  	_ =	shalt  }
0x85: {  	_ =	shalt  }
0x86: {  	_ =	shalt  }
0x87: {  	_ =	shalt  }
.Lfunc_end0:
.L_simem_size_0:
called_computation.1_lowered:
.L_overlay_start_0:
0x88: {  	s2 =	sld [smem:$0x3FD9]  }
0x89: {  	s3 =	sld [smem:$0x3FFE];
	_ =	sdelay $0x1  }
0x8a: {  	s1 =	srdreg.scid  }
0x8b: {  	s0 =	sand.u32 $0x1, s1  }
0x8c: {  	s17 =	sshll.u32 s0, $0xA;
	s2 =	sadd.s32 s3, s2  }
0x8d: {  	s2 =	sadd.s32 s2, s17  }
0x8e: {  	[smem:$0x3FBE] =	sst s2  }
0x8f: {  	_ = 	snop  }
0x90: {  	s2 =	sld [smem:$0x3FD0];
	(tm) =	ssettm $0x1  }
0x91: {  	s18 =	sld [smem:$0x3FFB];
	_ =	sdelay $0x3  }
0x92: {  	_ =	strace s18  }
0x93: {  	s3 =	sld [smem:$0x3FFC];
	_ =	sdelay $0x3  }
0x94: {  	_ =	strace s3  }
0x95: {  	s3 =	sld [smem:$0x3FFD];
	_ =	sdelay $0x3  }
0x96: {  	_ =	strace s3  }
0x97: {  	_ =	strace $0x8FFFFFFF  }
0x98: {  	s19 =	sld [smem:$0x3FDB];
	_ =	sdelay $0x1  }
0x99: {  	s4 =	simm.s32 $_scs_section_size  }
0x9a: {  	s5 =	simm.s32 $_size__tile_overlayer_lowered;
	s6 =	simm.s32 $_tile_overlayer_lowered  }
0x9b: {  	s22 =	simm.s32 $0x1BFF;
	s21 =	sshll.u32 s6, $0x1;
	s3 =	sadd.s32 s4, s19  }
0x9c: {  	s7 =	simm.s32 $0x0;
	s20 =	sshll.u32 s5, $0x1;
	s5 =	sadd.s32 s21, s3  }
0x9d: {  	[timem:s7], [sflag:s22] =	dma.local [hbm:s5], s20  }
0x9e: {  	_ =	swait.ge [sflag:s22], s20  }
0x9f: {  	s4 =	ssub.s32 $0x0, s20;
	[sflag:s22] =	ssyncset.done $0x0  }
0xa0: {  	[sflag:s22] =	ssyncadd.s32 s4;
	_ =	sdelay $0x1  }
0xa1: {  	s23 =	simm.s32 $0x1B8B  }
0xa2: {  	_ =	swait.ge [sflag:s23], $0x1  }
0xa3: {  	[sflag:s23] =	ssyncset.done $0x0  }
0xa4: {  	s25 =	simm.s32 $0x1B8E;
	s24 =	sld [smem:$0x3FFE];
	[sflag:s23] =	ssyncadd.s32 $0xFFFFFFFF  }
0xa5: {  	s26 =	simm.s32 $execute0_lowered;
	[smem:$0x3FD2] =	sst s25  }
0xa6: {  	s5 =	sshll.u32 s26, $0x1;
	_ =	strace $0x80000049;
	[dreg:$0x1] =	wrdreg $0xFFFFFFFF  }
0xa7: {  	s28 =	simm.s32 $_size_execute0_lowered;
	s3 =	sadd.s32 s3, s5;
	[dreg:$0x0] =	wrdreg $0x0  }
0xa8: {  	s5 =	sshll.u32 s28, $0x1;
	[dreg:$0x2] =	wrdreg s3  }
0xa9: {  	[dreg:$0x3] =	wrdreg s5  }
0xaa: {  	[dreg:$0x4] =	wrdreg $0xC0  }
0xab: {  	_ =	task [dreg:s7], $0x5FFFF  }
0xac: {  	[dreg:$0x1] =	wrdreg $0xFFFFFFFF  }
0xad: {  	[dreg:$0x0] =	wrdreg $0x60  }
0xae: {  	[dreg:$0x2] =	wrdreg s2  }
0xaf: {  	[dreg:$0x3] =	wrdreg s24  }
0xb0: {  	[dreg:$0x4] =	wrdreg $0x82000  }
0xb1: {  	[dreg:$0x5] =	wrdreg $0x9  }
0xb2: {  	_ =	task.clear_ibuf [dreg:s7], $0x6FFFF;
	_ =	strace $0x90000049  }
0xb3: {  	s29 =	simm.s32 $0x9;
	_ =	strace $0x8000004B  }
0xb4: {  	_ =	swait.ge [sflag:s29], $0x1  }
0xb5: {  	[sflag:s29] =	ssyncadd.s32 $0xFFFFFFFF  }
0xb6: {  	_ =	strace $0x9000004B  }
0xb7: {  	_ =	sfence  }
0xb8: {  	s30 =	sld [smem:$0x0];
	_ =	sdelay $0x2  }
0xb9: {  	s31 =	sshll.u32 s1, $0xD;
	s1 =	sshrl.u32 s1, $0x2  }
0xba: {  	s3 =	sand.u32 $0x4000, s31;
	s1 =	sadd.s32 s1, s30  }
0xbb: {  	s0 =	sor.u32 s3, s0;
	s1 =	sshll.u32 s1, $0x11  }
0xbc: {  	s0 =	sor.u32 s1, s0  }
0xbd: {  	s0 =	sadd.s32 $0x8F2B, s0  }
0xbe: {  	[sflag:s0] =	ssyncadd.remote.s32 $0x1  }
0xbf: {  	_ =	sfence.sel $0xFFFF  }
0xc0: {  	[dreg:$0x0] =	wrdreg $0xFFFFFFFF;
	(pc) =	sbr.abs _section_cstart, $3  }
0xc1: {  	[dreg:$0x1] =	wrdreg $0xFFFFFFFF  }
0xc2: {  	_ =	task.clear_ibuf [dreg:s7], $0x2FFFF;
	_ =	strace $0x9FFFFFFF  }
0xc3: {  	(tm) =	ssettm $0x7FFFFFFF  }
tec
execute0_lowered:
.L_overlay_start_1:
0x0: {  	(tag) =	ssettag $0x1  }
0x1: {  	s1 =	rddreg [dreg:$0x0]  }
0x2: {  	s0 =	rddreg [dreg:$0x1]  }
0x3: {  	s2 =	rddreg [dreg:$0x2];
	s3 =	simm.s32 $0x0;
	s4 =	srdreg.scid  }
0x4: {  	s28 =	simm.s32 $0x180;
	s29 =	simm.s32 $0x2200;
	s30 =	simm.s32 $0x6200  }
0x5: {  	s31 =	simm.s32 $0x1;
	[smem:$0x7FF] =	sst s3;
	s6 =	sand.u32 $0x1, s4  }
0x6: {  	s4 =	stileid.u32;
	s5 =	sadd.s32 $0x1400, s0;
	_ =	strace $0x8000004A  }
0x7: {  	s7 =	smul.u32 $0x13C000, s6;
	s9 =	sshll.u32 s4, $0xD;
	s8 =	sshll.u32 s4, $0x1  }
0x8: {  	s10 =	ssub.s32 $0x2, s6;
	s24 =	sor.u32 $0x90, s4;
	s6 =	sor.u32 s6, s8  }
0x9: {  	s11 =	sshrl.u32 s10, $0x1;
	s26 =	sshll.u32 s24, $0xD;
	p0 =	sgt.u32 s24, $0x9D  }
0xa: {  	s24 =	simm.s32 $0x40;
	s7 =	sadd.s32 s9, s7;
	s10 =	ssub.s32 s10, s11  }
0xb: {  	s6 =	smul.u32 $0x2880, s6;
	s19 =	sadd.s32 s26, s2;
	s10 =	smax.u32 s10, $0x1  }
0xc: {  	s26 =	simm.s32 $0x80;
	[dreg:$0x4] =	wrdreg s10;
	s10 =	sadd.s32 s9, s2  }
0xd: {  	s20 =	sshrl.u32 s7, $0x3;
	s7 =	sadd.s32 $0xB600, s0;
	s9 =	sadd.s32 $0x40000, s10  }
0xe: {  	s0 =	sadd.s32 s20, s0;
	s21 =	sadd.s32 $0x60000, s10;
	[dreg:$0x5] =	wrdreg s9  }
0xf: {  	s8 =	sor.u32 $0x40, s6;
	s22 =	sadd.s32 $0x80000, s10;
	[dreg:$0x6] =	wrdreg s21  }
0x10: {  	s11 =	sadd.s32 $0x20000, s10;
	s23 =	sadd.s32 $0xA0000, s10;
	[dreg:$0x7] =	wrdreg s22  }
0x11: {  	s12 =	sadd.s32 $0xC0000, s10;
	s25 =	sadd.s32 $0xE0000, s10;
	[dreg:$0x8] =	wrdreg s23  }
0x12: {  	s18 =	sadd.s32 $0x100000, s10;
	s20 =	sadd.s32 $0x32E00, s0;
	[dreg:$0x9] =	wrdreg s12  }
0x13: {  	v1 =	vlaneseq.u32;
	s0 =	simm.s32 $0x2;
	[dreg:$0xa] =	wrdreg s25;
	s21 =	simm.s32 $0x200  }
0x14: {  	v0 =	vimm.f32 $0.0e+00;
	v1 =	vmul.u32 $0x80, v1;
	s22 =	simm.s32 $0x3;
	s23 =	simm.s32 $0x100;
	s25 =	simm.s32 $0x4200  }
.LBB2_1:
0x15: {  	s9 =	simm.s32 $0x0;
	s12 =	simm.s32 $0x200  }
.LBB2_2:
0x16: {  	p1 =	sne.s32 s12, $0x7E00;
	[tilespmem:s9+$0x270] =	vst v0  }
0x17: {  	[tilespmem:s9+$0x200] =	vst v0  }
0x18: {  	[tilespmem:s9+$0x210] =	vst v0  }
.Ltmp0:
0x19: {  	[tilespmem:s9+$0x220] =	vst v0;
	(pc) =	sbr.rel @p1 .LBB2_2-.Ltmp0, $4  }
0x1a: {  	[tilespmem:s9+$0x230] =	vst v0  }
0x1b: {  	[tilespmem:s9+$0x240] =	vst v0  }
0x1c: {  	[tilespmem:s9+$0x250] =	vst v0  }
0x1d: {  	[tilespmem:s9+$0x260] =	vst v0;
	s9 =	sshra.s32 s12, $0x2;
	s12 =	sadd.s32 $0x200, s12  }
0x1e: {  	[tilespmem:s9+$0x270] =	vst v0  }
0x1f: {  	[tilespmem:s9+$0x200] =	vst v0  }
0x20: {  	[tilespmem:s9+$0x210] =	vst v0  }
0x21: {  	[tilespmem:s9+$0x220] =	vst v0  }
0x22: {  	[tilespmem:s9+$0x230] =	vst v0  }
0x23: {  	[tilespmem:s9+$0x240] =	vst v0  }
0x24: {  	[tilespmem:s9+$0x250] =	vst v0  }
0x25: {  	[tilespmem:s9+$0x260] =	vst v0  }
0x26: {  	[spmem:s10] =	stream.linear.scatter [tilespmem:s21], [sflag:$0x3], $0x2000, $0x38;
	[tilespmem:$0x1BE00] =	vst v63  }
0x27: {  	_ =	swait.ge [sflag:s22], $0x2000  }
0x28: {  	[sflag:s22] =	ssyncset.done $0x0  }
0x29: {  	[sflag:s22] =	ssyncadd.s32 $0xFFFFE000  }
0x2a: {  	[spmem:s11] =	stream.linear.scatter [tilespmem:s21], [sflag:$0x3], $0x2000, $0x38;
	[tilespmem:$0x1BE00] =	vst v63  }
0x2b: {  	_ =	swait.ge [sflag:s22], $0x2000  }
0x2c: {  	[sflag:s22] =	ssyncset.done $0x0  }
0x2d: {  	s12 =	rddreg [dreg:$0x5];
	[sflag:s22] =	ssyncadd.s32 $0xFFFFE000  }
0x2e: {  	[spmem:s12] =	stream.linear.scatter [tilespmem:s21], [sflag:$0x3], $0x2000, $0x38;
	[tilespmem:$0x1BE00] =	vst v63  }
0x2f: {  	_ =	swait.ge [sflag:s22], $0x2000  }
0x30: {  	[sflag:s22] =	ssyncset.done $0x0  }
0x31: {  	s13 =	rddreg [dreg:$0x6];
	[sflag:s22] =	ssyncadd.s32 $0xFFFFE000  }
0x32: {  	[spmem:s13] =	stream.linear.scatter [tilespmem:s21], [sflag:$0x3], $0x2000, $0x38;
	[tilespmem:$0x1BE00] =	vst v63  }
0x33: {  	_ =	swait.ge [sflag:s22], $0x2000  }
0x34: {  	[sflag:s22] =	ssyncset.done $0x0  }
0x35: {  	s14 =	rddreg [dreg:$0x7];
	[sflag:s22] =	ssyncadd.s32 $0xFFFFE000  }
0x36: {  	[spmem:s14] =	stream.linear.scatter [tilespmem:s21], [sflag:$0x3], $0x2000, $0x38;
	[tilespmem:$0x1BE00] =	vst v63  }
0x37: {  	_ =	swait.ge [sflag:s22], $0x2000  }
0x38: {  	[sflag:s22] =	ssyncset.done $0x0  }
0x39: {  	s15 =	rddreg [dreg:$0x8];
	[sflag:s22] =	ssyncadd.s32 $0xFFFFE000  }
0x3a: {  	[spmem:s15] =	stream.linear.scatter [tilespmem:s21], [sflag:$0x3], $0x2000, $0x38;
	[tilespmem:$0x1BE00] =	vst v63  }
0x3b: {  	_ =	swait.ge [sflag:s22], $0x2000  }
0x3c: {  	[sflag:s22] =	ssyncset.done $0x0  }
0x3d: {  	s16 =	rddreg [dreg:$0x9];
	[sflag:s22] =	ssyncadd.s32 $0xFFFFE000  }
0x3e: {  	[spmem:s16] =	stream.linear.scatter [tilespmem:s21], [sflag:$0x3], $0x2000, $0x38;
	[tilespmem:$0x1BE00] =	vst v63  }
0x3f: {  	_ =	swait.ge [sflag:s22], $0x2000  }
0x40: {  	[sflag:s22] =	ssyncset.done $0x0  }
0x41: {  	s17 =	rddreg [dreg:$0xa];
	[sflag:s22] =	ssyncadd.s32 $0xFFFFE000  }
0x42: {  	[spmem:s17] =	stream.linear.scatter [tilespmem:s21], [sflag:$0x3], $0x2000, $0x38;
	[tilespmem:$0x1BE00] =	vst v63  }
0x43: {  	_ =	swait.ge [sflag:s22], $0x2000  }
0x44: {  	[sflag:s22] =	ssyncset.done $0x0  }
0x45: {  	[sflag:s22] =	ssyncadd.s32 $0xFFFFE000  }
0x46: {  	[spmem:s18] =	stream.linear.scatter [tilespmem:s21], [sflag:$0x3], $0x2000, $0x38;
	[tilespmem:$0x1BE00] =	vst v63  }
0x47: {  	_ =	swait.ge [sflag:s22], $0x2000  }
0x48: {  	[sflag:s22] =	ssyncset.done $0x0  }
0x49: {  	s9 =	simm.s32 @!p0 $0x200;
	[sflag:s22] =	ssyncadd.s32 $0xFFFFE000  }
0x4a: {  	[spmem:s19] =	stream.linear.scatter @!p0 [tilespmem:s9], [sflag:$0x3], $0x2000, $0x38;
	[tilespmem:$0x1BE00] =	vst v63  }
0x4b: {  	s9 =	simm.s32 @!p0 $0x3  }
0x4c: {  	_ =	swait.ge @!p0 [sflag:s9], $0x2000  }
0x4d: {  	[sflag:s9] =	ssyncset.done @!p0 $0x0  }
0x4e: {  	[sflag:s9] =	ssyncadd.s32 @!p0 $0xFFFFE000  }
0x4f: {  	s12 =	simm.s32 $0x0;
	s9 =	simm.s32 $0x0;
	[bflag:$0x0] =	sbarrier.arrive $0xFFFF  }
.LBB2_4:
0x50: {  	s13 =	sshll.u32 s12, $0x7  }
0x51: {  	s14 =	sadd.s32 s6, s13  }
0x52: {  	s14 =	sshrl.u32 s14, $0x3  }
0x53: {  	s15 =	sadd.s32 s1, s14  }
0x54: {  	[tilespmem:s9], [sflag:$0x3] =	stream.linear.gather [hbm4b:s15+s9], $0x40, $0x38;
	[tilespmem:$0x1BE00] =	vst v63  }
0x55: {  	_ =	swait.ge [sflag:s22], $0x40  }
0x56: {  	[sflag:s22] =	ssyncset.done $0x0  }
0x57: {  	s14 =	sadd.s32 s5, s14;
	[sflag:s22] =	ssyncadd.s32 $0xFFFFFFC0  }
0x58: {  	[tilespmem:s23], [sflag:$0x3] =	stream.linear.gather [hbm4b:s14+s9], $0x40, $0x38;
	[tilespmem:$0x1BE00] =	vst v63  }
0x59: {  	_ =	swait.ge [sflag:s22], $0x40  }
0x5a: {  	[sflag:s22] =	ssyncset.done $0x0  }
0x5b: {  	s13 =	sadd.s32 s13, s8;
	[sflag:s22] =	ssyncadd.s32 $0xFFFFFFC0  }
0x5c: {  	[tilespmem:s21], [sflag:$0x1] =	stream.indirect.gather [hbm4b:s7+s24], $0x80, s9, s24, $0xb8;
	[tilespmem:$0x1BE00] =	vst v63  }
0x5d: {  	s13 =	sshrl.u32 s13, $0x3  }
0x5e: {  	[tilespmem:s25], [sflag:$0x1] =	stream.indirect.gather [hbm4b:s7+s24], $0x80, s23, s24, $0xb8;
	[tilespmem:$0x1BE00] =	vst v63  }
0x5f: {  	s17 =	sadd.s32 s1, s13  }
0x60: {  	[tilespmem:s26], [sflag:$0x3] =	stream.linear.gather [hbm4b:s17+s9], $0x40, $0x38;
	[tilespmem:$0x1BE00] =	vst v63  }
0x61: {  	_ =	swait.ge [sflag:s22], $0x40  }
0x62: {  	[sflag:s22] =	ssyncset.done $0x0  }
0x63: {  	s13 =	sadd.s32 s5, s13;
	[sflag:s22] =	ssyncadd.s32 $0xFFFFFFC0  }
0x64: {  	[tilespmem:s28], [sflag:$0x3] =	stream.linear.gather [hbm4b:s13+s9], $0x40, $0x38;
	[tilespmem:$0x1BE00] =	vst v63  }
0x65: {  	_ =	swait.ge [sflag:s22], $0x40  }
0x66: {  	[sflag:s22] =	ssyncset.done $0x0  }
0x67: {  	[sflag:s22] =	ssyncadd.s32 $0xFFFFFFC0  }
0x68: {  	[tilespmem:s29], [sflag:$0x2] =	stream.indirect.gather [hbm4b:s7+s24], $0x80, s26, s24, $0xb8;
	[tilespmem:$0x1BE00] =	vst v63  }
0x69: {  	_ = 	snop  }
0x6a: {  	[tilespmem:s30], [sflag:$0x2] =	stream.indirect.gather [hbm4b:s7+s24], $0x80, s28, s24, $0xb8;
	[tilespmem:$0x1BE00] =	vst v63  }
0x6b: {  	_ =	swait.ge [sflag:s31], $0x2000  }
0x6c: {  	[sflag:s31] =	ssyncset.done $0x0  }
0x6d: {  	[sflag:s31] =	ssyncadd.s32 $0xFFFFE000  }
0x6e: {  	_ =	swait.ge [sflag:s31], $0x2000  }
0x6f: {  	[sflag:s31] =	ssyncset.done $0x0  }
0x70: {  	s13 =	simm.s32 $0x0;
	[sflag:s31] =	ssyncadd.s32 $0xFFFFE000  }
.LBB2_5:
0x71: {  	v2 =	vmov s13  }
0x72: {  	v2 =	vshll.u32 v2, $0x7  }
0x73: {  	v2 =	vor.u32 v1, v2  }
0x74: {  	v4 =	vor.u32 $0x40, v2  }
0x75: {  	v3 =	vor.u32 $0x41, v2;
	_ =	sdelay $0x3  }
0x76: {  	v5 =	vld.idx.msk [tilespmem:v4+s21+$0x0], $0xffff  }
0x77: {  	v3 =	vld.idx.msk [tilespmem:v3+s25+$0x0], $0xffff;
	_ =	sdelay $0x4  }
0x78: {  	v3 =	vadd.f32 v3, v5;
	_ =	sdelay $0x1  }
0x79: {  	v5 =	vmul.f32 $2.000000030e-01, v3;
	_ =	sdelay $0x1  }
0x7a: {  	v3 =	vmax.f32 v3, v5  }
0x7b: {  	v3 =	vmul.f32 $1.442695020e+00, v3;
	_ =	sdelay $0x1  }
0x7c: {  	(erf) = vpow2.f32 v3;
	_ =	sdelay $0x8  }
0x7d: {  	v3 =	vpop (erf)  }
0x7e: {  	[tilespmem:v4+s21+$0x0] =	vst.idx.msk $0xffff, v3  }
0x7f: {  	v4 =	vld.idx.msk [tilespmem:v2+s21+$0x0], $0xffff;
	_ =	sdelay $0x2  }
0x80: {  	v58 =	vor.u32 $0x1, v2;
	_ =	sdelay $0x1  }
0x81: {  	v4 =	vmul.f32 v3, v4;
	_ =	sdelay $0x1  }
0x82: {  	[tilespmem:v2+s21+$0x0] =	vst.idx.msk $0xffff, v4  }
0x83: {  	v4 =	vld.idx.msk [tilespmem:v58+s21+$0x0], $0xffff;
	_ =	sdelay $0x2  }
0x84: {  	v6 =	vor.u32 $0x2, v2;
	_ =	sdelay $0x1  }
0x85: {  	v4 =	vmul.f32 v3, v4;
	_ =	sdelay $0x1  }
0x86: {  	[tilespmem:v58+s21+$0x0] =	vst.idx.msk $0xffff, v4  }
0x87: {  	v4 =	vld.idx.msk [tilespmem:v6+s21+$0x0], $0xffff;
	_ =	sdelay $0x2  }
0x88: {  	v59 =	vor.u32 $0x3, v2;
	_ =	sdelay $0x1  }
0x89: {  	v4 =	vmul.f32 v4, v3;
	_ =	sdelay $0x1  }
0x8a: {  	[tilespmem:v6+s21+$0x0] =	vst.idx.msk $0xffff, v4  }
0x8b: {  	v4 =	vld.idx.msk [tilespmem:v59+s21+$0x0], $0xffff;
	_ =	sdelay $0x2  }
0x8c: {  	v60 =	vor.u32 $0x4, v2;
	_ =	sdelay $0x1  }
0x8d: {  	v4 =	vmul.f32 v4, v3;
	_ =	sdelay $0x1  }
0x8e: {  	[tilespmem:v59+s21+$0x0] =	vst.idx.msk $0xffff, v4  }
0x8f: {  	v4 =	vld.idx.msk [tilespmem:v60+s21+$0x0], $0xffff;
	_ =	sdelay $0x2  }
0x90: {  	v61 =	vor.u32 $0x5, v2;
	_ =	sdelay $0x1  }
0x91: {  	v4 =	vmul.f32 v4, v3;
	_ =	sdelay $0x1  }
0x92: {  	[tilespmem:v60+s21+$0x0] =	vst.idx.msk $0xffff, v4  }
0x93: {  	v4 =	vld.idx.msk [tilespmem:v61+s21+$0x0], $0xffff;
	_ =	sdelay $0x2  }
0x94: {  	v62 =	vor.u32 $0x6, v2;
	_ =	sdelay $0x1  }
0x95: {  	v4 =	vmul.f32 v4, v3;
	_ =	sdelay $0x1  }
0x96: {  	[tilespmem:v61+s21+$0x0] =	vst.idx.msk $0xffff, v4  }
0x97: {  	v4 =	vld.idx.msk [tilespmem:v62+s21+$0x0], $0xffff;
	_ =	sdelay $0x2  }
0x98: {  	v63 =	vor.u32 $0x7, v2;
	_ =	sdelay $0x1  }
0x99: {  	v4 =	vmul.f32 v4, v3;
	_ =	sdelay $0x1  }
0x9a: {  	[tilespmem:v62+s21+$0x0] =	vst.idx.msk $0xffff, v4  }
0x9b: {  	v4 =	vld.idx.msk [tilespmem:v63+s21+$0x0], $0xffff;
	_ =	sdelay $0x2  }
0x9c: {  	v9 =	vor.u32 $0x8, v2;
	_ =	sdelay $0x1  }
0x9d: {  	v4 =	vmul.f32 v4, v3;
	_ =	sdelay $0x1  }
0x9e: {  	[tilespmem:v63+s21+$0x0] =	vst.idx.msk $0xffff, v4  }
0x9f: {  	v4 =	vld.idx.msk [tilespmem:v9+s21+$0x0], $0xffff;
	_ =	sdelay $0x2  }
0xa0: {  	v10 =	vor.u32 $0x9, v2;
	_ =	sdelay $0x1  }
0xa1: {  	v4 =	vmul.f32 v4, v3;
	_ =	sdelay $0x1  }
0xa2: {  	[tilespmem:v9+s21+$0x0] =	vst.idx.msk $0xffff, v4  }
0xa3: {  	v4 =	vld.idx.msk [tilespmem:v10+s21+$0x0], $0xffff;
	_ =	sdelay $0x2  }
0xa4: {  	v11 =	vor.u32 $0xA, v2;
	_ =	sdelay $0x1  }
0xa5: {  	v4 =	vmul.f32 v4, v3;
	_ =	sdelay $0x1  }
0xa6: {  	[tilespmem:v10+s21+$0x0] =	vst.idx.msk $0xffff, v4  }
0xa7: {  	v4 =	vld.idx.msk [tilespmem:v11+s21+$0x0], $0xffff;
	_ =	sdelay $0x2  }
0xa8: {  	v12 =	vor.u32 $0xB, v2;
	_ =	sdelay $0x1  }
0xa9: {  	v4 =	vmul.f32 v4, v3;
	_ =	sdelay $0x1  }
0xaa: {  	[tilespmem:v11+s21+$0x0] =	vst.idx.msk $0xffff, v4  }
0xab: {  	v4 =	vld.idx.msk [tilespmem:v12+s21+$0x0], $0xffff;
	_ =	sdelay $0x2  }
0xac: {  	v13 =	vor.u32 $0xC, v2;
	_ =	sdelay $0x1  }
0xad: {  	v4 =	vmul.f32 v4, v3;
	_ =	sdelay $0x1  }
0xae: {  	[tilespmem:v12+s21+$0x0] =	vst.idx.msk $0xffff, v4  }
0xaf: {  	v4 =	vld.idx.msk [tilespmem:v13+s21+$0x0], $0xffff;
	_ =	sdelay $0x2  }
0xb0: {  	v14 =	vor.u32 $0xD, v2;
	_ =	sdelay $0x1  }
0xb1: {  	v4 =	vmul.f32 v4, v3;
	_ =	sdelay $0x1  }
0xb2: {  	[tilespmem:v13+s21+$0x0] =	vst.idx.msk $0xffff, v4  }
0xb3: {  	v4 =	vld.idx.msk [tilespmem:v14+s21+$0x0], $0xffff;
	_ =	sdelay $0x2  }
0xb4: {  	v15 =	vor.u32 $0xE, v2;
	_ =	sdelay $0x1  }
0xb5: {  	v4 =	vmul.f32 v4, v3;
	_ =	sdelay $0x1  }
0xb6: {  	[tilespmem:v14+s21+$0x0] =	vst.idx.msk $0xffff, v4  }
0xb7: {  	v4 =	vld.idx.msk [tilespmem:v15+s21+$0x0], $0xffff;
	_ =	sdelay $0x2  }
0xb8: {  	v16 =	vor.u32 $0xF, v2;
	_ =	sdelay $0x1  }
0xb9: {  	v4 =	vmul.f32 v4, v3;
	_ =	sdelay $0x1  }
0xba: {  	[tilespmem:v15+s21+$0x0] =	vst.idx.msk $0xffff, v4  }
0xbb: {  	v4 =	vld.idx.msk [tilespmem:v16+s21+$0x0], $0xffff;
	_ =	sdelay $0x2  }
0xbc: {  	v17 =	vor.u32 $0x10, v2;
	_ =	sdelay $0x1  }
0xbd: {  	v4 =	vmul.f32 v4, v3;
	_ =	sdelay $0x1  }
0xbe: {  	[tilespmem:v16+s21+$0x0] =	vst.idx.msk $0xffff, v4  }
0xbf: {  	v4 =	vld.idx.msk [tilespmem:v17+s21+$0x0], $0xffff;
	_ =	sdelay $0x2  }
0xc0: {  	v18 =	vor.u32 $0x11, v2;
	_ =	sdelay $0x1  }
0xc1: {  	v4 =	vmul.f32 v4, v3;
	_ =	sdelay $0x1  }
0xc2: {  	[tilespmem:v17+s21+$0x0] =	vst.idx.msk $0xffff, v4  }
0xc3: {  	v4 =	vld.idx.msk [tilespmem:v18+s21+$0x0], $0xffff;
	_ =	sdelay $0x2  }
0xc4: {  	v19 =	vor.u32 $0x12, v2;
	_ =	sdelay $0x1  }
0xc5: {  	v4 =	vmul.f32 v4, v3;
	_ =	sdelay $0x1  }
0xc6: {  	[tilespmem:v18+s21+$0x0] =	vst.idx.msk $0xffff, v4  }
0xc7: {  	v4 =	vld.idx.msk [tilespmem:v19+s21+$0x0], $0xffff;
	_ =	sdelay $0x2  }
0xc8: {  	v20 =	vor.u32 $0x13, v2;
	_ =	sdelay $0x1  }
0xc9: {  	v4 =	vmul.f32 v4, v3;
	_ =	sdelay $0x1  }
0xca: {  	[tilespmem:v19+s21+$0x0] =	vst.idx.msk $0xffff, v4  }
0xcb: {  	v4 =	vld.idx.msk [tilespmem:v20+s21+$0x0], $0xffff;
	_ =	sdelay $0x2  }
0xcc: {  	v21 =	vor.u32 $0x14, v2;
	_ =	sdelay $0x1  }
0xcd: {  	v4 =	vmul.f32 v4, v3;
	_ =	sdelay $0x1  }
0xce: {  	[tilespmem:v20+s21+$0x0] =	vst.idx.msk $0xffff, v4  }
0xcf: {  	v4 =	vld.idx.msk [tilespmem:v21+s21+$0x0], $0xffff;
	_ =	sdelay $0x2  }
0xd0: {  	v22 =	vor.u32 $0x15, v2;
	_ =	sdelay $0x1  }
0xd1: {  	v4 =	vmul.f32 v4, v3;
	_ =	sdelay $0x1  }
0xd2: {  	[tilespmem:v21+s21+$0x0] =	vst.idx.msk $0xffff, v4  }
0xd3: {  	v4 =	vld.idx.msk [tilespmem:v22+s21+$0x0], $0xffff;
	_ =	sdelay $0x2  }
0xd4: {  	v23 =	vor.u32 $0x16, v2;
	_ =	sdelay $0x1  }
0xd5: {  	v4 =	vmul.f32 v4, v3;
	_ =	sdelay $0x1  }
0xd6: {  	[tilespmem:v22+s21+$0x0] =	vst.idx.msk $0xffff, v4  }
0xd7: {  	v4 =	vld.idx.msk [tilespmem:v23+s21+$0x0], $0xffff;
	_ =	sdelay $0x2  }
0xd8: {  	v24 =	vor.u32 $0x17, v2;
	_ =	sdelay $0x1  }
0xd9: {  	v4 =	vmul.f32 v4, v3;
	_ =	sdelay $0x1  }
0xda: {  	[tilespmem:v23+s21+$0x0] =	vst.idx.msk $0xffff, v4  }
0xdb: {  	v4 =	vld.idx.msk [tilespmem:v24+s21+$0x0], $0xffff;
	_ =	sdelay $0x2  }
0xdc: {  	v25 =	vor.u32 $0x18, v2;
	_ =	sdelay $0x1  }
0xdd: {  	v4 =	vmul.f32 v4, v3;
	_ =	sdelay $0x1  }
0xde: {  	[tilespmem:v24+s21+$0x0] =	vst.idx.msk $0xffff, v4  }
0xdf: {  	v4 =	vld.idx.msk [tilespmem:v25+s21+$0x0], $0xffff;
	_ =	sdelay $0x2  }
0xe0: {  	v26 =	vor.u32 $0x19, v2;
	_ =	sdelay $0x1  }
0xe1: {  	v4 =	vmul.f32 v4, v3;
	_ =	sdelay $0x1  }
0xe2: {  	[tilespmem:v25+s21+$0x0] =	vst.idx.msk $0xffff, v4  }
0xe3: {  	v4 =	vld.idx.msk [tilespmem:v26+s21+$0x0], $0xffff;
	_ =	sdelay $0x2  }
0xe4: {  	v27 =	vor.u32 $0x1A, v2;
	_ =	sdelay $0x1  }
0xe5: {  	v4 =	vmul.f32 v4, v3;
	_ =	sdelay $0x1  }
0xe6: {  	[tilespmem:v26+s21+$0x0] =	vst.idx.msk $0xffff, v4  }
0xe7: {  	v4 =	vld.idx.msk [tilespmem:v27+s21+$0x0], $0xffff;
	_ =	sdelay $0x2  }
0xe8: {  	v28 =	vor.u32 $0x1B, v2;
	_ =	sdelay $0x1  }
0xe9: {  	v4 =	vmul.f32 v4, v3;
	_ =	sdelay $0x1  }
0xea: {  	[tilespmem:v27+s21+$0x0] =	vst.idx.msk $0xffff, v4  }
0xeb: {  	v4 =	vld.idx.msk [tilespmem:v28+s21+$0x0], $0xffff;
	_ =	sdelay $0x2  }
0xec: {  	v29 =	vor.u32 $0x1C, v2;
	_ =	sdelay $0x1  }
0xed: {  	v4 =	vmul.f32 v4, v3;
	_ =	sdelay $0x1  }
0xee: {  	[tilespmem:v28+s21+$0x0] =	vst.idx.msk $0xffff, v4  }
0xef: {  	v4 =	vld.idx.msk [tilespmem:v29+s21+$0x0], $0xffff;
	_ =	sdelay $0x2  }
0xf0: {  	v30 =	vor.u32 $0x1D, v2;
	_ =	sdelay $0x1  }
0xf1: {  	v4 =	vmul.f32 v4, v3;
	_ =	sdelay $0x1  }
0xf2: {  	[tilespmem:v29+s21+$0x0] =	vst.idx.msk $0xffff, v4  }
0xf3: {  	v4 =	vld.idx.msk [tilespmem:v30+s21+$0x0], $0xffff;
	_ =	sdelay $0x2  }
0xf4: {  	v31 =	vor.u32 $0x1E, v2;
	_ =	sdelay $0x1  }
0xf5: {  	v4 =	vmul.f32 v4, v3;
	_ =	sdelay $0x1  }
0xf6: {  	[tilespmem:v30+s21+$0x0] =	vst.idx.msk $0xffff, v4  }
0xf7: {  	v4 =	vld.idx.msk [tilespmem:v31+s21+$0x0], $0xffff;
	_ =	sdelay $0x2  }
0xf8: {  	v32 =	vor.u32 $0x1F, v2;
	_ =	sdelay $0x1  }
0xf9: {  	v4 =	vmul.f32 v4, v3;
	_ =	sdelay $0x1  }
0xfa: {  	[tilespmem:v31+s21+$0x0] =	vst.idx.msk $0xffff, v4  }
0xfb: {  	v4 =	vld.idx.msk [tilespmem:v32+s21+$0x0], $0xffff;
	_ =	sdelay $0x2  }
0xfc: {  	v33 =	vor.u32 $0x20, v2;
	_ =	sdelay $0x1  }
0xfd: {  	v4 =	vmul.f32 v4, v3;
	_ =	sdelay $0x1  }
0xfe: {  	[tilespmem:v32+s21+$0x0] =	vst.idx.msk $0xffff, v4  }
0xff: {  	v4 =	vld.idx.msk [tilespmem:v33+s21+$0x0], $0xffff;
	_ =	sdelay $0x2  }
0x100: {  	v34 =	vor.u32 $0x21, v2;
	_ =	sdelay $0x1  }
0x101: {  	v4 =	vmul.f32 v4, v3;
	_ =	sdelay $0x1  }
0x102: {  	[tilespmem:v33+s21+$0x0] =	vst.idx.msk $0xffff, v4  }
0x103: {  	v4 =	vld.idx.msk [tilespmem:v34+s21+$0x0], $0xffff;
	_ =	sdelay $0x2  }
0x104: {  	v35 =	vor.u32 $0x22, v2;
	_ =	sdelay $0x1  }
0x105: {  	v4 =	vmul.f32 v4, v3;
	_ =	sdelay $0x1  }
0x106: {  	[tilespmem:v34+s21+$0x0] =	vst.idx.msk $0xffff, v4  }
0x107: {  	v4 =	vld.idx.msk [tilespmem:v35+s21+$0x0], $0xffff;
	_ =	sdelay $0x2  }
0x108: {  	v36 =	vor.u32 $0x23, v2;
	_ =	sdelay $0x1  }
0x109: {  	v4 =	vmul.f32 v4, v3;
	_ =	sdelay $0x1  }
0x10a: {  	[tilespmem:v35+s21+$0x0] =	vst.idx.msk $0xffff, v4  }
0x10b: {  	v4 =	vld.idx.msk [tilespmem:v36+s21+$0x0], $0xffff;
	_ =	sdelay $0x2  }
0x10c: {  	v37 =	vor.u32 $0x24, v2;
	_ =	sdelay $0x1  }
0x10d: {  	v4 =	vmul.f32 v4, v3;
	_ =	sdelay $0x1  }
0x10e: {  	[tilespmem:v36+s21+$0x0] =	vst.idx.msk $0xffff, v4  }
0x10f: {  	v4 =	vld.idx.msk [tilespmem:v37+s21+$0x0], $0xffff;
	_ =	sdelay $0x2  }
0x110: {  	v38 =	vor.u32 $0x25, v2;
	_ =	sdelay $0x1  }
0x111: {  	v4 =	vmul.f32 v4, v3;
	_ =	sdelay $0x1  }
0x112: {  	[tilespmem:v37+s21+$0x0] =	vst.idx.msk $0xffff, v4  }
0x113: {  	v4 =	vld.idx.msk [tilespmem:v38+s21+$0x0], $0xffff;
	_ =	sdelay $0x2  }
0x114: {  	v39 =	vor.u32 $0x26, v2;
	_ =	sdelay $0x1  }
0x115: {  	v4 =	vmul.f32 v4, v3;
	_ =	sdelay $0x1  }
0x116: {  	[tilespmem:v38+s21+$0x0] =	vst.idx.msk $0xffff, v4  }
0x117: {  	v4 =	vld.idx.msk [tilespmem:v39+s21+$0x0], $0xffff;
	_ =	sdelay $0x2  }
0x118: {  	v40 =	vor.u32 $0x27, v2;
	_ =	sdelay $0x1  }
0x119: {  	v4 =	vmul.f32 v4, v3;
	_ =	sdelay $0x1  }
0x11a: {  	[tilespmem:v39+s21+$0x0] =	vst.idx.msk $0xffff, v4  }
0x11b: {  	v4 =	vld.idx.msk [tilespmem:v40+s21+$0x0], $0xffff;
	_ =	sdelay $0x2  }
0x11c: {  	v41 =	vor.u32 $0x28, v2;
	_ =	sdelay $0x1  }
0x11d: {  	v4 =	vmul.f32 v4, v3;
	_ =	sdelay $0x1  }
0x11e: {  	[tilespmem:v40+s21+$0x0] =	vst.idx.msk $0xffff, v4  }
0x11f: {  	v4 =	vld.idx.msk [tilespmem:v41+s21+$0x0], $0xffff;
	_ =	sdelay $0x2  }
0x120: {  	v42 =	vor.u32 $0x29, v2;
	_ =	sdelay $0x1  }
0x121: {  	v4 =	vmul.f32 v4, v3;
	_ =	sdelay $0x1  }
0x122: {  	[tilespmem:v41+s21+$0x0] =	vst.idx.msk $0xffff, v4  }
0x123: {  	v4 =	vld.idx.msk [tilespmem:v42+s21+$0x0], $0xffff;
	_ =	sdelay $0x2  }
0x124: {  	v43 =	vor.u32 $0x2A, v2;
	_ =	sdelay $0x1  }
0x125: {  	v4 =	vmul.f32 v4, v3;
	_ =	sdelay $0x1  }
0x126: {  	[tilespmem:v42+s21+$0x0] =	vst.idx.msk $0xffff, v4  }
0x127: {  	v4 =	vld.idx.msk [tilespmem:v43+s21+$0x0], $0xffff;
	_ =	sdelay $0x2  }
0x128: {  	v44 =	vor.u32 $0x2B, v2;
	_ =	sdelay $0x1  }
0x129: {  	v4 =	vmul.f32 v4, v3;
	_ =	sdelay $0x1  }
0x12a: {  	[tilespmem:v43+s21+$0x0] =	vst.idx.msk $0xffff, v4  }
0x12b: {  	v4 =	vld.idx.msk [tilespmem:v44+s21+$0x0], $0xffff;
	_ =	sdelay $0x2  }
0x12c: {  	v45 =	vor.u32 $0x2C, v2;
	_ =	sdelay $0x1  }
0x12d: {  	v4 =	vmul.f32 v4, v3;
	_ =	sdelay $0x1  }
0x12e: {  	[tilespmem:v44+s21+$0x0] =	vst.idx.msk $0xffff, v4  }
0x12f: {  	v4 =	vld.idx.msk [tilespmem:v45+s21+$0x0], $0xffff;
	_ =	sdelay $0x2  }
0x130: {  	v46 =	vor.u32 $0x2D, v2;
	_ =	sdelay $0x1  }
0x131: {  	v4 =	vmul.f32 v4, v3;
	_ =	sdelay $0x1  }
0x132: {  	[tilespmem:v45+s21+$0x0] =	vst.idx.msk $0xffff, v4  }
0x133: {  	v4 =	vld.idx.msk [tilespmem:v46+s21+$0x0], $0xffff;
	_ =	sdelay $0x2  }
0x134: {  	v47 =	vor.u32 $0x2E, v2;
	_ =	sdelay $0x1  }
0x135: {  	v4 =	vmul.f32 v4, v3;
	_ =	sdelay $0x1  }
0x136: {  	[tilespmem:v46+s21+$0x0] =	vst.idx.msk $0xffff, v4  }
0x137: {  	v4 =	vld.idx.msk [tilespmem:v47+s21+$0x0], $0xffff;
	_ =	sdelay $0x2  }
0x138: {  	v48 =	vor.u32 $0x2F, v2;
	_ =	sdelay $0x1  }
0x139: {  	v4 =	vmul.f32 v4, v3;
	_ =	sdelay $0x1  }
0x13a: {  	[tilespmem:v47+s21+$0x0] =	vst.idx.msk $0xffff, v4  }
0x13b: {  	v4 =	vld.idx.msk [tilespmem:v48+s21+$0x0], $0xffff;
	_ =	sdelay $0x2  }
0x13c: {  	v49 =	vor.u32 $0x30, v2;
	_ =	sdelay $0x1  }
0x13d: {  	v4 =	vmul.f32 v4, v3;
	_ =	sdelay $0x1  }
0x13e: {  	[tilespmem:v48+s21+$0x0] =	vst.idx.msk $0xffff, v4  }
0x13f: {  	v4 =	vld.idx.msk [tilespmem:v49+s21+$0x0], $0xffff;
	_ =	sdelay $0x2  }
0x140: {  	v50 =	vor.u32 $0x31, v2;
	_ =	sdelay $0x1  }
0x141: {  	v4 =	vmul.f32 v4, v3;
	_ =	sdelay $0x1  }
0x142: {  	[tilespmem:v49+s21+$0x0] =	vst.idx.msk $0xffff, v4  }
0x143: {  	v4 =	vld.idx.msk [tilespmem:v50+s21+$0x0], $0xffff;
	_ =	sdelay $0x2  }
0x144: {  	v51 =	vor.u32 $0x32, v2;
	_ =	sdelay $0x1  }
0x145: {  	v4 =	vmul.f32 v4, v3;
	_ =	sdelay $0x1  }
0x146: {  	[tilespmem:v50+s21+$0x0] =	vst.idx.msk $0xffff, v4  }
0x147: {  	v4 =	vld.idx.msk [tilespmem:v51+s21+$0x0], $0xffff;
	_ =	sdelay $0x2  }
0x148: {  	v52 =	vor.u32 $0x33, v2;
	_ =	sdelay $0x1  }
0x149: {  	v4 =	vmul.f32 v4, v3;
	_ =	sdelay $0x1  }
0x14a: {  	[tilespmem:v51+s21+$0x0] =	vst.idx.msk $0xffff, v4  }
0x14b: {  	v4 =	vld.idx.msk [tilespmem:v52+s21+$0x0], $0xffff;
	_ =	sdelay $0x2  }
0x14c: {  	v53 =	vor.u32 $0x34, v2;
	_ =	sdelay $0x1  }
0x14d: {  	v4 =	vmul.f32 v4, v3;
	_ =	sdelay $0x1  }
0x14e: {  	[tilespmem:v52+s21+$0x0] =	vst.idx.msk $0xffff, v4  }
0x14f: {  	v4 =	vld.idx.msk [tilespmem:v53+s21+$0x0], $0xffff;
	_ =	sdelay $0x2  }
0x150: {  	v54 =	vor.u32 $0x35, v2;
	_ =	sdelay $0x1  }
0x151: {  	v4 =	vmul.f32 v4, v3;
	_ =	sdelay $0x1  }
0x152: {  	[tilespmem:v53+s21+$0x0] =	vst.idx.msk $0xffff, v4  }
0x153: {  	v4 =	vld.idx.msk [tilespmem:v54+s21+$0x0], $0xffff;
	_ =	sdelay $0x2  }
0x154: {  	v55 =	vor.u32 $0x36, v2;
	_ =	sdelay $0x1  }
0x155: {  	v4 =	vmul.f32 v4, v3;
	_ =	sdelay $0x1  }
0x156: {  	[tilespmem:v54+s21+$0x0] =	vst.idx.msk $0xffff, v4  }
0x157: {  	v4 =	vld.idx.msk [tilespmem:v55+s21+$0x0], $0xffff;
	_ =	sdelay $0x2  }
0x158: {  	v56 =	vor.u32 $0x37, v2;
	_ =	sdelay $0x1  }
0x159: {  	v4 =	vmul.f32 v4, v3;
	_ =	sdelay $0x1  }
0x15a: {  	[tilespmem:v55+s21+$0x0] =	vst.idx.msk $0xffff, v4  }
0x15b: {  	v4 =	vld.idx.msk [tilespmem:v56+s21+$0x0], $0xffff;
	_ =	sdelay $0x2  }
0x15c: {  	v57 =	vor.u32 $0x38, v2;
	_ =	sdelay $0x1  }
0x15d: {  	v4 =	vmul.f32 v4, v3;
	_ =	sdelay $0x1  }
0x15e: {  	[tilespmem:v56+s21+$0x0] =	vst.idx.msk $0xffff, v4  }
0x15f: {  	v4 =	vld.idx.msk [tilespmem:v57+s21+$0x0], $0xffff;
	_ =	sdelay $0x2  }
0x160: {  	v58 =	vor.u32 $0x39, v2;
	_ =	sdelay $0x1  }
0x161: {  	v4 =	vmul.f32 v4, v3;
	_ =	sdelay $0x1  }
0x162: {  	[tilespmem:v57+s21+$0x0] =	vst.idx.msk $0xffff, v4  }
0x163: {  	v4 =	vld.idx.msk [tilespmem:v58+s21+$0x0], $0xffff;
	_ =	sdelay $0x2  }
0x164: {  	v59 =	vor.u32 $0x3A, v2;
	_ =	sdelay $0x1  }
0x165: {  	v4 =	vmul.f32 v4, v3;
	_ =	sdelay $0x1  }
0x166: {  	[tilespmem:v58+s21+$0x0] =	vst.idx.msk $0xffff, v4  }
0x167: {  	v4 =	vld.idx.msk [tilespmem:v59+s21+$0x0], $0xffff;
	_ =	sdelay $0x2  }
0x168: {  	v60 =	vor.u32 $0x3B, v2;
	_ =	sdelay $0x1  }
0x169: {  	v4 =	vmul.f32 v4, v3;
	_ =	sdelay $0x1  }
0x16a: {  	[tilespmem:v59+s21+$0x0] =	vst.idx.msk $0xffff, v4  }
0x16b: {  	v4 =	vld.idx.msk [tilespmem:v60+s21+$0x0], $0xffff;
	_ =	sdelay $0x2  }
0x16c: {  	v61 =	vor.u32 $0x3C, v2;
	_ =	sdelay $0x1  }
0x16d: {  	v4 =	vmul.f32 v4, v3;
	_ =	sdelay $0x1  }
0x16e: {  	[tilespmem:v60+s21+$0x0] =	vst.idx.msk $0xffff, v4  }
0x16f: {  	v4 =	vld.idx.msk [tilespmem:v61+s21+$0x0], $0xffff;
	_ =	sdelay $0x2  }
0x170: {  	v62 =	vor.u32 $0x3D, v2;
	_ =	sdelay $0x1  }
0x171: {  	v4 =	vmul.f32 v4, v3;
	_ =	sdelay $0x1  }
0x172: {  	[tilespmem:v61+s21+$0x0] =	vst.idx.msk $0xffff, v4  }
0x173: {  	v4 =	vld.idx.msk [tilespmem:v62+s21+$0x0], $0xffff;
	_ =	sdelay $0x2  }
0x174: {  	v63 =	vor.u32 $0x3E, v2;
	_ =	sdelay $0x1  }
0x175: {  	v4 =	vmul.f32 v4, v3;
	_ =	sdelay $0x1  }
0x176: {  	[tilespmem:v62+s21+$0x0] =	vst.idx.msk $0xffff, v4  }
0x177: {  	v4 =	vld.idx.msk [tilespmem:v63+s21+$0x0], $0xffff;
	_ =	sdelay $0x2  }
0x178: {  	v2 =	vor.u32 $0x3F, v2;
	_ =	sdelay $0x1  }
0x179: {  	v4 =	vmul.f32 v4, v3;
	_ =	sdelay $0x1  }
0x17a: {  	[tilespmem:v63+s21+$0x0] =	vst.idx.msk $0xffff, v4  }
0x17b: {  	v4 =	vld.idx.msk [tilespmem:v2+s21+$0x0], $0xffff;
	_ =	sdelay $0x1  }
0x17c: {  	p1 =	sne.s32 s13, $0x30  }
.Ltmp1:
0x17d: {  	_ = 	snop;
	(pc) =	sbr.rel @p1 .LBB2_5-.Ltmp1, $3  }
0x17e: {  	_ = 	snop  }
0x17f: {  	v3 =	vmul.f32 v4, v3;
	_ =	sdelay $0x1  }
0x180: {  	s13 =	sadd.s32 $0x10, s13;
	[tilespmem:v2+s21+$0x0] =	vst.idx.msk $0xffff, v3  }
0x181: {  	[spmem:s2] =	stream.indirect.scatter.add.f32 [tilespmem:s21], [sflag:$0x3], $0x80, s23, s24, $0xb8;
	[tilespmem:$0x1BE00] =	vst v63  }
0x182: {  	_ =	swait.ge [sflag:s22], $0x2000  }
0x183: {  	[sflag:s22] =	ssyncset.done $0x0  }
0x184: {  	[sflag:s22] =	ssyncadd.s32 $0xFFFFE000  }
0x185: {  	_ =	swait.ge [sflag:s0], $0x2000  }
0x186: {  	[sflag:s0] =	ssyncset.done $0x0  }
0x187: {  	[sflag:s0] =	ssyncadd.s32 $0xFFFFE000  }
0x188: {  	_ =	swait.ge [sflag:s0], $0x2000  }
0x189: {  	[sflag:s0] =	ssyncset.done $0x0  }
0x18a: {  	s13 =	simm.s32 $0x0;
	[sflag:s0] =	ssyncadd.s32 $0xFFFFE000  }
.LBB2_7:
0x18b: {  	v2 =	vmov s13  }
0x18c: {  	v2 =	vshll.u32 v2, $0x7  }
0x18d: {  	v2 =	vor.u32 v1, v2  }
0x18e: {  	v4 =	vor.u32 $0x40, v2  }
0x18f: {  	v3 =	vor.u32 $0x41, v2;
	_ =	sdelay $0x3  }
0x190: {  	v5 =	vld.idx.msk [tilespmem:v4+s29+$0x0], $0xffff  }
0x191: {  	v3 =	vld.idx.msk [tilespmem:v3+s30+$0x0], $0xffff;
	_ =	sdelay $0x4  }
0x192: {  	v3 =	vadd.f32 v3, v5;
	_ =	sdelay $0x1  }
0x193: {  	v5 =	vmul.f32 $2.000000030e-01, v3;
	_ =	sdelay $0x1  }
0x194: {  	v3 =	vmax.f32 v3, v5  }
0x195: {  	v3 =	vmul.f32 $1.442695020e+00, v3;
	_ =	sdelay $0x1  }
0x196: {  	(erf) = vpow2.f32 v3;
	_ =	sdelay $0x8  }
0x197: {  	v3 =	vpop (erf)  }
0x198: {  	[tilespmem:v4+s29+$0x0] =	vst.idx.msk $0xffff, v3  }
0x199: {  	v4 =	vld.idx.msk [tilespmem:v2+s29+$0x0], $0xffff;
	_ =	sdelay $0x2  }
0x19a: {  	v58 =	vor.u32 $0x1, v2;
	_ =	sdelay $0x1  }
0x19b: {  	v4 =	vmul.f32 v3, v4;
	_ =	sdelay $0x1  }
0x19c: {  	[tilespmem:v2+s29+$0x0] =	vst.idx.msk $0xffff, v4  }
0x19d: {  	v4 =	vld.idx.msk [tilespmem:v58+s29+$0x0], $0xffff;
	_ =	sdelay $0x2  }
0x19e: {  	v6 =	vor.u32 $0x2, v2;
	_ =	sdelay $0x1  }
0x19f: {  	v4 =	vmul.f32 v3, v4;
	_ =	sdelay $0x1  }
0x1a0: {  	[tilespmem:v58+s29+$0x0] =	vst.idx.msk $0xffff, v4  }
0x1a1: {  	v4 =	vld.idx.msk [tilespmem:v6+s29+$0x0], $0xffff;
	_ =	sdelay $0x2  }
0x1a2: {  	v59 =	vor.u32 $0x3, v2;
	_ =	sdelay $0x1  }
0x1a3: {  	v4 =	vmul.f32 v4, v3;
	_ =	sdelay $0x1  }
0x1a4: {  	[tilespmem:v6+s29+$0x0] =	vst.idx.msk $0xffff, v4  }
0x1a5: {  	v4 =	vld.idx.msk [tilespmem:v59+s29+$0x0], $0xffff;
	_ =	sdelay $0x2  }
0x1a6: {  	v60 =	vor.u32 $0x4, v2;
	_ =	sdelay $0x1  }
0x1a7: {  	v4 =	vmul.f32 v4, v3;
	_ =	sdelay $0x1  }
0x1a8: {  	[tilespmem:v59+s29+$0x0] =	vst.idx.msk $0xffff, v4  }
0x1a9: {  	v4 =	vld.idx.msk [tilespmem:v60+s29+$0x0], $0xffff;
	_ =	sdelay $0x2  }
0x1aa: {  	v61 =	vor.u32 $0x5, v2;
	_ =	sdelay $0x1  }
0x1ab: {  	v4 =	vmul.f32 v4, v3;
	_ =	sdelay $0x1  }
0x1ac: {  	[tilespmem:v60+s29+$0x0] =	vst.idx.msk $0xffff, v4  }
0x1ad: {  	v4 =	vld.idx.msk [tilespmem:v61+s29+$0x0], $0xffff;
	_ =	sdelay $0x2  }
0x1ae: {  	v62 =	vor.u32 $0x6, v2;
	_ =	sdelay $0x1  }
0x1af: {  	v4 =	vmul.f32 v4, v3;
	_ =	sdelay $0x1  }
0x1b0: {  	[tilespmem:v61+s29+$0x0] =	vst.idx.msk $0xffff, v4  }
0x1b1: {  	v4 =	vld.idx.msk [tilespmem:v62+s29+$0x0], $0xffff;
	_ =	sdelay $0x2  }
0x1b2: {  	v63 =	vor.u32 $0x7, v2;
	_ =	sdelay $0x1  }
0x1b3: {  	v4 =	vmul.f32 v4, v3;
	_ =	sdelay $0x1  }
0x1b4: {  	[tilespmem:v62+s29+$0x0] =	vst.idx.msk $0xffff, v4  }
0x1b5: {  	v4 =	vld.idx.msk [tilespmem:v63+s29+$0x0], $0xffff;
	_ =	sdelay $0x2  }
0x1b6: {  	v9 =	vor.u32 $0x8, v2;
	_ =	sdelay $0x1  }
0x1b7: {  	v4 =	vmul.f32 v4, v3;
	_ =	sdelay $0x1  }
0x1b8: {  	[tilespmem:v63+s29+$0x0] =	vst.idx.msk $0xffff, v4  }
0x1b9: {  	v4 =	vld.idx.msk [tilespmem:v9+s29+$0x0], $0xffff;
	_ =	sdelay $0x2  }
0x1ba: {  	v10 =	vor.u32 $0x9, v2;
	_ =	sdelay $0x1  }
0x1bb: {  	v4 =	vmul.f32 v4, v3;
	_ =	sdelay $0x1  }
0x1bc: {  	[tilespmem:v9+s29+$0x0] =	vst.idx.msk $0xffff, v4  }
0x1bd: {  	v4 =	vld.idx.msk [tilespmem:v10+s29+$0x0], $0xffff;
	_ =	sdelay $0x2  }
0x1be: {  	v11 =	vor.u32 $0xA, v2;
	_ =	sdelay $0x1  }
0x1bf: {  	v4 =	vmul.f32 v4, v3;
	_ =	sdelay $0x1  }
0x1c0: {  	[tilespmem:v10+s29+$0x0] =	vst.idx.msk $0xffff, v4  }
0x1c1: {  	v4 =	vld.idx.msk [tilespmem:v11+s29+$0x0], $0xffff;
	_ =	sdelay $0x2  }
0x1c2: {  	v12 =	vor.u32 $0xB, v2;
	_ =	sdelay $0x1  }
0x1c3: {  	v4 =	vmul.f32 v4, v3;
	_ =	sdelay $0x1  }
0x1c4: {  	[tilespmem:v11+s29+$0x0] =	vst.idx.msk $0xffff, v4  }
0x1c5: {  	v4 =	vld.idx.msk [tilespmem:v12+s29+$0x0], $0xffff;
	_ =	sdelay $0x2  }
0x1c6: {  	v13 =	vor.u32 $0xC, v2;
	_ =	sdelay $0x1  }
0x1c7: {  	v4 =	vmul.f32 v4, v3;
	_ =	sdelay $0x1  }
0x1c8: {  	[tilespmem:v12+s29+$0x0] =	vst.idx.msk $0xffff, v4  }
0x1c9: {  	v4 =	vld.idx.msk [tilespmem:v13+s29+$0x0], $0xffff;
	_ =	sdelay $0x2  }
0x1ca: {  	v14 =	vor.u32 $0xD, v2;
	_ =	sdelay $0x1  }
0x1cb: {  	v4 =	vmul.f32 v4, v3;
	_ =	sdelay $0x1  }
0x1cc: {  	[tilespmem:v13+s29+$0x0] =	vst.idx.msk $0xffff, v4  }
0x1cd: {  	v4 =	vld.idx.msk [tilespmem:v14+s29+$0x0], $0xffff;
	_ =	sdelay $0x2  }
0x1ce: {  	v15 =	vor.u32 $0xE, v2;
	_ =	sdelay $0x1  }
0x1cf: {  	v4 =	vmul.f32 v4, v3;
	_ =	sdelay $0x1  }
0x1d0: {  	[tilespmem:v14+s29+$0x0] =	vst.idx.msk $0xffff, v4  }
0x1d1: {  	v4 =	vld.idx.msk [tilespmem:v15+s29+$0x0], $0xffff;
	_ =	sdelay $0x2  }
0x1d2: {  	v16 =	vor.u32 $0xF, v2;
	_ =	sdelay $0x1  }
0x1d3: {  	v4 =	vmul.f32 v4, v3;
	_ =	sdelay $0x1  }
0x1d4: {  	[tilespmem:v15+s29+$0x0] =	vst.idx.msk $0xffff, v4  }
0x1d5: {  	v4 =	vld.idx.msk [tilespmem:v16+s29+$0x0], $0xffff;
	_ =	sdelay $0x2  }
0x1d6: {  	v17 =	vor.u32 $0x10, v2;
	_ =	sdelay $0x1  }
0x1d7: {  	v4 =	vmul.f32 v4, v3;
	_ =	sdelay $0x1  }
0x1d8: {  	[tilespmem:v16+s29+$0x0] =	vst.idx.msk $0xffff, v4  }
0x1d9: {  	v4 =	vld.idx.msk [tilespmem:v17+s29+$0x0], $0xffff;
	_ =	sdelay $0x2  }
0x1da: {  	v18 =	vor.u32 $0x11, v2;
	_ =	sdelay $0x1  }
0x1db: {  	v4 =	vmul.f32 v4, v3;
	_ =	sdelay $0x1  }
0x1dc: {  	[tilespmem:v17+s29+$0x0] =	vst.idx.msk $0xffff, v4  }
0x1dd: {  	v4 =	vld.idx.msk [tilespmem:v18+s29+$0x0], $0xffff;
	_ =	sdelay $0x2  }
0x1de: {  	v19 =	vor.u32 $0x12, v2;
	_ =	sdelay $0x1  }
0x1df: {  	v4 =	vmul.f32 v4, v3;
	_ =	sdelay $0x1  }
0x1e0: {  	[tilespmem:v18+s29+$0x0] =	vst.idx.msk $0xffff, v4  }
0x1e1: {  	v4 =	vld.idx.msk [tilespmem:v19+s29+$0x0], $0xffff;
	_ =	sdelay $0x2  }
0x1e2: {  	v20 =	vor.u32 $0x13, v2;
	_ =	sdelay $0x1  }
0x1e3: {  	v4 =	vmul.f32 v4, v3;
	_ =	sdelay $0x1  }
0x1e4: {  	[tilespmem:v19+s29+$0x0] =	vst.idx.msk $0xffff, v4  }
0x1e5: {  	v4 =	vld.idx.msk [tilespmem:v20+s29+$0x0], $0xffff;
	_ =	sdelay $0x2  }
0x1e6: {  	v21 =	vor.u32 $0x14, v2;
	_ =	sdelay $0x1  }
0x1e7: {  	v4 =	vmul.f32 v4, v3;
	_ =	sdelay $0x1  }
0x1e8: {  	[tilespmem:v20+s29+$0x0] =	vst.idx.msk $0xffff, v4  }
0x1e9: {  	v4 =	vld.idx.msk [tilespmem:v21+s29+$0x0], $0xffff;
	_ =	sdelay $0x2  }
0x1ea: {  	v22 =	vor.u32 $0x15, v2;
	_ =	sdelay $0x1  }
0x1eb: {  	v4 =	vmul.f32 v4, v3;
	_ =	sdelay $0x1  }
0x1ec: {  	[tilespmem:v21+s29+$0x0] =	vst.idx.msk $0xffff, v4  }
0x1ed: {  	v4 =	vld.idx.msk [tilespmem:v22+s29+$0x0], $0xffff;
	_ =	sdelay $0x2  }
0x1ee: {  	v23 =	vor.u32 $0x16, v2;
	_ =	sdelay $0x1  }
0x1ef: {  	v4 =	vmul.f32 v4, v3;
	_ =	sdelay $0x1  }
0x1f0: {  	[tilespmem:v22+s29+$0x0] =	vst.idx.msk $0xffff, v4  }
0x1f1: {  	v4 =	vld.idx.msk [tilespmem:v23+s29+$0x0], $0xffff;
	_ =	sdelay $0x2  }
0x1f2: {  	v24 =	vor.u32 $0x17, v2;
	_ =	sdelay $0x1  }
0x1f3: {  	v4 =	vmul.f32 v4, v3;
	_ =	sdelay $0x1  }
0x1f4: {  	[tilespmem:v23+s29+$0x0] =	vst.idx.msk $0xffff, v4  }
0x1f5: {  	v4 =	vld.idx.msk [tilespmem:v24+s29+$0x0], $0xffff;
	_ =	sdelay $0x2  }
0x1f6: {  	v25 =	vor.u32 $0x18, v2;
	_ =	sdelay $0x1  }
0x1f7: {  	v4 =	vmul.f32 v4, v3;
	_ =	sdelay $0x1  }
0x1f8: {  	[tilespmem:v24+s29+$0x0] =	vst.idx.msk $0xffff, v4  }
0x1f9: {  	v4 =	vld.idx.msk [tilespmem:v25+s29+$0x0], $0xffff;
	_ =	sdelay $0x2  }
0x1fa: {  	v26 =	vor.u32 $0x19, v2;
	_ =	sdelay $0x1  }
0x1fb: {  	v4 =	vmul.f32 v4, v3;
	_ =	sdelay $0x1  }
0x1fc: {  	[tilespmem:v25+s29+$0x0] =	vst.idx.msk $0xffff, v4  }
0x1fd: {  	v4 =	vld.idx.msk [tilespmem:v26+s29+$0x0], $0xffff;
	_ =	sdelay $0x2  }
0x1fe: {  	v27 =	vor.u32 $0x1A, v2;
	_ =	sdelay $0x1  }
0x1ff: {  	v4 =	vmul.f32 v4, v3;
	_ =	sdelay $0x1  }
0x200: {  	[tilespmem:v26+s29+$0x0] =	vst.idx.msk $0xffff, v4  }
0x201: {  	v4 =	vld.idx.msk [tilespmem:v27+s29+$0x0], $0xffff;
	_ =	sdelay $0x2  }
0x202: {  	v28 =	vor.u32 $0x1B, v2;
	_ =	sdelay $0x1  }
0x203: {  	v4 =	vmul.f32 v4, v3;
	_ =	sdelay $0x1  }
0x204: {  	[tilespmem:v27+s29+$0x0] =	vst.idx.msk $0xffff, v4  }
0x205: {  	v4 =	vld.idx.msk [tilespmem:v28+s29+$0x0], $0xffff;
	_ =	sdelay $0x2  }
0x206: {  	v29 =	vor.u32 $0x1C, v2;
	_ =	sdelay $0x1  }
0x207: {  	v4 =	vmul.f32 v4, v3;
	_ =	sdelay $0x1  }
0x208: {  	[tilespmem:v28+s29+$0x0] =	vst.idx.msk $0xffff, v4  }
0x209: {  	v4 =	vld.idx.msk [tilespmem:v29+s29+$0x0], $0xffff;
	_ =	sdelay $0x2  }
0x20a: {  	v30 =	vor.u32 $0x1D, v2;
	_ =	sdelay $0x1  }
0x20b: {  	v4 =	vmul.f32 v4, v3;
	_ =	sdelay $0x1  }
0x20c: {  	[tilespmem:v29+s29+$0x0] =	vst.idx.msk $0xffff, v4  }
0x20d: {  	v4 =	vld.idx.msk [tilespmem:v30+s29+$0x0], $0xffff;
	_ =	sdelay $0x2  }
0x20e: {  	v31 =	vor.u32 $0x1E, v2;
	_ =	sdelay $0x1  }
0x20f: {  	v4 =	vmul.f32 v4, v3;
	_ =	sdelay $0x1  }
0x210: {  	[tilespmem:v30+s29+$0x0] =	vst.idx.msk $0xffff, v4  }
0x211: {  	v4 =	vld.idx.msk [tilespmem:v31+s29+$0x0], $0xffff;
	_ =	sdelay $0x2  }
0x212: {  	v32 =	vor.u32 $0x1F, v2;
	_ =	sdelay $0x1  }
0x213: {  	v4 =	vmul.f32 v4, v3;
	_ =	sdelay $0x1  }
0x214: {  	[tilespmem:v31+s29+$0x0] =	vst.idx.msk $0xffff, v4  }
0x215: {  	v4 =	vld.idx.msk [tilespmem:v32+s29+$0x0], $0xffff;
	_ =	sdelay $0x2  }
0x216: {  	v33 =	vor.u32 $0x20, v2;
	_ =	sdelay $0x1  }
0x217: {  	v4 =	vmul.f32 v4, v3;
	_ =	sdelay $0x1  }
0x218: {  	[tilespmem:v32+s29+$0x0] =	vst.idx.msk $0xffff, v4  }
0x219: {  	v4 =	vld.idx.msk [tilespmem:v33+s29+$0x0], $0xffff;
	_ =	sdelay $0x2  }
0x21a: {  	v34 =	vor.u32 $0x21, v2;
	_ =	sdelay $0x1  }
0x21b: {  	v4 =	vmul.f32 v4, v3;
	_ =	sdelay $0x1  }
0x21c: {  	[tilespmem:v33+s29+$0x0] =	vst.idx.msk $0xffff, v4  }
0x21d: {  	v4 =	vld.idx.msk [tilespmem:v34+s29+$0x0], $0xffff;
	_ =	sdelay $0x2  }
0x21e: {  	v35 =	vor.u32 $0x22, v2;
	_ =	sdelay $0x1  }
0x21f: {  	v4 =	vmul.f32 v4, v3;
	_ =	sdelay $0x1  }
0x220: {  	[tilespmem:v34+s29+$0x0] =	vst.idx.msk $0xffff, v4  }
0x221: {  	v4 =	vld.idx.msk [tilespmem:v35+s29+$0x0], $0xffff;
	_ =	sdelay $0x2  }
0x222: {  	v36 =	vor.u32 $0x23, v2;
	_ =	sdelay $0x1  }
0x223: {  	v4 =	vmul.f32 v4, v3;
	_ =	sdelay $0x1  }
0x224: {  	[tilespmem:v35+s29+$0x0] =	vst.idx.msk $0xffff, v4  }
0x225: {  	v4 =	vld.idx.msk [tilespmem:v36+s29+$0x0], $0xffff;
	_ =	sdelay $0x2  }
0x226: {  	v37 =	vor.u32 $0x24, v2;
	_ =	sdelay $0x1  }
0x227: {  	v4 =	vmul.f32 v4, v3;
	_ =	sdelay $0x1  }
0x228: {  	[tilespmem:v36+s29+$0x0] =	vst.idx.msk $0xffff, v4  }
0x229: {  	v4 =	vld.idx.msk [tilespmem:v37+s29+$0x0], $0xffff;
	_ =	sdelay $0x2  }
0x22a: {  	v38 =	vor.u32 $0x25, v2;
	_ =	sdelay $0x1  }
0x22b: {  	v4 =	vmul.f32 v4, v3;
	_ =	sdelay $0x1  }
0x22c: {  	[tilespmem:v37+s29+$0x0] =	vst.idx.msk $0xffff, v4  }
0x22d: {  	v4 =	vld.idx.msk [tilespmem:v38+s29+$0x0], $0xffff;
	_ =	sdelay $0x2  }
0x22e: {  	v39 =	vor.u32 $0x26, v2;
	_ =	sdelay $0x1  }
0x22f: {  	v4 =	vmul.f32 v4, v3;
	_ =	sdelay $0x1  }
0x230: {  	[tilespmem:v38+s29+$0x0] =	vst.idx.msk $0xffff, v4  }
0x231: {  	v4 =	vld.idx.msk [tilespmem:v39+s29+$0x0], $0xffff;
	_ =	sdelay $0x2  }
0x232: {  	v40 =	vor.u32 $0x27, v2;
	_ =	sdelay $0x1  }
0x233: {  	v4 =	vmul.f32 v4, v3;
	_ =	sdelay $0x1  }
0x234: {  	[tilespmem:v39+s29+$0x0] =	vst.idx.msk $0xffff, v4  }
0x235: {  	v4 =	vld.idx.msk [tilespmem:v40+s29+$0x0], $0xffff;
	_ =	sdelay $0x2  }
0x236: {  	v41 =	vor.u32 $0x28, v2;
	_ =	sdelay $0x1  }
0x237: {  	v4 =	vmul.f32 v4, v3;
	_ =	sdelay $0x1  }
0x238: {  	[tilespmem:v40+s29+$0x0] =	vst.idx.msk $0xffff, v4  }
0x239: {  	v4 =	vld.idx.msk [tilespmem:v41+s29+$0x0], $0xffff;
	_ =	sdelay $0x2  }
0x23a: {  	v42 =	vor.u32 $0x29, v2;
	_ =	sdelay $0x1  }
0x23b: {  	v4 =	vmul.f32 v4, v3;
	_ =	sdelay $0x1  }
0x23c: {  	[tilespmem:v41+s29+$0x0] =	vst.idx.msk $0xffff, v4  }
0x23d: {  	v4 =	vld.idx.msk [tilespmem:v42+s29+$0x0], $0xffff;
	_ =	sdelay $0x2  }
0x23e: {  	v43 =	vor.u32 $0x2A, v2;
	_ =	sdelay $0x1  }
0x23f: {  	v4 =	vmul.f32 v4, v3;
	_ =	sdelay $0x1  }
0x240: {  	[tilespmem:v42+s29+$0x0] =	vst.idx.msk $0xffff, v4  }
0x241: {  	v4 =	vld.idx.msk [tilespmem:v43+s29+$0x0], $0xffff;
	_ =	sdelay $0x2  }
0x242: {  	v44 =	vor.u32 $0x2B, v2;
	_ =	sdelay $0x1  }
0x243: {  	v4 =	vmul.f32 v4, v3;
	_ =	sdelay $0x1  }
0x244: {  	[tilespmem:v43+s29+$0x0] =	vst.idx.msk $0xffff, v4  }
0x245: {  	v4 =	vld.idx.msk [tilespmem:v44+s29+$0x0], $0xffff;
	_ =	sdelay $0x2  }
0x246: {  	v45 =	vor.u32 $0x2C, v2;
	_ =	sdelay $0x1  }
0x247: {  	v4 =	vmul.f32 v4, v3;
	_ =	sdelay $0x1  }
0x248: {  	[tilespmem:v44+s29+$0x0] =	vst.idx.msk $0xffff, v4  }
0x249: {  	v4 =	vld.idx.msk [tilespmem:v45+s29+$0x0], $0xffff;
	_ =	sdelay $0x2  }
0x24a: {  	v46 =	vor.u32 $0x2D, v2;
	_ =	sdelay $0x1  }
0x24b: {  	v4 =	vmul.f32 v4, v3;
	_ =	sdelay $0x1  }
0x24c: {  	[tilespmem:v45+s29+$0x0] =	vst.idx.msk $0xffff, v4  }
0x24d: {  	v4 =	vld.idx.msk [tilespmem:v46+s29+$0x0], $0xffff;
	_ =	sdelay $0x2  }
0x24e: {  	v47 =	vor.u32 $0x2E, v2;
	_ =	sdelay $0x1  }
0x24f: {  	v4 =	vmul.f32 v4, v3;
	_ =	sdelay $0x1  }
0x250: {  	[tilespmem:v46+s29+$0x0] =	vst.idx.msk $0xffff, v4  }
0x251: {  	v4 =	vld.idx.msk [tilespmem:v47+s29+$0x0], $0xffff;
	_ =	sdelay $0x2  }
0x252: {  	v48 =	vor.u32 $0x2F, v2;
	_ =	sdelay $0x1  }
0x253: {  	v4 =	vmul.f32 v4, v3;
	_ =	sdelay $0x1  }
0x254: {  	[tilespmem:v47+s29+$0x0] =	vst.idx.msk $0xffff, v4  }
0x255: {  	v4 =	vld.idx.msk [tilespmem:v48+s29+$0x0], $0xffff;
	_ =	sdelay $0x2  }
0x256: {  	v49 =	vor.u32 $0x30, v2;
	_ =	sdelay $0x1  }
0x257: {  	v4 =	vmul.f32 v4, v3;
	_ =	sdelay $0x1  }
0x258: {  	[tilespmem:v48+s29+$0x0] =	vst.idx.msk $0xffff, v4  }
0x259: {  	v4 =	vld.idx.msk [tilespmem:v49+s29+$0x0], $0xffff;
	_ =	sdelay $0x2  }
0x25a: {  	v50 =	vor.u32 $0x31, v2;
	_ =	sdelay $0x1  }
0x25b: {  	v4 =	vmul.f32 v4, v3;
	_ =	sdelay $0x1  }
0x25c: {  	[tilespmem:v49+s29+$0x0] =	vst.idx.msk $0xffff, v4  }
0x25d: {  	v4 =	vld.idx.msk [tilespmem:v50+s29+$0x0], $0xffff;
	_ =	sdelay $0x2  }
0x25e: {  	v51 =	vor.u32 $0x32, v2;
	_ =	sdelay $0x1  }
0x25f: {  	v4 =	vmul.f32 v4, v3;
	_ =	sdelay $0x1  }
0x260: {  	[tilespmem:v50+s29+$0x0] =	vst.idx.msk $0xffff, v4  }
0x261: {  	v4 =	vld.idx.msk [tilespmem:v51+s29+$0x0], $0xffff;
	_ =	sdelay $0x2  }
0x262: {  	v52 =	vor.u32 $0x33, v2;
	_ =	sdelay $0x1  }
0x263: {  	v4 =	vmul.f32 v4, v3;
	_ =	sdelay $0x1  }
0x264: {  	[tilespmem:v51+s29+$0x0] =	vst.idx.msk $0xffff, v4  }
0x265: {  	v4 =	vld.idx.msk [tilespmem:v52+s29+$0x0], $0xffff;
	_ =	sdelay $0x2  }
0x266: {  	v53 =	vor.u32 $0x34, v2;
	_ =	sdelay $0x1  }
0x267: {  	v4 =	vmul.f32 v4, v3;
	_ =	sdelay $0x1  }
0x268: {  	[tilespmem:v52+s29+$0x0] =	vst.idx.msk $0xffff, v4  }
0x269: {  	v4 =	vld.idx.msk [tilespmem:v53+s29+$0x0], $0xffff;
	_ =	sdelay $0x2  }
0x26a: {  	v54 =	vor.u32 $0x35, v2;
	_ =	sdelay $0x1  }
0x26b: {  	v4 =	vmul.f32 v4, v3;
	_ =	sdelay $0x1  }
0x26c: {  	[tilespmem:v53+s29+$0x0] =	vst.idx.msk $0xffff, v4  }
0x26d: {  	v4 =	vld.idx.msk [tilespmem:v54+s29+$0x0], $0xffff;
	_ =	sdelay $0x2  }
0x26e: {  	v55 =	vor.u32 $0x36, v2;
	_ =	sdelay $0x1  }
0x26f: {  	v4 =	vmul.f32 v4, v3;
	_ =	sdelay $0x1  }
0x270: {  	[tilespmem:v54+s29+$0x0] =	vst.idx.msk $0xffff, v4  }
0x271: {  	v4 =	vld.idx.msk [tilespmem:v55+s29+$0x0], $0xffff;
	_ =	sdelay $0x2  }
0x272: {  	v56 =	vor.u32 $0x37, v2;
	_ =	sdelay $0x1  }
0x273: {  	v4 =	vmul.f32 v4, v3;
	_ =	sdelay $0x1  }
0x274: {  	[tilespmem:v55+s29+$0x0] =	vst.idx.msk $0xffff, v4  }
0x275: {  	v4 =	vld.idx.msk [tilespmem:v56+s29+$0x0], $0xffff;
	_ =	sdelay $0x2  }
0x276: {  	v57 =	vor.u32 $0x38, v2;
	_ =	sdelay $0x1  }
0x277: {  	v4 =	vmul.f32 v4, v3;
	_ =	sdelay $0x1  }
0x278: {  	[tilespmem:v56+s29+$0x0] =	vst.idx.msk $0xffff, v4  }
0x279: {  	v4 =	vld.idx.msk [tilespmem:v57+s29+$0x0], $0xffff;
	_ =	sdelay $0x2  }
0x27a: {  	v58 =	vor.u32 $0x39, v2;
	_ =	sdelay $0x1  }
0x27b: {  	v4 =	vmul.f32 v4, v3;
	_ =	sdelay $0x1  }
0x27c: {  	[tilespmem:v57+s29+$0x0] =	vst.idx.msk $0xffff, v4  }
0x27d: {  	v4 =	vld.idx.msk [tilespmem:v58+s29+$0x0], $0xffff;
	_ =	sdelay $0x2  }
0x27e: {  	v59 =	vor.u32 $0x3A, v2;
	_ =	sdelay $0x1  }
0x27f: {  	v4 =	vmul.f32 v4, v3;
	_ =	sdelay $0x1  }
0x280: {  	[tilespmem:v58+s29+$0x0] =	vst.idx.msk $0xffff, v4  }
0x281: {  	v4 =	vld.idx.msk [tilespmem:v59+s29+$0x0], $0xffff;
	_ =	sdelay $0x2  }
0x282: {  	v60 =	vor.u32 $0x3B, v2;
	_ =	sdelay $0x1  }
0x283: {  	v4 =	vmul.f32 v4, v3;
	_ =	sdelay $0x1  }
0x284: {  	[tilespmem:v59+s29+$0x0] =	vst.idx.msk $0xffff, v4  }
0x285: {  	v4 =	vld.idx.msk [tilespmem:v60+s29+$0x0], $0xffff;
	_ =	sdelay $0x2  }
0x286: {  	v61 =	vor.u32 $0x3C, v2;
	_ =	sdelay $0x1  }
0x287: {  	v4 =	vmul.f32 v4, v3;
	_ =	sdelay $0x1  }
0x288: {  	[tilespmem:v60+s29+$0x0] =	vst.idx.msk $0xffff, v4  }
0x289: {  	v4 =	vld.idx.msk [tilespmem:v61+s29+$0x0], $0xffff;
	_ =	sdelay $0x2  }
0x28a: {  	v62 =	vor.u32 $0x3D, v2;
	_ =	sdelay $0x1  }
0x28b: {  	v4 =	vmul.f32 v4, v3;
	_ =	sdelay $0x1  }
0x28c: {  	[tilespmem:v61+s29+$0x0] =	vst.idx.msk $0xffff, v4  }
0x28d: {  	v4 =	vld.idx.msk [tilespmem:v62+s29+$0x0], $0xffff;
	_ =	sdelay $0x2  }
0x28e: {  	v63 =	vor.u32 $0x3E, v2;
	_ =	sdelay $0x1  }
0x28f: {  	v4 =	vmul.f32 v4, v3;
	_ =	sdelay $0x1  }
0x290: {  	[tilespmem:v62+s29+$0x0] =	vst.idx.msk $0xffff, v4  }
0x291: {  	v4 =	vld.idx.msk [tilespmem:v63+s29+$0x0], $0xffff;
	_ =	sdelay $0x2  }
0x292: {  	v2 =	vor.u32 $0x3F, v2;
	_ =	sdelay $0x1  }
0x293: {  	v4 =	vmul.f32 v4, v3;
	_ =	sdelay $0x1  }
0x294: {  	[tilespmem:v63+s29+$0x0] =	vst.idx.msk $0xffff, v4  }
0x295: {  	v4 =	vld.idx.msk [tilespmem:v2+s29+$0x0], $0xffff;
	_ =	sdelay $0x1  }
0x296: {  	p1 =	sne.s32 s13, $0x30  }
.Ltmp2:
0x297: {  	_ = 	snop;
	(pc) =	sbr.rel @p1 .LBB2_7-.Ltmp2, $3  }
0x298: {  	_ = 	snop  }
0x299: {  	v3 =	vmul.f32 v4, v3;
	_ =	sdelay $0x1  }
0x29a: {  	s13 =	sadd.s32 $0x10, s13;
	[tilespmem:v2+s29+$0x0] =	vst.idx.msk $0xffff, v3  }
0x29b: {  	s12 =	sadd.s32 $0x1, s12  }
0x29c: {  	p1 =	sne.s32 s12, $0x51  }
.Ltmp3:
0x29d: {  	_ = 	snop;
	(pc) =	sbr.rel @p1 .LBB2_4-.Ltmp3, $4  }
0x29e: {  	[spmem:s2] =	stream.indirect.scatter.add.f32 [tilespmem:s29], [sflag:$0x3], $0x80, s28, s24, $0xb8;
	[tilespmem:$0x1BE00] =	vst v63  }
0x29f: {  	_ =	swait.ge [sflag:s22], $0x2000  }
0x2a0: {  	[sflag:s22] =	ssyncset.done $0x0  }
0x2a1: {  	[sflag:s22] =	ssyncadd.s32 $0xFFFFE000  }
0x2a2: {  	s9 =	sadd.s32 $0x0, s4  }
0x2a3: {  	[bflag:$0x0] =	sbarrier.arrive $0xFFFF;
	p1 =	sgt.u32 s9, $0x9D  }
0x2a4: {  	s9 =	simm.s32 @!p1 $0x200;
	s12 =	simm.s32 @!p1 $0x4;
	p1 =	por p1, p1  }
0x2a5: {  	[tilespmem:s9], [sflag:$0x4] =	stream.linear.gather @!p1 [spmem:s10], $0x2000, $0x38;
	[tilespmem:$0x1BE00] =	vst v63  }
0x2a6: {  	_ =	swait.ge @!p1 [sflag:s12], $0x2000  }
0x2a7: {  	s13 =	sadd.s32 $0x10, s4;
	[sflag:s12] =	ssyncset.done @!p1 $0x0  }
0x2a8: {  	s14 =	simm.s32 @!p1 $0x3;
	[sflag:s12] =	ssyncadd.s32 @!p1 $0xFFFFE000;
	s12 =	simm.s32 @!p1 $0x0  }
0x2a9: {  	[hbm4b:s20+s12] =	stream.linear.scatter @!p1 [tilespmem:s9], [sflag:$0x3], $0x2000, $0x38;
	[tilespmem:$0x1BE00] =	vst v63  }
0x2aa: {  	p2 =	sgt.u32 s13, $0x9D;
	s13 =	smov.u32 s11;
	_ =	swait.ge @!p1 [sflag:s14], $0x2000  }
0x2ab: {  	s12 =	simm.s32 $0x20;
	s9 =	sadd.s32 $0x4000, s20;
	[sflag:s14] =	ssyncset.done @!p1 $0x0  }
.LBB2_10:
0x2ac: {  	s15 =	simm.s32 @!p2 $0x200;
	s16 =	simm.s32 @!p2 $0x4;
	[sflag:s14] =	ssyncadd.s32 @!p1 $0xFFFFE000  }
0x2ad: {  	s17 =	smov.u32 s12;
	p1 =	por p2, p2;
	s12 =	sadd.s32 $0x10, s12  }
0x2ae: {  	[tilespmem:s15], [sflag:$0x4] =	stream.linear.gather @!p1 [spmem:s13], $0x2000, $0x38;
	[tilespmem:$0x1BE00] =	vst v63  }
0x2af: {  	p3 =	sne.s32 s12, $0xA0;
	_ =	swait.ge @!p1 [sflag:s16], $0x2000  }
.Ltmp4:
0x2b0: {  	[sflag:s16] =	ssyncset.done @!p1 $0x0;
	(pc) =	sbr.rel @p3 .LBB2_10-.Ltmp4, $4  }
0x2b1: {  	s14 =	simm.s32 @!p1 $0x3;
	[sflag:s16] =	ssyncadd.s32 @!p1 $0xFFFFE000;
	s16 =	simm.s32 @!p1 $0x0  }
0x2b2: {  	[hbm4b:s9+s16] =	stream.linear.scatter @!p1 [tilespmem:s15], [sflag:$0x3], $0x2000, $0x38;
	[tilespmem:$0x1BE00] =	vst v63  }
0x2b3: {  	s15 =	sadd.s32 s17, s4;
	s9 =	sadd.s32 $0x4000, s9;
	_ =	swait.ge @!p1 [sflag:s14], $0x2000  }
0x2b4: {  	s13 =	sadd.s32 $0x20000, s13;
	p2 =	sgt.u32 s15, $0x9D;
	[sflag:s14] =	ssyncset.done @!p1 $0x0  }
0x2b5: {  	s12 =	simm.s32 @!p2 $0x200  }
0x2b6: {  	s15 =	simm.s32 @!p2 $0x4;
	[sflag:s14] =	ssyncadd.s32 @!p1 $0xFFFFE000;
	p1 =	por p2, p2  }
0x2b7: {  	[tilespmem:s12], [sflag:$0x4] =	stream.linear.gather @!p1 [spmem:s13], $0x2000, $0x38;
	[tilespmem:$0x1BE00] =	vst v63  }
0x2b8: {  	_ =	swait.ge @!p1 [sflag:s15], $0x2000  }
0x2b9: {  	[sflag:s15] =	ssyncset.done @!p1 $0x0  }
0x2ba: {  	s13 =	simm.s32 @!p1 $0x0;
	s14 =	simm.s32 @!p1 $0x3;
	[sflag:s15] =	ssyncadd.s32 @!p1 $0xFFFFE000  }
0x2bb: {  	[hbm4b:s9+s13] =	stream.linear.scatter @!p1 [tilespmem:s12], [sflag:$0x3], $0x2000, $0x38;
	[tilespmem:$0x1BE00] =	vst v63  }
0x2bc: {  	_ =	swait.ge @!p1 [sflag:s14], $0x2000  }
0x2bd: {  	s3 =	sadd.s32 $0x1, s3;
	s17 =	rddreg [dreg:$0x4]  }
0x2be: {  	p2 =	sne.s32 s3, s17  }
.Ltmp5:
0x2bf: {  	_ = 	snop;
	(pc) =	sbr.rel @p2 .LBB2_1-.Ltmp5, $3  }
0x2c0: {  	_ =	sdelay $0x1  }
0x2c1: {  	[sflag:s14] =	ssyncset.done @!p1 $0x0  }
0x2c2: {  	[sflag:s14] =	ssyncadd.s32 @!p1 $0xFFFFE000  }
0x2c3: {  	_ =	sfence.sel $0x180000  }
0x2c4: {  	[bflag:$0x0] =	sbarrier.arrive $0xFFFF  }
0x2c5: {  	_ =	strace $0x9000004A  }
0x2c6: {  	[bflag:$0x2] =	sbarrier.arrive $0xFFFF  }
0x2c7: {  	p0 =	sne.s32 s4, $0x0;
	s0 =	rddreg [dreg:$0x3]  }
0x2c8: {  	s0 =	sadd.s32 @!p0 $0x100000, s0  }
0x2c9: {  	[sflag:s0] =	ssyncadd.tile.s32 @!p0 $0x1;
	_ =	shalt  }
.Lfunc_end2:
_tile_overlayer_lowered:
.L_overlay_start_2:
0x2ca: {  	(tag) =	ssettag $0x2  }
0x2cb: {  	s0 =	rddreg [dreg:$0x0];
	s2 =	stileid.u32  }
0x2cc: {  	s1 =	rddreg [dreg:$0x1];
	p0 =	sne.s32 s2, $0x0  }
0x2cd: {  	s3 =	rddreg [dreg:$0x2];
	[bflag:$0x3] =	sbarrier.arrive $0xFFFF;
	s2 =	simm.s32 @!p0 $0x1C03  }
0x2ce: {  	[timem:s3], [sflag:s2] =	dma.local @!p0 [hbm:s0], s1  }
0x2cf: {  	s0 =	simm.s32 @!p0 $0x3  }
0x2d0: {  	_ =	swait.ge @!p0 [sflag:s0], s1  }
0x2d1: {  	s1 =	ssub.s32 @!p0 $0x0, s1;
	[sflag:s0] =	ssyncset.done @!p0 $0x0  }
0x2d2: {  	[sflag:s0] =	ssyncadd.s32 @!p0 s1  }
0x2d3: {  	[bflag:$0x3] =	sbarrier.arrive $0xFFFF  }
0x2d4: {  	_ =	shalt  }

// kernel: kernel.7.cloned.1.call-start
scs
__scs_entry_jumppad:
0x0: {  	(pc) =	sbr.rel $0x88, $3  }
0x1: {  	(tag) =	ssettag $0x0;
	lr =	simm.s32 $0x1  }
0x2: {  	[smem:$0x3F97] =	sst lr;
	_ =	strace $0xD0000000  }
0x3: {  	_ = 	snop  }
0x4: {  	_ = 	snop  }
0x5: {  	_ = 	snop  }
0x6: {  	_ = 	snop  }
0x7: {  	_ = 	snop  }
__scs_overlays_trampoline_lowered:
0x8: {  	[smem:$0x3FA6] =	sst s0  }
0x9: {  	[smem:$0x3FA7] =	sst s1  }
0xa: {  	[smem:$0x3FA8] =	sst s2  }
0xb: {  	[smem:$0x3FA9] =	sst s3  }
0xc: {  	[smem:$0x3FAA] =	sst s4  }
0xd: {  	[smem:$0x3FAB] =	sst s5  }
0xe: {  	[smem:$0x3FAC] =	sst s6  }
0xf: {  	[smem:$0x3FAD] =	sst s7  }
0x10: {  	[smem:$0x3FAE] =	sst s8  }
0x11: {  	[smem:$0x3FAF] =	sst s9;
	s0 =	simm.s32 @!p0 $0x0  }
0x12: {  	s1 =	sld [smem:$0x3F95];
	s0 =	simm.s32 @p0 $0x1  }
0x13: {  	[smem:$0x3FB0] =	sst s0;
	s0 =	simm.s32 @!p1 $0x0  }
0x14: {  	s2 =	sld [smem:$0x3F94];
	s0 =	simm.s32 @p1 $0x1  }
0x15: {  	[smem:$0x3FB1] =	sst s0;
	s0 =	simm.s32 @!p2 $0x0  }
0x16: {  	s3 =	sld [smem:$0x3FDB];
	s0 =	simm.s32 @p2 $0x1  }
0x17: {  	s4 =	simm.s32 $0x1BF5;
	[smem:$0x3FB3] =	sst s0  }
0x18: {  	s0 =	sld [smem:$0x3F96];
	_ =	swait.ge [sflag:s4], $0x0  }
0x19: {  	s7 =	sld [smem:$0x3F97]  }
0x1a: {  	s8 =	sadd.s32 $0xFFFFE003, lr  }
0x1b: {  	s9 =	sadd.s32 $0xFFFFFEF7, lr;
	s5 =	simm.s32 $0xFFFFFFFF;
	p2 =	slt.u32 s8, $0xFFFFF086  }
0x1c: {  	p1 =	slt.u32 s9, $0xF7A;
	s5 =	simm.s32 @!p2 $0x0  }
0x1d: {  	s5 =	simm.s32 @p1 $0x1;
	p0 =	seq.s32 s7, s2  }
0x1e: {  	s7 =	smul.u32 @!p0 $0xF7A, s2;
	p2 =	seq.s32 @!p0 s5, $0x0  }
0x1f: {  	s9 =	smul.u32 $0xF7A, s1;
	s8 =	simm.s32 @!p0 $0x1BF5;
	p2 =	por !p2, p0  }
0x20: {  	[sflag:s8] =	ssyncset.s32 @!p0 $0xFFFFF086;
	s6 =	sadd.s32 @!p0 s3, s7;
	s7 =	simm.s32 @!p0 $0x108  }
0x21: {  	s3 =	sadd.s32 s3, s9;
	s6 =	sadd.s32 @!p0 $0x88, s6;
	s7 =	simm.s32 @p2 $0x1082  }
0x22: {  	[simem:s7], [sflag:s8] =	dma.local @!p0 [hbm:s6], $0xF7A  }
0x23: {  	s9 =	sor.u32 $0xD0000000, s2;
	s6 =	simm.s32 $0x108;
	_ =	swait.ge @!p0 [sflag:s8], $0x0  }
0x24: {  	s3 =	sadd.s32 $0x88, s3;
	s6 =	simm.s32 @!p1 $0x1082;
	[sflag:s4] =	ssyncset.s32 $0xFFFFF086  }
0x25: {  	[simem:s6], [sflag:s4] =	dma.local [hbm:s3], $0xF7A  }
0x26: {  	[smem:$0x3F97] =	sst s1;
	(tag) =	ssettag s2;
	_ =	strace s9  }
0x27: {  	s1 =	sld [smem:$0x3FA7]  }
0x28: {  	s2 =	sld [smem:$0x3FA8]  }
0x29: {  	s4 =	sld [smem:$0x3FAA]  }
0x2a: {  	p0 =	seq.s32 s5, $0x0;
	s5 =	sld [smem:$0x3FAB]  }
0x2b: {  	s6 =	sld [smem:$0x3FAC]  }
0x2c: {  	s7 =	sld [smem:$0x3FAD]  }
0x2d: {  	s3 =	simm.s32 $0x108;
	s8 =	sld [smem:$0x3FAE]  }
0x2e: {  	s3 =	simm.s32 @!p0 $0x1082;
	s9 =	sld [smem:$0x3FAF]  }
0x2f: {  	lr =	sadd.s32 s0, s3;
	s0 =	sld [smem:$0x3FA6]  }
0x30: {  	s3 =	sld [smem:$0x3FA9]  }
0x31: {  	[smem:$0x3FB2] =	sst s10  }
0x32: {  	s10 =	sld [smem:$0x3FB0];
	_ =	sdelay $0x3  }
0x33: {  	p0 =	seq.s32 s10, $0x1;
	s10 =	sld [smem:$0x3FB2];
	_ =	sdelay $0x3  }
0x34: {  	[smem:$0x3FB2] =	sst s10  }
0x35: {  	s10 =	sld [smem:$0x3FB1];
	_ =	sdelay $0x3  }
0x36: {  	p1 =	seq.s32 s10, $0x1;
	s10 =	sld [smem:$0x3FB2];
	_ =	sdelay $0x3  }
0x37: {  	[smem:$0x3FB2] =	sst s10  }
0x38: {  	s10 =	sld [smem:$0x3FB3]  }
0x39: {  	_ = 	snop;
	(pc) =	sbr.ind lr, $3  }
0x3a: {  	_ = 	snop  }
0x3b: {  	_ = 	snop  }
0x3c: {  	p2 =	seq.s32 s10, $0x1;
	s10 =	sld [smem:$0x3FB2]  }
0x3d: {  	_ =	shalt  }
0x3e: {  	_ =	shalt  }
0x3f: {  	_ =	shalt  }
0x40: {  	_ =	shalt  }
0x41: {  	_ =	shalt  }
0x42: {  	_ =	shalt  }
0x43: {  	_ =	shalt  }
0x44: {  	_ =	shalt  }
0x45: {  	_ =	shalt  }
0x46: {  	_ =	shalt  }
0x47: {  	_ =	shalt  }
0x48: {  	_ =	shalt  }
0x49: {  	_ =	shalt  }
0x4a: {  	_ =	shalt  }
0x4b: {  	_ =	shalt  }
0x4c: {  	_ =	shalt  }
0x4d: {  	_ =	shalt  }
0x4e: {  	_ =	shalt  }
0x4f: {  	_ =	shalt  }
0x50: {  	_ =	shalt  }
0x51: {  	_ =	shalt  }
0x52: {  	_ =	shalt  }
0x53: {  	_ =	shalt  }
0x54: {  	_ =	shalt  }
0x55: {  	_ =	shalt  }
0x56: {  	_ =	shalt  }
0x57: {  	_ =	shalt  }
0x58: {  	_ =	shalt  }
0x59: {  	_ =	shalt  }
0x5a: {  	_ =	shalt  }
0x5b: {  	_ =	shalt  }
0x5c: {  	_ =	shalt  }
0x5d: {  	_ =	shalt  }
0x5e: {  	_ =	shalt  }
0x5f: {  	_ =	shalt  }
0x60: {  	_ =	shalt  }
0x61: {  	_ =	shalt  }
0x62: {  	_ =	shalt  }
0x63: {  	_ =	shalt  }
0x64: {  	_ =	shalt  }
0x65: {  	_ =	shalt  }
0x66: {  	_ =	shalt  }
0x67: {  	_ =	shalt  }
0x68: {  	_ =	shalt  }
0x69: {  	_ =	shalt  }
0x6a: {  	_ =	shalt  }
0x6b: {  	_ =	shalt  }
0x6c: {  	_ =	shalt  }
0x6d: {  	_ =	shalt  }
0x6e: {  	_ =	shalt  }
0x6f: {  	_ =	shalt  }
0x70: {  	_ =	shalt  }
0x71: {  	_ =	shalt  }
0x72: {  	_ =	shalt  }
0x73: {  	_ =	shalt  }
0x74: {  	_ =	shalt  }
0x75: {  	_ =	shalt  }
0x76: {  	_ =	shalt  }
0x77: {  	_ =	shalt  }
0x78: {  	_ =	shalt  }
0x79: {  	_ =	shalt  }
0x7a: {  	_ =	shalt  }
0x7b: {  	_ =	shalt  }
0x7c: {  	_ =	shalt  }
0x7d: {  	_ =	shalt  }
0x7e: {  	_ =	shalt  }
0x7f: {  	_ =	shalt  }
0x80: {  	_ =	shalt  }
0x81: {  	_ =	shalt  }
0x82: {  	_ =	shalt  }
0x83: {  	_ =	shalt  }
0x84: {  	_ =	shalt  }
0x85: {  	_ =	shalt  }
0x86: {  	_ =	shalt  }
0x87: {  	_ =	shalt  }
.Lfunc_end0:
.L_simem_size_0:
called_computation_lowered:
.L_overlay_start_0:
0x88: {  	s2 =	sld [smem:$0x3FD9]  }
0x89: {  	s3 =	sld [smem:$0x3FFE];
	_ =	sdelay $0x1  }
0x8a: {  	s1 =	srdreg.scid  }
0x8b: {  	s0 =	sand.u32 $0x1, s1  }
0x8c: {  	s17 =	sshll.u32 s0, $0xA;
	s2 =	sadd.s32 s3, s2  }
0x8d: {  	s2 =	sadd.s32 s2, s17  }
0x8e: {  	[smem:$0x3FBE] =	sst s2  }
0x8f: {  	_ = 	snop  }
0x90: {  	s2 =	sld [smem:$0x3FD0];
	(tm) =	ssettm $0x1  }
0x91: {  	s18 =	sld [smem:$0x3FFB];
	_ =	sdelay $0x3  }
0x92: {  	_ =	strace s18  }
0x93: {  	s3 =	sld [smem:$0x3FFC];
	_ =	sdelay $0x3  }
0x94: {  	_ =	strace s3  }
0x95: {  	s3 =	sld [smem:$0x3FFD];
	_ =	sdelay $0x3  }
0x96: {  	_ =	strace s3  }
0x97: {  	_ =	strace $0x8FFFFFFF  }
0x98: {  	s19 =	sld [smem:$0x3FDB];
	_ =	sdelay $0x1  }
0x99: {  	s4 =	simm.s32 $_scs_section_size  }
0x9a: {  	s5 =	simm.s32 $_size__tile_overlayer_lowered;
	s6 =	simm.s32 $_tile_overlayer_lowered  }
0x9b: {  	s22 =	simm.s32 $0x1BFF;
	s21 =	sshll.u32 s6, $0x1;
	s3 =	sadd.s32 s4, s19  }
0x9c: {  	s7 =	simm.s32 $0x0;
	s20 =	sshll.u32 s5, $0x1;
	s5 =	sadd.s32 s21, s3  }
0x9d: {  	[timem:s7], [sflag:s22] =	dma.local [hbm:s5], s20  }
0x9e: {  	_ =	swait.ge [sflag:s22], s20  }
0x9f: {  	s4 =	ssub.s32 $0x0, s20;
	[sflag:s22] =	ssyncset.done $0x0  }
0xa0: {  	[sflag:s22] =	ssyncadd.s32 s4;
	_ =	sdelay $0x1  }
0xa1: {  	s23 =	simm.s32 $0x1B8B  }
0xa2: {  	_ =	swait.ge [sflag:s23], $0x1  }
0xa3: {  	[sflag:s23] =	ssyncset.done $0x0  }
0xa4: {  	s25 =	simm.s32 $0x1B8E;
	s24 =	sld [smem:$0x3FFE];
	[sflag:s23] =	ssyncadd.s32 $0xFFFFFFFF  }
0xa5: {  	s26 =	simm.s32 $execute0_lowered;
	[smem:$0x3FD2] =	sst s25  }
0xa6: {  	s5 =	sshll.u32 s26, $0x1;
	_ =	strace $0x80000046;
	[dreg:$0x1] =	wrdreg $0xFFFFFFFF  }
0xa7: {  	s28 =	simm.s32 $_size_execute0_lowered;
	s3 =	sadd.s32 s3, s5;
	[dreg:$0x0] =	wrdreg $0x0  }
0xa8: {  	s5 =	sshll.u32 s28, $0x1;
	[dreg:$0x2] =	wrdreg s3  }
0xa9: {  	[dreg:$0x3] =	wrdreg s5  }
0xaa: {  	[dreg:$0x4] =	wrdreg $0xC0  }
0xab: {  	_ =	task [dreg:s7], $0x5FFFF  }
0xac: {  	[dreg:$0x1] =	wrdreg $0xFFFFFFFF  }
0xad: {  	[dreg:$0x0] =	wrdreg $0x60  }
0xae: {  	[dreg:$0x2] =	wrdreg s2  }
0xaf: {  	[dreg:$0x3] =	wrdreg s24  }
0xb0: {  	[dreg:$0x4] =	wrdreg $0x82000  }
0xb1: {  	[dreg:$0x5] =	wrdreg $0x9  }
0xb2: {  	_ =	task.clear_ibuf [dreg:s7], $0x6FFFF;
	_ =	strace $0x90000046  }
0xb3: {  	s29 =	simm.s32 $0x9;
	_ =	strace $0x80000048  }
0xb4: {  	_ =	swait.ge [sflag:s29], $0x1  }
0xb5: {  	[sflag:s29] =	ssyncadd.s32 $0xFFFFFFFF  }
0xb6: {  	_ =	strace $0x90000048  }
0xb7: {  	_ =	sfence  }
0xb8: {  	s30 =	sld [smem:$0x0];
	_ =	sdelay $0x2  }
0xb9: {  	s31 =	sshll.u32 s1, $0xD;
	s1 =	sshrl.u32 s1, $0x2  }
0xba: {  	s3 =	sand.u32 $0x4000, s31;
	s1 =	sadd.s32 s1, s30  }
0xbb: {  	s0 =	sor.u32 s3, s0;
	s1 =	sshll.u32 s1, $0x11  }
0xbc: {  	s0 =	sor.u32 s1, s0  }
0xbd: {  	s0 =	sadd.s32 $0x8F2B, s0  }
0xbe: {  	[sflag:s0] =	ssyncadd.remote.s32 $0x1  }
0xbf: {  	_ =	sfence.sel $0xFFFF  }
0xc0: {  	[dreg:$0x0] =	wrdreg $0xFFFFFFFF;
	(pc) =	sbr.abs _section_cstart, $3  }
0xc1: {  	[dreg:$0x1] =	wrdreg $0xFFFFFFFF  }
0xc2: {  	_ =	task.clear_ibuf [dreg:s7], $0x2FFFF;
	_ =	strace $0x9FFFFFFF  }
0xc3: {  	(tm) =	ssettm $0x7FFFFFFF  }
tec
execute0_lowered:
.L_overlay_start_1:
0x0: {  	(tag) =	ssettag $0x1  }
0x1: {  	s1 =	rddreg [dreg:$0x0]  }
0x2: {  	s0 =	rddreg [dreg:$0x1]  }
0x3: {  	s2 =	rddreg [dreg:$0x2];
	s3 =	simm.s32 $0x0;
	s4 =	srdreg.scid  }
0x4: {  	s28 =	simm.s32 $0x180;
	s29 =	simm.s32 $0x2200;
	s30 =	simm.s32 $0x6200  }
0x5: {  	s31 =	simm.s32 $0x1;
	[smem:$0x7FF] =	sst s3;
	s6 =	sand.u32 $0x1, s4  }
0x6: {  	s4 =	stileid.u32;
	s5 =	sadd.s32 $0x1400, s0;
	_ =	strace $0x80000047  }
0x7: {  	s7 =	smul.u32 $0x13C000, s6;
	s9 =	sshll.u32 s4, $0xD;
	s8 =	sshll.u32 s4, $0x1  }
0x8: {  	s10 =	ssub.s32 $0x2, s6;
	s24 =	sor.u32 $0x90, s4;
	s6 =	sor.u32 s6, s8  }
0x9: {  	s11 =	sshrl.u32 s10, $0x1;
	s26 =	sshll.u32 s24, $0xD;
	p0 =	sgt.u32 s24, $0x9D  }
0xa: {  	s24 =	simm.s32 $0x40;
	s7 =	sadd.s32 s9, s7;
	s10 =	ssub.s32 s10, s11  }
0xb: {  	s6 =	smul.u32 $0x2880, s6;
	s19 =	sadd.s32 s26, s2;
	s10 =	smax.u32 s10, $0x1  }
0xc: {  	s26 =	simm.s32 $0x80;
	[dreg:$0x4] =	wrdreg s10;
	s10 =	sadd.s32 s9, s2  }
0xd: {  	s20 =	sshrl.u32 s7, $0x3;
	s7 =	sadd.s32 $0xB600, s0;
	s9 =	sadd.s32 $0x40000, s10  }
0xe: {  	s0 =	sadd.s32 s20, s0;
	s21 =	sadd.s32 $0x60000, s10;
	[dreg:$0x5] =	wrdreg s9  }
0xf: {  	s8 =	sor.u32 $0x40, s6;
	s22 =	sadd.s32 $0x80000, s10;
	[dreg:$0x6] =	wrdreg s21  }
0x10: {  	s11 =	sadd.s32 $0x20000, s10;
	s23 =	sadd.s32 $0xA0000, s10;
	[dreg:$0x7] =	wrdreg s22  }
0x11: {  	s12 =	sadd.s32 $0xC0000, s10;
	s25 =	sadd.s32 $0xE0000, s10;
	[dreg:$0x8] =	wrdreg s23  }
0x12: {  	s18 =	sadd.s32 $0x100000, s10;
	s20 =	sadd.s32 $0x32E00, s0;
	[dreg:$0x9] =	wrdreg s12  }
0x13: {  	v1 =	vlaneseq.u32;
	s0 =	simm.s32 $0x2;
	[dreg:$0xa] =	wrdreg s25;
	s21 =	simm.s32 $0x200  }
0x14: {  	v0 =	vimm.f32 $0.0e+00;
	v1 =	vmul.u32 $0x80, v1;
	s22 =	simm.s32 $0x3;
	s23 =	simm.s32 $0x100;
	s25 =	simm.s32 $0x4200  }
.LBB2_1:
0x15: {  	s9 =	simm.s32 $0x0;
	s12 =	simm.s32 $0x200  }
.LBB2_2:
0x16: {  	p1 =	sne.s32 s12, $0x7E00;
	[tilespmem:s9+$0x270] =	vst v0  }
0x17: {  	[tilespmem:s9+$0x200] =	vst v0  }
0x18: {  	[tilespmem:s9+$0x210] =	vst v0  }
.Ltmp0:
0x19: {  	[tilespmem:s9+$0x220] =	vst v0;
	(pc) =	sbr.rel @p1 .LBB2_2-.Ltmp0, $4  }
0x1a: {  	[tilespmem:s9+$0x230] =	vst v0  }
0x1b: {  	[tilespmem:s9+$0x240] =	vst v0  }
0x1c: {  	[tilespmem:s9+$0x250] =	vst v0  }
0x1d: {  	[tilespmem:s9+$0x260] =	vst v0;
	s9 =	sshra.s32 s12, $0x2;
	s12 =	sadd.s32 $0x200, s12  }
0x1e: {  	[tilespmem:s9+$0x270] =	vst v0  }
0x1f: {  	[tilespmem:s9+$0x200] =	vst v0  }
0x20: {  	[tilespmem:s9+$0x210] =	vst v0  }
0x21: {  	[tilespmem:s9+$0x220] =	vst v0  }
0x22: {  	[tilespmem:s9+$0x230] =	vst v0  }
0x23: {  	[tilespmem:s9+$0x240] =	vst v0  }
0x24: {  	[tilespmem:s9+$0x250] =	vst v0  }
0x25: {  	[tilespmem:s9+$0x260] =	vst v0  }
0x26: {  	[spmem:s10] =	stream.linear.scatter [tilespmem:s21], [sflag:$0x3], $0x2000, $0x38;
	[tilespmem:$0x1BE00] =	vst v63  }
0x27: {  	_ =	swait.ge [sflag:s22], $0x2000  }
0x28: {  	[sflag:s22] =	ssyncset.done $0x0  }
0x29: {  	[sflag:s22] =	ssyncadd.s32 $0xFFFFE000  }
0x2a: {  	[spmem:s11] =	stream.linear.scatter [tilespmem:s21], [sflag:$0x3], $0x2000, $0x38;
	[tilespmem:$0x1BE00] =	vst v63  }
0x2b: {  	_ =	swait.ge [sflag:s22], $0x2000  }
0x2c: {  	[sflag:s22] =	ssyncset.done $0x0  }
0x2d: {  	s12 =	rddreg [dreg:$0x5];
	[sflag:s22] =	ssyncadd.s32 $0xFFFFE000  }
0x2e: {  	[spmem:s12] =	stream.linear.scatter [tilespmem:s21], [sflag:$0x3], $0x2000, $0x38;
	[tilespmem:$0x1BE00] =	vst v63  }
0x2f: {  	_ =	swait.ge [sflag:s22], $0x2000  }
0x30: {  	[sflag:s22] =	ssyncset.done $0x0  }
0x31: {  	s13 =	rddreg [dreg:$0x6];
	[sflag:s22] =	ssyncadd.s32 $0xFFFFE000  }
0x32: {  	[spmem:s13] =	stream.linear.scatter [tilespmem:s21], [sflag:$0x3], $0x2000, $0x38;
	[tilespmem:$0x1BE00] =	vst v63  }
0x33: {  	_ =	swait.ge [sflag:s22], $0x2000  }
0x34: {  	[sflag:s22] =	ssyncset.done $0x0  }
0x35: {  	s14 =	rddreg [dreg:$0x7];
	[sflag:s22] =	ssyncadd.s32 $0xFFFFE000  }
0x36: {  	[spmem:s14] =	stream.linear.scatter [tilespmem:s21], [sflag:$0x3], $0x2000, $0x38;
	[tilespmem:$0x1BE00] =	vst v63  }
0x37: {  	_ =	swait.ge [sflag:s22], $0x2000  }
0x38: {  	[sflag:s22] =	ssyncset.done $0x0  }
0x39: {  	s15 =	rddreg [dreg:$0x8];
	[sflag:s22] =	ssyncadd.s32 $0xFFFFE000  }
0x3a: {  	[spmem:s15] =	stream.linear.scatter [tilespmem:s21], [sflag:$0x3], $0x2000, $0x38;
	[tilespmem:$0x1BE00] =	vst v63  }
0x3b: {  	_ =	swait.ge [sflag:s22], $0x2000  }
0x3c: {  	[sflag:s22] =	ssyncset.done $0x0  }
0x3d: {  	s16 =	rddreg [dreg:$0x9];
	[sflag:s22] =	ssyncadd.s32 $0xFFFFE000  }
0x3e: {  	[spmem:s16] =	stream.linear.scatter [tilespmem:s21], [sflag:$0x3], $0x2000, $0x38;
	[tilespmem:$0x1BE00] =	vst v63  }
0x3f: {  	_ =	swait.ge [sflag:s22], $0x2000  }
0x40: {  	[sflag:s22] =	ssyncset.done $0x0  }
0x41: {  	s17 =	rddreg [dreg:$0xa];
	[sflag:s22] =	ssyncadd.s32 $0xFFFFE000  }
0x42: {  	[spmem:s17] =	stream.linear.scatter [tilespmem:s21], [sflag:$0x3], $0x2000, $0x38;
	[tilespmem:$0x1BE00] =	vst v63  }
0x43: {  	_ =	swait.ge [sflag:s22], $0x2000  }
0x44: {  	[sflag:s22] =	ssyncset.done $0x0  }
0x45: {  	[sflag:s22] =	ssyncadd.s32 $0xFFFFE000  }
0x46: {  	[spmem:s18] =	stream.linear.scatter [tilespmem:s21], [sflag:$0x3], $0x2000, $0x38;
	[tilespmem:$0x1BE00] =	vst v63  }
0x47: {  	_ =	swait.ge [sflag:s22], $0x2000  }
0x48: {  	[sflag:s22] =	ssyncset.done $0x0  }
0x49: {  	s9 =	simm.s32 @!p0 $0x200;
	[sflag:s22] =	ssyncadd.s32 $0xFFFFE000  }
0x4a: {  	[spmem:s19] =	stream.linear.scatter @!p0 [tilespmem:s9], [sflag:$0x3], $0x2000, $0x38;
	[tilespmem:$0x1BE00] =	vst v63  }
0x4b: {  	s9 =	simm.s32 @!p0 $0x3  }
0x4c: {  	_ =	swait.ge @!p0 [sflag:s9], $0x2000  }
0x4d: {  	[sflag:s9] =	ssyncset.done @!p0 $0x0  }
0x4e: {  	[sflag:s9] =	ssyncadd.s32 @!p0 $0xFFFFE000  }
0x4f: {  	s12 =	simm.s32 $0x0;
	s9 =	simm.s32 $0x0;
	[bflag:$0x0] =	sbarrier.arrive $0xFFFF  }
.LBB2_4:
0x50: {  	s13 =	sshll.u32 s12, $0x7  }
0x51: {  	s14 =	sadd.s32 s6, s13  }
0x52: {  	s14 =	sshrl.u32 s14, $0x3  }
0x53: {  	s15 =	sadd.s32 s1, s14  }
0x54: {  	[tilespmem:s9], [sflag:$0x3] =	stream.linear.gather [hbm4b:s15+s9], $0x40, $0x38;
	[tilespmem:$0x1BE00] =	vst v63  }
0x55: {  	_ =	swait.ge [sflag:s22], $0x40  }
0x56: {  	[sflag:s22] =	ssyncset.done $0x0  }
0x57: {  	s14 =	sadd.s32 s5, s14;
	[sflag:s22] =	ssyncadd.s32 $0xFFFFFFC0  }
0x58: {  	[tilespmem:s23], [sflag:$0x3] =	stream.linear.gather [hbm4b:s14+s9], $0x40, $0x38;
	[tilespmem:$0x1BE00] =	vst v63  }
0x59: {  	_ =	swait.ge [sflag:s22], $0x40  }
0x5a: {  	[sflag:s22] =	ssyncset.done $0x0  }
0x5b: {  	s13 =	sadd.s32 s13, s8;
	[sflag:s22] =	ssyncadd.s32 $0xFFFFFFC0  }
0x5c: {  	[tilespmem:s21], [sflag:$0x1] =	stream.indirect.gather [hbm4b:s7+s24], $0x80, s9, s24, $0xb8;
	[tilespmem:$0x1BE00] =	vst v63  }
0x5d: {  	s13 =	sshrl.u32 s13, $0x3  }
0x5e: {  	[tilespmem:s25], [sflag:$0x1] =	stream.indirect.gather [hbm4b:s7+s24], $0x80, s23, s24, $0xb8;
	[tilespmem:$0x1BE00] =	vst v63  }
0x5f: {  	s17 =	sadd.s32 s1, s13  }
0x60: {  	[tilespmem:s26], [sflag:$0x3] =	stream.linear.gather [hbm4b:s17+s9], $0x40, $0x38;
	[tilespmem:$0x1BE00] =	vst v63  }
0x61: {  	_ =	swait.ge [sflag:s22], $0x40  }
0x62: {  	[sflag:s22] =	ssyncset.done $0x0  }
0x63: {  	s13 =	sadd.s32 s5, s13;
	[sflag:s22] =	ssyncadd.s32 $0xFFFFFFC0  }
0x64: {  	[tilespmem:s28], [sflag:$0x3] =	stream.linear.gather [hbm4b:s13+s9], $0x40, $0x38;
	[tilespmem:$0x1BE00] =	vst v63  }
0x65: {  	_ =	swait.ge [sflag:s22], $0x40  }
0x66: {  	[sflag:s22] =	ssyncset.done $0x0  }
0x67: {  	[sflag:s22] =	ssyncadd.s32 $0xFFFFFFC0  }
0x68: {  	[tilespmem:s29], [sflag:$0x2] =	stream.indirect.gather [hbm4b:s7+s24], $0x80, s26, s24, $0xb8;
	[tilespmem:$0x1BE00] =	vst v63  }
0x69: {  	_ = 	snop  }
0x6a: {  	[tilespmem:s30], [sflag:$0x2] =	stream.indirect.gather [hbm4b:s7+s24], $0x80, s28, s24, $0xb8;
	[tilespmem:$0x1BE00] =	vst v63  }
0x6b: {  	_ =	swait.ge [sflag:s31], $0x2000  }
0x6c: {  	[sflag:s31] =	ssyncset.done $0x0  }
0x6d: {  	[sflag:s31] =	ssyncadd.s32 $0xFFFFE000  }
0x6e: {  	_ =	swait.ge [sflag:s31], $0x2000  }
0x6f: {  	[sflag:s31] =	ssyncset.done $0x0  }
0x70: {  	s13 =	simm.s32 $0x0;
	[sflag:s31] =	ssyncadd.s32 $0xFFFFE000  }
.LBB2_5:
0x71: {  	v2 =	vmov s13  }
0x72: {  	v2 =	vshll.u32 v2, $0x7  }
0x73: {  	v2 =	vor.u32 v1, v2  }
0x74: {  	v3 =	vor.u32 $0x20, v2  }
0x75: {  	v4 =	vor.u32 $0x24, v2;
	_ =	sdelay $0x3  }
0x76: {  	v5 =	vld.idx.msk [tilespmem:v3+s21+$0x0], $0xffff  }
0x77: {  	v4 =	vld.idx.msk [tilespmem:v4+s25+$0x0], $0xffff;
	_ =	sdelay $0x4  }
0x78: {  	v4 =	vadd.f32 v4, v5;
	_ =	sdelay $0x1  }
0x79: {  	v5 =	vmul.f32 $2.000000030e-01, v4;
	_ =	sdelay $0x1  }
0x7a: {  	v4 =	vmax.f32 v4, v5  }
0x7b: {  	v4 =	vmul.f32 $1.442695020e+00, v4;
	_ =	sdelay $0x1  }
0x7c: {  	(erf) = vpow2.f32 v4;
	_ =	sdelay $0x8  }
0x7d: {  	v4 =	vpop (erf)  }
0x7e: {  	[tilespmem:v3+s21+$0x0] =	vst.idx.msk $0xffff, v4  }
0x7f: {  	v3 =	vld.idx.msk [tilespmem:v2+s21+$0x0], $0xffff;
	_ =	sdelay $0x2  }
0x80: {  	v27 =	vor.u32 $0x1, v2;
	_ =	sdelay $0x1  }
0x81: {  	v3 =	vmul.f32 v4, v3;
	_ =	sdelay $0x1  }
0x82: {  	[tilespmem:v2+s21+$0x0] =	vst.idx.msk $0xffff, v3  }
0x83: {  	v3 =	vld.idx.msk [tilespmem:v27+s21+$0x0], $0xffff;
	_ =	sdelay $0x2  }
0x84: {  	v6 =	vor.u32 $0x2, v2;
	_ =	sdelay $0x1  }
0x85: {  	v3 =	vmul.f32 v4, v3;
	_ =	sdelay $0x1  }
0x86: {  	[tilespmem:v27+s21+$0x0] =	vst.idx.msk $0xffff, v3  }
0x87: {  	v3 =	vld.idx.msk [tilespmem:v6+s21+$0x0], $0xffff;
	_ =	sdelay $0x2  }
0x88: {  	v28 =	vor.u32 $0x3, v2;
	_ =	sdelay $0x1  }
0x89: {  	v3 =	vmul.f32 v3, v4;
	_ =	sdelay $0x1  }
0x8a: {  	[tilespmem:v6+s21+$0x0] =	vst.idx.msk $0xffff, v3  }
0x8b: {  	v3 =	vld.idx.msk [tilespmem:v28+s21+$0x0], $0xffff;
	_ =	sdelay $0x2  }
0x8c: {  	v29 =	vor.u32 $0x4, v2;
	_ =	sdelay $0x1  }
0x8d: {  	v3 =	vmul.f32 v3, v4;
	_ =	sdelay $0x1  }
0x8e: {  	[tilespmem:v28+s21+$0x0] =	vst.idx.msk $0xffff, v3  }
0x8f: {  	v3 =	vld.idx.msk [tilespmem:v29+s21+$0x0], $0xffff;
	_ =	sdelay $0x2  }
0x90: {  	v30 =	vor.u32 $0x5, v2;
	_ =	sdelay $0x1  }
0x91: {  	v3 =	vmul.f32 v3, v4;
	_ =	sdelay $0x1  }
0x92: {  	[tilespmem:v29+s21+$0x0] =	vst.idx.msk $0xffff, v3  }
0x93: {  	v3 =	vld.idx.msk [tilespmem:v30+s21+$0x0], $0xffff;
	_ =	sdelay $0x2  }
0x94: {  	v31 =	vor.u32 $0x6, v2;
	_ =	sdelay $0x1  }
0x95: {  	v3 =	vmul.f32 v3, v4;
	_ =	sdelay $0x1  }
0x96: {  	[tilespmem:v30+s21+$0x0] =	vst.idx.msk $0xffff, v3  }
0x97: {  	v3 =	vld.idx.msk [tilespmem:v31+s21+$0x0], $0xffff;
	_ =	sdelay $0x2  }
0x98: {  	v32 =	vor.u32 $0x7, v2;
	_ =	sdelay $0x1  }
0x99: {  	v3 =	vmul.f32 v3, v4;
	_ =	sdelay $0x1  }
0x9a: {  	[tilespmem:v31+s21+$0x0] =	vst.idx.msk $0xffff, v3  }
0x9b: {  	v3 =	vld.idx.msk [tilespmem:v32+s21+$0x0], $0xffff;
	_ =	sdelay $0x2  }
0x9c: {  	v33 =	vor.u32 $0x21, v2  }
0x9d: {  	v7 =	vor.u32 $0x25, v2  }
0x9e: {  	v3 =	vmul.f32 v3, v4;
	_ =	sdelay $0x1  }
0x9f: {  	[tilespmem:v32+s21+$0x0] =	vst.idx.msk $0xffff, v3  }
0xa0: {  	v3 =	vld.idx.msk [tilespmem:v33+s21+$0x0], $0xffff  }
0xa1: {  	v34 =	vld.idx.msk [tilespmem:v7+s25+$0x0], $0xffff;
	_ =	sdelay $0x4  }
0xa2: {  	v3 =	vadd.f32 v34, v3;
	_ =	sdelay $0x1  }
0xa3: {  	v4 =	vmul.f32 $2.000000030e-01, v3;
	_ =	sdelay $0x1  }
0xa4: {  	v3 =	vmax.f32 v3, v4  }
0xa5: {  	v3 =	vmul.f32 $1.442695020e+00, v3;
	_ =	sdelay $0x1  }
0xa6: {  	(erf) = vpow2.f32 v3;
	_ =	sdelay $0x5  }
0xa7: {  	v3 =	vor.u32 $0x8, v2;
	_ =	sdelay $0x2  }
0xa8: {  	v35 =	vpop (erf)  }
0xa9: {  	[tilespmem:v33+s21+$0x0] =	vst.idx.msk $0xffff, v35  }
0xaa: {  	v5 =	vld.idx.msk [tilespmem:v3+s21+$0x0], $0xffff;
	_ =	sdelay $0x2  }
0xab: {  	v36 =	vor.u32 $0x9, v2;
	_ =	sdelay $0x1  }
0xac: {  	v5 =	vmul.f32 v35, v5;
	_ =	sdelay $0x1  }
0xad: {  	[tilespmem:v3+s21+$0x0] =	vst.idx.msk $0xffff, v5  }
0xae: {  	v3 =	vld.idx.msk [tilespmem:v36+s21+$0x0], $0xffff;
	_ =	sdelay $0x2  }
0xaf: {  	v37 =	vor.u32 $0xA, v2;
	_ =	sdelay $0x1  }
0xb0: {  	v3 =	vmul.f32 v35, v3;
	_ =	sdelay $0x1  }
0xb1: {  	[tilespmem:v36+s21+$0x0] =	vst.idx.msk $0xffff, v3  }
0xb2: {  	v3 =	vld.idx.msk [tilespmem:v37+s21+$0x0], $0xffff;
	_ =	sdelay $0x2  }
0xb3: {  	v38 =	vor.u32 $0xB, v2;
	_ =	sdelay $0x1  }
0xb4: {  	v3 =	vmul.f32 v3, v35;
	_ =	sdelay $0x1  }
0xb5: {  	[tilespmem:v37+s21+$0x0] =	vst.idx.msk $0xffff, v3  }
0xb6: {  	v3 =	vld.idx.msk [tilespmem:v38+s21+$0x0], $0xffff;
	_ =	sdelay $0x2  }
0xb7: {  	v39 =	vor.u32 $0xC, v2;
	_ =	sdelay $0x1  }
0xb8: {  	v3 =	vmul.f32 v3, v35;
	_ =	sdelay $0x1  }
0xb9: {  	[tilespmem:v38+s21+$0x0] =	vst.idx.msk $0xffff, v3  }
0xba: {  	v3 =	vld.idx.msk [tilespmem:v39+s21+$0x0], $0xffff;
	_ =	sdelay $0x2  }
0xbb: {  	v40 =	vor.u32 $0xD, v2;
	_ =	sdelay $0x1  }
0xbc: {  	v3 =	vmul.f32 v3, v35;
	_ =	sdelay $0x1  }
0xbd: {  	[tilespmem:v39+s21+$0x0] =	vst.idx.msk $0xffff, v3  }
0xbe: {  	v3 =	vld.idx.msk [tilespmem:v40+s21+$0x0], $0xffff;
	_ =	sdelay $0x2  }
0xbf: {  	v41 =	vor.u32 $0xE, v2;
	_ =	sdelay $0x1  }
0xc0: {  	v3 =	vmul.f32 v3, v35;
	_ =	sdelay $0x1  }
0xc1: {  	[tilespmem:v40+s21+$0x0] =	vst.idx.msk $0xffff, v3  }
0xc2: {  	v3 =	vld.idx.msk [tilespmem:v41+s21+$0x0], $0xffff;
	_ =	sdelay $0x2  }
0xc3: {  	v42 =	vor.u32 $0xF, v2;
	_ =	sdelay $0x1  }
0xc4: {  	v3 =	vmul.f32 v3, v35;
	_ =	sdelay $0x1  }
0xc5: {  	[tilespmem:v41+s21+$0x0] =	vst.idx.msk $0xffff, v3  }
0xc6: {  	v3 =	vld.idx.msk [tilespmem:v42+s21+$0x0], $0xffff;
	_ =	sdelay $0x2  }
0xc7: {  	v43 =	vor.u32 $0x22, v2  }
0xc8: {  	v44 =	vor.u32 $0x26, v2  }
0xc9: {  	v3 =	vmul.f32 v3, v35;
	_ =	sdelay $0x1  }
0xca: {  	[tilespmem:v42+s21+$0x0] =	vst.idx.msk $0xffff, v3  }
0xcb: {  	v3 =	vld.idx.msk [tilespmem:v43+s21+$0x0], $0xffff  }
0xcc: {  	v45 =	vld.idx.msk [tilespmem:v44+s25+$0x0], $0xffff;
	_ =	sdelay $0x4  }
0xcd: {  	v3 =	vadd.f32 v45, v3;
	_ =	sdelay $0x1  }
0xce: {  	v4 =	vmul.f32 $2.000000030e-01, v3;
	_ =	sdelay $0x1  }
0xcf: {  	v3 =	vmax.f32 v3, v4  }
0xd0: {  	v3 =	vmul.f32 $1.442695020e+00, v3;
	_ =	sdelay $0x1  }
0xd1: {  	(erf) = vpow2.f32 v3;
	_ =	sdelay $0x5  }
0xd2: {  	v3 =	vor.u32 $0x10, v2;
	_ =	sdelay $0x2  }
0xd3: {  	v46 =	vpop (erf)  }
0xd4: {  	[tilespmem:v43+s21+$0x0] =	vst.idx.msk $0xffff, v46  }
0xd5: {  	v5 =	vld.idx.msk [tilespmem:v3+s21+$0x0], $0xffff;
	_ =	sdelay $0x2  }
0xd6: {  	v47 =	vor.u32 $0x11, v2;
	_ =	sdelay $0x1  }
0xd7: {  	v5 =	vmul.f32 v46, v5;
	_ =	sdelay $0x1  }
0xd8: {  	[tilespmem:v3+s21+$0x0] =	vst.idx.msk $0xffff, v5  }
0xd9: {  	v3 =	vld.idx.msk [tilespmem:v47+s21+$0x0], $0xffff;
	_ =	sdelay $0x2  }
0xda: {  	v48 =	vor.u32 $0x12, v2;
	_ =	sdelay $0x1  }
0xdb: {  	v3 =	vmul.f32 v46, v3;
	_ =	sdelay $0x1  }
0xdc: {  	[tilespmem:v47+s21+$0x0] =	vst.idx.msk $0xffff, v3  }
0xdd: {  	v3 =	vld.idx.msk [tilespmem:v48+s21+$0x0], $0xffff;
	_ =	sdelay $0x2  }
0xde: {  	v49 =	vor.u32 $0x13, v2;
	_ =	sdelay $0x1  }
0xdf: {  	v3 =	vmul.f32 v3, v46;
	_ =	sdelay $0x1  }
0xe0: {  	[tilespmem:v48+s21+$0x0] =	vst.idx.msk $0xffff, v3  }
0xe1: {  	v3 =	vld.idx.msk [tilespmem:v49+s21+$0x0], $0xffff;
	_ =	sdelay $0x2  }
0xe2: {  	v50 =	vor.u32 $0x14, v2;
	_ =	sdelay $0x1  }
0xe3: {  	v3 =	vmul.f32 v3, v46;
	_ =	sdelay $0x1  }
0xe4: {  	[tilespmem:v49+s21+$0x0] =	vst.idx.msk $0xffff, v3  }
0xe5: {  	v3 =	vld.idx.msk [tilespmem:v50+s21+$0x0], $0xffff;
	_ =	sdelay $0x2  }
0xe6: {  	v51 =	vor.u32 $0x15, v2;
	_ =	sdelay $0x1  }
0xe7: {  	v3 =	vmul.f32 v3, v46;
	_ =	sdelay $0x1  }
0xe8: {  	[tilespmem:v50+s21+$0x0] =	vst.idx.msk $0xffff, v3  }
0xe9: {  	v3 =	vld.idx.msk [tilespmem:v51+s21+$0x0], $0xffff;
	_ =	sdelay $0x2  }
0xea: {  	v52 =	vor.u32 $0x16, v2;
	_ =	sdelay $0x1  }
0xeb: {  	v3 =	vmul.f32 v3, v46;
	_ =	sdelay $0x1  }
0xec: {  	[tilespmem:v51+s21+$0x0] =	vst.idx.msk $0xffff, v3  }
0xed: {  	v3 =	vld.idx.msk [tilespmem:v52+s21+$0x0], $0xffff;
	_ =	sdelay $0x2  }
0xee: {  	v53 =	vor.u32 $0x17, v2;
	_ =	sdelay $0x1  }
0xef: {  	v3 =	vmul.f32 v3, v46;
	_ =	sdelay $0x1  }
0xf0: {  	[tilespmem:v52+s21+$0x0] =	vst.idx.msk $0xffff, v3  }
0xf1: {  	v3 =	vld.idx.msk [tilespmem:v53+s21+$0x0], $0xffff;
	_ =	sdelay $0x2  }
0xf2: {  	v54 =	vor.u32 $0x23, v2  }
0xf3: {  	v55 =	vor.u32 $0x27, v2  }
0xf4: {  	v3 =	vmul.f32 v3, v46;
	_ =	sdelay $0x1  }
0xf5: {  	[tilespmem:v53+s21+$0x0] =	vst.idx.msk $0xffff, v3  }
0xf6: {  	v3 =	vld.idx.msk [tilespmem:v54+s21+$0x0], $0xffff  }
0xf7: {  	v56 =	vld.idx.msk [tilespmem:v55+s25+$0x0], $0xffff;
	_ =	sdelay $0x4  }
0xf8: {  	v3 =	vadd.f32 v56, v3;
	_ =	sdelay $0x1  }
0xf9: {  	v4 =	vmul.f32 $2.000000030e-01, v3;
	_ =	sdelay $0x1  }
0xfa: {  	v3 =	vmax.f32 v3, v4  }
0xfb: {  	v3 =	vmul.f32 $1.442695020e+00, v3;
	_ =	sdelay $0x1  }
0xfc: {  	(erf) = vpow2.f32 v3;
	_ =	sdelay $0x5  }
0xfd: {  	v3 =	vor.u32 $0x18, v2;
	_ =	sdelay $0x2  }
0xfe: {  	v57 =	vpop (erf)  }
0xff: {  	[tilespmem:v54+s21+$0x0] =	vst.idx.msk $0xffff, v57  }
0x100: {  	v5 =	vld.idx.msk [tilespmem:v3+s21+$0x0], $0xffff;
	_ =	sdelay $0x2  }
0x101: {  	v58 =	vor.u32 $0x19, v2;
	_ =	sdelay $0x1  }
0x102: {  	v5 =	vmul.f32 v57, v5;
	_ =	sdelay $0x1  }
0x103: {  	[tilespmem:v3+s21+$0x0] =	vst.idx.msk $0xffff, v5  }
0x104: {  	v3 =	vld.idx.msk [tilespmem:v58+s21+$0x0], $0xffff;
	_ =	sdelay $0x2  }
0x105: {  	v59 =	vor.u32 $0x1A, v2;
	_ =	sdelay $0x1  }
0x106: {  	v3 =	vmul.f32 v57, v3;
	_ =	sdelay $0x1  }
0x107: {  	[tilespmem:v58+s21+$0x0] =	vst.idx.msk $0xffff, v3  }
0x108: {  	v3 =	vld.idx.msk [tilespmem:v59+s21+$0x0], $0xffff;
	_ =	sdelay $0x2  }
0x109: {  	v60 =	vor.u32 $0x1B, v2;
	_ =	sdelay $0x1  }
0x10a: {  	v3 =	vmul.f32 v3, v57;
	_ =	sdelay $0x1  }
0x10b: {  	[tilespmem:v59+s21+$0x0] =	vst.idx.msk $0xffff, v3  }
0x10c: {  	v3 =	vld.idx.msk [tilespmem:v60+s21+$0x0], $0xffff;
	_ =	sdelay $0x2  }
0x10d: {  	v61 =	vor.u32 $0x1C, v2;
	_ =	sdelay $0x1  }
0x10e: {  	v3 =	vmul.f32 v3, v57;
	_ =	sdelay $0x1  }
0x10f: {  	[tilespmem:v60+s21+$0x0] =	vst.idx.msk $0xffff, v3  }
0x110: {  	v3 =	vld.idx.msk [tilespmem:v61+s21+$0x0], $0xffff;
	_ =	sdelay $0x2  }
0x111: {  	v62 =	vor.u32 $0x1D, v2;
	_ =	sdelay $0x1  }
0x112: {  	v3 =	vmul.f32 v3, v57;
	_ =	sdelay $0x1  }
0x113: {  	[tilespmem:v61+s21+$0x0] =	vst.idx.msk $0xffff, v3  }
0x114: {  	v3 =	vld.idx.msk [tilespmem:v62+s21+$0x0], $0xffff;
	_ =	sdelay $0x2  }
0x115: {  	v63 =	vor.u32 $0x1E, v2;
	_ =	sdelay $0x1  }
0x116: {  	v3 =	vmul.f32 v3, v57;
	_ =	sdelay $0x1  }
0x117: {  	[tilespmem:v62+s21+$0x0] =	vst.idx.msk $0xffff, v3  }
0x118: {  	v3 =	vld.idx.msk [tilespmem:v63+s21+$0x0], $0xffff;
	_ =	sdelay $0x2  }
0x119: {  	v2 =	vor.u32 $0x1F, v2;
	_ =	sdelay $0x1  }
0x11a: {  	v3 =	vmul.f32 v3, v57;
	_ =	sdelay $0x1  }
0x11b: {  	[tilespmem:v63+s21+$0x0] =	vst.idx.msk $0xffff, v3  }
0x11c: {  	v3 =	vld.idx.msk [tilespmem:v2+s21+$0x0], $0xffff;
	_ =	sdelay $0x1  }
0x11d: {  	p1 =	sne.s32 s13, $0x30  }
.Ltmp1:
0x11e: {  	_ = 	snop;
	(pc) =	sbr.rel @p1 .LBB2_5-.Ltmp1, $3  }
0x11f: {  	_ = 	snop  }
0x120: {  	v3 =	vmul.f32 v3, v57;
	_ =	sdelay $0x1  }
0x121: {  	s13 =	sadd.s32 $0x10, s13;
	[tilespmem:v2+s21+$0x0] =	vst.idx.msk $0xffff, v3  }
0x122: {  	[spmem:s2] =	stream.indirect.scatter.add.f32 [tilespmem:s21], [sflag:$0x3], $0x80, s23, s24, $0xb8;
	[tilespmem:$0x1BE00] =	vst v63  }
0x123: {  	_ =	swait.ge [sflag:s22], $0x2000  }
0x124: {  	[sflag:s22] =	ssyncset.done $0x0  }
0x125: {  	[sflag:s22] =	ssyncadd.s32 $0xFFFFE000  }
0x126: {  	_ =	swait.ge [sflag:s0], $0x2000  }
0x127: {  	[sflag:s0] =	ssyncset.done $0x0  }
0x128: {  	[sflag:s0] =	ssyncadd.s32 $0xFFFFE000  }
0x129: {  	_ =	swait.ge [sflag:s0], $0x2000  }
0x12a: {  	[sflag:s0] =	ssyncset.done $0x0  }
0x12b: {  	s13 =	simm.s32 $0x0;
	[sflag:s0] =	ssyncadd.s32 $0xFFFFE000  }
.LBB2_7:
0x12c: {  	v2 =	vmov s13  }
0x12d: {  	v2 =	vshll.u32 v2, $0x7  }
0x12e: {  	v2 =	vor.u32 v1, v2  }
0x12f: {  	v3 =	vor.u32 $0x20, v2  }
0x130: {  	v4 =	vor.u32 $0x24, v2;
	_ =	sdelay $0x3  }
0x131: {  	v5 =	vld.idx.msk [tilespmem:v3+s29+$0x0], $0xffff  }
0x132: {  	v4 =	vld.idx.msk [tilespmem:v4+s30+$0x0], $0xffff;
	_ =	sdelay $0x4  }
0x133: {  	v4 =	vadd.f32 v4, v5;
	_ =	sdelay $0x1  }
0x134: {  	v5 =	vmul.f32 $2.000000030e-01, v4;
	_ =	sdelay $0x1  }
0x135: {  	v4 =	vmax.f32 v4, v5  }
0x136: {  	v4 =	vmul.f32 $1.442695020e+00, v4;
	_ =	sdelay $0x1  }
0x137: {  	(erf) = vpow2.f32 v4;
	_ =	sdelay $0x8  }
0x138: {  	v4 =	vpop (erf)  }
0x139: {  	[tilespmem:v3+s29+$0x0] =	vst.idx.msk $0xffff, v4  }
0x13a: {  	v3 =	vld.idx.msk [tilespmem:v2+s29+$0x0], $0xffff;
	_ =	sdelay $0x2  }
0x13b: {  	v27 =	vor.u32 $0x1, v2;
	_ =	sdelay $0x1  }
0x13c: {  	v3 =	vmul.f32 v4, v3;
	_ =	sdelay $0x1  }
0x13d: {  	[tilespmem:v2+s29+$0x0] =	vst.idx.msk $0xffff, v3  }
0x13e: {  	v3 =	vld.idx.msk [tilespmem:v27+s29+$0x0], $0xffff;
	_ =	sdelay $0x2  }
0x13f: {  	v6 =	vor.u32 $0x2, v2;
	_ =	sdelay $0x1  }
0x140: {  	v3 =	vmul.f32 v4, v3;
	_ =	sdelay $0x1  }
0x141: {  	[tilespmem:v27+s29+$0x0] =	vst.idx.msk $0xffff, v3  }
0x142: {  	v3 =	vld.idx.msk [tilespmem:v6+s29+$0x0], $0xffff;
	_ =	sdelay $0x2  }
0x143: {  	v28 =	vor.u32 $0x3, v2;
	_ =	sdelay $0x1  }
0x144: {  	v3 =	vmul.f32 v3, v4;
	_ =	sdelay $0x1  }
0x145: {  	[tilespmem:v6+s29+$0x0] =	vst.idx.msk $0xffff, v3  }
0x146: {  	v3 =	vld.idx.msk [tilespmem:v28+s29+$0x0], $0xffff;
	_ =	sdelay $0x2  }
0x147: {  	v29 =	vor.u32 $0x4, v2;
	_ =	sdelay $0x1  }
0x148: {  	v3 =	vmul.f32 v3, v4;
	_ =	sdelay $0x1  }
0x149: {  	[tilespmem:v28+s29+$0x0] =	vst.idx.msk $0xffff, v3  }
0x14a: {  	v3 =	vld.idx.msk [tilespmem:v29+s29+$0x0], $0xffff;
	_ =	sdelay $0x2  }
0x14b: {  	v30 =	vor.u32 $0x5, v2;
	_ =	sdelay $0x1  }
0x14c: {  	v3 =	vmul.f32 v3, v4;
	_ =	sdelay $0x1  }
0x14d: {  	[tilespmem:v29+s29+$0x0] =	vst.idx.msk $0xffff, v3  }
0x14e: {  	v3 =	vld.idx.msk [tilespmem:v30+s29+$0x0], $0xffff;
	_ =	sdelay $0x2  }
0x14f: {  	v31 =	vor.u32 $0x6, v2;
	_ =	sdelay $0x1  }
0x150: {  	v3 =	vmul.f32 v3, v4;
	_ =	sdelay $0x1  }
0x151: {  	[tilespmem:v30+s29+$0x0] =	vst.idx.msk $0xffff, v3  }
0x152: {  	v3 =	vld.idx.msk [tilespmem:v31+s29+$0x0], $0xffff;
	_ =	sdelay $0x2  }
0x153: {  	v32 =	vor.u32 $0x7, v2;
	_ =	sdelay $0x1  }
0x154: {  	v3 =	vmul.f32 v3, v4;
	_ =	sdelay $0x1  }
0x155: {  	[tilespmem:v31+s29+$0x0] =	vst.idx.msk $0xffff, v3  }
0x156: {  	v3 =	vld.idx.msk [tilespmem:v32+s29+$0x0], $0xffff;
	_ =	sdelay $0x2  }
0x157: {  	v33 =	vor.u32 $0x21, v2  }
0x158: {  	v7 =	vor.u32 $0x25, v2  }
0x159: {  	v3 =	vmul.f32 v3, v4;
	_ =	sdelay $0x1  }
0x15a: {  	[tilespmem:v32+s29+$0x0] =	vst.idx.msk $0xffff, v3  }
0x15b: {  	v3 =	vld.idx.msk [tilespmem:v33+s29+$0x0], $0xffff  }
0x15c: {  	v34 =	vld.idx.msk [tilespmem:v7+s30+$0x0], $0xffff;
	_ =	sdelay $0x4  }
0x15d: {  	v3 =	vadd.f32 v34, v3;
	_ =	sdelay $0x1  }
0x15e: {  	v4 =	vmul.f32 $2.000000030e-01, v3;
	_ =	sdelay $0x1  }
0x15f: {  	v3 =	vmax.f32 v3, v4  }
0x160: {  	v3 =	vmul.f32 $1.442695020e+00, v3;
	_ =	sdelay $0x1  }
0x161: {  	(erf) = vpow2.f32 v3;
	_ =	sdelay $0x5  }
0x162: {  	v3 =	vor.u32 $0x8, v2;
	_ =	sdelay $0x2  }
0x163: {  	v35 =	vpop (erf)  }
0x164: {  	[tilespmem:v33+s29+$0x0] =	vst.idx.msk $0xffff, v35  }
0x165: {  	v5 =	vld.idx.msk [tilespmem:v3+s29+$0x0], $0xffff;
	_ =	sdelay $0x2  }
0x166: {  	v36 =	vor.u32 $0x9, v2;
	_ =	sdelay $0x1  }
0x167: {  	v5 =	vmul.f32 v35, v5;
	_ =	sdelay $0x1  }
0x168: {  	[tilespmem:v3+s29+$0x0] =	vst.idx.msk $0xffff, v5  }
0x169: {  	v3 =	vld.idx.msk [tilespmem:v36+s29+$0x0], $0xffff;
	_ =	sdelay $0x2  }
0x16a: {  	v37 =	vor.u32 $0xA, v2;
	_ =	sdelay $0x1  }
0x16b: {  	v3 =	vmul.f32 v35, v3;
	_ =	sdelay $0x1  }
0x16c: {  	[tilespmem:v36+s29+$0x0] =	vst.idx.msk $0xffff, v3  }
0x16d: {  	v3 =	vld.idx.msk [tilespmem:v37+s29+$0x0], $0xffff;
	_ =	sdelay $0x2  }
0x16e: {  	v38 =	vor.u32 $0xB, v2;
	_ =	sdelay $0x1  }
0x16f: {  	v3 =	vmul.f32 v3, v35;
	_ =	sdelay $0x1  }
0x170: {  	[tilespmem:v37+s29+$0x0] =	vst.idx.msk $0xffff, v3  }
0x171: {  	v3 =	vld.idx.msk [tilespmem:v38+s29+$0x0], $0xffff;
	_ =	sdelay $0x2  }
0x172: {  	v39 =	vor.u32 $0xC, v2;
	_ =	sdelay $0x1  }
0x173: {  	v3 =	vmul.f32 v3, v35;
	_ =	sdelay $0x1  }
0x174: {  	[tilespmem:v38+s29+$0x0] =	vst.idx.msk $0xffff, v3  }
0x175: {  	v3 =	vld.idx.msk [tilespmem:v39+s29+$0x0], $0xffff;
	_ =	sdelay $0x2  }
0x176: {  	v40 =	vor.u32 $0xD, v2;
	_ =	sdelay $0x1  }
0x177: {  	v3 =	vmul.f32 v3, v35;
	_ =	sdelay $0x1  }
0x178: {  	[tilespmem:v39+s29+$0x0] =	vst.idx.msk $0xffff, v3  }
0x179: {  	v3 =	vld.idx.msk [tilespmem:v40+s29+$0x0], $0xffff;
	_ =	sdelay $0x2  }
0x17a: {  	v41 =	vor.u32 $0xE, v2;
	_ =	sdelay $0x1  }
0x17b: {  	v3 =	vmul.f32 v3, v35;
	_ =	sdelay $0x1  }
0x17c: {  	[tilespmem:v40+s29+$0x0] =	vst.idx.msk $0xffff, v3  }
0x17d: {  	v3 =	vld.idx.msk [tilespmem:v41+s29+$0x0], $0xffff;
	_ =	sdelay $0x2  }
0x17e: {  	v42 =	vor.u32 $0xF, v2;
	_ =	sdelay $0x1  }
0x17f: {  	v3 =	vmul.f32 v3, v35;
	_ =	sdelay $0x1  }
0x180: {  	[tilespmem:v41+s29+$0x0] =	vst.idx.msk $0xffff, v3  }
0x181: {  	v3 =	vld.idx.msk [tilespmem:v42+s29+$0x0], $0xffff;
	_ =	sdelay $0x2  }
0x182: {  	v43 =	vor.u32 $0x22, v2  }
0x183: {  	v44 =	vor.u32 $0x26, v2  }
0x184: {  	v3 =	vmul.f32 v3, v35;
	_ =	sdelay $0x1  }
0x185: {  	[tilespmem:v42+s29+$0x0] =	vst.idx.msk $0xffff, v3  }
0x186: {  	v3 =	vld.idx.msk [tilespmem:v43+s29+$0x0], $0xffff  }
0x187: {  	v45 =	vld.idx.msk [tilespmem:v44+s30+$0x0], $0xffff;
	_ =	sdelay $0x4  }
0x188: {  	v3 =	vadd.f32 v45, v3;
	_ =	sdelay $0x1  }
0x189: {  	v4 =	vmul.f32 $2.000000030e-01, v3;
	_ =	sdelay $0x1  }
0x18a: {  	v3 =	vmax.f32 v3, v4  }
0x18b: {  	v3 =	vmul.f32 $1.442695020e+00, v3;
	_ =	sdelay $0x1  }
0x18c: {  	(erf) = vpow2.f32 v3;
	_ =	sdelay $0x5  }
0x18d: {  	v3 =	vor.u32 $0x10, v2;
	_ =	sdelay $0x2  }
0x18e: {  	v46 =	vpop (erf)  }
0x18f: {  	[tilespmem:v43+s29+$0x0] =	vst.idx.msk $0xffff, v46  }
0x190: {  	v5 =	vld.idx.msk [tilespmem:v3+s29+$0x0], $0xffff;
	_ =	sdelay $0x2  }
0x191: {  	v47 =	vor.u32 $0x11, v2;
	_ =	sdelay $0x1  }
0x192: {  	v5 =	vmul.f32 v46, v5;
	_ =	sdelay $0x1  }
0x193: {  	[tilespmem:v3+s29+$0x0] =	vst.idx.msk $0xffff, v5  }
0x194: {  	v3 =	vld.idx.msk [tilespmem:v47+s29+$0x0], $0xffff;
	_ =	sdelay $0x2  }
0x195: {  	v48 =	vor.u32 $0x12, v2;
	_ =	sdelay $0x1  }
0x196: {  	v3 =	vmul.f32 v46, v3;
	_ =	sdelay $0x1  }
0x197: {  	[tilespmem:v47+s29+$0x0] =	vst.idx.msk $0xffff, v3  }
0x198: {  	v3 =	vld.idx.msk [tilespmem:v48+s29+$0x0], $0xffff;
	_ =	sdelay $0x2  }
0x199: {  	v49 =	vor.u32 $0x13, v2;
	_ =	sdelay $0x1  }
0x19a: {  	v3 =	vmul.f32 v3, v46;
	_ =	sdelay $0x1  }
0x19b: {  	[tilespmem:v48+s29+$0x0] =	vst.idx.msk $0xffff, v3  }
0x19c: {  	v3 =	vld.idx.msk [tilespmem:v49+s29+$0x0], $0xffff;
	_ =	sdelay $0x2  }
0x19d: {  	v50 =	vor.u32 $0x14, v2;
	_ =	sdelay $0x1  }
0x19e: {  	v3 =	vmul.f32 v3, v46;
	_ =	sdelay $0x1  }
0x19f: {  	[tilespmem:v49+s29+$0x0] =	vst.idx.msk $0xffff, v3  }
0x1a0: {  	v3 =	vld.idx.msk [tilespmem:v50+s29+$0x0], $0xffff;
	_ =	sdelay $0x2  }
0x1a1: {  	v51 =	vor.u32 $0x15, v2;
	_ =	sdelay $0x1  }
0x1a2: {  	v3 =	vmul.f32 v3, v46;
	_ =	sdelay $0x1  }
0x1a3: {  	[tilespmem:v50+s29+$0x0] =	vst.idx.msk $0xffff, v3  }
0x1a4: {  	v3 =	vld.idx.msk [tilespmem:v51+s29+$0x0], $0xffff;
	_ =	sdelay $0x2  }
0x1a5: {  	v52 =	vor.u32 $0x16, v2;
	_ =	sdelay $0x1  }
0x1a6: {  	v3 =	vmul.f32 v3, v46;
	_ =	sdelay $0x1  }
0x1a7: {  	[tilespmem:v51+s29+$0x0] =	vst.idx.msk $0xffff, v3  }
0x1a8: {  	v3 =	vld.idx.msk [tilespmem:v52+s29+$0x0], $0xffff;
	_ =	sdelay $0x2  }
0x1a9: {  	v53 =	vor.u32 $0x17, v2;
	_ =	sdelay $0x1  }
0x1aa: {  	v3 =	vmul.f32 v3, v46;
	_ =	sdelay $0x1  }
0x1ab: {  	[tilespmem:v52+s29+$0x0] =	vst.idx.msk $0xffff, v3  }
0x1ac: {  	v3 =	vld.idx.msk [tilespmem:v53+s29+$0x0], $0xffff;
	_ =	sdelay $0x2  }
0x1ad: {  	v54 =	vor.u32 $0x23, v2  }
0x1ae: {  	v55 =	vor.u32 $0x27, v2  }
0x1af: {  	v3 =	vmul.f32 v3, v46;
	_ =	sdelay $0x1  }
0x1b0: {  	[tilespmem:v53+s29+$0x0] =	vst.idx.msk $0xffff, v3  }
0x1b1: {  	v3 =	vld.idx.msk [tilespmem:v54+s29+$0x0], $0xffff  }
0x1b2: {  	v56 =	vld.idx.msk [tilespmem:v55+s30+$0x0], $0xffff;
	_ =	sdelay $0x4  }
0x1b3: {  	v3 =	vadd.f32 v56, v3;
	_ =	sdelay $0x1  }
0x1b4: {  	v4 =	vmul.f32 $2.000000030e-01, v3;
	_ =	sdelay $0x1  }
0x1b5: {  	v3 =	vmax.f32 v3, v4  }
0x1b6: {  	v3 =	vmul.f32 $1.442695020e+00, v3;
	_ =	sdelay $0x1  }
0x1b7: {  	(erf) = vpow2.f32 v3;
	_ =	sdelay $0x5  }
0x1b8: {  	v3 =	vor.u32 $0x18, v2;
	_ =	sdelay $0x2  }
0x1b9: {  	v57 =	vpop (erf)  }
0x1ba: {  	[tilespmem:v54+s29+$0x0] =	vst.idx.msk $0xffff, v57  }
0x1bb: {  	v5 =	vld.idx.msk [tilespmem:v3+s29+$0x0], $0xffff;
	_ =	sdelay $0x2  }
0x1bc: {  	v58 =	vor.u32 $0x19, v2;
	_ =	sdelay $0x1  }
0x1bd: {  	v5 =	vmul.f32 v57, v5;
	_ =	sdelay $0x1  }
0x1be: {  	[tilespmem:v3+s29+$0x0] =	vst.idx.msk $0xffff, v5  }
0x1bf: {  	v3 =	vld.idx.msk [tilespmem:v58+s29+$0x0], $0xffff;
	_ =	sdelay $0x2  }
0x1c0: {  	v59 =	vor.u32 $0x1A, v2;
	_ =	sdelay $0x1  }
0x1c1: {  	v3 =	vmul.f32 v57, v3;
	_ =	sdelay $0x1  }
0x1c2: {  	[tilespmem:v58+s29+$0x0] =	vst.idx.msk $0xffff, v3  }
0x1c3: {  	v3 =	vld.idx.msk [tilespmem:v59+s29+$0x0], $0xffff;
	_ =	sdelay $0x2  }
0x1c4: {  	v60 =	vor.u32 $0x1B, v2;
	_ =	sdelay $0x1  }
0x1c5: {  	v3 =	vmul.f32 v3, v57;
	_ =	sdelay $0x1  }
0x1c6: {  	[tilespmem:v59+s29+$0x0] =	vst.idx.msk $0xffff, v3  }
0x1c7: {  	v3 =	vld.idx.msk [tilespmem:v60+s29+$0x0], $0xffff;
	_ =	sdelay $0x2  }
0x1c8: {  	v61 =	vor.u32 $0x1C, v2;
	_ =	sdelay $0x1  }
0x1c9: {  	v3 =	vmul.f32 v3, v57;
	_ =	sdelay $0x1  }
0x1ca: {  	[tilespmem:v60+s29+$0x0] =	vst.idx.msk $0xffff, v3  }
0x1cb: {  	v3 =	vld.idx.msk [tilespmem:v61+s29+$0x0], $0xffff;
	_ =	sdelay $0x2  }
0x1cc: {  	v62 =	vor.u32 $0x1D, v2;
	_ =	sdelay $0x1  }
0x1cd: {  	v3 =	vmul.f32 v3, v57;
	_ =	sdelay $0x1  }
0x1ce: {  	[tilespmem:v61+s29+$0x0] =	vst.idx.msk $0xffff, v3  }
0x1cf: {  	v3 =	vld.idx.msk [tilespmem:v62+s29+$0x0], $0xffff;
	_ =	sdelay $0x2  }
0x1d0: {  	v63 =	vor.u32 $0x1E, v2;
	_ =	sdelay $0x1  }
0x1d1: {  	v3 =	vmul.f32 v3, v57;
	_ =	sdelay $0x1  }
0x1d2: {  	[tilespmem:v62+s29+$0x0] =	vst.idx.msk $0xffff, v3  }
0x1d3: {  	v3 =	vld.idx.msk [tilespmem:v63+s29+$0x0], $0xffff;
	_ =	sdelay $0x2  }
0x1d4: {  	v2 =	vor.u32 $0x1F, v2;
	_ =	sdelay $0x1  }
0x1d5: {  	v3 =	vmul.f32 v3, v57;
	_ =	sdelay $0x1  }
0x1d6: {  	[tilespmem:v63+s29+$0x0] =	vst.idx.msk $0xffff, v3  }
0x1d7: {  	v3 =	vld.idx.msk [tilespmem:v2+s29+$0x0], $0xffff;
	_ =	sdelay $0x1  }
0x1d8: {  	p1 =	sne.s32 s13, $0x30  }
.Ltmp2:
0x1d9: {  	_ = 	snop;
	(pc) =	sbr.rel @p1 .LBB2_7-.Ltmp2, $3  }
0x1da: {  	_ = 	snop  }
0x1db: {  	v3 =	vmul.f32 v3, v57;
	_ =	sdelay $0x1  }
0x1dc: {  	s13 =	sadd.s32 $0x10, s13;
	[tilespmem:v2+s29+$0x0] =	vst.idx.msk $0xffff, v3  }
0x1dd: {  	s12 =	sadd.s32 $0x1, s12  }
0x1de: {  	p1 =	sne.s32 s12, $0x51  }
.Ltmp3:
0x1df: {  	_ = 	snop;
	(pc) =	sbr.rel @p1 .LBB2_4-.Ltmp3, $4  }
0x1e0: {  	[spmem:s2] =	stream.indirect.scatter.add.f32 [tilespmem:s29], [sflag:$0x3], $0x80, s28, s24, $0xb8;
	[tilespmem:$0x1BE00] =	vst v63  }
0x1e1: {  	_ =	swait.ge [sflag:s22], $0x2000  }
0x1e2: {  	[sflag:s22] =	ssyncset.done $0x0  }
0x1e3: {  	[sflag:s22] =	ssyncadd.s32 $0xFFFFE000  }
0x1e4: {  	s9 =	sadd.s32 $0x0, s4  }
0x1e5: {  	[bflag:$0x0] =	sbarrier.arrive $0xFFFF;
	p1 =	sgt.u32 s9, $0x9D  }
0x1e6: {  	s9 =	simm.s32 @!p1 $0x200;
	s12 =	simm.s32 @!p1 $0x4;
	p1 =	por p1, p1  }
0x1e7: {  	[tilespmem:s9], [sflag:$0x4] =	stream.linear.gather @!p1 [spmem:s10], $0x2000, $0x38;
	[tilespmem:$0x1BE00] =	vst v63  }
0x1e8: {  	_ =	swait.ge @!p1 [sflag:s12], $0x2000  }
0x1e9: {  	s13 =	sadd.s32 $0x10, s4;
	[sflag:s12] =	ssyncset.done @!p1 $0x0  }
0x1ea: {  	s14 =	simm.s32 @!p1 $0x3;
	[sflag:s12] =	ssyncadd.s32 @!p1 $0xFFFFE000;
	s12 =	simm.s32 @!p1 $0x0  }
0x1eb: {  	[hbm4b:s20+s12] =	stream.linear.scatter @!p1 [tilespmem:s9], [sflag:$0x3], $0x2000, $0x38;
	[tilespmem:$0x1BE00] =	vst v63  }
0x1ec: {  	p2 =	sgt.u32 s13, $0x9D;
	s13 =	smov.u32 s11;
	_ =	swait.ge @!p1 [sflag:s14], $0x2000  }
0x1ed: {  	s12 =	simm.s32 $0x20;
	s9 =	sadd.s32 $0x4000, s20;
	[sflag:s14] =	ssyncset.done @!p1 $0x0  }
.LBB2_10:
0x1ee: {  	s15 =	simm.s32 @!p2 $0x200;
	s16 =	simm.s32 @!p2 $0x4;
	[sflag:s14] =	ssyncadd.s32 @!p1 $0xFFFFE000  }
0x1ef: {  	s17 =	smov.u32 s12;
	p1 =	por p2, p2;
	s12 =	sadd.s32 $0x10, s12  }
0x1f0: {  	[tilespmem:s15], [sflag:$0x4] =	stream.linear.gather @!p1 [spmem:s13], $0x2000, $0x38;
	[tilespmem:$0x1BE00] =	vst v63  }
0x1f1: {  	p3 =	sne.s32 s12, $0xA0;
	_ =	swait.ge @!p1 [sflag:s16], $0x2000  }
.Ltmp4:
0x1f2: {  	[sflag:s16] =	ssyncset.done @!p1 $0x0;
	(pc) =	sbr.rel @p3 .LBB2_10-.Ltmp4, $4  }
0x1f3: {  	s14 =	simm.s32 @!p1 $0x3;
	[sflag:s16] =	ssyncadd.s32 @!p1 $0xFFFFE000;
	s16 =	simm.s32 @!p1 $0x0  }
0x1f4: {  	[hbm4b:s9+s16] =	stream.linear.scatter @!p1 [tilespmem:s15], [sflag:$0x3], $0x2000, $0x38;
	[tilespmem:$0x1BE00] =	vst v63  }
0x1f5: {  	s15 =	sadd.s32 s17, s4;
	s9 =	sadd.s32 $0x4000, s9;
	_ =	swait.ge @!p1 [sflag:s14], $0x2000  }
0x1f6: {  	s13 =	sadd.s32 $0x20000, s13;
	p2 =	sgt.u32 s15, $0x9D;
	[sflag:s14] =	ssyncset.done @!p1 $0x0  }
0x1f7: {  	s12 =	simm.s32 @!p2 $0x200  }
0x1f8: {  	s15 =	simm.s32 @!p2 $0x4;
	[sflag:s14] =	ssyncadd.s32 @!p1 $0xFFFFE000;
	p1 =	por p2, p2  }
0x1f9: {  	[tilespmem:s12], [sflag:$0x4] =	stream.linear.gather @!p1 [spmem:s13], $0x2000, $0x38;
	[tilespmem:$0x1BE00] =	vst v63  }
0x1fa: {  	_ =	swait.ge @!p1 [sflag:s15], $0x2000  }
0x1fb: {  	[sflag:s15] =	ssyncset.done @!p1 $0x0  }
0x1fc: {  	s13 =	simm.s32 @!p1 $0x0;
	s14 =	simm.s32 @!p1 $0x3;
	[sflag:s15] =	ssyncadd.s32 @!p1 $0xFFFFE000  }
0x1fd: {  	[hbm4b:s9+s13] =	stream.linear.scatter @!p1 [tilespmem:s12], [sflag:$0x3], $0x2000, $0x38;
	[tilespmem:$0x1BE00] =	vst v63  }
0x1fe: {  	_ =	swait.ge @!p1 [sflag:s14], $0x2000  }
0x1ff: {  	s3 =	sadd.s32 $0x1, s3;
	s17 =	rddreg [dreg:$0x4]  }
0x200: {  	p2 =	sne.s32 s3, s17  }
.Ltmp5:
0x201: {  	_ = 	snop;
	(pc) =	sbr.rel @p2 .LBB2_1-.Ltmp5, $3  }
0x202: {  	_ =	sdelay $0x1  }
0x203: {  	[sflag:s14] =	ssyncset.done @!p1 $0x0  }
0x204: {  	[sflag:s14] =	ssyncadd.s32 @!p1 $0xFFFFE000  }
0x205: {  	_ =	sfence.sel $0x180000  }
0x206: {  	[bflag:$0x0] =	sbarrier.arrive $0xFFFF  }
0x207: {  	_ =	strace $0x90000047  }
0x208: {  	[bflag:$0x2] =	sbarrier.arrive $0xFFFF  }
0x209: {  	p0 =	sne.s32 s4, $0x0;
	s0 =	rddreg [dreg:$0x3]  }
0x20a: {  	s0 =	sadd.s32 @!p0 $0x100000, s0  }
0x20b: {  	[sflag:s0] =	ssyncadd.tile.s32 @!p0 $0x1;
	_ =	shalt  }
.Lfunc_end2:
_tile_overlayer_lowered:
.L_overlay_start_2:
0x20c: {  	(tag) =	ssettag $0x2  }
0x20d: {  	s0 =	rddreg [dreg:$0x0];
	s2 =	stileid.u32  }
0x20e: {  	s1 =	rddreg [dreg:$0x1];
	p0 =	sne.s32 s2, $0x0  }
0x20f: {  	s3 =	rddreg [dreg:$0x2];
	[bflag:$0x3] =	sbarrier.arrive $0xFFFF;
	s2 =	simm.s32 @!p0 $0x1C03  }
0x210: {  	[timem:s3], [sflag:s2] =	dma.local @!p0 [hbm:s0], s1  }
0x211: {  	s0 =	simm.s32 @!p0 $0x3  }
0x212: {  	_ =	swait.ge @!p0 [sflag:s0], s1  }
0x213: {  	s1 =	ssub.s32 @!p0 $0x0, s1;
	[sflag:s0] =	ssyncset.done @!p0 $0x0  }
0x214: {  	[sflag:s0] =	ssyncadd.s32 @!p0 s1  }
0x215: {  	[bflag:$0x3] =	sbarrier.arrive $0xFFFF  }
0x216: {  	_ =	shalt  }

</sc_bundles>
